<compile_context>
chip_gen: v7x
topology: tpu7x:2x2x1
jax: 0.10.2.dev20260603
libtpu: 0.0.44.dev20260713+nightly
codegen_flags: <defaults>
</compile_context>

<pallas_src>
import functools

import jax
import jax.numpy as jnp
from jax import lax
from jax.experimental import pallas as pl
from jax.experimental.pallas import tpu as pltpu
from jax.experimental.pallas import tpu_sc as plsc

_NC = 2
_NS = 16
_NW = _NC * _NS

_BATCH = 4
_SEQ = 8192
_B = _BATCH * _SEQ
_D = 1024
_BPW = _B // _NW
_WPB = _SEQ // _BPW

_C = 16
_NB = 4
_L = _NB // 2
_NCHUNK = _BPW // _C


def _make_sc_gather():
    mesh = plsc.VectorSubcoreMesh(core_axis_name="c", subcore_axis_name="s")

    @functools.partial(
        pl.kernel,
        mesh=mesh,
        out_type=jax.ShapeDtypeStruct((_B, _D), jnp.float32),
        scratch_types=(
            [pltpu.VMEM((_BPW,), jnp.int32)]
            + [pltpu.VMEM((_C, _D), jnp.float32) for _ in range(_NB)]
            + [pltpu.SemaphoreType.DMA, pltpu.SemaphoreType.DMA]
        ),
    )
    def gather_kernel(table_hbm, idx_hbm, out_hbm, idx_v, *rest):
        bufs = rest[:_NB]
        gsem, wsem = rest[_NB], rest[_NB + 1]
        wid = lax.axis_index("s") * _NC + lax.axis_index("c")
        base = wid * _BPW
        pltpu.sync_copy(
            idx_hbm.at[wid // _WPB, pl.ds((wid % _WPB) * _BPW, _BPW)], idx_v
        )
        gathers = [None] * _NB
        writes = [None] * _NB

        def start_gather(c):
            return pltpu.async_copy(
                table_hbm.at[idx_v.at[pl.ds(c * _C, _C)]], bufs[c % _NB], gsem
            )

        for j in range(_L):
            gathers[j] = start_gather(j)
        for c in range(_NCHUNK):
            if c >= _L:
                writes[(c - _L) % _NB].wait()
            if c + _L < _NCHUNK:
                gathers[(c + _L) % _NB] = start_gather(c + _L)
            gathers[c % _NB].wait()
            writes[c % _NB] = pltpu.async_copy(
                bufs[c % _NB], out_hbm.at[pl.ds(base + c * _C, _C)], wsem
            )
        for j in range(_L):
            writes[(_NCHUNK - _L + j) % _NB].wait()

    return gather_kernel


_sc_gather = _make_sc_gather()


def kernel(x, table):
    out = _sc_gather(table, x)
    return out.reshape(x.shape + (table.shape[1],))

# --- scband reference (transcript-rebuilt; emitter-appended) ---
"""Pipeline reference for scband-sinusoidal-embedding-20194936226331 (READ-ONLY COPY).

The authoritative reference and input builder live on the scoring server;
editing this copy changes nothing except your own understanding.
"""

import jax, jax.numpy as jnp
import numpy as np

BLOCK_SIZE = 8192
N_EMBD = 1024


def _make_table(block_size, n_embd):
    j = np.arange(n_embd, dtype=np.float64)
    wei = 1.0 / (10000.0 ** (2.0 * j / n_embd))  # shape (n_embd,)
    t = np.arange(block_size, dtype=np.float64).reshape(block_size, 1)
    emb = np.zeros((block_size, n_embd), dtype=np.float32)
    w_even = wei[::2].reshape(1, -1)  # even-indexed frequencies, as in torch code
    emb[:, ::2] = np.sin(t * w_even).astype(np.float32)
    emb[:, 1::2] = np.cos(t * w_even).astype(np.float32)
    return jnp.asarray(emb)


def setup_inputs(seed: int = 0) -> dict:
    key = jax.random.key(seed)
    k1, _ = jax.random.split(key)
    x = jax.random.randint(k1, (4, 8192), 0, BLOCK_SIZE, dtype=jnp.int32)
    table = _make_table(BLOCK_SIZE, N_EMBD)
    return {"x": x, "table": table}


def reference(x, table):
    # nn.Embedding lookup: gather rows of the (sinusoidally initialized) weight table
    out = jnp.take(table, x, axis=0)
    return out

if __name__ == "__main__":
    import jax
    _d = setup_inputs()
    print(jax.jit(kernel)(*tuple(_d.values())))

</pallas_src>

<mosaic_0001>
#map = affine_map<(d0, d1) -> (0, 0)>
module attributes {stable_mosaic.version = 14 : i64} {
  func.func @gather_kernel(%arg0: i32, %arg1: i32, %arg2: memref<8192x1024xf32, #tpu.memory_space<hbm>>, %arg3: memref<4x8192xi32, #tpu.memory_space<hbm>>, %arg4: memref<32768x1024xf32, #tpu.memory_space<hbm>>, %arg5: memref<1024xi32, #tpu.memory_space<vmem>>, %arg6: memref<16x1024xf32, #tpu.memory_space<vmem>>, %arg7: memref<16x1024xf32, #tpu.memory_space<vmem>>, %arg8: memref<16x1024xf32, #tpu.memory_space<vmem>>, %arg9: memref<16x1024xf32, #tpu.memory_space<vmem>>, %arg10: memref<!tpu.dma_semaphore, #tpu.memory_space<semaphore_mem>>, %arg11: memref<!tpu.dma_semaphore, #tpu.memory_space<semaphore_mem>>) attributes {dimension_semantics = [#tpu.dimension_semantics<core_parallel>, #tpu.dimension_semantics<subcore_parallel>], iteration_bounds = array<i64: 2, 16>, scalar_prefetch = 0 : i64, scratch_operands = 7 : i64, tpu.core_type = #tpu.core_type<sc_vector_subcore>, window_params = [{transform_indices = #map}, {transform_indices = #map}, {transform_indices = #map}]} {
    %mul3A = arith.constant 2 : i32
    %mul3A_0 = arith.muli %arg1, %mul3A : i32
    %add3A = arith.addi %mul3A_0, %arg0 : i32
    %mul3A_1 = arith.constant 1024 : i32
    %mul3A_2 = arith.muli %add3A, %mul3A_1 : i32
    %jit3A = arith.constant 8 : i32
    %div3A = arith.divsi %add3A, %jit3A : i32
    %sign3A = arith.constant 0 : i32
    %sign3A_3 = arith.cmpi sgt, %add3A, %sign3A : i32
    %sign3A_4 = arith.extui %sign3A_3 : i1 to i32
    %sign3A_5 = arith.constant 0 : i32
    %sign3A_6 = arith.cmpi slt, %add3A, %sign3A_5 : i32
    %sign3A_7 = arith.extui %sign3A_6 : i1 to i32
    %sign3A_8 = arith.subi %sign3A_4, %sign3A_7 : i32
    %sign3A_9 = arith.constant 0 : i32
    %sign3A_10 = arith.cmpi sgt, %jit3A, %sign3A_9 : i32
    %sign3A_11 = arith.extui %sign3A_10 : i1 to i32
    %sign3A_12 = arith.constant 0 : i32
    %sign3A_13 = arith.cmpi slt, %jit3A, %sign3A_12 : i32
    %sign3A_14 = arith.extui %sign3A_13 : i1 to i32
    %sign3A_15 = arith.subi %sign3A_11, %sign3A_14 : i32
    %ne3A = arith.cmpi ne, %sign3A_8, %sign3A_15 : i32
    %rem3A = arith.remsi %add3A, %jit3A : i32
    %ne3A_16 = arith.constant 0 : i32
    %ne3A_17 = arith.cmpi ne, %rem3A, %ne3A_16 : i32
    %and3A = arith.andi %ne3A, %ne3A_17 : i1
    %sub3A = arith.constant 1 : i32
    %sub3A_18 = arith.subi %div3A, %sub3A : i32
    %select_n3A = arith.select %and3A, %sub3A_18, %div3A : i32
    %jit3A_19 = arith.constant 8 : i32
    %eq3A = arith.constant 0 : i32
    %eq3A_20 = arith.cmpi eq, %jit3A_19, %eq3A : i32
    %jit3A_21 = arith.constant 1 : i32
    %select_n3A_22 = arith.select %eq3A_20, %jit3A_21, %jit3A_19 : i32
    %rem3A_23 = arith.remsi %add3A, %select_n3A_22 : i32
    %ne3A_24 = arith.constant 0 : i32
    %ne3A_25 = arith.cmpi ne, %rem3A_23, %ne3A_24 : i32
    %lt3A = arith.constant 0 : i32
    %lt3A_26 = arith.cmpi slt, %rem3A_23, %lt3A : i32
    %lt3A_27 = arith.constant 0 : i32
    %lt3A_28 = arith.cmpi slt, %select_n3A_22, %lt3A_27 : i32
    %ne3A_29 = arith.xori %lt3A_26, %lt3A_28 : i1
    %and3A_30 = arith.andi %ne3A_29, %ne3A_25 : i1
    %add3A_31 = arith.addi %rem3A_23, %select_n3A_22 : i32
    %select_n3A_32 = arith.select %and3A_30, %add3A_31, %rem3A_23 : i32
    %mul3A_33 = arith.constant 1024 : i32
    %mul3A_34 = arith.muli %select_n3A_32, %mul3A_33 : i32
    "tpu.region"() ({
      %run_scoped3A = tpu.sem_alloc : memref<!tpu.dma_semaphore, #tpu.memory_space<semaphore_mem>>
      %dma_start3A_1313 = tpu.memref_slice %arg3[%select_n3A, %mul3A_34] : memref<4x8192xi32, #tpu.memory_space<hbm>> -> memref<1x1024xi32, #tpu.memory_space<hbm>>
      %dma_start3A_1314 = tpu.memref_squeeze %dma_start3A_1313 : memref<1x1024xi32, #tpu.memory_space<hbm>> -> memref<1024xi32, #tpu.memory_space<hbm>>
      %dma_start3A_1315 = tpu.memref_slice %arg3[%select_n3A, %mul3A_34] : memref<4x8192xi32, #tpu.memory_space<hbm>> -> memref<1x1024xi32, #tpu.memory_space<hbm>>
      %dma_start3A_1316 = tpu.memref_squeeze %dma_start3A_1315 : memref<1x1024xi32, #tpu.memory_space<hbm>> -> memref<1024xi32, #tpu.memory_space<hbm>>
      tpu.enqueue_dma source(%dma_start3A_1316 : memref<1024xi32, #tpu.memory_space<hbm>>) target(%arg5 : memref<1024xi32, #tpu.memory_space<vmem>>) target_semaphore(%run_scoped3A : memref<!tpu.dma_semaphore, #tpu.memory_space<semaphore_mem>>)
      %dma_wait3A_1317 = tpu.memref_slice %arg3[%select_n3A, %mul3A_34] : memref<4x8192xi32, #tpu.memory_space<hbm>> -> memref<1x1024xi32, #tpu.memory_space<hbm>>
      %dma_wait3A_1318 = tpu.memref_squeeze %dma_wait3A_1317 : memref<1x1024xi32, #tpu.memory_space<hbm>> -> memref<1024xi32, #tpu.memory_space<hbm>>
      %dma_wait3A_1319 = tpu.memref_slice %arg3[%select_n3A, %mul3A_34] : memref<4x8192xi32, #tpu.memory_space<hbm>> -> memref<1x1024xi32, #tpu.memory_space<hbm>>
      %dma_wait3A_1320 = tpu.memref_squeeze %dma_wait3A_1319 : memref<1x1024xi32, #tpu.memory_space<hbm>> -> memref<1024xi32, #tpu.memory_space<hbm>>
      tpu.wait_dma2 semaphore(%run_scoped3A : memref<!tpu.dma_semaphore, #tpu.memory_space<semaphore_mem>>) src(%dma_wait3A_1320 : memref<1024xi32, #tpu.memory_space<hbm>>) dst(%arg5 : memref<1024xi32, #tpu.memory_space<vmem>>)
      tpu.yield
    }) : () -> ()
    %dma_start3A = arith.constant 0 : i32
    %dma_start3A_35 = tpu.memref_slice %arg5[%dma_start3A] : memref<1024xi32, #tpu.memory_space<vmem>> -> memref<16xi32, #tpu.memory_space<vmem>>
    %dma_start3A_36 = arith.constant 0 : i32
    %dma_start3A_37 = arith.constant 0 : i32
    %dma_start3A_38 = tpu.memref_slice %arg2[%dma_start3A_36, %dma_start3A_37] : memref<8192x1024xf32, #tpu.memory_space<hbm>> -> memref<8192x1024xf32, #tpu.memory_space<hbm>>
    tpu.enqueue_indirect_dma source(%dma_start3A_38 : memref<8192x1024xf32, #tpu.memory_space<hbm>>) target(%arg6 : memref<16x1024xf32, #tpu.memory_space<vmem>>) offsets(%dma_start3A_35 : memref<16xi32, #tpu.memory_space<vmem>>) semaphore(%arg10 : memref<!tpu.dma_semaphore, #tpu.memory_space<semaphore_mem>>)
    %dma_start3A_39 = arith.constant 16 : i32
    %dma_start3A_40 = tpu.memref_slice %arg5[%dma_start3A_39] : memref<1024xi32, #tpu.memory_space<vmem>> -> memref<16xi32, #tpu.memory_space<vmem>>
    %dma_start3A_41 = arith.constant 0 : i32
    %dma_start3A_42 = arith.constant 0 : i32
    %dma_start3A_43 = tpu.memref_slice %arg2[%dma_start3A_41, %dma_start3A_42] : memref<8192x1024xf32, #tpu.memory_space<hbm>> -> memref<8192x1024xf32, #tpu.memory_space<hbm>>
    tpu.enqueue_indirect_dma source(%dma_start3A_43 : memref<8192x1024xf32, #tpu.memory_space<hbm>>) target(%arg7 : memref<16x1024xf32, #tpu.memory_space<vmem>>) offsets(%dma_start3A_40 : memref<16xi32, #tpu.memory_space<vmem>>) semaphore(%arg10 : memref<!tpu.dma_semaphore, #tpu.memory_space<semaphore_mem>>)
    %dma_start3A_44 = arith.constant 32 : i32
    %dma_start3A_45 = tpu.memref_slice %arg5[%dma_start3A_44] : memref<1024xi32, #tpu.memory_space<vmem>> -> memref<16xi32, #tpu.memory_space<vmem>>
    %dma_start3A_46 = arith.constant 0 : i32
    %dma_start3A_47 = arith.constant 0 : i32
    %dma_start3A_48 = tpu.memref_slice %arg2[%dma_start3A_46, %dma_start3A_47] : memref<8192x1024xf32, #tpu.memory_space<hbm>> -> memref<8192x1024xf32, #tpu.memory_space<hbm>>
    tpu.enqueue_indirect_dma source(%dma_start3A_48 : memref<8192x1024xf32, #tpu.memory_space<hbm>>) target(%arg8 : memref<16x1024xf32, #tpu.memory_space<vmem>>) offsets(%dma_start3A_45 : memref<16xi32, #tpu.memory_space<vmem>>) semaphore(%arg10 : memref<!tpu.dma_semaphore, #tpu.memory_space<semaphore_mem>>)
    %dma_wait3A = arith.constant 0 : i32
    %dma_wait3A_49 = tpu.memref_slice %arg5[%dma_wait3A] : memref<1024xi32, #tpu.memory_space<vmem>> -> memref<16xi32, #tpu.memory_space<vmem>>
    %dma_wait3A_50 = arith.constant 0 : i32
    %dma_wait3A_51 = arith.constant 0 : i32
    %dma_wait3A_52 = tpu.memref_slice %arg2[%dma_wait3A_50, %dma_wait3A_51] : memref<8192x1024xf32, #tpu.memory_space<hbm>> -> memref<8192x1024xf32, #tpu.memory_space<hbm>>
    tpu.wait_indirect_dma semaphore(%arg10 : memref<!tpu.dma_semaphore, #tpu.memory_space<semaphore_mem>>) src(%dma_wait3A_52 : memref<8192x1024xf32, #tpu.memory_space<hbm>>) dst(%arg6 : memref<16x1024xf32, #tpu.memory_space<vmem>>)
    %add3A_53 = arith.constant 0 : i32
    %add3A_54 = arith.addi %mul3A_2, %add3A_53 : i32
    %dma_start3A_55 = arith.constant 0 : i32
    %dma_start3A_56 = tpu.memref_slice %arg4[%add3A_54, %dma_start3A_55] : memref<32768x1024xf32, #tpu.memory_space<hbm>> -> memref<16x1024xf32, #tpu.memory_space<hbm>>
    %dma_start3A_57 = arith.constant 0 : i32
    %dma_start3A_58 = tpu.memref_slice %arg4[%add3A_54, %dma_start3A_57] : memref<32768x1024xf32, #tpu.memory_space<hbm>> -> memref<16x1024xf32, #tpu.memory_space<hbm>>
    tpu.enqueue_dma source(%arg6 : memref<16x1024xf32, #tpu.memory_space<vmem>>) target(%dma_start3A_58 : memref<16x1024xf32, #tpu.memory_space<hbm>>) target_semaphore(%arg11 : memref<!tpu.dma_semaphore, #tpu.memory_space<semaphore_mem>>)
    %dma_start3A_59 = arith.constant 48 : i32
    %dma_start3A_60 = tpu.memref_slice %arg5[%dma_start3A_59] : memref<1024xi32, #tpu.memory_space<vmem>> -> memref<16xi32, #tpu.memory_space<vmem>>
    %dma_start3A_61 = arith.constant 0 : i32
    %dma_start3A_62 = arith.constant 0 : i32
    %dma_start3A_63 = tpu.memref_slice %arg2[%dma_start3A_61, %dma_start3A_62] : memref<8192x1024xf32, #tpu.memory_space<hbm>> -> memref<8192x1024xf32, #tpu.memory_space<hbm>>
    tpu.enqueue_indirect_dma source(%dma_start3A_63 : memref<8192x1024xf32, #tpu.memory_space<hbm>>) target(%arg9 : memref<16x1024xf32, #tpu.memory_space<vmem>>) offsets(%dma_start3A_60 : memref<16xi32, #tpu.memory_space<vmem>>) semaphore(%arg10 : memref<!tpu.dma_semaphore, #tpu.memory_space<semaphore_mem>>)
    %dma_wait3A_64 = arith.constant 16 : i32
    %dma_wait3A_65 = tpu.memref_slice %arg5[%dma_wait3A_64] : memref<1024xi32, #tpu.memory_space<vmem>> -> memref<16xi32, #tpu.memory_space<vmem>>
    %dma_wait3A_66 = arith.constant 0 : i32
    %dma_wait3A_67 = arith.constant 0 : i32
    %dma_wait3A_68 = tpu.memref_slice %arg2[%dma_wait3A_66, %dma_wait3A_67] : memref<8192x1024xf32, #tpu.memory_space<hbm>> -> memref<8192x1024xf32, #tpu.memory_space<hbm>>
    tpu.wait_indirect_dma semaphore(%arg10 : memref<!tpu.dma_semaphore, #tpu.memory_space<semaphore_mem>>) src(%dma_wait3A_68 : memref<8192x1024xf32, #tpu.memory_space<hbm>>) dst(%arg7 : memref<16x1024xf32, #tpu.memory_space<vmem>>)
    %add3A_69 = arith.constant 16 : i32
    %add3A_70 = arith.addi %mul3A_2, %add3A_69 : i32
    %dma_start3A_71 = arith.constant 0 : i32
    %dma_start3A_72 = tpu.memref_slice %arg4[%add3A_70, %dma_start3A_71] : memref<32768x1024xf32, #tpu.memory_space<hbm>> -> memref<16x1024xf32, #tpu.memory_space<hbm>>
    %dma_start3A_73 = arith.constant 0 : i32
    %dma_start3A_74 = tpu.memref_slice %arg4[%add3A_70, %dma_start3A_73] : memref<32768x1024xf32, #tpu.memory_space<hbm>> -> memref<16x1024xf32, #tpu.memory_space<hbm>>
    tpu.enqueue_dma source(%arg7 : memref<16x1024xf32, #tpu.memory_space<vmem>>) target(%dma_start3A_74 : memref<16x1024xf32, #tpu.memory_space<hbm>>) target_semaphore(%arg11 : memref<!tpu.dma_semaphore, #tpu.memory_space<semaphore_mem>>)
    %dma_wait3A_75 = arith.constant 0 : i32
    %dma_wait3A_76 = tpu.memref_slice %arg4[%add3A_54, %dma_wait3A_75] : memref<32768x1024xf32, #tpu.memory_space<hbm>> -> memref<16x1024xf32, #tpu.memory_space<hbm>>
    %dma_wait3A_77 = arith.constant 0 : i32
    %dma_wait3A_78 = tpu.memref_slice %arg4[%add3A_54, %dma_wait3A_77] : memref<32768x1024xf32, #tpu.memory_space<hbm>> -> memref<16x1024xf32, #tpu.memory_space<hbm>>
    tpu.wait_dma2 semaphore(%arg11 : memref<!tpu.dma_semaphore, #tpu.memory_space<semaphore_mem>>) src(%arg6 : memref<16x1024xf32, #tpu.memory_space<vmem>>) dst(%dma_wait3A_78 : memref<16x1024xf32, #tpu.memory_space<hbm>>)
    %dma_start3A_79 = arith.constant 64 : i32
    %dma_start3A_80 = tpu.memref_slice %arg5[%dma_start3A_79] : memref<1024xi32, #tpu.memory_space<vmem>> -> memref<16xi32, #tpu.memory_space<vmem>>
    %dma_start3A_81 = arith.constant 0 : i32
    %dma_start3A_82 = arith.constant 0 : i32
    %dma_start3A_83 = tpu.memref_slice %arg2[%dma_start3A_81, %dma_start3A_82] : memref<8192x1024xf32, #tpu.memory_space<hbm>> -> memref<8192x1024xf32, #tpu.memory_space<hbm>>
    tpu.enqueue_indirect_dma source(%dma_start3A_83 : memref<8192x1024xf32, #tpu.memory_space<hbm>>) target(%arg6 : memref<16x1024xf32, #tpu.memory_space<vmem>>) offsets(%dma_start3A_80 : memref<16xi32, #tpu.memory_space<vmem>>) semaphore(%arg10 : memref<!tpu.dma_semaphore, #tpu.memory_space<semaphore_mem>>)
    %dma_wait3A_84 = arith.constant 32 : i32
    %dma_wait3A_85 = tpu.memref_slice %arg5[%dma_wait3A_84] : memref<1024xi32, #tpu.memory_space<vmem>> -> memref<16xi32, #tpu.memory_space<vmem>>
    %dma_wait3A_86 = arith.constant 0 : i32
    %dma_wait3A_87 = arith.constant 0 : i32
    %dma_wait3A_88 = tpu.memref_slice %arg2[%dma_wait3A_86, %dma_wait3A_87] : memref<8192x1024xf32, #tpu.memory_space<hbm>> -> memref<8192x1024xf32, #tpu.memory_space<hbm>>
    tpu.wait_indirect_dma semaphore(%arg10 : memref<!tpu.dma_semaphore, #tpu.memory_space<semaphore_mem>>) src(%dma_wait3A_88 : memref<8192x1024xf32, #tpu.memory_space<hbm>>) dst(%arg8 : memref<16x1024xf32, #tpu.memory_space<vmem>>)
    %add3A_89 = arith.constant 32 : i32
    %add3A_90 = arith.addi %mul3A_2, %add3A_89 : i32
    %dma_start3A_91 = arith.constant 0 : i32
    %dma_start3A_92 = tpu.memref_slice %arg4[%add3A_90, %dma_start3A_91] : memref<32768x1024xf32, #tpu.memory_space<hbm>> -> memref<16x1024xf32, #tpu.memory_space<hbm>>
    %dma_start3A_93 = arith.constant 0 : i32
    %dma_start3A_94 = tpu.memref_slice %arg4[%add3A_90, %dma_start3A_93] : memref<32768x1024xf32, #tpu.memory_space<hbm>> -> memref<16x1024xf32, #tpu.memory_space<hbm>>
    tpu.enqueue_dma source(%arg8 : memref<16x1024xf32, #tpu.memory_space<vmem>>) target(%dma_start3A_94 : memref<16x1024xf32, #tpu.memory_space<hbm>>) target_semaphore(%arg11 : memref<!tpu.dma_semaphore, #tpu.memory_space<semaphore_mem>>)
    %dma_wait3A_95 = arith.constant 0 : i32
    %dma_wait3A_96 = tpu.memref_slice %arg4[%add3A_70, %dma_wait3A_95] : memref<32768x1024xf32, #tpu.memory_space<hbm>> -> memref<16x1024xf32, #tpu.memory_space<hbm>>
    %dma_wait3A_97 = arith.constant 0 : i32
    %dma_wait3A_98 = tpu.memref_slice %arg4[%add3A_70, %dma_wait3A_97] : memref<32768x1024xf32, #tpu.memory_space<hbm>> -> memref<16x1024xf32, #tpu.memory_space<hbm>>
    tpu.wait_dma2 semaphore(%arg11 : memref<!tpu.dma_semaphore, #tpu.memory_space<semaphore_mem>>) src(%arg7 : memref<16x1024xf32, #tpu.memory_space<vmem>>) dst(%dma_wait3A_98 : memref<16x1024xf32, #tpu.memory_space<hbm>>)
    %dma_start3A_99 = arith.constant 80 : i32
    %dma_start3A_100 = tpu.memref_slice %arg5[%dma_start3A_99] : memref<1024xi32, #tpu.memory_space<vmem>> -> memref<16xi32, #tpu.memory_space<vmem>>
    %dma_start3A_101 = arith.constant 0 : i32
    %dma_start3A_102 = arith.constant 0 : i32
    %dma_start3A_103 = tpu.memref_slice %arg2[%dma_start3A_101, %dma_start3A_102] : memref<8192x1024xf32, #tpu.memory_space<hbm>> -> memref<8192x1024xf32, #tpu.memory_space<hbm>>
    tpu.enqueue_indirect_dma source(%dma_start3A_103 : memref<8192x1024xf32, #tpu.memory_space<hbm>>) target(%arg7 : memref<16x1024xf32, #tpu.memory_space<vmem>>) offsets(%dma_start3A_100 : memref<16xi32, #tpu.memory_space<vmem>>) semaphore(%arg10 : memref<!tpu.dma_semaphore, #tpu.memory_space<semaphore_mem>>)
    %dma_wait3A_104 = arith.constant 48 : i32
    %dma_wait3A_105 = tpu.memref_slice %arg5[%dma_wait3A_104] : memref<1024xi32, #tpu.memory_space<vmem>> -> memref<16xi32, #tpu.memory_space<vmem>>
    %dma_wait3A_106 = arith.constant 0 : i32
    %dma_wait3A_107 = arith.constant 0 : i32
    %dma_wait3A_108 = tpu.memref_slice %arg2[%dma_wait3A_106, %dma_wait3A_107] : memref<8192x1024xf32, #tpu.memory_space<hbm>> -> memref<8192x1024xf32, #tpu.memory_space<hbm>>
    tpu.wait_indirect_dma semaphore(%arg10 : memref<!tpu.dma_semaphore, #tpu.memory_space<semaphore_mem>>) src(%dma_wait3A_108 : memref<8192x1024xf32, #tpu.memory_space<hbm>>) dst(%arg9 : memref<16x1024xf32, #tpu.memory_space<vmem>>)
    %add3A_109 = arith.constant 48 : i32
    %add3A_110 = arith.addi %mul3A_2, %add3A_109 : i32
    %dma_start3A_111 = arith.constant 0 : i32
    %dma_start3A_112 = tpu.memref_slice %arg4[%add3A_110, %dma_start3A_111] : memref<32768x1024xf32, #tpu.memory_space<hbm>> -> memref<16x1024xf32, #tpu.memory_space<hbm>>
    %dma_start3A_113 = arith.constant 0 : i32
    %dma_start3A_114 = tpu.memref_slice %arg4[%add3A_110, %dma_start3A_113] : memref<32768x1024xf32, #tpu.memory_space<hbm>> -> memref<16x1024xf32, #tpu.memory_space<hbm>>
    tpu.enqueue_dma source(%arg9 : memref<16x1024xf32, #tpu.memory_space<vmem>>) target(%dma_start3A_114 : memref<16x1024xf32, #tpu.memory_space<hbm>>) target_semaphore(%arg11 : memref<!tpu.dma_semaphore, #tpu.memory_space<semaphore_mem>>)
    %dma_wait3A_115 = arith.constant 0 : i32
    %dma_wait3A_116 = tpu.memref_slice %arg4[%add3A_90, %dma_wait3A_115] : memref<32768x1024xf32, #tpu.memory_space<hbm>> -> memref<16x1024xf32, #tpu.memory_space<hbm>>
    %dma_wait3A_117 = arith.constant 0 : i32
    %dma_wait3A_118 = tpu.memref_slice %arg4[%add3A_90, %dma_wait3A_117] : memref<32768x1024xf32, #tpu.memory_space<hbm>> -> memref<16x1024xf32, #tpu.memory_space<hbm>>
    tpu.wait_dma2 semaphore(%arg11 : memref<!tpu.dma_semaphore, #tpu.memory_space<semaphore_mem>>) src(%arg8 : memref<16x1024xf32, #tpu.memory_space<vmem>>) dst(%dma_wait3A_118 : memref<16x1024xf32, #tpu.memory_space<hbm>>)
    %dma_start3A_119 = arith.constant 96 : i32
    %dma_start3A_120 = tpu.memref_slice %arg5[%dma_start3A_119] : memref<1024xi32, #tpu.memory_space<vmem>> -> memref<16xi32, #tpu.memory_space<vmem>>
    %dma_start3A_121 = arith.constant 0 : i32
    %dma_start3A_122 = arith.constant 0 : i32
    %dma_start3A_123 = tpu.memref_slice %arg2[%dma_start3A_121, %dma_start3A_122] : memref<8192x1024xf32, #tpu.memory_space<hbm>> -> memref<8192x1024xf32, #tpu.memory_space<hbm>>
    tpu.enqueue_indirect_dma source(%dma_start3A_123 : memref<8192x1024xf32, #tpu.memory_space<hbm>>) target(%arg8 : memref<16x1024xf32, #tpu.memory_space<vmem>>) offsets(%dma_start3A_120 : memref<16xi32, #tpu.memory_space<vmem>>) semaphore(%arg10 : memref<!tpu.dma_semaphore, #tpu.memory_space<semaphore_mem>>)
    %dma_wait3A_124 = arith.constant 64 : i32
    %dma_wait3A_125 = tpu.memref_slice %arg5[%dma_wait3A_124] : memref<1024xi32, #tpu.memory_space<vmem>> -> memref<16xi32, #tpu.memory_space<vmem>>
    %dma_wait3A_126 = arith.constant 0 : i32
    %dma_wait3A_127 = arith.constant 0 : i32
    %dma_wait3A_128 = tpu.memref_slice %arg2[%dma_wait3A_126, %dma_wait3A_127] : memref<8192x1024xf32, #tpu.memory_space<hbm>> -> memref<8192x1024xf32, #tpu.memory_space<hbm>>
    tpu.wait_indirect_dma semaphore(%arg10 : memref<!tpu.dma_semaphore, #tpu.memory_space<semaphore_mem>>) src(%dma_wait3A_128 : memref<8192x1024xf32, #tpu.memory_space<hbm>>) dst(%arg6 : memref<16x1024xf32, #tpu.memory_space<vmem>>)
    %add3A_129 = arith.constant 64 : i32
    %add3A_130 = arith.addi %mul3A_2, %add3A_129 : i32
    %dma_start3A_131 = arith.constant 0 : i32
    %dma_start3A_132 = tpu.memref_slice %arg4[%add3A_130, %dma_start3A_131] : memref<32768x1024xf32, #tpu.memory_space<hbm>> -> memref<16x1024xf32, #tpu.memory_space<hbm>>
    %dma_start3A_133 = arith.constant 0 : i32
    %dma_start3A_134 = tpu.memref_slice %arg4[%add3A_130, %dma_start3A_133] : memref<32768x1024xf32, #tpu.memory_space<hbm>> -> memref<16x1024xf32, #tpu.memory_space<hbm>>
    tpu.enqueue_dma source(%arg6 : memref<16x1024xf32, #tpu.memory_space<vmem>>) target(%dma_start3A_134 : memref<16x1024xf32, #tpu.memory_space<hbm>>) target_semaphore(%arg11 : memref<!tpu.dma_semaphore, #tpu.memory_space<semaphore_mem>>)
    %dma_wait3A_135 = arith.constant 0 : i32
    %dma_wait3A_136 = tpu.memref_slice %arg4[%add3A_110, %dma_wait3A_135] : memref<32768x1024xf32, #tpu.memory_space<hbm>> -> memref<16x1024xf32, #tpu.memory_space<hbm>>
    %dma_wait3A_137 = arith.constant 0 : i32
    %dma_wait3A_138 = tpu.memref_slice %arg4[%add3A_110, %dma_wait3A_137] : memref<32768x1024xf32, #tpu.memory_space<hbm>> -> memref<16x1024xf32, #tpu.memory_space<hbm>>
    tpu.wait_dma2 semaphore(%arg11 : memref<!tpu.dma_semaphore, #tpu.memory_space<semaphore_mem>>) src(%arg9 : memref<16x1024xf32, #tpu.memory_space<vmem>>) dst(%dma_wait3A_138 : memref<16x1024xf32, #tpu.memory_space<hbm>>)
    %dma_start3A_139 = arith.constant 112 : i32
    %dma_start3A_140 = tpu.memref_slice %arg5[%dma_start3A_139] : memref<1024xi32, #tpu.memory_space<vmem>> -> memref<16xi32, #tpu.memory_space<vmem>>
    %dma_start3A_141 = arith.constant 0 : i32
    %dma_start3A_142 = arith.constant 0 : i32
    %dma_start3A_143 = tpu.memref_slice %arg2[%dma_start3A_141, %dma_start3A_142] : memref<8192x1024xf32, #tpu.memory_space<hbm>> -> memref<8192x1024xf32, #tpu.memory_space<hbm>>
    tpu.enqueue_indirect_dma source(%dma_start3A_143 : memref<8192x1024xf32, #tpu.memory_space<hbm>>) target(%arg9 : memref<16x1024xf32, #tpu.memory_space<vmem>>) offsets(%dma_start3A_140 : memref<16xi32, #tpu.memory_space<vmem>>) semaphore(%arg10 : memref<!tpu.dma_semaphore, #tpu.memory_space<semaphore_mem>>)
    %dma_wait3A_144 = arith.constant 80 : i32
    %dma_wait3A_145 = tpu.memref_slice %arg5[%dma_wait3A_144] : memref<1024xi32, #tpu.memory_space<vmem>> -> memref<16xi32, #tpu.memory_space<vmem>>
    %dma_wait3A_146 = arith.constant 0 : i32
    %dma_wait3A_147 = arith.constant 0 : i32
    %dma_wait3A_148 = tpu.memref_slice %arg2[%dma_wait3A_146, %dma_wait3A_147] : memref<8192x1024xf32, #tpu.memory_space<hbm>> -> memref<8192x1024xf32, #tpu.memory_space<hbm>>
    tpu.wait_indirect_dma semaphore(%arg10 : memref<!tpu.dma_semaphore, #tpu.memory_space<semaphore_mem>>) src(%dma_wait3A_148 : memref<8192x1024xf32, #tpu.memory_space<hbm>>) dst(%arg7 : memref<16x1024xf32, #tpu.memory_space<vmem>>)
    %add3A_149 = arith.constant 80 : i32
    %add3A_150 = arith.addi %mul3A_2, %add3A_149 : i32
    %dma_start3A_151 = arith.constant 0 : i32
    %dma_start3A_152 = tpu.memref_slice %arg4[%add3A_150, %dma_start3A_151] : memref<32768x1024xf32, #tpu.memory_space<hbm>> -> memref<16x1024xf32, #tpu.memory_space<hbm>>
    %dma_start3A_153 = arith.constant 0 : i32
    %dma_start3A_154 = tpu.memref_slice %arg4[%add3A_150, %dma_start3A_153] : memref<32768x1024xf32, #tpu.memory_space<hbm>> -> memref<16x1024xf32, #tpu.memory_space<hbm>>
    tpu.enqueue_dma source(%arg7 : memref<16x1024xf32, #tpu.memory_space<vmem>>) target(%dma_start3A_154 : memref<16x1024xf32, #tpu.memory_space<hbm>>) target_semaphore(%arg11 : memref<!tpu.dma_semaphore, #tpu.memory_space<semaphore_mem>>)
    %dma_wait3A_155 = arith.constant 0 : i32
    %dma_wait3A_156 = tpu.memref_slice %arg4[%add3A_130, %dma_wait3A_155] : memref<32768x1024xf32, #tpu.memory_space<hbm>> -> memref<16x1024xf32, #tpu.memory_space<hbm>>
    %dma_wait3A_157 = arith.constant 0 : i32
    %dma_wait3A_158 = tpu.memref_slice %arg4[%add3A_130, %dma_wait3A_157] : memref<32768x1024xf32, #tpu.memory_space<hbm>> -> memref<16x1024xf32, #tpu.memory_space<hbm>>
    tpu.wait_dma2 semaphore(%arg11 : memref<!tpu.dma_semaphore, #tpu.memory_space<semaphore_mem>>) src(%arg6 : memref<16x1024xf32, #tpu.memory_space<vmem>>) dst(%dma_wait3A_158 : memref<16x1024xf32, #tpu.memory_space<hbm>>)
    %dma_start3A_159 = arith.constant 128 : i32
    %dma_start3A_160 = tpu.memref_slice %arg5[%dma_start3A_159] : memref<1024xi32, #tpu.memory_space<vmem>> -> memref<16xi32, #tpu.memory_space<vmem>>
    %dma_start3A_161 = arith.constant 0 : i32
    %dma_start3A_162 = arith.constant 0 : i32
    %dma_start3A_163 = tpu.memref_slice %arg2[%dma_start3A_161, %dma_start3A_162] : memref<8192x1024xf32, #tpu.memory_space<hbm>> -> memref<8192x1024xf32, #tpu.memory_space<hbm>>
    tpu.enqueue_indirect_dma source(%dma_start3A_163 : memref<8192x1024xf32, #tpu.memory_space<hbm>>) target(%arg6 : memref<16x1024xf32, #tpu.memory_space<vmem>>) offsets(%dma_start3A_160 : memref<16xi32, #tpu.memory_space<vmem>>) semaphore(%arg10 : memref<!tpu.dma_semaphore, #tpu.memory_space<semaphore_mem>>)
    %dma_wait3A_164 = arith.constant 96 : i32
    %dma_wait3A_165 = tpu.memref_slice %arg5[%dma_wait3A_164] : memref<1024xi32, #tpu.memory_space<vmem>> -> memref<16xi32, #tpu.memory_space<vmem>>
    %dma_wait3A_166 = arith.constant 0 : i32
    %dma_wait3A_167 = arith.constant 0 : i32
    %dma_wait3A_168 = tpu.memref_slice %arg2[%dma_wait3A_166, %dma_wait3A_167] : memref<8192x1024xf32, #tpu.memory_space<hbm>> -> memref<8192x1024xf32, #tpu.memory_space<hbm>>
    tpu.wait_indirect_dma semaphore(%arg10 : memref<!tpu.dma_semaphore, #tpu.memory_space<semaphore_mem>>) src(%dma_wait3A_168 : memref<8192x1024xf32, #tpu.memory_space<hbm>>) dst(%arg8 : memref<16x1024xf32, #tpu.memory_space<vmem>>)
    %add3A_169 = arith.constant 96 : i32
    %add3A_170 = arith.addi %mul3A_2, %add3A_169 : i32
    %dma_start3A_171 = arith.constant 0 : i32
    %dma_start3A_172 = tpu.memref_slice %arg4[%add3A_170, %dma_start3A_171] : memref<32768x1024xf32, #tpu.memory_space<hbm>> -> memref<16x1024xf32, #tpu.memory_space<hbm>>
    %dma_start3A_173 = arith.constant 0 : i32
    %dma_start3A_174 = tpu.memref_slice %arg4[%add3A_170, %dma_start3A_173] : memref<32768x1024xf32, #tpu.memory_space<hbm>> -> memref<16x1024xf32, #tpu.memory_space<hbm>>
    tpu.enqueue_dma source(%arg8 : memref<16x1024xf32, #tpu.memory_space<vmem>>) target(%dma_start3A_174 : memref<16x1024xf32, #tpu.memory_space<hbm>>) target_semaphore(%arg11 : memref<!tpu.dma_semaphore, #tpu.memory_space<semaphore_mem>>)
    %dma_wait3A_175 = arith.constant 0 : i32
    %dma_wait3A_176 = tpu.memref_slice %arg4[%add3A_150, %dma_wait3A_175] : memref<32768x1024xf32, #tpu.memory_space<hbm>> -> memref<16x1024xf32, #tpu.memory_space<hbm>>
    %dma_wait3A_177 = arith.constant 0 : i32
    %dma_wait3A_178 = tpu.memref_slice %arg4[%add3A_150, %dma_wait3A_177] : memref<32768x1024xf32, #tpu.memory_space<hbm>> -> memref<16x1024xf32, #tpu.memory_space<hbm>>
    tpu.wait_dma2 semaphore(%arg11 : memref<!tpu.dma_semaphore, #tpu.memory_space<semaphore_mem>>) src(%arg7 : memref<16x1024xf32, #tpu.memory_space<vmem>>) dst(%dma_wait3A_178 : memref<16x1024xf32, #tpu.memory_space<hbm>>)
    %dma_start3A_179 = arith.constant 144 : i32
    %dma_start3A_180 = tpu.memref_slice %arg5[%dma_start3A_179] : memref<1024xi32, #tpu.memory_space<vmem>> -> memref<16xi32, #tpu.memory_space<vmem>>
    %dma_start3A_181 = arith.constant 0 : i32
    %dma_start3A_182 = arith.constant 0 : i32
    %dma_start3A_183 = tpu.memref_slice %arg2[%dma_start3A_181, %dma_start3A_182] : memref<8192x1024xf32, #tpu.memory_space<hbm>> -> memref<8192x1024xf32, #tpu.memory_space<hbm>>
    tpu.enqueue_indirect_dma source(%dma_start3A_183 : memref<8192x1024xf32, #tpu.memory_space<hbm>>) target(%arg7 : memref<16x1024xf32, #tpu.memory_space<vmem>>) offsets(%dma_start3A_180 : memref<16xi32, #tpu.memory_space<vmem>>) semaphore(%arg10 : memref<!tpu.dma_semaphore, #tpu.memory_space<semaphore_mem>>)
    %dma_wait3A_184 = arith.constant 112 : i32
    %dma_wait3A_185 = tpu.memref_slice %arg5[%dma_wait3A_184] : memref<1024xi32, #tpu.memory_space<vmem>> -> memref<16xi32, #tpu.memory_space<vmem>>
    %dma_wait3A_186 = arith.constant 0 : i32
    %dma_wait3A_187 = arith.constant 0 : i32
    %dma_wait3A_188 = tpu.memref_slice %arg2[%dma_wait3A_186, %dma_wait3A_187] : memref<8192x1024xf32, #tpu.memory_space<hbm>> -> memref<8192x1024xf32, #tpu.memory_space<hbm>>
    tpu.wait_indirect_dma semaphore(%arg10 : memref<!tpu.dma_semaphore, #tpu.memory_space<semaphore_mem>>) src(%dma_wait3A_188 : memref<8192x1024xf32, #tpu.memory_space<hbm>>) dst(%arg9 : memref<16x1024xf32, #tpu.memory_space<vmem>>)
    %add3A_189 = arith.constant 112 : i32
    %add3A_190 = arith.addi %mul3A_2, %add3A_189 : i32
    %dma_start3A_191 = arith.constant 0 : i32
    %dma_start3A_192 = tpu.memref_slice %arg4[%add3A_190, %dma_start3A_191] : memref<32768x1024xf32, #tpu.memory_space<hbm>> -> memref<16x1024xf32, #tpu.memory_space<hbm>>
    %dma_start3A_193 = arith.constant 0 : i32
    %dma_start3A_194 = tpu.memref_slice %arg4[%add3A_190, %dma_start3A_193] : memref<32768x1024xf32, #tpu.memory_space<hbm>> -> memref<16x1024xf32, #tpu.memory_space<hbm>>
    tpu.enqueue_dma source(%arg9 : memref<16x1024xf32, #tpu.memory_space<vmem>>) target(%dma_start3A_194 : memref<16x1024xf32, #tpu.memory_space<hbm>>) target_semaphore(%arg11 : memref<!tpu.dma_semaphore, #tpu.memory_space<semaphore_mem>>)
    %dma_wait3A_195 = arith.constant 0 : i32
    %dma_wait3A_196 = tpu.memref_slice %arg4[%add3A_170, %dma_wait3A_195] : memref<32768x1024xf32, #tpu.memory_space<hbm>> -> memref<16x1024xf32, #tpu.memory_space<hbm>>
    %dma_wait3A_197 = arith.constant 0 : i32
    %dma_wait3A_198 = tpu.memref_slice %arg4[%add3A_170, %dma_wait3A_197] : memref<32768x1024xf32, #tpu.memory_space<hbm>> -> memref<16x1024xf32, #tpu.memory_space<hbm>>
    tpu.wait_dma2 semaphore(%arg11 : memref<!tpu.dma_semaphore, #tpu.memory_space<semaphore_mem>>) src(%arg8 : memref<16x1024xf32, #tpu.memory_space<vmem>>) dst(%dma_wait3A_198 : memref<16x1024xf32, #tpu.memory_space<hbm>>)
    %dma_start3A_199 = arith.constant 160 : i32
    %dma_start3A_200 = tpu.memref_slice %arg5[%dma_start3A_199] : memref<1024xi32, #tpu.memory_space<vmem>> -> memref<16xi32, #tpu.memory_space<vmem>>
    %dma_start3A_201 = arith.constant 0 : i32
    %dma_start3A_202 = arith.constant 0 : i32
    %dma_start3A_203 = tpu.memref_slice %arg2[%dma_start3A_201, %dma_start3A_202] : memref<8192x1024xf32, #tpu.memory_space<hbm>> -> memref<8192x1024xf32, #tpu.memory_space<hbm>>
    tpu.enqueue_indirect_dma source(%dma_start3A_203 : memref<8192x1024xf32, #tpu.memory_space<hbm>>) target(%arg8 : memref<16x1024xf32, #tpu.memory_space<vmem>>) offsets(%dma_start3A_200 : memref<16xi32, #tpu.memory_space<vmem>>) semaphore(%arg10 : memref<!tpu.dma_semaphore, #tpu.memory_space<semaphore_mem>>)
    %dma_wait3A_204 = arith.constant 128 : i32
    %dma_wait3A_205 = tpu.memref_slice %arg5[%dma_wait3A_204] : memref<1024xi32, #tpu.memory_space<vmem>> -> memref<16xi32, #tpu.memory_space<vmem>>
    %dma_wait3A_206 = arith.constant 0 : i32
    %dma_wait3A_207 = arith.constant 0 : i32
    %dma_wait3A_208 = tpu.memref_slice %arg2[%dma_wait3A_206, %dma_wait3A_207] : memref<8192x1024xf32, #tpu.memory_space<hbm>> -> memref<8192x1024xf32, #tpu.memory_space<hbm>>
    tpu.wait_indirect_dma semaphore(%arg10 : memref<!tpu.dma_semaphore, #tpu.memory_space<semaphore_mem>>) src(%dma_wait3A_208 : memref<8192x1024xf32, #tpu.memory_space<hbm>>) dst(%arg6 : memref<16x1024xf32, #tpu.memory_space<vmem>>)
    %add3A_209 = arith.constant 128 : i32
    %add3A_210 = arith.addi %mul3A_2, %add3A_209 : i32
    %dma_start3A_211 = arith.constant 0 : i32
    %dma_start3A_212 = tpu.memref_slice %arg4[%add3A_210, %dma_start3A_211] : memref<32768x1024xf32, #tpu.memory_space<hbm>> -> memref<16x1024xf32, #tpu.memory_space<hbm>>
    %dma_start3A_213 = arith.constant 0 : i32
    %dma_start3A_214 = tpu.memref_slice %arg4[%add3A_210, %dma_start3A_213] : memref<32768x1024xf32, #tpu.memory_space<hbm>> -> memref<16x1024xf32, #tpu.memory_space<hbm>>
    tpu.enqueue_dma source(%arg6 : memref<16x1024xf32, #tpu.memory_space<vmem>>) target(%dma_start3A_214 : memref<16x1024xf32, #tpu.memory_space<hbm>>) target_semaphore(%arg11 : memref<!tpu.dma_semaphore, #tpu.memory_space<semaphore_mem>>)
    %dma_wait3A_215 = arith.constant 0 : i32
    %dma_wait3A_216 = tpu.memref_slice %arg4[%add3A_190, %dma_wait3A_215] : memref<32768x1024xf32, #tpu.memory_space<hbm>> -> memref<16x1024xf32, #tpu.memory_space<hbm>>
    %dma_wait3A_217 = arith.constant 0 : i32
    %dma_wait3A_218 = tpu.memref_slice %arg4[%add3A_190, %dma_wait3A_217] : memref<32768x1024xf32, #tpu.memory_space<hbm>> -> memref<16x1024xf32, #tpu.memory_space<hbm>>
    tpu.wait_dma2 semaphore(%arg11 : memref<!tpu.dma_semaphore, #tpu.memory_space<semaphore_mem>>) src(%arg9 : memref<16x1024xf32, #tpu.memory_space<vmem>>) dst(%dma_wait3A_218 : memref<16x1024xf32, #tpu.memory_space<hbm>>)
    %dma_start3A_219 = arith.constant 176 : i32
    %dma_start3A_220 = tpu.memref_slice %arg5[%dma_start3A_219] : memref<1024xi32, #tpu.memory_space<vmem>> -> memref<16xi32, #tpu.memory_space<vmem>>
    %dma_start3A_221 = arith.constant 0 : i32
    %dma_start3A_222 = arith.constant 0 : i32
    %dma_start3A_223 = tpu.memref_slice %arg2[%dma_start3A_221, %dma_start3A_222] : memref<8192x1024xf32, #tpu.memory_space<hbm>> -> memref<8192x1024xf32, #tpu.memory_space<hbm>>
    tpu.enqueue_indirect_dma source(%dma_start3A_223 : memref<8192x1024xf32, #tpu.memory_space<hbm>>) target(%arg9 : memref<16x1024xf32, #tpu.memory_space<vmem>>) offsets(%dma_start3A_220 : memref<16xi32, #tpu.memory_space<vmem>>) semaphore(%arg10 : memref<!tpu.dma_semaphore, #tpu.memory_space<semaphore_mem>>)
    %dma_wait3A_224 = arith.constant 144 : i32
    %dma_wait3A_225 = tpu.memref_slice %arg5[%dma_wait3A_224] : memref<1024xi32, #tpu.memory_space<vmem>> -> memref<16xi32, #tpu.memory_space<vmem>>
    %dma_wait3A_226 = arith.constant 0 : i32
    %dma_wait3A_227 = arith.constant 0 : i32
    %dma_wait3A_228 = tpu.memref_slice %arg2[%dma_wait3A_226, %dma_wait3A_227] : memref<8192x1024xf32, #tpu.memory_space<hbm>> -> memref<8192x1024xf32, #tpu.memory_space<hbm>>
    tpu.wait_indirect_dma semaphore(%arg10 : memref<!tpu.dma_semaphore, #tpu.memory_space<semaphore_mem>>) src(%dma_wait3A_228 : memref<8192x1024xf32, #tpu.memory_space<hbm>>) dst(%arg7 : memref<16x1024xf32, #tpu.memory_space<vmem>>)
    %add3A_229 = arith.constant 144 : i32
    %add3A_230 = arith.addi %mul3A_2, %add3A_229 : i32
    %dma_start3A_231 = arith.constant 0 : i32
    %dma_start3A_232 = tpu.memref_slice %arg4[%add3A_230, %dma_start3A_231] : memref<32768x1024xf32, #tpu.memory_space<hbm>> -> memref<16x1024xf32, #tpu.memory_space<hbm>>
    %dma_start3A_233 = arith.constant 0 : i32
    %dma_start3A_234 = tpu.memref_slice %arg4[%add3A_230, %dma_start3A_233] : memref<32768x1024xf32, #tpu.memory_space<hbm>> -> memref<16x1024xf32, #tpu.memory_space<hbm>>
    tpu.enqueue_dma source(%arg7 : memref<16x1024xf32, #tpu.memory_space<vmem>>) target(%dma_start3A_234 : memref<16x1024xf32, #tpu.memory_space<hbm>>) target_semaphore(%arg11 : memref<!tpu.dma_semaphore, #tpu.memory_space<semaphore_mem>>)
    %dma_wait3A_235 = arith.constant 0 : i32
    %dma_wait3A_236 = tpu.memref_slice %arg4[%add3A_210, %dma_wait3A_235] : memref<32768x1024xf32, #tpu.memory_space<hbm>> -> memref<16x1024xf32, #tpu.memory_space<hbm>>
    %dma_wait3A_237 = arith.constant 0 : i32
    %dma_wait3A_238 = tpu.memref_slice %arg4[%add3A_210, %dma_wait3A_237] : memref<32768x1024xf32, #tpu.memory_space<hbm>> -> memref<16x1024xf32, #tpu.memory_space<hbm>>
    tpu.wait_dma2 semaphore(%arg11 : memref<!tpu.dma_semaphore, #tpu.memory_space<semaphore_mem>>) src(%arg6 : memref<16x1024xf32, #tpu.memory_space<vmem>>) dst(%dma_wait3A_238 : memref<16x1024xf32, #tpu.memory_space<hbm>>)
    %dma_start3A_239 = arith.constant 192 : i32
    %dma_start3A_240 = tpu.memref_slice %arg5[%dma_start3A_239] : memref<1024xi32, #tpu.memory_space<vmem>> -> memref<16xi32, #tpu.memory_space<vmem>>
    %dma_start3A_241 = arith.constant 0 : i32
    %dma_start3A_242 = arith.constant 0 : i32
    %dma_start3A_243 = tpu.memref_slice %arg2[%dma_start3A_241, %dma_start3A_242] : memref<8192x1024xf32, #tpu.memory_space<hbm>> -> memref<8192x1024xf32, #tpu.memory_space<hbm>>
    tpu.enqueue_indirect_dma source(%dma_start3A_243 : memref<8192x1024xf32, #tpu.memory_space<hbm>>) target(%arg6 : memref<16x1024xf32, #tpu.memory_space<vmem>>) offsets(%dma_start3A_240 : memref<16xi32, #tpu.memory_space<vmem>>) semaphore(%arg10 : memref<!tpu.dma_semaphore, #tpu.memory_space<semaphore_mem>>)
    %dma_wait3A_244 = arith.constant 160 : i32
    %dma_wait3A_245 = tpu.memref_slice %arg5[%dma_wait3A_244] : memref<1024xi32, #tpu.memory_space<vmem>> -> memref<16xi32, #tpu.memory_space<vmem>>
    %dma_wait3A_246 = arith.constant 0 : i32
    %dma_wait3A_247 = arith.constant 0 : i32
    %dma_wait3A_248 = tpu.memref_slice %arg2[%dma_wait3A_246, %dma_wait3A_247] : memref<8192x1024xf32, #tpu.memory_space<hbm>> -> memref<8192x1024xf32, #tpu.memory_space<hbm>>
    tpu.wait_indirect_dma semaphore(%arg10 : memref<!tpu.dma_semaphore, #tpu.memory_space<semaphore_mem>>) src(%dma_wait3A_248 : memref<8192x1024xf32, #tpu.memory_space<hbm>>) dst(%arg8 : memref<16x1024xf32, #tpu.memory_space<vmem>>)
    %add3A_249 = arith.constant 160 : i32
    %add3A_250 = arith.addi %mul3A_2, %add3A_249 : i32
    %dma_start3A_251 = arith.constant 0 : i32
    %dma_start3A_252 = tpu.memref_slice %arg4[%add3A_250, %dma_start3A_251] : memref<32768x1024xf32, #tpu.memory_space<hbm>> -> memref<16x1024xf32, #tpu.memory_space<hbm>>
    %dma_start3A_253 = arith.constant 0 : i32
    %dma_start3A_254 = tpu.memref_slice %arg4[%add3A_250, %dma_start3A_253] : memref<32768x1024xf32, #tpu.memory_space<hbm>> -> memref<16x1024xf32, #tpu.memory_space<hbm>>
    tpu.enqueue_dma source(%arg8 : memref<16x1024xf32, #tpu.memory_space<vmem>>) target(%dma_start3A_254 : memref<16x1024xf32, #tpu.memory_space<hbm>>) target_semaphore(%arg11 : memref<!tpu.dma_semaphore, #tpu.memory_space<semaphore_mem>>)
    %dma_wait3A_255 = arith.constant 0 : i32
    %dma_wait3A_256 = tpu.memref_slice %arg4[%add3A_230, %dma_wait3A_255] : memref<32768x1024xf32, #tpu.memory_space<hbm>> -> memref<16x1024xf32, #tpu.memory_space<hbm>>
    %dma_wait3A_257 = arith.constant 0 : i32
    %dma_wait3A_258 = tpu.memref_slice %arg4[%add3A_230, %dma_wait3A_257] : memref<32768x1024xf32, #tpu.memory_space<hbm>> -> memref<16x1024xf32, #tpu.memory_space<hbm>>
    tpu.wait_dma2 semaphore(%arg11 : memref<!tpu.dma_semaphore, #tpu.memory_space<semaphore_mem>>) src(%arg7 : memref<16x1024xf32, #tpu.memory_space<vmem>>) dst(%dma_wait3A_258 : memref<16x1024xf32, #tpu.memory_space<hbm>>)
    %dma_start3A_259 = arith.constant 208 : i32
    %dma_start3A_260 = tpu.memref_slice %arg5[%dma_start3A_259] : memref<1024xi32, #tpu.memory_space<vmem>> -> memref<16xi32, #tpu.memory_space<vmem>>
    %dma_start3A_261 = arith.constant 0 : i32
    %dma_start3A_262 = arith.constant 0 : i32
    %dma_start3A_263 = tpu.memref_slice %arg2[%dma_start3A_261, %dma_start3A_262] : memref<8192x1024xf32, #tpu.memory_space<hbm>> -> memref<8192x1024xf32, #tpu.memory_space<hbm>>
    tpu.enqueue_indirect_dma source(%dma_start3A_263 : memref<8192x1024xf32, #tpu.memory_space<hbm>>) target(%arg7 : memref<16x1024xf32, #tpu.memory_space<vmem>>) offsets(%dma_start3A_260 : memref<16xi32, #tpu.memory_space<vmem>>) semaphore(%arg10 : memref<!tpu.dma_semaphore, #tpu.memory_space<semaphore_mem>>)
    %dma_wait3A_264 = arith.constant 176 : i32
    %dma_wait3A_265 = tpu.memref_slice %arg5[%dma_wait3A_264] : memref<1024xi32, #tpu.memory_space<vmem>> -> memref<16xi32, #tpu.memory_space<vmem>>
    %dma_wait3A_266 = arith.constant 0 : i32
    %dma_wait3A_267 = arith.constant 0 : i32
    %dma_wait3A_268 = tpu.memref_slice %arg2[%dma_wait3A_266, %dma_wait3A_267] : memref<8192x1024xf32, #tpu.memory_space<hbm>> -> memref<8192x1024xf32, #tpu.memory_space<hbm>>
    tpu.wait_indirect_dma semaphore(%arg10 : memref<!tpu.dma_semaphore, #tpu.memory_space<semaphore_mem>>) src(%dma_wait3A_268 : memref<8192x1024xf32, #tpu.memory_space<hbm>>) dst(%arg9 : memref<16x1024xf32, #tpu.memory_space<vmem>>)
    %add3A_269 = arith.constant 176 : i32
    %add3A_270 = arith.addi %mul3A_2, %add3A_269 : i32
    %dma_start3A_271 = arith.constant 0 : i32
    %dma_start3A_272 = tpu.memref_slice %arg4[%add3A_270, %dma_start3A_271] : memref<32768x1024xf32, #tpu.memory_space<hbm>> -> memref<16x1024xf32, #tpu.memory_space<hbm>>
    %dma_start3A_273 = arith.constant 0 : i32
    %dma_start3A_274 = tpu.memref_slice %arg4[%add3A_270, %dma_start3A_273] : memref<32768x1024xf32, #tpu.memory_space<hbm>> -> memref<16x1024xf32, #tpu.memory_space<hbm>>
    tpu.enqueue_dma source(%arg9 : memref<16x1024xf32, #tpu.memory_space<vmem>>) target(%dma_start3A_274 : memref<16x1024xf32, #tpu.memory_space<hbm>>) target_semaphore(%arg11 : memref<!tpu.dma_semaphore, #tpu.memory_space<semaphore_mem>>)
    %dma_wait3A_275 = arith.constant 0 : i32
    %dma_wait3A_276 = tpu.memref_slice %arg4[%add3A_250, %dma_wait3A_275] : memref<32768x1024xf32, #tpu.memory_space<hbm>> -> memref<16x1024xf32, #tpu.memory_space<hbm>>
    %dma_wait3A_277 = arith.constant 0 : i32
    %dma_wait3A_278 = tpu.memref_slice %arg4[%add3A_250, %dma_wait3A_277] : memref<32768x1024xf32, #tpu.memory_space<hbm>> -> memref<16x1024xf32, #tpu.memory_space<hbm>>
    tpu.wait_dma2 semaphore(%arg11 : memref<!tpu.dma_semaphore, #tpu.memory_space<semaphore_mem>>) src(%arg8 : memref<16x1024xf32, #tpu.memory_space<vmem>>) dst(%dma_wait3A_278 : memref<16x1024xf32, #tpu.memory_space<hbm>>)
    %dma_start3A_279 = arith.constant 224 : i32
    %dma_start3A_280 = tpu.memref_slice %arg5[%dma_start3A_279] : memref<1024xi32, #tpu.memory_space<vmem>> -> memref<16xi32, #tpu.memory_space<vmem>>
    %dma_start3A_281 = arith.constant 0 : i32
    %dma_start3A_282 = arith.constant 0 : i32
    %dma_start3A_283 = tpu.memref_slice %arg2[%dma_start3A_281, %dma_start3A_282] : memref<8192x1024xf32, #tpu.memory_space<hbm>> -> memref<8192x1024xf32, #tpu.memory_space<hbm>>
    tpu.enqueue_indirect_dma source(%dma_start3A_283 : memref<8192x1024xf32, #tpu.memory_space<hbm>>) target(%arg8 : memref<16x1024xf32, #tpu.memory_space<vmem>>) offsets(%dma_start3A_280 : memref<16xi32, #tpu.memory_space<vmem>>) semaphore(%arg10 : memref<!tpu.dma_semaphore, #tpu.memory_space<semaphore_mem>>)
    %dma_wait3A_284 = arith.constant 192 : i32
    %dma_wait3A_285 = tpu.memref_slice %arg5[%dma_wait3A_284] : memref<1024xi32, #tpu.memory_space<vmem>> -> memref<16xi32, #tpu.memory_space<vmem>>
    %dma_wait3A_286 = arith.constant 0 : i32
    %dma_wait3A_287 = arith.constant 0 : i32
    %dma_wait3A_288 = tpu.memref_slice %arg2[%dma_wait3A_286, %dma_wait3A_287] : memref<8192x1024xf32, #tpu.memory_space<hbm>> -> memref<8192x1024xf32, #tpu.memory_space<hbm>>
    tpu.wait_indirect_dma semaphore(%arg10 : memref<!tpu.dma_semaphore, #tpu.memory_space<semaphore_mem>>) src(%dma_wait3A_288 : memref<8192x1024xf32, #tpu.memory_space<hbm>>) dst(%arg6 : memref<16x1024xf32, #tpu.memory_space<vmem>>)
    %add3A_289 = arith.constant 192 : i32
    %add3A_290 = arith.addi %mul3A_2, %add3A_289 : i32
    %dma_start3A_291 = arith.constant 0 : i32
    %dma_start3A_292 = tpu.memref_slice %arg4[%add3A_290, %dma_start3A_291] : memref<32768x1024xf32, #tpu.memory_space<hbm>> -> memref<16x1024xf32, #tpu.memory_space<hbm>>
    %dma_start3A_293 = arith.constant 0 : i32
    %dma_start3A_294 = tpu.memref_slice %arg4[%add3A_290, %dma_start3A_293] : memref<32768x1024xf32, #tpu.memory_space<hbm>> -> memref<16x1024xf32, #tpu.memory_space<hbm>>
    tpu.enqueue_dma source(%arg6 : memref<16x1024xf32, #tpu.memory_space<vmem>>) target(%dma_start3A_294 : memref<16x1024xf32, #tpu.memory_space<hbm>>) target_semaphore(%arg11 : memref<!tpu.dma_semaphore, #tpu.memory_space<semaphore_mem>>)
    %dma_wait3A_295 = arith.constant 0 : i32
    %dma_wait3A_296 = tpu.memref_slice %arg4[%add3A_270, %dma_wait3A_295] : memref<32768x1024xf32, #tpu.memory_space<hbm>> -> memref<16x1024xf32, #tpu.memory_space<hbm>>
    %dma_wait3A_297 = arith.constant 0 : i32
    %dma_wait3A_298 = tpu.memref_slice %arg4[%add3A_270, %dma_wait3A_297] : memref<32768x1024xf32, #tpu.memory_space<hbm>> -> memref<16x1024xf32, #tpu.memory_space<hbm>>
    tpu.wait_dma2 semaphore(%arg11 : memref<!tpu.dma_semaphore, #tpu.memory_space<semaphore_mem>>) src(%arg9 : memref<16x1024xf32, #tpu.memory_space<vmem>>) dst(%dma_wait3A_298 : memref<16x1024xf32, #tpu.memory_space<hbm>>)
    %dma_start3A_299 = arith.constant 240 : i32
    %dma_start3A_300 = tpu.memref_slice %arg5[%dma_start3A_299] : memref<1024xi32, #tpu.memory_space<vmem>> -> memref<16xi32, #tpu.memory_space<vmem>>
    %dma_start3A_301 = arith.constant 0 : i32
    %dma_start3A_302 = arith.constant 0 : i32
    %dma_start3A_303 = tpu.memref_slice %arg2[%dma_start3A_301, %dma_start3A_302] : memref<8192x1024xf32, #tpu.memory_space<hbm>> -> memref<8192x1024xf32, #tpu.memory_space<hbm>>
    tpu.enqueue_indirect_dma source(%dma_start3A_303 : memref<8192x1024xf32, #tpu.memory_space<hbm>>) target(%arg9 : memref<16x1024xf32, #tpu.memory_space<vmem>>) offsets(%dma_start3A_300 : memref<16xi32, #tpu.memory_space<vmem>>) semaphore(%arg10 : memref<!tpu.dma_semaphore, #tpu.memory_space<semaphore_mem>>)
    %dma_wait3A_304 = arith.constant 208 : i32
    %dma_wait3A_305 = tpu.memref_slice %arg5[%dma_wait3A_304] : memref<1024xi32, #tpu.memory_space<vmem>> -> memref<16xi32, #tpu.memory_space<vmem>>
    %dma_wait3A_306 = arith.constant 0 : i32
    %dma_wait3A_307 = arith.constant 0 : i32
    %dma_wait3A_308 = tpu.memref_slice %arg2[%dma_wait3A_306, %dma_wait3A_307] : memref<8192x1024xf32, #tpu.memory_space<hbm>> -> memref<8192x1024xf32, #tpu.memory_space<hbm>>
    tpu.wait_indirect_dma semaphore(%arg10 : memref<!tpu.dma_semaphore, #tpu.memory_space<semaphore_mem>>) src(%dma_wait3A_308 : memref<8192x1024xf32, #tpu.memory_space<hbm>>) dst(%arg7 : memref<16x1024xf32, #tpu.memory_space<vmem>>)
    %add3A_309 = arith.constant 208 : i32
    %add3A_310 = arith.addi %mul3A_2, %add3A_309 : i32
    %dma_start3A_311 = arith.constant 0 : i32
    %dma_start3A_312 = tpu.memref_slice %arg4[%add3A_310, %dma_start3A_311] : memref<32768x1024xf32, #tpu.memory_space<hbm>> -> memref<16x1024xf32, #tpu.memory_space<hbm>>
    %dma_start3A_313 = arith.constant 0 : i32
    %dma_start3A_314 = tpu.memref_slice %arg4[%add3A_310, %dma_start3A_313] : memref<32768x1024xf32, #tpu.memory_space<hbm>> -> memref<16x1024xf32, #tpu.memory_space<hbm>>
    tpu.enqueue_dma source(%arg7 : memref<16x1024xf32, #tpu.memory_space<vmem>>) target(%dma_start3A_314 : memref<16x1024xf32, #tpu.memory_space<hbm>>) target_semaphore(%arg11 : memref<!tpu.dma_semaphore, #tpu.memory_space<semaphore_mem>>)
    %dma_wait3A_315 = arith.constant 0 : i32
    %dma_wait3A_316 = tpu.memref_slice %arg4[%add3A_290, %dma_wait3A_315] : memref<32768x1024xf32, #tpu.memory_space<hbm>> -> memref<16x1024xf32, #tpu.memory_space<hbm>>
    %dma_wait3A_317 = arith.constant 0 : i32
    %dma_wait3A_318 = tpu.memref_slice %arg4[%add3A_290, %dma_wait3A_317] : memref<32768x1024xf32, #tpu.memory_space<hbm>> -> memref<16x1024xf32, #tpu.memory_space<hbm>>
    tpu.wait_dma2 semaphore(%arg11 : memref<!tpu.dma_semaphore, #tpu.memory_space<semaphore_mem>>) src(%arg6 : memref<16x1024xf32, #tpu.memory_space<vmem>>) dst(%dma_wait3A_318 : memref<16x1024xf32, #tpu.memory_space<hbm>>)
    %dma_start3A_319 = arith.constant 256 : i32
    %dma_start3A_320 = tpu.memref_slice %arg5[%dma_start3A_319] : memref<1024xi32, #tpu.memory_space<vmem>> -> memref<16xi32, #tpu.memory_space<vmem>>
    %dma_start3A_321 = arith.constant 0 : i32
    %dma_start3A_322 = arith.constant 0 : i32
    %dma_start3A_323 = tpu.memref_slice %arg2[%dma_start3A_321, %dma_start3A_322] : memref<8192x1024xf32, #tpu.memory_space<hbm>> -> memref<8192x1024xf32, #tpu.memory_space<hbm>>
    tpu.enqueue_indirect_dma source(%dma_start3A_323 : memref<8192x1024xf32, #tpu.memory_space<hbm>>) target(%arg6 : memref<16x1024xf32, #tpu.memory_space<vmem>>) offsets(%dma_start3A_320 : memref<16xi32, #tpu.memory_space<vmem>>) semaphore(%arg10 : memref<!tpu.dma_semaphore, #tpu.memory_space<semaphore_mem>>)
    %dma_wait3A_324 = arith.constant 224 : i32
    %dma_wait3A_325 = tpu.memref_slice %arg5[%dma_wait3A_324] : memref<1024xi32, #tpu.memory_space<vmem>> -> memref<16xi32, #tpu.memory_space<vmem>>
    %dma_wait3A_326 = arith.constant 0 : i32
    %dma_wait3A_327 = arith.constant 0 : i32
    %dma_wait3A_328 = tpu.memref_slice %arg2[%dma_wait3A_326, %dma_wait3A_327] : memref<8192x1024xf32, #tpu.memory_space<hbm>> -> memref<8192x1024xf32, #tpu.memory_space<hbm>>
    tpu.wait_indirect_dma semaphore(%arg10 : memref<!tpu.dma_semaphore, #tpu.memory_space<semaphore_mem>>) src(%dma_wait3A_328 : memref<8192x1024xf32, #tpu.memory_space<hbm>>) dst(%arg8 : memref<16x1024xf32, #tpu.memory_space<vmem>>)
    %add3A_329 = arith.constant 224 : i32
    %add3A_330 = arith.addi %mul3A_2, %add3A_329 : i32
    %dma_start3A_331 = arith.constant 0 : i32
    %dma_start3A_332 = tpu.memref_slice %arg4[%add3A_330, %dma_start3A_331] : memref<32768x1024xf32, #tpu.memory_space<hbm>> -> memref<16x1024xf32, #tpu.memory_space<hbm>>
    %dma_start3A_333 = arith.constant 0 : i32
    %dma_start3A_334 = tpu.memref_slice %arg4[%add3A_330, %dma_start3A_333] : memref<32768x1024xf32, #tpu.memory_space<hbm>> -> memref<16x1024xf32, #tpu.memory_space<hbm>>
    tpu.enqueue_dma source(%arg8 : memref<16x1024xf32, #tpu.memory_space<vmem>>) target(%dma_start3A_334 : memref<16x1024xf32, #tpu.memory_space<hbm>>) target_semaphore(%arg11 : memref<!tpu.dma_semaphore, #tpu.memory_space<semaphore_mem>>)
    %dma_wait3A_335 = arith.constant 0 : i32
    %dma_wait3A_336 = tpu.memref_slice %arg4[%add3A_310, %dma_wait3A_335] : memref<32768x1024xf32, #tpu.memory_space<hbm>> -> memref<16x1024xf32, #tpu.memory_space<hbm>>
    %dma_wait3A_337 = arith.constant 0 : i32
    %dma_wait3A_338 = tpu.memref_slice %arg4[%add3A_310, %dma_wait3A_337] : memref<32768x1024xf32, #tpu.memory_space<hbm>> -> memref<16x1024xf32, #tpu.memory_space<hbm>>
    tpu.wait_dma2 semaphore(%arg11 : memref<!tpu.dma_semaphore, #tpu.memory_space<semaphore_mem>>) src(%arg7 : memref<16x1024xf32, #tpu.memory_space<vmem>>) dst(%dma_wait3A_338 : memref<16x1024xf32, #tpu.memory_space<hbm>>)
    %dma_start3A_339 = arith.constant 272 : i32
    %dma_start3A_340 = tpu.memref_slice %arg5[%dma_start3A_339] : memref<1024xi32, #tpu.memory_space<vmem>> -> memref<16xi32, #tpu.memory_space<vmem>>
    %dma_start3A_341 = arith.constant 0 : i32
    %dma_start3A_342 = arith.constant 0 : i32
    %dma_start3A_343 = tpu.memref_slice %arg2[%dma_start3A_341, %dma_start3A_342] : memref<8192x1024xf32, #tpu.memory_space<hbm>> -> memref<8192x1024xf32, #tpu.memory_space<hbm>>
    tpu.enqueue_indirect_dma source(%dma_start3A_343 : memref<8192x1024xf32, #tpu.memory_space<hbm>>) target(%arg7 : memref<16x1024xf32, #tpu.memory_space<vmem>>) offsets(%dma_start3A_340 : memref<16xi32, #tpu.memory_space<vmem>>) semaphore(%arg10 : memref<!tpu.dma_semaphore, #tpu.memory_space<semaphore_mem>>)
    %dma_wait3A_344 = arith.constant 240 : i32
    %dma_wait3A_345 = tpu.memref_slice %arg5[%dma_wait3A_344] : memref<1024xi32, #tpu.memory_space<vmem>> -> memref<16xi32, #tpu.memory_space<vmem>>
    %dma_wait3A_346 = arith.constant 0 : i32
    %dma_wait3A_347 = arith.constant 0 : i32
    %dma_wait3A_348 = tpu.memref_slice %arg2[%dma_wait3A_346, %dma_wait3A_347] : memref<8192x1024xf32, #tpu.memory_space<hbm>> -> memref<8192x1024xf32, #tpu.memory_space<hbm>>
    tpu.wait_indirect_dma semaphore(%arg10 : memref<!tpu.dma_semaphore, #tpu.memory_space<semaphore_mem>>) src(%dma_wait3A_348 : memref<8192x1024xf32, #tpu.memory_space<hbm>>) dst(%arg9 : memref<16x1024xf32, #tpu.memory_space<vmem>>)
    %add3A_349 = arith.constant 240 : i32
    %add3A_350 = arith.addi %mul3A_2, %add3A_349 : i32
    %dma_start3A_351 = arith.constant 0 : i32
    %dma_start3A_352 = tpu.memref_slice %arg4[%add3A_350, %dma_start3A_351] : memref<32768x1024xf32, #tpu.memory_space<hbm>> -> memref<16x1024xf32, #tpu.memory_space<hbm>>
    %dma_start3A_353 = arith.constant 0 : i32
    %dma_start3A_354 = tpu.memref_slice %arg4[%add3A_350, %dma_start3A_353] : memref<32768x1024xf32, #tpu.memory_space<hbm>> -> memref<16x1024xf32, #tpu.memory_space<hbm>>
    tpu.enqueue_dma source(%arg9 : memref<16x1024xf32, #tpu.memory_space<vmem>>) target(%dma_start3A_354 : memref<16x1024xf32, #tpu.memory_space<hbm>>) target_semaphore(%arg11 : memref<!tpu.dma_semaphore, #tpu.memory_space<semaphore_mem>>)
    %dma_wait3A_355 = arith.constant 0 : i32
    %dma_wait3A_356 = tpu.memref_slice %arg4[%add3A_330, %dma_wait3A_355] : memref<32768x1024xf32, #tpu.memory_space<hbm>> -> memref<16x1024xf32, #tpu.memory_space<hbm>>
    %dma_wait3A_357 = arith.constant 0 : i32
    %dma_wait3A_358 = tpu.memref_slice %arg4[%add3A_330, %dma_wait3A_357] : memref<32768x1024xf32, #tpu.memory_space<hbm>> -> memref<16x1024xf32, #tpu.memory_space<hbm>>
    tpu.wait_dma2 semaphore(%arg11 : memref<!tpu.dma_semaphore, #tpu.memory_space<semaphore_mem>>) src(%arg8 : memref<16x1024xf32, #tpu.memory_space<vmem>>) dst(%dma_wait3A_358 : memref<16x1024xf32, #tpu.memory_space<hbm>>)
    %dma_start3A_359 = arith.constant 288 : i32
    %dma_start3A_360 = tpu.memref_slice %arg5[%dma_start3A_359] : memref<1024xi32, #tpu.memory_space<vmem>> -> memref<16xi32, #tpu.memory_space<vmem>>
    %dma_start3A_361 = arith.constant 0 : i32
    %dma_start3A_362 = arith.constant 0 : i32
    %dma_start3A_363 = tpu.memref_slice %arg2[%dma_start3A_361, %dma_start3A_362] : memref<8192x1024xf32, #tpu.memory_space<hbm>> -> memref<8192x1024xf32, #tpu.memory_space<hbm>>
    tpu.enqueue_indirect_dma source(%dma_start3A_363 : memref<8192x1024xf32, #tpu.memory_space<hbm>>) target(%arg8 : memref<16x1024xf32, #tpu.memory_space<vmem>>) offsets(%dma_start3A_360 : memref<16xi32, #tpu.memory_space<vmem>>) semaphore(%arg10 : memref<!tpu.dma_semaphore, #tpu.memory_space<semaphore_mem>>)
    %dma_wait3A_364 = arith.constant 256 : i32
    %dma_wait3A_365 = tpu.memref_slice %arg5[%dma_wait3A_364] : memref<1024xi32, #tpu.memory_space<vmem>> -> memref<16xi32, #tpu.memory_space<vmem>>
    %dma_wait3A_366 = arith.constant 0 : i32
    %dma_wait3A_367 = arith.constant 0 : i32
    %dma_wait3A_368 = tpu.memref_slice %arg2[%dma_wait3A_366, %dma_wait3A_367] : memref<8192x1024xf32, #tpu.memory_space<hbm>> -> memref<8192x1024xf32, #tpu.memory_space<hbm>>
    tpu.wait_indirect_dma semaphore(%arg10 : memref<!tpu.dma_semaphore, #tpu.memory_space<semaphore_mem>>) src(%dma_wait3A_368 : memref<8192x1024xf32, #tpu.memory_space<hbm>>) dst(%arg6 : memref<16x1024xf32, #tpu.memory_space<vmem>>)
    %add3A_369 = arith.constant 256 : i32
    %add3A_370 = arith.addi %mul3A_2, %add3A_369 : i32
    %dma_start3A_371 = arith.constant 0 : i32
    %dma_start3A_372 = tpu.memref_slice %arg4[%add3A_370, %dma_start3A_371] : memref<32768x1024xf32, #tpu.memory_space<hbm>> -> memref<16x1024xf32, #tpu.memory_space<hbm>>
    %dma_start3A_373 = arith.constant 0 : i32
    %dma_start3A_374 = tpu.memref_slice %arg4[%add3A_370, %dma_start3A_373] : memref<32768x1024xf32, #tpu.memory_space<hbm>> -> memref<16x1024xf32, #tpu.memory_space<hbm>>
    tpu.enqueue_dma source(%arg6 : memref<16x1024xf32, #tpu.memory_space<vmem>>) target(%dma_start3A_374 : memref<16x1024xf32, #tpu.memory_space<hbm>>) target_semaphore(%arg11 : memref<!tpu.dma_semaphore, #tpu.memory_space<semaphore_mem>>)
    %dma_wait3A_375 = arith.constant 0 : i32
    %dma_wait3A_376 = tpu.memref_slice %arg4[%add3A_350, %dma_wait3A_375] : memref<32768x1024xf32, #tpu.memory_space<hbm>> -> memref<16x1024xf32, #tpu.memory_space<hbm>>
    %dma_wait3A_377 = arith.constant 0 : i32
    %dma_wait3A_378 = tpu.memref_slice %arg4[%add3A_350, %dma_wait3A_377] : memref<32768x1024xf32, #tpu.memory_space<hbm>> -> memref<16x1024xf32, #tpu.memory_space<hbm>>
    tpu.wait_dma2 semaphore(%arg11 : memref<!tpu.dma_semaphore, #tpu.memory_space<semaphore_mem>>) src(%arg9 : memref<16x1024xf32, #tpu.memory_space<vmem>>) dst(%dma_wait3A_378 : memref<16x1024xf32, #tpu.memory_space<hbm>>)
    %dma_start3A_379 = arith.constant 304 : i32
    %dma_start3A_380 = tpu.memref_slice %arg5[%dma_start3A_379] : memref<1024xi32, #tpu.memory_space<vmem>> -> memref<16xi32, #tpu.memory_space<vmem>>
    %dma_start3A_381 = arith.constant 0 : i32
    %dma_start3A_382 = arith.constant 0 : i32
    %dma_start3A_383 = tpu.memref_slice %arg2[%dma_start3A_381, %dma_start3A_382] : memref<8192x1024xf32, #tpu.memory_space<hbm>> -> memref<8192x1024xf32, #tpu.memory_space<hbm>>
    tpu.enqueue_indirect_dma source(%dma_start3A_383 : memref<8192x1024xf32, #tpu.memory_space<hbm>>) target(%arg9 : memref<16x1024xf32, #tpu.memory_space<vmem>>) offsets(%dma_start3A_380 : memref<16xi32, #tpu.memory_space<vmem>>) semaphore(%arg10 : memref<!tpu.dma_semaphore, #tpu.memory_space<semaphore_mem>>)
    %dma_wait3A_384 = arith.constant 272 : i32
    %dma_wait3A_385 = tpu.memref_slice %arg5[%dma_wait3A_384] : memref<1024xi32, #tpu.memory_space<vmem>> -> memref<16xi32, #tpu.memory_space<vmem>>
    %dma_wait3A_386 = arith.constant 0 : i32
    %dma_wait3A_387 = arith.constant 0 : i32
    %dma_wait3A_388 = tpu.memref_slice %arg2[%dma_wait3A_386, %dma_wait3A_387] : memref<8192x1024xf32, #tpu.memory_space<hbm>> -> memref<8192x1024xf32, #tpu.memory_space<hbm>>
    tpu.wait_indirect_dma semaphore(%arg10 : memref<!tpu.dma_semaphore, #tpu.memory_space<semaphore_mem>>) src(%dma_wait3A_388 : memref<8192x1024xf32, #tpu.memory_space<hbm>>) dst(%arg7 : memref<16x1024xf32, #tpu.memory_space<vmem>>)
    %add3A_389 = arith.constant 272 : i32
    %add3A_390 = arith.addi %mul3A_2, %add3A_389 : i32
    %dma_start3A_391 = arith.constant 0 : i32
    %dma_start3A_392 = tpu.memref_slice %arg4[%add3A_390, %dma_start3A_391] : memref<32768x1024xf32, #tpu.memory_space<hbm>> -> memref<16x1024xf32, #tpu.memory_space<hbm>>
    %dma_start3A_393 = arith.constant 0 : i32
    %dma_start3A_394 = tpu.memref_slice %arg4[%add3A_390, %dma_start3A_393] : memref<32768x1024xf32, #tpu.memory_space<hbm>> -> memref<16x1024xf32, #tpu.memory_space<hbm>>
    tpu.enqueue_dma source(%arg7 : memref<16x1024xf32, #tpu.memory_space<vmem>>) target(%dma_start3A_394 : memref<16x1024xf32, #tpu.memory_space<hbm>>) target_semaphore(%arg11 : memref<!tpu.dma_semaphore, #tpu.memory_space<semaphore_mem>>)
    %dma_wait3A_395 = arith.constant 0 : i32
    %dma_wait3A_396 = tpu.memref_slice %arg4[%add3A_370, %dma_wait3A_395] : memref<32768x1024xf32, #tpu.memory_space<hbm>> -> memref<16x1024xf32, #tpu.memory_space<hbm>>
    %dma_wait3A_397 = arith.constant 0 : i32
    %dma_wait3A_398 = tpu.memref_slice %arg4[%add3A_370, %dma_wait3A_397] : memref<32768x1024xf32, #tpu.memory_space<hbm>> -> memref<16x1024xf32, #tpu.memory_space<hbm>>
    tpu.wait_dma2 semaphore(%arg11 : memref<!tpu.dma_semaphore, #tpu.memory_space<semaphore_mem>>) src(%arg6 : memref<16x1024xf32, #tpu.memory_space<vmem>>) dst(%dma_wait3A_398 : memref<16x1024xf32, #tpu.memory_space<hbm>>)
    %dma_start3A_399 = arith.constant 320 : i32
    %dma_start3A_400 = tpu.memref_slice %arg5[%dma_start3A_399] : memref<1024xi32, #tpu.memory_space<vmem>> -> memref<16xi32, #tpu.memory_space<vmem>>
    %dma_start3A_401 = arith.constant 0 : i32
    %dma_start3A_402 = arith.constant 0 : i32
    %dma_start3A_403 = tpu.memref_slice %arg2[%dma_start3A_401, %dma_start3A_402] : memref<8192x1024xf32, #tpu.memory_space<hbm>> -> memref<8192x1024xf32, #tpu.memory_space<hbm>>
    tpu.enqueue_indirect_dma source(%dma_start3A_403 : memref<8192x1024xf32, #tpu.memory_space<hbm>>) target(%arg6 : memref<16x1024xf32, #tpu.memory_space<vmem>>) offsets(%dma_start3A_400 : memref<16xi32, #tpu.memory_space<vmem>>) semaphore(%arg10 : memref<!tpu.dma_semaphore, #tpu.memory_space<semaphore_mem>>)
    %dma_wait3A_404 = arith.constant 288 : i32
    %dma_wait3A_405 = tpu.memref_slice %arg5[%dma_wait3A_404] : memref<1024xi32, #tpu.memory_space<vmem>> -> memref<16xi32, #tpu.memory_space<vmem>>
    %dma_wait3A_406 = arith.constant 0 : i32
    %dma_wait3A_407 = arith.constant 0 : i32
    %dma_wait3A_408 = tpu.memref_slice %arg2[%dma_wait3A_406, %dma_wait3A_407] : memref<8192x1024xf32, #tpu.memory_space<hbm>> -> memref<8192x1024xf32, #tpu.memory_space<hbm>>
    tpu.wait_indirect_dma semaphore(%arg10 : memref<!tpu.dma_semaphore, #tpu.memory_space<semaphore_mem>>) src(%dma_wait3A_408 : memref<8192x1024xf32, #tpu.memory_space<hbm>>) dst(%arg8 : memref<16x1024xf32, #tpu.memory_space<vmem>>)
    %add3A_409 = arith.constant 288 : i32
    %add3A_410 = arith.addi %mul3A_2, %add3A_409 : i32
    %dma_start3A_411 = arith.constant 0 : i32
    %dma_start3A_412 = tpu.memref_slice %arg4[%add3A_410, %dma_start3A_411] : memref<32768x1024xf32, #tpu.memory_space<hbm>> -> memref<16x1024xf32, #tpu.memory_space<hbm>>
    %dma_start3A_413 = arith.constant 0 : i32
    %dma_start3A_414 = tpu.memref_slice %arg4[%add3A_410, %dma_start3A_413] : memref<32768x1024xf32, #tpu.memory_space<hbm>> -> memref<16x1024xf32, #tpu.memory_space<hbm>>
    tpu.enqueue_dma source(%arg8 : memref<16x1024xf32, #tpu.memory_space<vmem>>) target(%dma_start3A_414 : memref<16x1024xf32, #tpu.memory_space<hbm>>) target_semaphore(%arg11 : memref<!tpu.dma_semaphore, #tpu.memory_space<semaphore_mem>>)
    %dma_wait3A_415 = arith.constant 0 : i32
    %dma_wait3A_416 = tpu.memref_slice %arg4[%add3A_390, %dma_wait3A_415] : memref<32768x1024xf32, #tpu.memory_space<hbm>> -> memref<16x1024xf32, #tpu.memory_space<hbm>>
    %dma_wait3A_417 = arith.constant 0 : i32
    %dma_wait3A_418 = tpu.memref_slice %arg4[%add3A_390, %dma_wait3A_417] : memref<32768x1024xf32, #tpu.memory_space<hbm>> -> memref<16x1024xf32, #tpu.memory_space<hbm>>
    tpu.wait_dma2 semaphore(%arg11 : memref<!tpu.dma_semaphore, #tpu.memory_space<semaphore_mem>>) src(%arg7 : memref<16x1024xf32, #tpu.memory_space<vmem>>) dst(%dma_wait3A_418 : memref<16x1024xf32, #tpu.memory_space<hbm>>)
    %dma_start3A_419 = arith.constant 336 : i32
    %dma_start3A_420 = tpu.memref_slice %arg5[%dma_start3A_419] : memref<1024xi32, #tpu.memory_space<vmem>> -> memref<16xi32, #tpu.memory_space<vmem>>
    %dma_start3A_421 = arith.constant 0 : i32
    %dma_start3A_422 = arith.constant 0 : i32
    %dma_start3A_423 = tpu.memref_slice %arg2[%dma_start3A_421, %dma_start3A_422] : memref<8192x1024xf32, #tpu.memory_space<hbm>> -> memref<8192x1024xf32, #tpu.memory_space<hbm>>
    tpu.enqueue_indirect_dma source(%dma_start3A_423 : memref<8192x1024xf32, #tpu.memory_space<hbm>>) target(%arg7 : memref<16x1024xf32, #tpu.memory_space<vmem>>) offsets(%dma_start3A_420 : memref<16xi32, #tpu.memory_space<vmem>>) semaphore(%arg10 : memref<!tpu.dma_semaphore, #tpu.memory_space<semaphore_mem>>)
    %dma_wait3A_424 = arith.constant 304 : i32
    %dma_wait3A_425 = tpu.memref_slice %arg5[%dma_wait3A_424] : memref<1024xi32, #tpu.memory_space<vmem>> -> memref<16xi32, #tpu.memory_space<vmem>>
    %dma_wait3A_426 = arith.constant 0 : i32
    %dma_wait3A_427 = arith.constant 0 : i32
    %dma_wait3A_428 = tpu.memref_slice %arg2[%dma_wait3A_426, %dma_wait3A_427] : memref<8192x1024xf32, #tpu.memory_space<hbm>> -> memref<8192x1024xf32, #tpu.memory_space<hbm>>
    tpu.wait_indirect_dma semaphore(%arg10 : memref<!tpu.dma_semaphore, #tpu.memory_space<semaphore_mem>>) src(%dma_wait3A_428 : memref<8192x1024xf32, #tpu.memory_space<hbm>>) dst(%arg9 : memref<16x1024xf32, #tpu.memory_space<vmem>>)
    %add3A_429 = arith.constant 304 : i32
    %add3A_430 = arith.addi %mul3A_2, %add3A_429 : i32
    %dma_start3A_431 = arith.constant 0 : i32
    %dma_start3A_432 = tpu.memref_slice %arg4[%add3A_430, %dma_start3A_431] : memref<32768x1024xf32, #tpu.memory_space<hbm>> -> memref<16x1024xf32, #tpu.memory_space<hbm>>
    %dma_start3A_433 = arith.constant 0 : i32
    %dma_start3A_434 = tpu.memref_slice %arg4[%add3A_430, %dma_start3A_433] : memref<32768x1024xf32, #tpu.memory_space<hbm>> -> memref<16x1024xf32, #tpu.memory_space<hbm>>
    tpu.enqueue_dma source(%arg9 : memref<16x1024xf32, #tpu.memory_space<vmem>>) target(%dma_start3A_434 : memref<16x1024xf32, #tpu.memory_space<hbm>>) target_semaphore(%arg11 : memref<!tpu.dma_semaphore, #tpu.memory_space<semaphore_mem>>)
    %dma_wait3A_435 = arith.constant 0 : i32
    %dma_wait3A_436 = tpu.memref_slice %arg4[%add3A_410, %dma_wait3A_435] : memref<32768x1024xf32, #tpu.memory_space<hbm>> -> memref<16x1024xf32, #tpu.memory_space<hbm>>
    %dma_wait3A_437 = arith.constant 0 : i32
    %dma_wait3A_438 = tpu.memref_slice %arg4[%add3A_410, %dma_wait3A_437] : memref<32768x1024xf32, #tpu.memory_space<hbm>> -> memref<16x1024xf32, #tpu.memory_space<hbm>>
    tpu.wait_dma2 semaphore(%arg11 : memref<!tpu.dma_semaphore, #tpu.memory_space<semaphore_mem>>) src(%arg8 : memref<16x1024xf32, #tpu.memory_space<vmem>>) dst(%dma_wait3A_438 : memref<16x1024xf32, #tpu.memory_space<hbm>>)
    %dma_start3A_439 = arith.constant 352 : i32
    %dma_start3A_440 = tpu.memref_slice %arg5[%dma_start3A_439] : memref<1024xi32, #tpu.memory_space<vmem>> -> memref<16xi32, #tpu.memory_space<vmem>>
    %dma_start3A_441 = arith.constant 0 : i32
    %dma_start3A_442 = arith.constant 0 : i32
    %dma_start3A_443 = tpu.memref_slice %arg2[%dma_start3A_441, %dma_start3A_442] : memref<8192x1024xf32, #tpu.memory_space<hbm>> -> memref<8192x1024xf32, #tpu.memory_space<hbm>>
    tpu.enqueue_indirect_dma source(%dma_start3A_443 : memref<8192x1024xf32, #tpu.memory_space<hbm>>) target(%arg8 : memref<16x1024xf32, #tpu.memory_space<vmem>>) offsets(%dma_start3A_440 : memref<16xi32, #tpu.memory_space<vmem>>) semaphore(%arg10 : memref<!tpu.dma_semaphore, #tpu.memory_space<semaphore_mem>>)
    %dma_wait3A_444 = arith.constant 320 : i32
    %dma_wait3A_445 = tpu.memref_slice %arg5[%dma_wait3A_444] : memref<1024xi32, #tpu.memory_space<vmem>> -> memref<16xi32, #tpu.memory_space<vmem>>
    %dma_wait3A_446 = arith.constant 0 : i32
    %dma_wait3A_447 = arith.constant 0 : i32
    %dma_wait3A_448 = tpu.memref_slice %arg2[%dma_wait3A_446, %dma_wait3A_447] : memref<8192x1024xf32, #tpu.memory_space<hbm>> -> memref<8192x1024xf32, #tpu.memory_space<hbm>>
    tpu.wait_indirect_dma semaphore(%arg10 : memref<!tpu.dma_semaphore, #tpu.memory_space<semaphore_mem>>) src(%dma_wait3A_448 : memref<8192x1024xf32, #tpu.memory_space<hbm>>) dst(%arg6 : memref<16x1024xf32, #tpu.memory_space<vmem>>)
    %add3A_449 = arith.constant 320 : i32
    %add3A_450 = arith.addi %mul3A_2, %add3A_449 : i32
    %dma_start3A_451 = arith.constant 0 : i32
    %dma_start3A_452 = tpu.memref_slice %arg4[%add3A_450, %dma_start3A_451] : memref<32768x1024xf32, #tpu.memory_space<hbm>> -> memref<16x1024xf32, #tpu.memory_space<hbm>>
    %dma_start3A_453 = arith.constant 0 : i32
    %dma_start3A_454 = tpu.memref_slice %arg4[%add3A_450, %dma_start3A_453] : memref<32768x1024xf32, #tpu.memory_space<hbm>> -> memref<16x1024xf32, #tpu.memory_space<hbm>>
    tpu.enqueue_dma source(%arg6 : memref<16x1024xf32, #tpu.memory_space<vmem>>) target(%dma_start3A_454 : memref<16x1024xf32, #tpu.memory_space<hbm>>) target_semaphore(%arg11 : memref<!tpu.dma_semaphore, #tpu.memory_space<semaphore_mem>>)
    %dma_wait3A_455 = arith.constant 0 : i32
    %dma_wait3A_456 = tpu.memref_slice %arg4[%add3A_430, %dma_wait3A_455] : memref<32768x1024xf32, #tpu.memory_space<hbm>> -> memref<16x1024xf32, #tpu.memory_space<hbm>>
    %dma_wait3A_457 = arith.constant 0 : i32
    %dma_wait3A_458 = tpu.memref_slice %arg4[%add3A_430, %dma_wait3A_457] : memref<32768x1024xf32, #tpu.memory_space<hbm>> -> memref<16x1024xf32, #tpu.memory_space<hbm>>
    tpu.wait_dma2 semaphore(%arg11 : memref<!tpu.dma_semaphore, #tpu.memory_space<semaphore_mem>>) src(%arg9 : memref<16x1024xf32, #tpu.memory_space<vmem>>) dst(%dma_wait3A_458 : memref<16x1024xf32, #tpu.memory_space<hbm>>)
    %dma_start3A_459 = arith.constant 368 : i32
    %dma_start3A_460 = tpu.memref_slice %arg5[%dma_start3A_459] : memref<1024xi32, #tpu.memory_space<vmem>> -> memref<16xi32, #tpu.memory_space<vmem>>
    %dma_start3A_461 = arith.constant 0 : i32
    %dma_start3A_462 = arith.constant 0 : i32
    %dma_start3A_463 = tpu.memref_slice %arg2[%dma_start3A_461, %dma_start3A_462] : memref<8192x1024xf32, #tpu.memory_space<hbm>> -> memref<8192x1024xf32, #tpu.memory_space<hbm>>
    tpu.enqueue_indirect_dma source(%dma_start3A_463 : memref<8192x1024xf32, #tpu.memory_space<hbm>>) target(%arg9 : memref<16x1024xf32, #tpu.memory_space<vmem>>) offsets(%dma_start3A_460 : memref<16xi32, #tpu.memory_space<vmem>>) semaphore(%arg10 : memref<!tpu.dma_semaphore, #tpu.memory_space<semaphore_mem>>)
    %dma_wait3A_464 = arith.constant 336 : i32
    %dma_wait3A_465 = tpu.memref_slice %arg5[%dma_wait3A_464] : memref<1024xi32, #tpu.memory_space<vmem>> -> memref<16xi32, #tpu.memory_space<vmem>>
    %dma_wait3A_466 = arith.constant 0 : i32
    %dma_wait3A_467 = arith.constant 0 : i32
    %dma_wait3A_468 = tpu.memref_slice %arg2[%dma_wait3A_466, %dma_wait3A_467] : memref<8192x1024xf32, #tpu.memory_space<hbm>> -> memref<8192x1024xf32, #tpu.memory_space<hbm>>
    tpu.wait_indirect_dma semaphore(%arg10 : memref<!tpu.dma_semaphore, #tpu.memory_space<semaphore_mem>>) src(%dma_wait3A_468 : memref<8192x1024xf32, #tpu.memory_space<hbm>>) dst(%arg7 : memref<16x1024xf32, #tpu.memory_space<vmem>>)
    %add3A_469 = arith.constant 336 : i32
    %add3A_470 = arith.addi %mul3A_2, %add3A_469 : i32
    %dma_start3A_471 = arith.constant 0 : i32
    %dma_start3A_472 = tpu.memref_slice %arg4[%add3A_470, %dma_start3A_471] : memref<32768x1024xf32, #tpu.memory_space<hbm>> -> memref<16x1024xf32, #tpu.memory_space<hbm>>
    %dma_start3A_473 = arith.constant 0 : i32
    %dma_start3A_474 = tpu.memref_slice %arg4[%add3A_470, %dma_start3A_473] : memref<32768x1024xf32, #tpu.memory_space<hbm>> -> memref<16x1024xf32, #tpu.memory_space<hbm>>
    tpu.enqueue_dma source(%arg7 : memref<16x1024xf32, #tpu.memory_space<vmem>>) target(%dma_start3A_474 : memref<16x1024xf32, #tpu.memory_space<hbm>>) target_semaphore(%arg11 : memref<!tpu.dma_semaphore, #tpu.memory_space<semaphore_mem>>)
    %dma_wait3A_475 = arith.constant 0 : i32
    %dma_wait3A_476 = tpu.memref_slice %arg4[%add3A_450, %dma_wait3A_475] : memref<32768x1024xf32, #tpu.memory_space<hbm>> -> memref<16x1024xf32, #tpu.memory_space<hbm>>
    %dma_wait3A_477 = arith.constant 0 : i32
    %dma_wait3A_478 = tpu.memref_slice %arg4[%add3A_450, %dma_wait3A_477] : memref<32768x1024xf32, #tpu.memory_space<hbm>> -> memref<16x1024xf32, #tpu.memory_space<hbm>>
    tpu.wait_dma2 semaphore(%arg11 : memref<!tpu.dma_semaphore, #tpu.memory_space<semaphore_mem>>) src(%arg6 : memref<16x1024xf32, #tpu.memory_space<vmem>>) dst(%dma_wait3A_478 : memref<16x1024xf32, #tpu.memory_space<hbm>>)
    %dma_start3A_479 = arith.constant 384 : i32
    %dma_start3A_480 = tpu.memref_slice %arg5[%dma_start3A_479] : memref<1024xi32, #tpu.memory_space<vmem>> -> memref<16xi32, #tpu.memory_space<vmem>>
    %dma_start3A_481 = arith.constant 0 : i32
    %dma_start3A_482 = arith.constant 0 : i32
    %dma_start3A_483 = tpu.memref_slice %arg2[%dma_start3A_481, %dma_start3A_482] : memref<8192x1024xf32, #tpu.memory_space<hbm>> -> memref<8192x1024xf32, #tpu.memory_space<hbm>>
    tpu.enqueue_indirect_dma source(%dma_start3A_483 : memref<8192x1024xf32, #tpu.memory_space<hbm>>) target(%arg6 : memref<16x1024xf32, #tpu.memory_space<vmem>>) offsets(%dma_start3A_480 : memref<16xi32, #tpu.memory_space<vmem>>) semaphore(%arg10 : memref<!tpu.dma_semaphore, #tpu.memory_space<semaphore_mem>>)
    %dma_wait3A_484 = arith.constant 352 : i32
    %dma_wait3A_485 = tpu.memref_slice %arg5[%dma_wait3A_484] : memref<1024xi32, #tpu.memory_space<vmem>> -> memref<16xi32, #tpu.memory_space<vmem>>
    %dma_wait3A_486 = arith.constant 0 : i32
    %dma_wait3A_487 = arith.constant 0 : i32
    %dma_wait3A_488 = tpu.memref_slice %arg2[%dma_wait3A_486, %dma_wait3A_487] : memref<8192x1024xf32, #tpu.memory_space<hbm>> -> memref<8192x1024xf32, #tpu.memory_space<hbm>>
    tpu.wait_indirect_dma semaphore(%arg10 : memref<!tpu.dma_semaphore, #tpu.memory_space<semaphore_mem>>) src(%dma_wait3A_488 : memref<8192x1024xf32, #tpu.memory_space<hbm>>) dst(%arg8 : memref<16x1024xf32, #tpu.memory_space<vmem>>)
    %add3A_489 = arith.constant 352 : i32
    %add3A_490 = arith.addi %mul3A_2, %add3A_489 : i32
    %dma_start3A_491 = arith.constant 0 : i32
    %dma_start3A_492 = tpu.memref_slice %arg4[%add3A_490, %dma_start3A_491] : memref<32768x1024xf32, #tpu.memory_space<hbm>> -> memref<16x1024xf32, #tpu.memory_space<hbm>>
    %dma_start3A_493 = arith.constant 0 : i32
    %dma_start3A_494 = tpu.memref_slice %arg4[%add3A_490, %dma_start3A_493] : memref<32768x1024xf32, #tpu.memory_space<hbm>> -> memref<16x1024xf32, #tpu.memory_space<hbm>>
    tpu.enqueue_dma source(%arg8 : memref<16x1024xf32, #tpu.memory_space<vmem>>) target(%dma_start3A_494 : memref<16x1024xf32, #tpu.memory_space<hbm>>) target_semaphore(%arg11 : memref<!tpu.dma_semaphore, #tpu.memory_space<semaphore_mem>>)
    %dma_wait3A_495 = arith.constant 0 : i32
    %dma_wait3A_496 = tpu.memref_slice %arg4[%add3A_470, %dma_wait3A_495] : memref<32768x1024xf32, #tpu.memory_space<hbm>> -> memref<16x1024xf32, #tpu.memory_space<hbm>>
    %dma_wait3A_497 = arith.constant 0 : i32
    %dma_wait3A_498 = tpu.memref_slice %arg4[%add3A_470, %dma_wait3A_497] : memref<32768x1024xf32, #tpu.memory_space<hbm>> -> memref<16x1024xf32, #tpu.memory_space<hbm>>
    tpu.wait_dma2 semaphore(%arg11 : memref<!tpu.dma_semaphore, #tpu.memory_space<semaphore_mem>>) src(%arg7 : memref<16x1024xf32, #tpu.memory_space<vmem>>) dst(%dma_wait3A_498 : memref<16x1024xf32, #tpu.memory_space<hbm>>)
    %dma_start3A_499 = arith.constant 400 : i32
    %dma_start3A_500 = tpu.memref_slice %arg5[%dma_start3A_499] : memref<1024xi32, #tpu.memory_space<vmem>> -> memref<16xi32, #tpu.memory_space<vmem>>
    %dma_start3A_501 = arith.constant 0 : i32
    %dma_start3A_502 = arith.constant 0 : i32
    %dma_start3A_503 = tpu.memref_slice %arg2[%dma_start3A_501, %dma_start3A_502] : memref<8192x1024xf32, #tpu.memory_space<hbm>> -> memref<8192x1024xf32, #tpu.memory_space<hbm>>
    tpu.enqueue_indirect_dma source(%dma_start3A_503 : memref<8192x1024xf32, #tpu.memory_space<hbm>>) target(%arg7 : memref<16x1024xf32, #tpu.memory_space<vmem>>) offsets(%dma_start3A_500 : memref<16xi32, #tpu.memory_space<vmem>>) semaphore(%arg10 : memref<!tpu.dma_semaphore, #tpu.memory_space<semaphore_mem>>)
    %dma_wait3A_504 = arith.constant 368 : i32
    %dma_wait3A_505 = tpu.memref_slice %arg5[%dma_wait3A_504] : memref<1024xi32, #tpu.memory_space<vmem>> -> memref<16xi32, #tpu.memory_space<vmem>>
    %dma_wait3A_506 = arith.constant 0 : i32
    %dma_wait3A_507 = arith.constant 0 : i32
    %dma_wait3A_508 = tpu.memref_slice %arg2[%dma_wait3A_506, %dma_wait3A_507] : memref<8192x1024xf32, #tpu.memory_space<hbm>> -> memref<8192x1024xf32, #tpu.memory_space<hbm>>
    tpu.wait_indirect_dma semaphore(%arg10 : memref<!tpu.dma_semaphore, #tpu.memory_space<semaphore_mem>>) src(%dma_wait3A_508 : memref<8192x1024xf32, #tpu.memory_space<hbm>>) dst(%arg9 : memref<16x1024xf32, #tpu.memory_space<vmem>>)
    %add3A_509 = arith.constant 368 : i32
    %add3A_510 = arith.addi %mul3A_2, %add3A_509 : i32
    %dma_start3A_511 = arith.constant 0 : i32
    %dma_start3A_512 = tpu.memref_slice %arg4[%add3A_510, %dma_start3A_511] : memref<32768x1024xf32, #tpu.memory_space<hbm>> -> memref<16x1024xf32, #tpu.memory_space<hbm>>
    %dma_start3A_513 = arith.constant 0 : i32
    %dma_start3A_514 = tpu.memref_slice %arg4[%add3A_510, %dma_start3A_513] : memref<32768x1024xf32, #tpu.memory_space<hbm>> -> memref<16x1024xf32, #tpu.memory_space<hbm>>
    tpu.enqueue_dma source(%arg9 : memref<16x1024xf32, #tpu.memory_space<vmem>>) target(%dma_start3A_514 : memref<16x1024xf32, #tpu.memory_space<hbm>>) target_semaphore(%arg11 : memref<!tpu.dma_semaphore, #tpu.memory_space<semaphore_mem>>)
    %dma_wait3A_515 = arith.constant 0 : i32
    %dma_wait3A_516 = tpu.memref_slice %arg4[%add3A_490, %dma_wait3A_515] : memref<32768x1024xf32, #tpu.memory_space<hbm>> -> memref<16x1024xf32, #tpu.memory_space<hbm>>
    %dma_wait3A_517 = arith.constant 0 : i32
    %dma_wait3A_518 = tpu.memref_slice %arg4[%add3A_490, %dma_wait3A_517] : memref<32768x1024xf32, #tpu.memory_space<hbm>> -> memref<16x1024xf32, #tpu.memory_space<hbm>>
    tpu.wait_dma2 semaphore(%arg11 : memref<!tpu.dma_semaphore, #tpu.memory_space<semaphore_mem>>) src(%arg8 : memref<16x1024xf32, #tpu.memory_space<vmem>>) dst(%dma_wait3A_518 : memref<16x1024xf32, #tpu.memory_space<hbm>>)
    %dma_start3A_519 = arith.constant 416 : i32
    %dma_start3A_520 = tpu.memref_slice %arg5[%dma_start3A_519] : memref<1024xi32, #tpu.memory_space<vmem>> -> memref<16xi32, #tpu.memory_space<vmem>>
    %dma_start3A_521 = arith.constant 0 : i32
    %dma_start3A_522 = arith.constant 0 : i32
    %dma_start3A_523 = tpu.memref_slice %arg2[%dma_start3A_521, %dma_start3A_522] : memref<8192x1024xf32, #tpu.memory_space<hbm>> -> memref<8192x1024xf32, #tpu.memory_space<hbm>>
    tpu.enqueue_indirect_dma source(%dma_start3A_523 : memref<8192x1024xf32, #tpu.memory_space<hbm>>) target(%arg8 : memref<16x1024xf32, #tpu.memory_space<vmem>>) offsets(%dma_start3A_520 : memref<16xi32, #tpu.memory_space<vmem>>) semaphore(%arg10 : memref<!tpu.dma_semaphore, #tpu.memory_space<semaphore_mem>>)
    %dma_wait3A_524 = arith.constant 384 : i32
    %dma_wait3A_525 = tpu.memref_slice %arg5[%dma_wait3A_524] : memref<1024xi32, #tpu.memory_space<vmem>> -> memref<16xi32, #tpu.memory_space<vmem>>
    %dma_wait3A_526 = arith.constant 0 : i32
    %dma_wait3A_527 = arith.constant 0 : i32
    %dma_wait3A_528 = tpu.memref_slice %arg2[%dma_wait3A_526, %dma_wait3A_527] : memref<8192x1024xf32, #tpu.memory_space<hbm>> -> memref<8192x1024xf32, #tpu.memory_space<hbm>>
    tpu.wait_indirect_dma semaphore(%arg10 : memref<!tpu.dma_semaphore, #tpu.memory_space<semaphore_mem>>) src(%dma_wait3A_528 : memref<8192x1024xf32, #tpu.memory_space<hbm>>) dst(%arg6 : memref<16x1024xf32, #tpu.memory_space<vmem>>)
    %add3A_529 = arith.constant 384 : i32
    %add3A_530 = arith.addi %mul3A_2, %add3A_529 : i32
    %dma_start3A_531 = arith.constant 0 : i32
    %dma_start3A_532 = tpu.memref_slice %arg4[%add3A_530, %dma_start3A_531] : memref<32768x1024xf32, #tpu.memory_space<hbm>> -> memref<16x1024xf32, #tpu.memory_space<hbm>>
    %dma_start3A_533 = arith.constant 0 : i32
    %dma_start3A_534 = tpu.memref_slice %arg4[%add3A_530, %dma_start3A_533] : memref<32768x1024xf32, #tpu.memory_space<hbm>> -> memref<16x1024xf32, #tpu.memory_space<hbm>>
    tpu.enqueue_dma source(%arg6 : memref<16x1024xf32, #tpu.memory_space<vmem>>) target(%dma_start3A_534 : memref<16x1024xf32, #tpu.memory_space<hbm>>) target_semaphore(%arg11 : memref<!tpu.dma_semaphore, #tpu.memory_space<semaphore_mem>>)
    %dma_wait3A_535 = arith.constant 0 : i32
    %dma_wait3A_536 = tpu.memref_slice %arg4[%add3A_510, %dma_wait3A_535] : memref<32768x1024xf32, #tpu.memory_space<hbm>> -> memref<16x1024xf32, #tpu.memory_space<hbm>>
    %dma_wait3A_537 = arith.constant 0 : i32
    %dma_wait3A_538 = tpu.memref_slice %arg4[%add3A_510, %dma_wait3A_537] : memref<32768x1024xf32, #tpu.memory_space<hbm>> -> memref<16x1024xf32, #tpu.memory_space<hbm>>
    tpu.wait_dma2 semaphore(%arg11 : memref<!tpu.dma_semaphore, #tpu.memory_space<semaphore_mem>>) src(%arg9 : memref<16x1024xf32, #tpu.memory_space<vmem>>) dst(%dma_wait3A_538 : memref<16x1024xf32, #tpu.memory_space<hbm>>)
    %dma_start3A_539 = arith.constant 432 : i32
    %dma_start3A_540 = tpu.memref_slice %arg5[%dma_start3A_539] : memref<1024xi32, #tpu.memory_space<vmem>> -> memref<16xi32, #tpu.memory_space<vmem>>
    %dma_start3A_541 = arith.constant 0 : i32
    %dma_start3A_542 = arith.constant 0 : i32
    %dma_start3A_543 = tpu.memref_slice %arg2[%dma_start3A_541, %dma_start3A_542] : memref<8192x1024xf32, #tpu.memory_space<hbm>> -> memref<8192x1024xf32, #tpu.memory_space<hbm>>
    tpu.enqueue_indirect_dma source(%dma_start3A_543 : memref<8192x1024xf32, #tpu.memory_space<hbm>>) target(%arg9 : memref<16x1024xf32, #tpu.memory_space<vmem>>) offsets(%dma_start3A_540 : memref<16xi32, #tpu.memory_space<vmem>>) semaphore(%arg10 : memref<!tpu.dma_semaphore, #tpu.memory_space<semaphore_mem>>)
    %dma_wait3A_544 = arith.constant 400 : i32
    %dma_wait3A_545 = tpu.memref_slice %arg5[%dma_wait3A_544] : memref<1024xi32, #tpu.memory_space<vmem>> -> memref<16xi32, #tpu.memory_space<vmem>>
    %dma_wait3A_546 = arith.constant 0 : i32
    %dma_wait3A_547 = arith.constant 0 : i32
    %dma_wait3A_548 = tpu.memref_slice %arg2[%dma_wait3A_546, %dma_wait3A_547] : memref<8192x1024xf32, #tpu.memory_space<hbm>> -> memref<8192x1024xf32, #tpu.memory_space<hbm>>
    tpu.wait_indirect_dma semaphore(%arg10 : memref<!tpu.dma_semaphore, #tpu.memory_space<semaphore_mem>>) src(%dma_wait3A_548 : memref<8192x1024xf32, #tpu.memory_space<hbm>>) dst(%arg7 : memref<16x1024xf32, #tpu.memory_space<vmem>>)
    %add3A_549 = arith.constant 400 : i32
    %add3A_550 = arith.addi %mul3A_2, %add3A_549 : i32
    %dma_start3A_551 = arith.constant 0 : i32
    %dma_start3A_552 = tpu.memref_slice %arg4[%add3A_550, %dma_start3A_551] : memref<32768x1024xf32, #tpu.memory_space<hbm>> -> memref<16x1024xf32, #tpu.memory_space<hbm>>
    %dma_start3A_553 = arith.constant 0 : i32
    %dma_start3A_554 = tpu.memref_slice %arg4[%add3A_550, %dma_start3A_553] : memref<32768x1024xf32, #tpu.memory_space<hbm>> -> memref<16x1024xf32, #tpu.memory_space<hbm>>
    tpu.enqueue_dma source(%arg7 : memref<16x1024xf32, #tpu.memory_space<vmem>>) target(%dma_start3A_554 : memref<16x1024xf32, #tpu.memory_space<hbm>>) target_semaphore(%arg11 : memref<!tpu.dma_semaphore, #tpu.memory_space<semaphore_mem>>)
    %dma_wait3A_555 = arith.constant 0 : i32
    %dma_wait3A_556 = tpu.memref_slice %arg4[%add3A_530, %dma_wait3A_555] : memref<32768x1024xf32, #tpu.memory_space<hbm>> -> memref<16x1024xf32, #tpu.memory_space<hbm>>
    %dma_wait3A_557 = arith.constant 0 : i32
    %dma_wait3A_558 = tpu.memref_slice %arg4[%add3A_530, %dma_wait3A_557] : memref<32768x1024xf32, #tpu.memory_space<hbm>> -> memref<16x1024xf32, #tpu.memory_space<hbm>>
    tpu.wait_dma2 semaphore(%arg11 : memref<!tpu.dma_semaphore, #tpu.memory_space<semaphore_mem>>) src(%arg6 : memref<16x1024xf32, #tpu.memory_space<vmem>>) dst(%dma_wait3A_558 : memref<16x1024xf32, #tpu.memory_space<hbm>>)
    %dma_start3A_559 = arith.constant 448 : i32
    %dma_start3A_560 = tpu.memref_slice %arg5[%dma_start3A_559] : memref<1024xi32, #tpu.memory_space<vmem>> -> memref<16xi32, #tpu.memory_space<vmem>>
    %dma_start3A_561 = arith.constant 0 : i32
    %dma_start3A_562 = arith.constant 0 : i32
    %dma_start3A_563 = tpu.memref_slice %arg2[%dma_start3A_561, %dma_start3A_562] : memref<8192x1024xf32, #tpu.memory_space<hbm>> -> memref<8192x1024xf32, #tpu.memory_space<hbm>>
    tpu.enqueue_indirect_dma source(%dma_start3A_563 : memref<8192x1024xf32, #tpu.memory_space<hbm>>) target(%arg6 : memref<16x1024xf32, #tpu.memory_space<vmem>>) offsets(%dma_start3A_560 : memref<16xi32, #tpu.memory_space<vmem>>) semaphore(%arg10 : memref<!tpu.dma_semaphore, #tpu.memory_space<semaphore_mem>>)
    %dma_wait3A_564 = arith.constant 416 : i32
    %dma_wait3A_565 = tpu.memref_slice %arg5[%dma_wait3A_564] : memref<1024xi32, #tpu.memory_space<vmem>> -> memref<16xi32, #tpu.memory_space<vmem>>
    %dma_wait3A_566 = arith.constant 0 : i32
    %dma_wait3A_567 = arith.constant 0 : i32
    %dma_wait3A_568 = tpu.memref_slice %arg2[%dma_wait3A_566, %dma_wait3A_567] : memref<8192x1024xf32, #tpu.memory_space<hbm>> -> memref<8192x1024xf32, #tpu.memory_space<hbm>>
    tpu.wait_indirect_dma semaphore(%arg10 : memref<!tpu.dma_semaphore, #tpu.memory_space<semaphore_mem>>) src(%dma_wait3A_568 : memref<8192x1024xf32, #tpu.memory_space<hbm>>) dst(%arg8 : memref<16x1024xf32, #tpu.memory_space<vmem>>)
    %add3A_569 = arith.constant 416 : i32
    %add3A_570 = arith.addi %mul3A_2, %add3A_569 : i32
    %dma_start3A_571 = arith.constant 0 : i32
    %dma_start3A_572 = tpu.memref_slice %arg4[%add3A_570, %dma_start3A_571] : memref<32768x1024xf32, #tpu.memory_space<hbm>> -> memref<16x1024xf32, #tpu.memory_space<hbm>>
    %dma_start3A_573 = arith.constant 0 : i32
    %dma_start3A_574 = tpu.memref_slice %arg4[%add3A_570, %dma_start3A_573] : memref<32768x1024xf32, #tpu.memory_space<hbm>> -> memref<16x1024xf32, #tpu.memory_space<hbm>>
    tpu.enqueue_dma source(%arg8 : memref<16x1024xf32, #tpu.memory_space<vmem>>) target(%dma_start3A_574 : memref<16x1024xf32, #tpu.memory_space<hbm>>) target_semaphore(%arg11 : memref<!tpu.dma_semaphore, #tpu.memory_space<semaphore_mem>>)
    %dma_wait3A_575 = arith.constant 0 : i32
    %dma_wait3A_576 = tpu.memref_slice %arg4[%add3A_550, %dma_wait3A_575] : memref<32768x1024xf32, #tpu.memory_space<hbm>> -> memref<16x1024xf32, #tpu.memory_space<hbm>>
    %dma_wait3A_577 = arith.constant 0 : i32
    %dma_wait3A_578 = tpu.memref_slice %arg4[%add3A_550, %dma_wait3A_577] : memref<32768x1024xf32, #tpu.memory_space<hbm>> -> memref<16x1024xf32, #tpu.memory_space<hbm>>
    tpu.wait_dma2 semaphore(%arg11 : memref<!tpu.dma_semaphore, #tpu.memory_space<semaphore_mem>>) src(%arg7 : memref<16x1024xf32, #tpu.memory_space<vmem>>) dst(%dma_wait3A_578 : memref<16x1024xf32, #tpu.memory_space<hbm>>)
    %dma_start3A_579 = arith.constant 464 : i32
    %dma_start3A_580 = tpu.memref_slice %arg5[%dma_start3A_579] : memref<1024xi32, #tpu.memory_space<vmem>> -> memref<16xi32, #tpu.memory_space<vmem>>
    %dma_start3A_581 = arith.constant 0 : i32
    %dma_start3A_582 = arith.constant 0 : i32
    %dma_start3A_583 = tpu.memref_slice %arg2[%dma_start3A_581, %dma_start3A_582] : memref<8192x1024xf32, #tpu.memory_space<hbm>> -> memref<8192x1024xf32, #tpu.memory_space<hbm>>
    tpu.enqueue_indirect_dma source(%dma_start3A_583 : memref<8192x1024xf32, #tpu.memory_space<hbm>>) target(%arg7 : memref<16x1024xf32, #tpu.memory_space<vmem>>) offsets(%dma_start3A_580 : memref<16xi32, #tpu.memory_space<vmem>>) semaphore(%arg10 : memref<!tpu.dma_semaphore, #tpu.memory_space<semaphore_mem>>)
    %dma_wait3A_584 = arith.constant 432 : i32
    %dma_wait3A_585 = tpu.memref_slice %arg5[%dma_wait3A_584] : memref<1024xi32, #tpu.memory_space<vmem>> -> memref<16xi32, #tpu.memory_space<vmem>>
    %dma_wait3A_586 = arith.constant 0 : i32
    %dma_wait3A_587 = arith.constant 0 : i32
    %dma_wait3A_588 = tpu.memref_slice %arg2[%dma_wait3A_586, %dma_wait3A_587] : memref<8192x1024xf32, #tpu.memory_space<hbm>> -> memref<8192x1024xf32, #tpu.memory_space<hbm>>
    tpu.wait_indirect_dma semaphore(%arg10 : memref<!tpu.dma_semaphore, #tpu.memory_space<semaphore_mem>>) src(%dma_wait3A_588 : memref<8192x1024xf32, #tpu.memory_space<hbm>>) dst(%arg9 : memref<16x1024xf32, #tpu.memory_space<vmem>>)
    %add3A_589 = arith.constant 432 : i32
    %add3A_590 = arith.addi %mul3A_2, %add3A_589 : i32
    %dma_start3A_591 = arith.constant 0 : i32
    %dma_start3A_592 = tpu.memref_slice %arg4[%add3A_590, %dma_start3A_591] : memref<32768x1024xf32, #tpu.memory_space<hbm>> -> memref<16x1024xf32, #tpu.memory_space<hbm>>
    %dma_start3A_593 = arith.constant 0 : i32
    %dma_start3A_594 = tpu.memref_slice %arg4[%add3A_590, %dma_start3A_593] : memref<32768x1024xf32, #tpu.memory_space<hbm>> -> memref<16x1024xf32, #tpu.memory_space<hbm>>
    tpu.enqueue_dma source(%arg9 : memref<16x1024xf32, #tpu.memory_space<vmem>>) target(%dma_start3A_594 : memref<16x1024xf32, #tpu.memory_space<hbm>>) target_semaphore(%arg11 : memref<!tpu.dma_semaphore, #tpu.memory_space<semaphore_mem>>)
    %dma_wait3A_595 = arith.constant 0 : i32
    %dma_wait3A_596 = tpu.memref_slice %arg4[%add3A_570, %dma_wait3A_595] : memref<32768x1024xf32, #tpu.memory_space<hbm>> -> memref<16x1024xf32, #tpu.memory_space<hbm>>
    %dma_wait3A_597 = arith.constant 0 : i32
    %dma_wait3A_598 = tpu.memref_slice %arg4[%add3A_570, %dma_wait3A_597] : memref<32768x1024xf32, #tpu.memory_space<hbm>> -> memref<16x1024xf32, #tpu.memory_space<hbm>>
    tpu.wait_dma2 semaphore(%arg11 : memref<!tpu.dma_semaphore, #tpu.memory_space<semaphore_mem>>) src(%arg8 : memref<16x1024xf32, #tpu.memory_space<vmem>>) dst(%dma_wait3A_598 : memref<16x1024xf32, #tpu.memory_space<hbm>>)
    %dma_start3A_599 = arith.constant 480 : i32
    %dma_start3A_600 = tpu.memref_slice %arg5[%dma_start3A_599] : memref<1024xi32, #tpu.memory_space<vmem>> -> memref<16xi32, #tpu.memory_space<vmem>>
    %dma_start3A_601 = arith.constant 0 : i32
    %dma_start3A_602 = arith.constant 0 : i32
    %dma_start3A_603 = tpu.memref_slice %arg2[%dma_start3A_601, %dma_start3A_602] : memref<8192x1024xf32, #tpu.memory_space<hbm>> -> memref<8192x1024xf32, #tpu.memory_space<hbm>>
    tpu.enqueue_indirect_dma source(%dma_start3A_603 : memref<8192x1024xf32, #tpu.memory_space<hbm>>) target(%arg8 : memref<16x1024xf32, #tpu.memory_space<vmem>>) offsets(%dma_start3A_600 : memref<16xi32, #tpu.memory_space<vmem>>) semaphore(%arg10 : memref<!tpu.dma_semaphore, #tpu.memory_space<semaphore_mem>>)
    %dma_wait3A_604 = arith.constant 448 : i32
    %dma_wait3A_605 = tpu.memref_slice %arg5[%dma_wait3A_604] : memref<1024xi32, #tpu.memory_space<vmem>> -> memref<16xi32, #tpu.memory_space<vmem>>
    %dma_wait3A_606 = arith.constant 0 : i32
    %dma_wait3A_607 = arith.constant 0 : i32
    %dma_wait3A_608 = tpu.memref_slice %arg2[%dma_wait3A_606, %dma_wait3A_607] : memref<8192x1024xf32, #tpu.memory_space<hbm>> -> memref<8192x1024xf32, #tpu.memory_space<hbm>>
    tpu.wait_indirect_dma semaphore(%arg10 : memref<!tpu.dma_semaphore, #tpu.memory_space<semaphore_mem>>) src(%dma_wait3A_608 : memref<8192x1024xf32, #tpu.memory_space<hbm>>) dst(%arg6 : memref<16x1024xf32, #tpu.memory_space<vmem>>)
    %add3A_609 = arith.constant 448 : i32
    %add3A_610 = arith.addi %mul3A_2, %add3A_609 : i32
    %dma_start3A_611 = arith.constant 0 : i32
    %dma_start3A_612 = tpu.memref_slice %arg4[%add3A_610, %dma_start3A_611] : memref<32768x1024xf32, #tpu.memory_space<hbm>> -> memref<16x1024xf32, #tpu.memory_space<hbm>>
    %dma_start3A_613 = arith.constant 0 : i32
    %dma_start3A_614 = tpu.memref_slice %arg4[%add3A_610, %dma_start3A_613] : memref<32768x1024xf32, #tpu.memory_space<hbm>> -> memref<16x1024xf32, #tpu.memory_space<hbm>>
    tpu.enqueue_dma source(%arg6 : memref<16x1024xf32, #tpu.memory_space<vmem>>) target(%dma_start3A_614 : memref<16x1024xf32, #tpu.memory_space<hbm>>) target_semaphore(%arg11 : memref<!tpu.dma_semaphore, #tpu.memory_space<semaphore_mem>>)
    %dma_wait3A_615 = arith.constant 0 : i32
    %dma_wait3A_616 = tpu.memref_slice %arg4[%add3A_590, %dma_wait3A_615] : memref<32768x1024xf32, #tpu.memory_space<hbm>> -> memref<16x1024xf32, #tpu.memory_space<hbm>>
    %dma_wait3A_617 = arith.constant 0 : i32
    %dma_wait3A_618 = tpu.memref_slice %arg4[%add3A_590, %dma_wait3A_617] : memref<32768x1024xf32, #tpu.memory_space<hbm>> -> memref<16x1024xf32, #tpu.memory_space<hbm>>
    tpu.wait_dma2 semaphore(%arg11 : memref<!tpu.dma_semaphore, #tpu.memory_space<semaphore_mem>>) src(%arg9 : memref<16x1024xf32, #tpu.memory_space<vmem>>) dst(%dma_wait3A_618 : memref<16x1024xf32, #tpu.memory_space<hbm>>)
    %dma_start3A_619 = arith.constant 496 : i32
    %dma_start3A_620 = tpu.memref_slice %arg5[%dma_start3A_619] : memref<1024xi32, #tpu.memory_space<vmem>> -> memref<16xi32, #tpu.memory_space<vmem>>
    %dma_start3A_621 = arith.constant 0 : i32
    %dma_start3A_622 = arith.constant 0 : i32
    %dma_start3A_623 = tpu.memref_slice %arg2[%dma_start3A_621, %dma_start3A_622] : memref<8192x1024xf32, #tpu.memory_space<hbm>> -> memref<8192x1024xf32, #tpu.memory_space<hbm>>
    tpu.enqueue_indirect_dma source(%dma_start3A_623 : memref<8192x1024xf32, #tpu.memory_space<hbm>>) target(%arg9 : memref<16x1024xf32, #tpu.memory_space<vmem>>) offsets(%dma_start3A_620 : memref<16xi32, #tpu.memory_space<vmem>>) semaphore(%arg10 : memref<!tpu.dma_semaphore, #tpu.memory_space<semaphore_mem>>)
    %dma_wait3A_624 = arith.constant 464 : i32
    %dma_wait3A_625 = tpu.memref_slice %arg5[%dma_wait3A_624] : memref<1024xi32, #tpu.memory_space<vmem>> -> memref<16xi32, #tpu.memory_space<vmem>>
    %dma_wait3A_626 = arith.constant 0 : i32
    %dma_wait3A_627 = arith.constant 0 : i32
    %dma_wait3A_628 = tpu.memref_slice %arg2[%dma_wait3A_626, %dma_wait3A_627] : memref<8192x1024xf32, #tpu.memory_space<hbm>> -> memref<8192x1024xf32, #tpu.memory_space<hbm>>
    tpu.wait_indirect_dma semaphore(%arg10 : memref<!tpu.dma_semaphore, #tpu.memory_space<semaphore_mem>>) src(%dma_wait3A_628 : memref<8192x1024xf32, #tpu.memory_space<hbm>>) dst(%arg7 : memref<16x1024xf32, #tpu.memory_space<vmem>>)
    %add3A_629 = arith.constant 464 : i32
    %add3A_630 = arith.addi %mul3A_2, %add3A_629 : i32
    %dma_start3A_631 = arith.constant 0 : i32
    %dma_start3A_632 = tpu.memref_slice %arg4[%add3A_630, %dma_start3A_631] : memref<32768x1024xf32, #tpu.memory_space<hbm>> -> memref<16x1024xf32, #tpu.memory_space<hbm>>
    %dma_start3A_633 = arith.constant 0 : i32
    %dma_start3A_634 = tpu.memref_slice %arg4[%add3A_630, %dma_start3A_633] : memref<32768x1024xf32, #tpu.memory_space<hbm>> -> memref<16x1024xf32, #tpu.memory_space<hbm>>
    tpu.enqueue_dma source(%arg7 : memref<16x1024xf32, #tpu.memory_space<vmem>>) target(%dma_start3A_634 : memref<16x1024xf32, #tpu.memory_space<hbm>>) target_semaphore(%arg11 : memref<!tpu.dma_semaphore, #tpu.memory_space<semaphore_mem>>)
    %dma_wait3A_635 = arith.constant 0 : i32
    %dma_wait3A_636 = tpu.memref_slice %arg4[%add3A_610, %dma_wait3A_635] : memref<32768x1024xf32, #tpu.memory_space<hbm>> -> memref<16x1024xf32, #tpu.memory_space<hbm>>
    %dma_wait3A_637 = arith.constant 0 : i32
    %dma_wait3A_638 = tpu.memref_slice %arg4[%add3A_610, %dma_wait3A_637] : memref<32768x1024xf32, #tpu.memory_space<hbm>> -> memref<16x1024xf32, #tpu.memory_space<hbm>>
    tpu.wait_dma2 semaphore(%arg11 : memref<!tpu.dma_semaphore, #tpu.memory_space<semaphore_mem>>) src(%arg6 : memref<16x1024xf32, #tpu.memory_space<vmem>>) dst(%dma_wait3A_638 : memref<16x1024xf32, #tpu.memory_space<hbm>>)
    %dma_start3A_639 = arith.constant 512 : i32
    %dma_start3A_640 = tpu.memref_slice %arg5[%dma_start3A_639] : memref<1024xi32, #tpu.memory_space<vmem>> -> memref<16xi32, #tpu.memory_space<vmem>>
    %dma_start3A_641 = arith.constant 0 : i32
    %dma_start3A_642 = arith.constant 0 : i32
    %dma_start3A_643 = tpu.memref_slice %arg2[%dma_start3A_641, %dma_start3A_642] : memref<8192x1024xf32, #tpu.memory_space<hbm>> -> memref<8192x1024xf32, #tpu.memory_space<hbm>>
    tpu.enqueue_indirect_dma source(%dma_start3A_643 : memref<8192x1024xf32, #tpu.memory_space<hbm>>) target(%arg6 : memref<16x1024xf32, #tpu.memory_space<vmem>>) offsets(%dma_start3A_640 : memref<16xi32, #tpu.memory_space<vmem>>) semaphore(%arg10 : memref<!tpu.dma_semaphore, #tpu.memory_space<semaphore_mem>>)
    %dma_wait3A_644 = arith.constant 480 : i32
    %dma_wait3A_645 = tpu.memref_slice %arg5[%dma_wait3A_644] : memref<1024xi32, #tpu.memory_space<vmem>> -> memref<16xi32, #tpu.memory_space<vmem>>
    %dma_wait3A_646 = arith.constant 0 : i32
    %dma_wait3A_647 = arith.constant 0 : i32
    %dma_wait3A_648 = tpu.memref_slice %arg2[%dma_wait3A_646, %dma_wait3A_647] : memref<8192x1024xf32, #tpu.memory_space<hbm>> -> memref<8192x1024xf32, #tpu.memory_space<hbm>>
    tpu.wait_indirect_dma semaphore(%arg10 : memref<!tpu.dma_semaphore, #tpu.memory_space<semaphore_mem>>) src(%dma_wait3A_648 : memref<8192x1024xf32, #tpu.memory_space<hbm>>) dst(%arg8 : memref<16x1024xf32, #tpu.memory_space<vmem>>)
    %add3A_649 = arith.constant 480 : i32
    %add3A_650 = arith.addi %mul3A_2, %add3A_649 : i32
    %dma_start3A_651 = arith.constant 0 : i32
    %dma_start3A_652 = tpu.memref_slice %arg4[%add3A_650, %dma_start3A_651] : memref<32768x1024xf32, #tpu.memory_space<hbm>> -> memref<16x1024xf32, #tpu.memory_space<hbm>>
    %dma_start3A_653 = arith.constant 0 : i32
    %dma_start3A_654 = tpu.memref_slice %arg4[%add3A_650, %dma_start3A_653] : memref<32768x1024xf32, #tpu.memory_space<hbm>> -> memref<16x1024xf32, #tpu.memory_space<hbm>>
    tpu.enqueue_dma source(%arg8 : memref<16x1024xf32, #tpu.memory_space<vmem>>) target(%dma_start3A_654 : memref<16x1024xf32, #tpu.memory_space<hbm>>) target_semaphore(%arg11 : memref<!tpu.dma_semaphore, #tpu.memory_space<semaphore_mem>>)
    %dma_wait3A_655 = arith.constant 0 : i32
    %dma_wait3A_656 = tpu.memref_slice %arg4[%add3A_630, %dma_wait3A_655] : memref<32768x1024xf32, #tpu.memory_space<hbm>> -> memref<16x1024xf32, #tpu.memory_space<hbm>>
    %dma_wait3A_657 = arith.constant 0 : i32
    %dma_wait3A_658 = tpu.memref_slice %arg4[%add3A_630, %dma_wait3A_657] : memref<32768x1024xf32, #tpu.memory_space<hbm>> -> memref<16x1024xf32, #tpu.memory_space<hbm>>
    tpu.wait_dma2 semaphore(%arg11 : memref<!tpu.dma_semaphore, #tpu.memory_space<semaphore_mem>>) src(%arg7 : memref<16x1024xf32, #tpu.memory_space<vmem>>) dst(%dma_wait3A_658 : memref<16x1024xf32, #tpu.memory_space<hbm>>)
    %dma_start3A_659 = arith.constant 528 : i32
    %dma_start3A_660 = tpu.memref_slice %arg5[%dma_start3A_659] : memref<1024xi32, #tpu.memory_space<vmem>> -> memref<16xi32, #tpu.memory_space<vmem>>
    %dma_start3A_661 = arith.constant 0 : i32
    %dma_start3A_662 = arith.constant 0 : i32
    %dma_start3A_663 = tpu.memref_slice %arg2[%dma_start3A_661, %dma_start3A_662] : memref<8192x1024xf32, #tpu.memory_space<hbm>> -> memref<8192x1024xf32, #tpu.memory_space<hbm>>
    tpu.enqueue_indirect_dma source(%dma_start3A_663 : memref<8192x1024xf32, #tpu.memory_space<hbm>>) target(%arg7 : memref<16x1024xf32, #tpu.memory_space<vmem>>) offsets(%dma_start3A_660 : memref<16xi32, #tpu.memory_space<vmem>>) semaphore(%arg10 : memref<!tpu.dma_semaphore, #tpu.memory_space<semaphore_mem>>)
    %dma_wait3A_664 = arith.constant 496 : i32
    %dma_wait3A_665 = tpu.memref_slice %arg5[%dma_wait3A_664] : memref<1024xi32, #tpu.memory_space<vmem>> -> memref<16xi32, #tpu.memory_space<vmem>>
    %dma_wait3A_666 = arith.constant 0 : i32
    %dma_wait3A_667 = arith.constant 0 : i32
    %dma_wait3A_668 = tpu.memref_slice %arg2[%dma_wait3A_666, %dma_wait3A_667] : memref<8192x1024xf32, #tpu.memory_space<hbm>> -> memref<8192x1024xf32, #tpu.memory_space<hbm>>
    tpu.wait_indirect_dma semaphore(%arg10 : memref<!tpu.dma_semaphore, #tpu.memory_space<semaphore_mem>>) src(%dma_wait3A_668 : memref<8192x1024xf32, #tpu.memory_space<hbm>>) dst(%arg9 : memref<16x1024xf32, #tpu.memory_space<vmem>>)
    %add3A_669 = arith.constant 496 : i32
    %add3A_670 = arith.addi %mul3A_2, %add3A_669 : i32
    %dma_start3A_671 = arith.constant 0 : i32
    %dma_start3A_672 = tpu.memref_slice %arg4[%add3A_670, %dma_start3A_671] : memref<32768x1024xf32, #tpu.memory_space<hbm>> -> memref<16x1024xf32, #tpu.memory_space<hbm>>
    %dma_start3A_673 = arith.constant 0 : i32
    %dma_start3A_674 = tpu.memref_slice %arg4[%add3A_670, %dma_start3A_673] : memref<32768x1024xf32, #tpu.memory_space<hbm>> -> memref<16x1024xf32, #tpu.memory_space<hbm>>
    tpu.enqueue_dma source(%arg9 : memref<16x1024xf32, #tpu.memory_space<vmem>>) target(%dma_start3A_674 : memref<16x1024xf32, #tpu.memory_space<hbm>>) target_semaphore(%arg11 : memref<!tpu.dma_semaphore, #tpu.memory_space<semaphore_mem>>)
    %dma_wait3A_675 = arith.constant 0 : i32
    %dma_wait3A_676 = tpu.memref_slice %arg4[%add3A_650, %dma_wait3A_675] : memref<32768x1024xf32, #tpu.memory_space<hbm>> -> memref<16x1024xf32, #tpu.memory_space<hbm>>
    %dma_wait3A_677 = arith.constant 0 : i32
    %dma_wait3A_678 = tpu.memref_slice %arg4[%add3A_650, %dma_wait3A_677] : memref<32768x1024xf32, #tpu.memory_space<hbm>> -> memref<16x1024xf32, #tpu.memory_space<hbm>>
    tpu.wait_dma2 semaphore(%arg11 : memref<!tpu.dma_semaphore, #tpu.memory_space<semaphore_mem>>) src(%arg8 : memref<16x1024xf32, #tpu.memory_space<vmem>>) dst(%dma_wait3A_678 : memref<16x1024xf32, #tpu.memory_space<hbm>>)
    %dma_start3A_679 = arith.constant 544 : i32
    %dma_start3A_680 = tpu.memref_slice %arg5[%dma_start3A_679] : memref<1024xi32, #tpu.memory_space<vmem>> -> memref<16xi32, #tpu.memory_space<vmem>>
    %dma_start3A_681 = arith.constant 0 : i32
    %dma_start3A_682 = arith.constant 0 : i32
    %dma_start3A_683 = tpu.memref_slice %arg2[%dma_start3A_681, %dma_start3A_682] : memref<8192x1024xf32, #tpu.memory_space<hbm>> -> memref<8192x1024xf32, #tpu.memory_space<hbm>>
    tpu.enqueue_indirect_dma source(%dma_start3A_683 : memref<8192x1024xf32, #tpu.memory_space<hbm>>) target(%arg8 : memref<16x1024xf32, #tpu.memory_space<vmem>>) offsets(%dma_start3A_680 : memref<16xi32, #tpu.memory_space<vmem>>) semaphore(%arg10 : memref<!tpu.dma_semaphore, #tpu.memory_space<semaphore_mem>>)
    %dma_wait3A_684 = arith.constant 512 : i32
    %dma_wait3A_685 = tpu.memref_slice %arg5[%dma_wait3A_684] : memref<1024xi32, #tpu.memory_space<vmem>> -> memref<16xi32, #tpu.memory_space<vmem>>
    %dma_wait3A_686 = arith.constant 0 : i32
    %dma_wait3A_687 = arith.constant 0 : i32
    %dma_wait3A_688 = tpu.memref_slice %arg2[%dma_wait3A_686, %dma_wait3A_687] : memref<8192x1024xf32, #tpu.memory_space<hbm>> -> memref<8192x1024xf32, #tpu.memory_space<hbm>>
    tpu.wait_indirect_dma semaphore(%arg10 : memref<!tpu.dma_semaphore, #tpu.memory_space<semaphore_mem>>) src(%dma_wait3A_688 : memref<8192x1024xf32, #tpu.memory_space<hbm>>) dst(%arg6 : memref<16x1024xf32, #tpu.memory_space<vmem>>)
    %add3A_689 = arith.constant 512 : i32
    %add3A_690 = arith.addi %mul3A_2, %add3A_689 : i32
    %dma_start3A_691 = arith.constant 0 : i32
    %dma_start3A_692 = tpu.memref_slice %arg4[%add3A_690, %dma_start3A_691] : memref<32768x1024xf32, #tpu.memory_space<hbm>> -> memref<16x1024xf32, #tpu.memory_space<hbm>>
    %dma_start3A_693 = arith.constant 0 : i32
    %dma_start3A_694 = tpu.memref_slice %arg4[%add3A_690, %dma_start3A_693] : memref<32768x1024xf32, #tpu.memory_space<hbm>> -> memref<16x1024xf32, #tpu.memory_space<hbm>>
    tpu.enqueue_dma source(%arg6 : memref<16x1024xf32, #tpu.memory_space<vmem>>) target(%dma_start3A_694 : memref<16x1024xf32, #tpu.memory_space<hbm>>) target_semaphore(%arg11 : memref<!tpu.dma_semaphore, #tpu.memory_space<semaphore_mem>>)
    %dma_wait3A_695 = arith.constant 0 : i32
    %dma_wait3A_696 = tpu.memref_slice %arg4[%add3A_670, %dma_wait3A_695] : memref<32768x1024xf32, #tpu.memory_space<hbm>> -> memref<16x1024xf32, #tpu.memory_space<hbm>>
    %dma_wait3A_697 = arith.constant 0 : i32
    %dma_wait3A_698 = tpu.memref_slice %arg4[%add3A_670, %dma_wait3A_697] : memref<32768x1024xf32, #tpu.memory_space<hbm>> -> memref<16x1024xf32, #tpu.memory_space<hbm>>
    tpu.wait_dma2 semaphore(%arg11 : memref<!tpu.dma_semaphore, #tpu.memory_space<semaphore_mem>>) src(%arg9 : memref<16x1024xf32, #tpu.memory_space<vmem>>) dst(%dma_wait3A_698 : memref<16x1024xf32, #tpu.memory_space<hbm>>)
    %dma_start3A_699 = arith.constant 560 : i32
    %dma_start3A_700 = tpu.memref_slice %arg5[%dma_start3A_699] : memref<1024xi32, #tpu.memory_space<vmem>> -> memref<16xi32, #tpu.memory_space<vmem>>
    %dma_start3A_701 = arith.constant 0 : i32
    %dma_start3A_702 = arith.constant 0 : i32
    %dma_start3A_703 = tpu.memref_slice %arg2[%dma_start3A_701, %dma_start3A_702] : memref<8192x1024xf32, #tpu.memory_space<hbm>> -> memref<8192x1024xf32, #tpu.memory_space<hbm>>
    tpu.enqueue_indirect_dma source(%dma_start3A_703 : memref<8192x1024xf32, #tpu.memory_space<hbm>>) target(%arg9 : memref<16x1024xf32, #tpu.memory_space<vmem>>) offsets(%dma_start3A_700 : memref<16xi32, #tpu.memory_space<vmem>>) semaphore(%arg10 : memref<!tpu.dma_semaphore, #tpu.memory_space<semaphore_mem>>)
    %dma_wait3A_704 = arith.constant 528 : i32
    %dma_wait3A_705 = tpu.memref_slice %arg5[%dma_wait3A_704] : memref<1024xi32, #tpu.memory_space<vmem>> -> memref<16xi32, #tpu.memory_space<vmem>>
    %dma_wait3A_706 = arith.constant 0 : i32
    %dma_wait3A_707 = arith.constant 0 : i32
    %dma_wait3A_708 = tpu.memref_slice %arg2[%dma_wait3A_706, %dma_wait3A_707] : memref<8192x1024xf32, #tpu.memory_space<hbm>> -> memref<8192x1024xf32, #tpu.memory_space<hbm>>
    tpu.wait_indirect_dma semaphore(%arg10 : memref<!tpu.dma_semaphore, #tpu.memory_space<semaphore_mem>>) src(%dma_wait3A_708 : memref<8192x1024xf32, #tpu.memory_space<hbm>>) dst(%arg7 : memref<16x1024xf32, #tpu.memory_space<vmem>>)
    %add3A_709 = arith.constant 528 : i32
    %add3A_710 = arith.addi %mul3A_2, %add3A_709 : i32
    %dma_start3A_711 = arith.constant 0 : i32
    %dma_start3A_712 = tpu.memref_slice %arg4[%add3A_710, %dma_start3A_711] : memref<32768x1024xf32, #tpu.memory_space<hbm>> -> memref<16x1024xf32, #tpu.memory_space<hbm>>
    %dma_start3A_713 = arith.constant 0 : i32
    %dma_start3A_714 = tpu.memref_slice %arg4[%add3A_710, %dma_start3A_713] : memref<32768x1024xf32, #tpu.memory_space<hbm>> -> memref<16x1024xf32, #tpu.memory_space<hbm>>
    tpu.enqueue_dma source(%arg7 : memref<16x1024xf32, #tpu.memory_space<vmem>>) target(%dma_start3A_714 : memref<16x1024xf32, #tpu.memory_space<hbm>>) target_semaphore(%arg11 : memref<!tpu.dma_semaphore, #tpu.memory_space<semaphore_mem>>)
    %dma_wait3A_715 = arith.constant 0 : i32
    %dma_wait3A_716 = tpu.memref_slice %arg4[%add3A_690, %dma_wait3A_715] : memref<32768x1024xf32, #tpu.memory_space<hbm>> -> memref<16x1024xf32, #tpu.memory_space<hbm>>
    %dma_wait3A_717 = arith.constant 0 : i32
    %dma_wait3A_718 = tpu.memref_slice %arg4[%add3A_690, %dma_wait3A_717] : memref<32768x1024xf32, #tpu.memory_space<hbm>> -> memref<16x1024xf32, #tpu.memory_space<hbm>>
    tpu.wait_dma2 semaphore(%arg11 : memref<!tpu.dma_semaphore, #tpu.memory_space<semaphore_mem>>) src(%arg6 : memref<16x1024xf32, #tpu.memory_space<vmem>>) dst(%dma_wait3A_718 : memref<16x1024xf32, #tpu.memory_space<hbm>>)
    %dma_start3A_719 = arith.constant 576 : i32
    %dma_start3A_720 = tpu.memref_slice %arg5[%dma_start3A_719] : memref<1024xi32, #tpu.memory_space<vmem>> -> memref<16xi32, #tpu.memory_space<vmem>>
    %dma_start3A_721 = arith.constant 0 : i32
    %dma_start3A_722 = arith.constant 0 : i32
    %dma_start3A_723 = tpu.memref_slice %arg2[%dma_start3A_721, %dma_start3A_722] : memref<8192x1024xf32, #tpu.memory_space<hbm>> -> memref<8192x1024xf32, #tpu.memory_space<hbm>>
    tpu.enqueue_indirect_dma source(%dma_start3A_723 : memref<8192x1024xf32, #tpu.memory_space<hbm>>) target(%arg6 : memref<16x1024xf32, #tpu.memory_space<vmem>>) offsets(%dma_start3A_720 : memref<16xi32, #tpu.memory_space<vmem>>) semaphore(%arg10 : memref<!tpu.dma_semaphore, #tpu.memory_space<semaphore_mem>>)
    %dma_wait3A_724 = arith.constant 544 : i32
    %dma_wait3A_725 = tpu.memref_slice %arg5[%dma_wait3A_724] : memref<1024xi32, #tpu.memory_space<vmem>> -> memref<16xi32, #tpu.memory_space<vmem>>
    %dma_wait3A_726 = arith.constant 0 : i32
    %dma_wait3A_727 = arith.constant 0 : i32
    %dma_wait3A_728 = tpu.memref_slice %arg2[%dma_wait3A_726, %dma_wait3A_727] : memref<8192x1024xf32, #tpu.memory_space<hbm>> -> memref<8192x1024xf32, #tpu.memory_space<hbm>>
    tpu.wait_indirect_dma semaphore(%arg10 : memref<!tpu.dma_semaphore, #tpu.memory_space<semaphore_mem>>) src(%dma_wait3A_728 : memref<8192x1024xf32, #tpu.memory_space<hbm>>) dst(%arg8 : memref<16x1024xf32, #tpu.memory_space<vmem>>)
    %add3A_729 = arith.constant 544 : i32
    %add3A_730 = arith.addi %mul3A_2, %add3A_729 : i32
    %dma_start3A_731 = arith.constant 0 : i32
    %dma_start3A_732 = tpu.memref_slice %arg4[%add3A_730, %dma_start3A_731] : memref<32768x1024xf32, #tpu.memory_space<hbm>> -> memref<16x1024xf32, #tpu.memory_space<hbm>>
    %dma_start3A_733 = arith.constant 0 : i32
    %dma_start3A_734 = tpu.memref_slice %arg4[%add3A_730, %dma_start3A_733] : memref<32768x1024xf32, #tpu.memory_space<hbm>> -> memref<16x1024xf32, #tpu.memory_space<hbm>>
    tpu.enqueue_dma source(%arg8 : memref<16x1024xf32, #tpu.memory_space<vmem>>) target(%dma_start3A_734 : memref<16x1024xf32, #tpu.memory_space<hbm>>) target_semaphore(%arg11 : memref<!tpu.dma_semaphore, #tpu.memory_space<semaphore_mem>>)
    %dma_wait3A_735 = arith.constant 0 : i32
    %dma_wait3A_736 = tpu.memref_slice %arg4[%add3A_710, %dma_wait3A_735] : memref<32768x1024xf32, #tpu.memory_space<hbm>> -> memref<16x1024xf32, #tpu.memory_space<hbm>>
    %dma_wait3A_737 = arith.constant 0 : i32
    %dma_wait3A_738 = tpu.memref_slice %arg4[%add3A_710, %dma_wait3A_737] : memref<32768x1024xf32, #tpu.memory_space<hbm>> -> memref<16x1024xf32, #tpu.memory_space<hbm>>
    tpu.wait_dma2 semaphore(%arg11 : memref<!tpu.dma_semaphore, #tpu.memory_space<semaphore_mem>>) src(%arg7 : memref<16x1024xf32, #tpu.memory_space<vmem>>) dst(%dma_wait3A_738 : memref<16x1024xf32, #tpu.memory_space<hbm>>)
    %dma_start3A_739 = arith.constant 592 : i32
    %dma_start3A_740 = tpu.memref_slice %arg5[%dma_start3A_739] : memref<1024xi32, #tpu.memory_space<vmem>> -> memref<16xi32, #tpu.memory_space<vmem>>
    %dma_start3A_741 = arith.constant 0 : i32
    %dma_start3A_742 = arith.constant 0 : i32
    %dma_start3A_743 = tpu.memref_slice %arg2[%dma_start3A_741, %dma_start3A_742] : memref<8192x1024xf32, #tpu.memory_space<hbm>> -> memref<8192x1024xf32, #tpu.memory_space<hbm>>
    tpu.enqueue_indirect_dma source(%dma_start3A_743 : memref<8192x1024xf32, #tpu.memory_space<hbm>>) target(%arg7 : memref<16x1024xf32, #tpu.memory_space<vmem>>) offsets(%dma_start3A_740 : memref<16xi32, #tpu.memory_space<vmem>>) semaphore(%arg10 : memref<!tpu.dma_semaphore, #tpu.memory_space<semaphore_mem>>)
    %dma_wait3A_744 = arith.constant 560 : i32
    %dma_wait3A_745 = tpu.memref_slice %arg5[%dma_wait3A_744] : memref<1024xi32, #tpu.memory_space<vmem>> -> memref<16xi32, #tpu.memory_space<vmem>>
    %dma_wait3A_746 = arith.constant 0 : i32
    %dma_wait3A_747 = arith.constant 0 : i32
    %dma_wait3A_748 = tpu.memref_slice %arg2[%dma_wait3A_746, %dma_wait3A_747] : memref<8192x1024xf32, #tpu.memory_space<hbm>> -> memref<8192x1024xf32, #tpu.memory_space<hbm>>
    tpu.wait_indirect_dma semaphore(%arg10 : memref<!tpu.dma_semaphore, #tpu.memory_space<semaphore_mem>>) src(%dma_wait3A_748 : memref<8192x1024xf32, #tpu.memory_space<hbm>>) dst(%arg9 : memref<16x1024xf32, #tpu.memory_space<vmem>>)
    %add3A_749 = arith.constant 560 : i32
    %add3A_750 = arith.addi %mul3A_2, %add3A_749 : i32
    %dma_start3A_751 = arith.constant 0 : i32
    %dma_start3A_752 = tpu.memref_slice %arg4[%add3A_750, %dma_start3A_751] : memref<32768x1024xf32, #tpu.memory_space<hbm>> -> memref<16x1024xf32, #tpu.memory_space<hbm>>
    %dma_start3A_753 = arith.constant 0 : i32
    %dma_start3A_754 = tpu.memref_slice %arg4[%add3A_750, %dma_start3A_753] : memref<32768x1024xf32, #tpu.memory_space<hbm>> -> memref<16x1024xf32, #tpu.memory_space<hbm>>
    tpu.enqueue_dma source(%arg9 : memref<16x1024xf32, #tpu.memory_space<vmem>>) target(%dma_start3A_754 : memref<16x1024xf32, #tpu.memory_space<hbm>>) target_semaphore(%arg11 : memref<!tpu.dma_semaphore, #tpu.memory_space<semaphore_mem>>)
    %dma_wait3A_755 = arith.constant 0 : i32
    %dma_wait3A_756 = tpu.memref_slice %arg4[%add3A_730, %dma_wait3A_755] : memref<32768x1024xf32, #tpu.memory_space<hbm>> -> memref<16x1024xf32, #tpu.memory_space<hbm>>
    %dma_wait3A_757 = arith.constant 0 : i32
    %dma_wait3A_758 = tpu.memref_slice %arg4[%add3A_730, %dma_wait3A_757] : memref<32768x1024xf32, #tpu.memory_space<hbm>> -> memref<16x1024xf32, #tpu.memory_space<hbm>>
    tpu.wait_dma2 semaphore(%arg11 : memref<!tpu.dma_semaphore, #tpu.memory_space<semaphore_mem>>) src(%arg8 : memref<16x1024xf32, #tpu.memory_space<vmem>>) dst(%dma_wait3A_758 : memref<16x1024xf32, #tpu.memory_space<hbm>>)
    %dma_start3A_759 = arith.constant 608 : i32
    %dma_start3A_760 = tpu.memref_slice %arg5[%dma_start3A_759] : memref<1024xi32, #tpu.memory_space<vmem>> -> memref<16xi32, #tpu.memory_space<vmem>>
    %dma_start3A_761 = arith.constant 0 : i32
    %dma_start3A_762 = arith.constant 0 : i32
    %dma_start3A_763 = tpu.memref_slice %arg2[%dma_start3A_761, %dma_start3A_762] : memref<8192x1024xf32, #tpu.memory_space<hbm>> -> memref<8192x1024xf32, #tpu.memory_space<hbm>>
    tpu.enqueue_indirect_dma source(%dma_start3A_763 : memref<8192x1024xf32, #tpu.memory_space<hbm>>) target(%arg8 : memref<16x1024xf32, #tpu.memory_space<vmem>>) offsets(%dma_start3A_760 : memref<16xi32, #tpu.memory_space<vmem>>) semaphore(%arg10 : memref<!tpu.dma_semaphore, #tpu.memory_space<semaphore_mem>>)
    %dma_wait3A_764 = arith.constant 576 : i32
    %dma_wait3A_765 = tpu.memref_slice %arg5[%dma_wait3A_764] : memref<1024xi32, #tpu.memory_space<vmem>> -> memref<16xi32, #tpu.memory_space<vmem>>
    %dma_wait3A_766 = arith.constant 0 : i32
    %dma_wait3A_767 = arith.constant 0 : i32
    %dma_wait3A_768 = tpu.memref_slice %arg2[%dma_wait3A_766, %dma_wait3A_767] : memref<8192x1024xf32, #tpu.memory_space<hbm>> -> memref<8192x1024xf32, #tpu.memory_space<hbm>>
    tpu.wait_indirect_dma semaphore(%arg10 : memref<!tpu.dma_semaphore, #tpu.memory_space<semaphore_mem>>) src(%dma_wait3A_768 : memref<8192x1024xf32, #tpu.memory_space<hbm>>) dst(%arg6 : memref<16x1024xf32, #tpu.memory_space<vmem>>)
    %add3A_769 = arith.constant 576 : i32
    %add3A_770 = arith.addi %mul3A_2, %add3A_769 : i32
    %dma_start3A_771 = arith.constant 0 : i32
    %dma_start3A_772 = tpu.memref_slice %arg4[%add3A_770, %dma_start3A_771] : memref<32768x1024xf32, #tpu.memory_space<hbm>> -> memref<16x1024xf32, #tpu.memory_space<hbm>>
    %dma_start3A_773 = arith.constant 0 : i32
    %dma_start3A_774 = tpu.memref_slice %arg4[%add3A_770, %dma_start3A_773] : memref<32768x1024xf32, #tpu.memory_space<hbm>> -> memref<16x1024xf32, #tpu.memory_space<hbm>>
    tpu.enqueue_dma source(%arg6 : memref<16x1024xf32, #tpu.memory_space<vmem>>) target(%dma_start3A_774 : memref<16x1024xf32, #tpu.memory_space<hbm>>) target_semaphore(%arg11 : memref<!tpu.dma_semaphore, #tpu.memory_space<semaphore_mem>>)
    %dma_wait3A_775 = arith.constant 0 : i32
    %dma_wait3A_776 = tpu.memref_slice %arg4[%add3A_750, %dma_wait3A_775] : memref<32768x1024xf32, #tpu.memory_space<hbm>> -> memref<16x1024xf32, #tpu.memory_space<hbm>>
    %dma_wait3A_777 = arith.constant 0 : i32
    %dma_wait3A_778 = tpu.memref_slice %arg4[%add3A_750, %dma_wait3A_777] : memref<32768x1024xf32, #tpu.memory_space<hbm>> -> memref<16x1024xf32, #tpu.memory_space<hbm>>
    tpu.wait_dma2 semaphore(%arg11 : memref<!tpu.dma_semaphore, #tpu.memory_space<semaphore_mem>>) src(%arg9 : memref<16x1024xf32, #tpu.memory_space<vmem>>) dst(%dma_wait3A_778 : memref<16x1024xf32, #tpu.memory_space<hbm>>)
    %dma_start3A_779 = arith.constant 624 : i32
    %dma_start3A_780 = tpu.memref_slice %arg5[%dma_start3A_779] : memref<1024xi32, #tpu.memory_space<vmem>> -> memref<16xi32, #tpu.memory_space<vmem>>
    %dma_start3A_781 = arith.constant 0 : i32
    %dma_start3A_782 = arith.constant 0 : i32
    %dma_start3A_783 = tpu.memref_slice %arg2[%dma_start3A_781, %dma_start3A_782] : memref<8192x1024xf32, #tpu.memory_space<hbm>> -> memref<8192x1024xf32, #tpu.memory_space<hbm>>
    tpu.enqueue_indirect_dma source(%dma_start3A_783 : memref<8192x1024xf32, #tpu.memory_space<hbm>>) target(%arg9 : memref<16x1024xf32, #tpu.memory_space<vmem>>) offsets(%dma_start3A_780 : memref<16xi32, #tpu.memory_space<vmem>>) semaphore(%arg10 : memref<!tpu.dma_semaphore, #tpu.memory_space<semaphore_mem>>)
    %dma_wait3A_784 = arith.constant 592 : i32
    %dma_wait3A_785 = tpu.memref_slice %arg5[%dma_wait3A_784] : memref<1024xi32, #tpu.memory_space<vmem>> -> memref<16xi32, #tpu.memory_space<vmem>>
    %dma_wait3A_786 = arith.constant 0 : i32
    %dma_wait3A_787 = arith.constant 0 : i32
    %dma_wait3A_788 = tpu.memref_slice %arg2[%dma_wait3A_786, %dma_wait3A_787] : memref<8192x1024xf32, #tpu.memory_space<hbm>> -> memref<8192x1024xf32, #tpu.memory_space<hbm>>
    tpu.wait_indirect_dma semaphore(%arg10 : memref<!tpu.dma_semaphore, #tpu.memory_space<semaphore_mem>>) src(%dma_wait3A_788 : memref<8192x1024xf32, #tpu.memory_space<hbm>>) dst(%arg7 : memref<16x1024xf32, #tpu.memory_space<vmem>>)
    %add3A_789 = arith.constant 592 : i32
    %add3A_790 = arith.addi %mul3A_2, %add3A_789 : i32
    %dma_start3A_791 = arith.constant 0 : i32
    %dma_start3A_792 = tpu.memref_slice %arg4[%add3A_790, %dma_start3A_791] : memref<32768x1024xf32, #tpu.memory_space<hbm>> -> memref<16x1024xf32, #tpu.memory_space<hbm>>
    %dma_start3A_793 = arith.constant 0 : i32
    %dma_start3A_794 = tpu.memref_slice %arg4[%add3A_790, %dma_start3A_793] : memref<32768x1024xf32, #tpu.memory_space<hbm>> -> memref<16x1024xf32, #tpu.memory_space<hbm>>
    tpu.enqueue_dma source(%arg7 : memref<16x1024xf32, #tpu.memory_space<vmem>>) target(%dma_start3A_794 : memref<16x1024xf32, #tpu.memory_space<hbm>>) target_semaphore(%arg11 : memref<!tpu.dma_semaphore, #tpu.memory_space<semaphore_mem>>)
    %dma_wait3A_795 = arith.constant 0 : i32
    %dma_wait3A_796 = tpu.memref_slice %arg4[%add3A_770, %dma_wait3A_795] : memref<32768x1024xf32, #tpu.memory_space<hbm>> -> memref<16x1024xf32, #tpu.memory_space<hbm>>
    %dma_wait3A_797 = arith.constant 0 : i32
    %dma_wait3A_798 = tpu.memref_slice %arg4[%add3A_770, %dma_wait3A_797] : memref<32768x1024xf32, #tpu.memory_space<hbm>> -> memref<16x1024xf32, #tpu.memory_space<hbm>>
    tpu.wait_dma2 semaphore(%arg11 : memref<!tpu.dma_semaphore, #tpu.memory_space<semaphore_mem>>) src(%arg6 : memref<16x1024xf32, #tpu.memory_space<vmem>>) dst(%dma_wait3A_798 : memref<16x1024xf32, #tpu.memory_space<hbm>>)
    %dma_start3A_799 = arith.constant 640 : i32
    %dma_start3A_800 = tpu.memref_slice %arg5[%dma_start3A_799] : memref<1024xi32, #tpu.memory_space<vmem>> -> memref<16xi32, #tpu.memory_space<vmem>>
    %dma_start3A_801 = arith.constant 0 : i32
    %dma_start3A_802 = arith.constant 0 : i32
    %dma_start3A_803 = tpu.memref_slice %arg2[%dma_start3A_801, %dma_start3A_802] : memref<8192x1024xf32, #tpu.memory_space<hbm>> -> memref<8192x1024xf32, #tpu.memory_space<hbm>>
    tpu.enqueue_indirect_dma source(%dma_start3A_803 : memref<8192x1024xf32, #tpu.memory_space<hbm>>) target(%arg6 : memref<16x1024xf32, #tpu.memory_space<vmem>>) offsets(%dma_start3A_800 : memref<16xi32, #tpu.memory_space<vmem>>) semaphore(%arg10 : memref<!tpu.dma_semaphore, #tpu.memory_space<semaphore_mem>>)
    %dma_wait3A_804 = arith.constant 608 : i32
    %dma_wait3A_805 = tpu.memref_slice %arg5[%dma_wait3A_804] : memref<1024xi32, #tpu.memory_space<vmem>> -> memref<16xi32, #tpu.memory_space<vmem>>
    %dma_wait3A_806 = arith.constant 0 : i32
    %dma_wait3A_807 = arith.constant 0 : i32
    %dma_wait3A_808 = tpu.memref_slice %arg2[%dma_wait3A_806, %dma_wait3A_807] : memref<8192x1024xf32, #tpu.memory_space<hbm>> -> memref<8192x1024xf32, #tpu.memory_space<hbm>>
    tpu.wait_indirect_dma semaphore(%arg10 : memref<!tpu.dma_semaphore, #tpu.memory_space<semaphore_mem>>) src(%dma_wait3A_808 : memref<8192x1024xf32, #tpu.memory_space<hbm>>) dst(%arg8 : memref<16x1024xf32, #tpu.memory_space<vmem>>)
    %add3A_809 = arith.constant 608 : i32
    %add3A_810 = arith.addi %mul3A_2, %add3A_809 : i32
    %dma_start3A_811 = arith.constant 0 : i32
    %dma_start3A_812 = tpu.memref_slice %arg4[%add3A_810, %dma_start3A_811] : memref<32768x1024xf32, #tpu.memory_space<hbm>> -> memref<16x1024xf32, #tpu.memory_space<hbm>>
    %dma_start3A_813 = arith.constant 0 : i32
    %dma_start3A_814 = tpu.memref_slice %arg4[%add3A_810, %dma_start3A_813] : memref<32768x1024xf32, #tpu.memory_space<hbm>> -> memref<16x1024xf32, #tpu.memory_space<hbm>>
    tpu.enqueue_dma source(%arg8 : memref<16x1024xf32, #tpu.memory_space<vmem>>) target(%dma_start3A_814 : memref<16x1024xf32, #tpu.memory_space<hbm>>) target_semaphore(%arg11 : memref<!tpu.dma_semaphore, #tpu.memory_space<semaphore_mem>>)
    %dma_wait3A_815 = arith.constant 0 : i32
    %dma_wait3A_816 = tpu.memref_slice %arg4[%add3A_790, %dma_wait3A_815] : memref<32768x1024xf32, #tpu.memory_space<hbm>> -> memref<16x1024xf32, #tpu.memory_space<hbm>>
    %dma_wait3A_817 = arith.constant 0 : i32
    %dma_wait3A_818 = tpu.memref_slice %arg4[%add3A_790, %dma_wait3A_817] : memref<32768x1024xf32, #tpu.memory_space<hbm>> -> memref<16x1024xf32, #tpu.memory_space<hbm>>
    tpu.wait_dma2 semaphore(%arg11 : memref<!tpu.dma_semaphore, #tpu.memory_space<semaphore_mem>>) src(%arg7 : memref<16x1024xf32, #tpu.memory_space<vmem>>) dst(%dma_wait3A_818 : memref<16x1024xf32, #tpu.memory_space<hbm>>)
    %dma_start3A_819 = arith.constant 656 : i32
    %dma_start3A_820 = tpu.memref_slice %arg5[%dma_start3A_819] : memref<1024xi32, #tpu.memory_space<vmem>> -> memref<16xi32, #tpu.memory_space<vmem>>
    %dma_start3A_821 = arith.constant 0 : i32
    %dma_start3A_822 = arith.constant 0 : i32
    %dma_start3A_823 = tpu.memref_slice %arg2[%dma_start3A_821, %dma_start3A_822] : memref<8192x1024xf32, #tpu.memory_space<hbm>> -> memref<8192x1024xf32, #tpu.memory_space<hbm>>
    tpu.enqueue_indirect_dma source(%dma_start3A_823 : memref<8192x1024xf32, #tpu.memory_space<hbm>>) target(%arg7 : memref<16x1024xf32, #tpu.memory_space<vmem>>) offsets(%dma_start3A_820 : memref<16xi32, #tpu.memory_space<vmem>>) semaphore(%arg10 : memref<!tpu.dma_semaphore, #tpu.memory_space<semaphore_mem>>)
    %dma_wait3A_824 = arith.constant 624 : i32
    %dma_wait3A_825 = tpu.memref_slice %arg5[%dma_wait3A_824] : memref<1024xi32, #tpu.memory_space<vmem>> -> memref<16xi32, #tpu.memory_space<vmem>>
    %dma_wait3A_826 = arith.constant 0 : i32
    %dma_wait3A_827 = arith.constant 0 : i32
    %dma_wait3A_828 = tpu.memref_slice %arg2[%dma_wait3A_826, %dma_wait3A_827] : memref<8192x1024xf32, #tpu.memory_space<hbm>> -> memref<8192x1024xf32, #tpu.memory_space<hbm>>
    tpu.wait_indirect_dma semaphore(%arg10 : memref<!tpu.dma_semaphore, #tpu.memory_space<semaphore_mem>>) src(%dma_wait3A_828 : memref<8192x1024xf32, #tpu.memory_space<hbm>>) dst(%arg9 : memref<16x1024xf32, #tpu.memory_space<vmem>>)
    %add3A_829 = arith.constant 624 : i32
    %add3A_830 = arith.addi %mul3A_2, %add3A_829 : i32
    %dma_start3A_831 = arith.constant 0 : i32
    %dma_start3A_832 = tpu.memref_slice %arg4[%add3A_830, %dma_start3A_831] : memref<32768x1024xf32, #tpu.memory_space<hbm>> -> memref<16x1024xf32, #tpu.memory_space<hbm>>
    %dma_start3A_833 = arith.constant 0 : i32
    %dma_start3A_834 = tpu.memref_slice %arg4[%add3A_830, %dma_start3A_833] : memref<32768x1024xf32, #tpu.memory_space<hbm>> -> memref<16x1024xf32, #tpu.memory_space<hbm>>
    tpu.enqueue_dma source(%arg9 : memref<16x1024xf32, #tpu.memory_space<vmem>>) target(%dma_start3A_834 : memref<16x1024xf32, #tpu.memory_space<hbm>>) target_semaphore(%arg11 : memref<!tpu.dma_semaphore, #tpu.memory_space<semaphore_mem>>)
    %dma_wait3A_835 = arith.constant 0 : i32
    %dma_wait3A_836 = tpu.memref_slice %arg4[%add3A_810, %dma_wait3A_835] : memref<32768x1024xf32, #tpu.memory_space<hbm>> -> memref<16x1024xf32, #tpu.memory_space<hbm>>
    %dma_wait3A_837 = arith.constant 0 : i32
    %dma_wait3A_838 = tpu.memref_slice %arg4[%add3A_810, %dma_wait3A_837] : memref<32768x1024xf32, #tpu.memory_space<hbm>> -> memref<16x1024xf32, #tpu.memory_space<hbm>>
    tpu.wait_dma2 semaphore(%arg11 : memref<!tpu.dma_semaphore, #tpu.memory_space<semaphore_mem>>) src(%arg8 : memref<16x1024xf32, #tpu.memory_space<vmem>>) dst(%dma_wait3A_838 : memref<16x1024xf32, #tpu.memory_space<hbm>>)
    %dma_start3A_839 = arith.constant 672 : i32
    %dma_start3A_840 = tpu.memref_slice %arg5[%dma_start3A_839] : memref<1024xi32, #tpu.memory_space<vmem>> -> memref<16xi32, #tpu.memory_space<vmem>>
    %dma_start3A_841 = arith.constant 0 : i32
    %dma_start3A_842 = arith.constant 0 : i32
    %dma_start3A_843 = tpu.memref_slice %arg2[%dma_start3A_841, %dma_start3A_842] : memref<8192x1024xf32, #tpu.memory_space<hbm>> -> memref<8192x1024xf32, #tpu.memory_space<hbm>>
    tpu.enqueue_indirect_dma source(%dma_start3A_843 : memref<8192x1024xf32, #tpu.memory_space<hbm>>) target(%arg8 : memref<16x1024xf32, #tpu.memory_space<vmem>>) offsets(%dma_start3A_840 : memref<16xi32, #tpu.memory_space<vmem>>) semaphore(%arg10 : memref<!tpu.dma_semaphore, #tpu.memory_space<semaphore_mem>>)
    %dma_wait3A_844 = arith.constant 640 : i32
    %dma_wait3A_845 = tpu.memref_slice %arg5[%dma_wait3A_844] : memref<1024xi32, #tpu.memory_space<vmem>> -> memref<16xi32, #tpu.memory_space<vmem>>
    %dma_wait3A_846 = arith.constant 0 : i32
    %dma_wait3A_847 = arith.constant 0 : i32
    %dma_wait3A_848 = tpu.memref_slice %arg2[%dma_wait3A_846, %dma_wait3A_847] : memref<8192x1024xf32, #tpu.memory_space<hbm>> -> memref<8192x1024xf32, #tpu.memory_space<hbm>>
    tpu.wait_indirect_dma semaphore(%arg10 : memref<!tpu.dma_semaphore, #tpu.memory_space<semaphore_mem>>) src(%dma_wait3A_848 : memref<8192x1024xf32, #tpu.memory_space<hbm>>) dst(%arg6 : memref<16x1024xf32, #tpu.memory_space<vmem>>)
    %add3A_849 = arith.constant 640 : i32
    %add3A_850 = arith.addi %mul3A_2, %add3A_849 : i32
    %dma_start3A_851 = arith.constant 0 : i32
    %dma_start3A_852 = tpu.memref_slice %arg4[%add3A_850, %dma_start3A_851] : memref<32768x1024xf32, #tpu.memory_space<hbm>> -> memref<16x1024xf32, #tpu.memory_space<hbm>>
    %dma_start3A_853 = arith.constant 0 : i32
    %dma_start3A_854 = tpu.memref_slice %arg4[%add3A_850, %dma_start3A_853] : memref<32768x1024xf32, #tpu.memory_space<hbm>> -> memref<16x1024xf32, #tpu.memory_space<hbm>>
    tpu.enqueue_dma source(%arg6 : memref<16x1024xf32, #tpu.memory_space<vmem>>) target(%dma_start3A_854 : memref<16x1024xf32, #tpu.memory_space<hbm>>) target_semaphore(%arg11 : memref<!tpu.dma_semaphore, #tpu.memory_space<semaphore_mem>>)
    %dma_wait3A_855 = arith.constant 0 : i32
    %dma_wait3A_856 = tpu.memref_slice %arg4[%add3A_830, %dma_wait3A_855] : memref<32768x1024xf32, #tpu.memory_space<hbm>> -> memref<16x1024xf32, #tpu.memory_space<hbm>>
    %dma_wait3A_857 = arith.constant 0 : i32
    %dma_wait3A_858 = tpu.memref_slice %arg4[%add3A_830, %dma_wait3A_857] : memref<32768x1024xf32, #tpu.memory_space<hbm>> -> memref<16x1024xf32, #tpu.memory_space<hbm>>
    tpu.wait_dma2 semaphore(%arg11 : memref<!tpu.dma_semaphore, #tpu.memory_space<semaphore_mem>>) src(%arg9 : memref<16x1024xf32, #tpu.memory_space<vmem>>) dst(%dma_wait3A_858 : memref<16x1024xf32, #tpu.memory_space<hbm>>)
    %dma_start3A_859 = arith.constant 688 : i32
    %dma_start3A_860 = tpu.memref_slice %arg5[%dma_start3A_859] : memref<1024xi32, #tpu.memory_space<vmem>> -> memref<16xi32, #tpu.memory_space<vmem>>
    %dma_start3A_861 = arith.constant 0 : i32
    %dma_start3A_862 = arith.constant 0 : i32
    %dma_start3A_863 = tpu.memref_slice %arg2[%dma_start3A_861, %dma_start3A_862] : memref<8192x1024xf32, #tpu.memory_space<hbm>> -> memref<8192x1024xf32, #tpu.memory_space<hbm>>
    tpu.enqueue_indirect_dma source(%dma_start3A_863 : memref<8192x1024xf32, #tpu.memory_space<hbm>>) target(%arg9 : memref<16x1024xf32, #tpu.memory_space<vmem>>) offsets(%dma_start3A_860 : memref<16xi32, #tpu.memory_space<vmem>>) semaphore(%arg10 : memref<!tpu.dma_semaphore, #tpu.memory_space<semaphore_mem>>)
    %dma_wait3A_864 = arith.constant 656 : i32
    %dma_wait3A_865 = tpu.memref_slice %arg5[%dma_wait3A_864] : memref<1024xi32, #tpu.memory_space<vmem>> -> memref<16xi32, #tpu.memory_space<vmem>>
    %dma_wait3A_866 = arith.constant 0 : i32
    %dma_wait3A_867 = arith.constant 0 : i32
    %dma_wait3A_868 = tpu.memref_slice %arg2[%dma_wait3A_866, %dma_wait3A_867] : memref<8192x1024xf32, #tpu.memory_space<hbm>> -> memref<8192x1024xf32, #tpu.memory_space<hbm>>
    tpu.wait_indirect_dma semaphore(%arg10 : memref<!tpu.dma_semaphore, #tpu.memory_space<semaphore_mem>>) src(%dma_wait3A_868 : memref<8192x1024xf32, #tpu.memory_space<hbm>>) dst(%arg7 : memref<16x1024xf32, #tpu.memory_space<vmem>>)
    %add3A_869 = arith.constant 656 : i32
    %add3A_870 = arith.addi %mul3A_2, %add3A_869 : i32
    %dma_start3A_871 = arith.constant 0 : i32
    %dma_start3A_872 = tpu.memref_slice %arg4[%add3A_870, %dma_start3A_871] : memref<32768x1024xf32, #tpu.memory_space<hbm>> -> memref<16x1024xf32, #tpu.memory_space<hbm>>
    %dma_start3A_873 = arith.constant 0 : i32
    %dma_start3A_874 = tpu.memref_slice %arg4[%add3A_870, %dma_start3A_873] : memref<32768x1024xf32, #tpu.memory_space<hbm>> -> memref<16x1024xf32, #tpu.memory_space<hbm>>
    tpu.enqueue_dma source(%arg7 : memref<16x1024xf32, #tpu.memory_space<vmem>>) target(%dma_start3A_874 : memref<16x1024xf32, #tpu.memory_space<hbm>>) target_semaphore(%arg11 : memref<!tpu.dma_semaphore, #tpu.memory_space<semaphore_mem>>)
    %dma_wait3A_875 = arith.constant 0 : i32
    %dma_wait3A_876 = tpu.memref_slice %arg4[%add3A_850, %dma_wait3A_875] : memref<32768x1024xf32, #tpu.memory_space<hbm>> -> memref<16x1024xf32, #tpu.memory_space<hbm>>
    %dma_wait3A_877 = arith.constant 0 : i32
    %dma_wait3A_878 = tpu.memref_slice %arg4[%add3A_850, %dma_wait3A_877] : memref<32768x1024xf32, #tpu.memory_space<hbm>> -> memref<16x1024xf32, #tpu.memory_space<hbm>>
    tpu.wait_dma2 semaphore(%arg11 : memref<!tpu.dma_semaphore, #tpu.memory_space<semaphore_mem>>) src(%arg6 : memref<16x1024xf32, #tpu.memory_space<vmem>>) dst(%dma_wait3A_878 : memref<16x1024xf32, #tpu.memory_space<hbm>>)
    %dma_start3A_879 = arith.constant 704 : i32
    %dma_start3A_880 = tpu.memref_slice %arg5[%dma_start3A_879] : memref<1024xi32, #tpu.memory_space<vmem>> -> memref<16xi32, #tpu.memory_space<vmem>>
    %dma_start3A_881 = arith.constant 0 : i32
    %dma_start3A_882 = arith.constant 0 : i32
    %dma_start3A_883 = tpu.memref_slice %arg2[%dma_start3A_881, %dma_start3A_882] : memref<8192x1024xf32, #tpu.memory_space<hbm>> -> memref<8192x1024xf32, #tpu.memory_space<hbm>>
    tpu.enqueue_indirect_dma source(%dma_start3A_883 : memref<8192x1024xf32, #tpu.memory_space<hbm>>) target(%arg6 : memref<16x1024xf32, #tpu.memory_space<vmem>>) offsets(%dma_start3A_880 : memref<16xi32, #tpu.memory_space<vmem>>) semaphore(%arg10 : memref<!tpu.dma_semaphore, #tpu.memory_space<semaphore_mem>>)
    %dma_wait3A_884 = arith.constant 672 : i32
    %dma_wait3A_885 = tpu.memref_slice %arg5[%dma_wait3A_884] : memref<1024xi32, #tpu.memory_space<vmem>> -> memref<16xi32, #tpu.memory_space<vmem>>
    %dma_wait3A_886 = arith.constant 0 : i32
    %dma_wait3A_887 = arith.constant 0 : i32
    %dma_wait3A_888 = tpu.memref_slice %arg2[%dma_wait3A_886, %dma_wait3A_887] : memref<8192x1024xf32, #tpu.memory_space<hbm>> -> memref<8192x1024xf32, #tpu.memory_space<hbm>>
    tpu.wait_indirect_dma semaphore(%arg10 : memref<!tpu.dma_semaphore, #tpu.memory_space<semaphore_mem>>) src(%dma_wait3A_888 : memref<8192x1024xf32, #tpu.memory_space<hbm>>) dst(%arg8 : memref<16x1024xf32, #tpu.memory_space<vmem>>)
    %add3A_889 = arith.constant 672 : i32
    %add3A_890 = arith.addi %mul3A_2, %add3A_889 : i32
    %dma_start3A_891 = arith.constant 0 : i32
    %dma_start3A_892 = tpu.memref_slice %arg4[%add3A_890, %dma_start3A_891] : memref<32768x1024xf32, #tpu.memory_space<hbm>> -> memref<16x1024xf32, #tpu.memory_space<hbm>>
    %dma_start3A_893 = arith.constant 0 : i32
    %dma_start3A_894 = tpu.memref_slice %arg4[%add3A_890, %dma_start3A_893] : memref<32768x1024xf32, #tpu.memory_space<hbm>> -> memref<16x1024xf32, #tpu.memory_space<hbm>>
    tpu.enqueue_dma source(%arg8 : memref<16x1024xf32, #tpu.memory_space<vmem>>) target(%dma_start3A_894 : memref<16x1024xf32, #tpu.memory_space<hbm>>) target_semaphore(%arg11 : memref<!tpu.dma_semaphore, #tpu.memory_space<semaphore_mem>>)
    %dma_wait3A_895 = arith.constant 0 : i32
    %dma_wait3A_896 = tpu.memref_slice %arg4[%add3A_870, %dma_wait3A_895] : memref<32768x1024xf32, #tpu.memory_space<hbm>> -> memref<16x1024xf32, #tpu.memory_space<hbm>>
    %dma_wait3A_897 = arith.constant 0 : i32
    %dma_wait3A_898 = tpu.memref_slice %arg4[%add3A_870, %dma_wait3A_897] : memref<32768x1024xf32, #tpu.memory_space<hbm>> -> memref<16x1024xf32, #tpu.memory_space<hbm>>
    tpu.wait_dma2 semaphore(%arg11 : memref<!tpu.dma_semaphore, #tpu.memory_space<semaphore_mem>>) src(%arg7 : memref<16x1024xf32, #tpu.memory_space<vmem>>) dst(%dma_wait3A_898 : memref<16x1024xf32, #tpu.memory_space<hbm>>)
    %dma_start3A_899 = arith.constant 720 : i32
    %dma_start3A_900 = tpu.memref_slice %arg5[%dma_start3A_899] : memref<1024xi32, #tpu.memory_space<vmem>> -> memref<16xi32, #tpu.memory_space<vmem>>
    %dma_start3A_901 = arith.constant 0 : i32
    %dma_start3A_902 = arith.constant 0 : i32
    %dma_start3A_903 = tpu.memref_slice %arg2[%dma_start3A_901, %dma_start3A_902] : memref<8192x1024xf32, #tpu.memory_space<hbm>> -> memref<8192x1024xf32, #tpu.memory_space<hbm>>
    tpu.enqueue_indirect_dma source(%dma_start3A_903 : memref<8192x1024xf32, #tpu.memory_space<hbm>>) target(%arg7 : memref<16x1024xf32, #tpu.memory_space<vmem>>) offsets(%dma_start3A_900 : memref<16xi32, #tpu.memory_space<vmem>>) semaphore(%arg10 : memref<!tpu.dma_semaphore, #tpu.memory_space<semaphore_mem>>)
    %dma_wait3A_904 = arith.constant 688 : i32
    %dma_wait3A_905 = tpu.memref_slice %arg5[%dma_wait3A_904] : memref<1024xi32, #tpu.memory_space<vmem>> -> memref<16xi32, #tpu.memory_space<vmem>>
    %dma_wait3A_906 = arith.constant 0 : i32
    %dma_wait3A_907 = arith.constant 0 : i32
    %dma_wait3A_908 = tpu.memref_slice %arg2[%dma_wait3A_906, %dma_wait3A_907] : memref<8192x1024xf32, #tpu.memory_space<hbm>> -> memref<8192x1024xf32, #tpu.memory_space<hbm>>
    tpu.wait_indirect_dma semaphore(%arg10 : memref<!tpu.dma_semaphore, #tpu.memory_space<semaphore_mem>>) src(%dma_wait3A_908 : memref<8192x1024xf32, #tpu.memory_space<hbm>>) dst(%arg9 : memref<16x1024xf32, #tpu.memory_space<vmem>>)
    %add3A_909 = arith.constant 688 : i32
    %add3A_910 = arith.addi %mul3A_2, %add3A_909 : i32
    %dma_start3A_911 = arith.constant 0 : i32
    %dma_start3A_912 = tpu.memref_slice %arg4[%add3A_910, %dma_start3A_911] : memref<32768x1024xf32, #tpu.memory_space<hbm>> -> memref<16x1024xf32, #tpu.memory_space<hbm>>
    %dma_start3A_913 = arith.constant 0 : i32
    %dma_start3A_914 = tpu.memref_slice %arg4[%add3A_910, %dma_start3A_913] : memref<32768x1024xf32, #tpu.memory_space<hbm>> -> memref<16x1024xf32, #tpu.memory_space<hbm>>
    tpu.enqueue_dma source(%arg9 : memref<16x1024xf32, #tpu.memory_space<vmem>>) target(%dma_start3A_914 : memref<16x1024xf32, #tpu.memory_space<hbm>>) target_semaphore(%arg11 : memref<!tpu.dma_semaphore, #tpu.memory_space<semaphore_mem>>)
    %dma_wait3A_915 = arith.constant 0 : i32
    %dma_wait3A_916 = tpu.memref_slice %arg4[%add3A_890, %dma_wait3A_915] : memref<32768x1024xf32, #tpu.memory_space<hbm>> -> memref<16x1024xf32, #tpu.memory_space<hbm>>
    %dma_wait3A_917 = arith.constant 0 : i32
    %dma_wait3A_918 = tpu.memref_slice %arg4[%add3A_890, %dma_wait3A_917] : memref<32768x1024xf32, #tpu.memory_space<hbm>> -> memref<16x1024xf32, #tpu.memory_space<hbm>>
    tpu.wait_dma2 semaphore(%arg11 : memref<!tpu.dma_semaphore, #tpu.memory_space<semaphore_mem>>) src(%arg8 : memref<16x1024xf32, #tpu.memory_space<vmem>>) dst(%dma_wait3A_918 : memref<16x1024xf32, #tpu.memory_space<hbm>>)
    %dma_start3A_919 = arith.constant 736 : i32
    %dma_start3A_920 = tpu.memref_slice %arg5[%dma_start3A_919] : memref<1024xi32, #tpu.memory_space<vmem>> -> memref<16xi32, #tpu.memory_space<vmem>>
    %dma_start3A_921 = arith.constant 0 : i32
    %dma_start3A_922 = arith.constant 0 : i32
    %dma_start3A_923 = tpu.memref_slice %arg2[%dma_start3A_921, %dma_start3A_922] : memref<8192x1024xf32, #tpu.memory_space<hbm>> -> memref<8192x1024xf32, #tpu.memory_space<hbm>>
    tpu.enqueue_indirect_dma source(%dma_start3A_923 : memref<8192x1024xf32, #tpu.memory_space<hbm>>) target(%arg8 : memref<16x1024xf32, #tpu.memory_space<vmem>>) offsets(%dma_start3A_920 : memref<16xi32, #tpu.memory_space<vmem>>) semaphore(%arg10 : memref<!tpu.dma_semaphore, #tpu.memory_space<semaphore_mem>>)
    %dma_wait3A_924 = arith.constant 704 : i32
    %dma_wait3A_925 = tpu.memref_slice %arg5[%dma_wait3A_924] : memref<1024xi32, #tpu.memory_space<vmem>> -> memref<16xi32, #tpu.memory_space<vmem>>
    %dma_wait3A_926 = arith.constant 0 : i32
    %dma_wait3A_927 = arith.constant 0 : i32
    %dma_wait3A_928 = tpu.memref_slice %arg2[%dma_wait3A_926, %dma_wait3A_927] : memref<8192x1024xf32, #tpu.memory_space<hbm>> -> memref<8192x1024xf32, #tpu.memory_space<hbm>>
    tpu.wait_indirect_dma semaphore(%arg10 : memref<!tpu.dma_semaphore, #tpu.memory_space<semaphore_mem>>) src(%dma_wait3A_928 : memref<8192x1024xf32, #tpu.memory_space<hbm>>) dst(%arg6 : memref<16x1024xf32, #tpu.memory_space<vmem>>)
    %add3A_929 = arith.constant 704 : i32
    %add3A_930 = arith.addi %mul3A_2, %add3A_929 : i32
    %dma_start3A_931 = arith.constant 0 : i32
    %dma_start3A_932 = tpu.memref_slice %arg4[%add3A_930, %dma_start3A_931] : memref<32768x1024xf32, #tpu.memory_space<hbm>> -> memref<16x1024xf32, #tpu.memory_space<hbm>>
    %dma_start3A_933 = arith.constant 0 : i32
    %dma_start3A_934 = tpu.memref_slice %arg4[%add3A_930, %dma_start3A_933] : memref<32768x1024xf32, #tpu.memory_space<hbm>> -> memref<16x1024xf32, #tpu.memory_space<hbm>>
    tpu.enqueue_dma source(%arg6 : memref<16x1024xf32, #tpu.memory_space<vmem>>) target(%dma_start3A_934 : memref<16x1024xf32, #tpu.memory_space<hbm>>) target_semaphore(%arg11 : memref<!tpu.dma_semaphore, #tpu.memory_space<semaphore_mem>>)
    %dma_wait3A_935 = arith.constant 0 : i32
    %dma_wait3A_936 = tpu.memref_slice %arg4[%add3A_910, %dma_wait3A_935] : memref<32768x1024xf32, #tpu.memory_space<hbm>> -> memref<16x1024xf32, #tpu.memory_space<hbm>>
    %dma_wait3A_937 = arith.constant 0 : i32
    %dma_wait3A_938 = tpu.memref_slice %arg4[%add3A_910, %dma_wait3A_937] : memref<32768x1024xf32, #tpu.memory_space<hbm>> -> memref<16x1024xf32, #tpu.memory_space<hbm>>
    tpu.wait_dma2 semaphore(%arg11 : memref<!tpu.dma_semaphore, #tpu.memory_space<semaphore_mem>>) src(%arg9 : memref<16x1024xf32, #tpu.memory_space<vmem>>) dst(%dma_wait3A_938 : memref<16x1024xf32, #tpu.memory_space<hbm>>)
    %dma_start3A_939 = arith.constant 752 : i32
    %dma_start3A_940 = tpu.memref_slice %arg5[%dma_start3A_939] : memref<1024xi32, #tpu.memory_space<vmem>> -> memref<16xi32, #tpu.memory_space<vmem>>
    %dma_start3A_941 = arith.constant 0 : i32
    %dma_start3A_942 = arith.constant 0 : i32
    %dma_start3A_943 = tpu.memref_slice %arg2[%dma_start3A_941, %dma_start3A_942] : memref<8192x1024xf32, #tpu.memory_space<hbm>> -> memref<8192x1024xf32, #tpu.memory_space<hbm>>
    tpu.enqueue_indirect_dma source(%dma_start3A_943 : memref<8192x1024xf32, #tpu.memory_space<hbm>>) target(%arg9 : memref<16x1024xf32, #tpu.memory_space<vmem>>) offsets(%dma_start3A_940 : memref<16xi32, #tpu.memory_space<vmem>>) semaphore(%arg10 : memref<!tpu.dma_semaphore, #tpu.memory_space<semaphore_mem>>)
    %dma_wait3A_944 = arith.constant 720 : i32
    %dma_wait3A_945 = tpu.memref_slice %arg5[%dma_wait3A_944] : memref<1024xi32, #tpu.memory_space<vmem>> -> memref<16xi32, #tpu.memory_space<vmem>>
    %dma_wait3A_946 = arith.constant 0 : i32
    %dma_wait3A_947 = arith.constant 0 : i32
    %dma_wait3A_948 = tpu.memref_slice %arg2[%dma_wait3A_946, %dma_wait3A_947] : memref<8192x1024xf32, #tpu.memory_space<hbm>> -> memref<8192x1024xf32, #tpu.memory_space<hbm>>
    tpu.wait_indirect_dma semaphore(%arg10 : memref<!tpu.dma_semaphore, #tpu.memory_space<semaphore_mem>>) src(%dma_wait3A_948 : memref<8192x1024xf32, #tpu.memory_space<hbm>>) dst(%arg7 : memref<16x1024xf32, #tpu.memory_space<vmem>>)
    %add3A_949 = arith.constant 720 : i32
    %add3A_950 = arith.addi %mul3A_2, %add3A_949 : i32
    %dma_start3A_951 = arith.constant 0 : i32
    %dma_start3A_952 = tpu.memref_slice %arg4[%add3A_950, %dma_start3A_951] : memref<32768x1024xf32, #tpu.memory_space<hbm>> -> memref<16x1024xf32, #tpu.memory_space<hbm>>
    %dma_start3A_953 = arith.constant 0 : i32
    %dma_start3A_954 = tpu.memref_slice %arg4[%add3A_950, %dma_start3A_953] : memref<32768x1024xf32, #tpu.memory_space<hbm>> -> memref<16x1024xf32, #tpu.memory_space<hbm>>
    tpu.enqueue_dma source(%arg7 : memref<16x1024xf32, #tpu.memory_space<vmem>>) target(%dma_start3A_954 : memref<16x1024xf32, #tpu.memory_space<hbm>>) target_semaphore(%arg11 : memref<!tpu.dma_semaphore, #tpu.memory_space<semaphore_mem>>)
    %dma_wait3A_955 = arith.constant 0 : i32
    %dma_wait3A_956 = tpu.memref_slice %arg4[%add3A_930, %dma_wait3A_955] : memref<32768x1024xf32, #tpu.memory_space<hbm>> -> memref<16x1024xf32, #tpu.memory_space<hbm>>
    %dma_wait3A_957 = arith.constant 0 : i32
    %dma_wait3A_958 = tpu.memref_slice %arg4[%add3A_930, %dma_wait3A_957] : memref<32768x1024xf32, #tpu.memory_space<hbm>> -> memref<16x1024xf32, #tpu.memory_space<hbm>>
    tpu.wait_dma2 semaphore(%arg11 : memref<!tpu.dma_semaphore, #tpu.memory_space<semaphore_mem>>) src(%arg6 : memref<16x1024xf32, #tpu.memory_space<vmem>>) dst(%dma_wait3A_958 : memref<16x1024xf32, #tpu.memory_space<hbm>>)
    %dma_start3A_959 = arith.constant 768 : i32
    %dma_start3A_960 = tpu.memref_slice %arg5[%dma_start3A_959] : memref<1024xi32, #tpu.memory_space<vmem>> -> memref<16xi32, #tpu.memory_space<vmem>>
    %dma_start3A_961 = arith.constant 0 : i32
    %dma_start3A_962 = arith.constant 0 : i32
    %dma_start3A_963 = tpu.memref_slice %arg2[%dma_start3A_961, %dma_start3A_962] : memref<8192x1024xf32, #tpu.memory_space<hbm>> -> memref<8192x1024xf32, #tpu.memory_space<hbm>>
    tpu.enqueue_indirect_dma source(%dma_start3A_963 : memref<8192x1024xf32, #tpu.memory_space<hbm>>) target(%arg6 : memref<16x1024xf32, #tpu.memory_space<vmem>>) offsets(%dma_start3A_960 : memref<16xi32, #tpu.memory_space<vmem>>) semaphore(%arg10 : memref<!tpu.dma_semaphore, #tpu.memory_space<semaphore_mem>>)
    %dma_wait3A_964 = arith.constant 736 : i32
    %dma_wait3A_965 = tpu.memref_slice %arg5[%dma_wait3A_964] : memref<1024xi32, #tpu.memory_space<vmem>> -> memref<16xi32, #tpu.memory_space<vmem>>
    %dma_wait3A_966 = arith.constant 0 : i32
    %dma_wait3A_967 = arith.constant 0 : i32
    %dma_wait3A_968 = tpu.memref_slice %arg2[%dma_wait3A_966, %dma_wait3A_967] : memref<8192x1024xf32, #tpu.memory_space<hbm>> -> memref<8192x1024xf32, #tpu.memory_space<hbm>>
    tpu.wait_indirect_dma semaphore(%arg10 : memref<!tpu.dma_semaphore, #tpu.memory_space<semaphore_mem>>) src(%dma_wait3A_968 : memref<8192x1024xf32, #tpu.memory_space<hbm>>) dst(%arg8 : memref<16x1024xf32, #tpu.memory_space<vmem>>)
    %add3A_969 = arith.constant 736 : i32
    %add3A_970 = arith.addi %mul3A_2, %add3A_969 : i32
    %dma_start3A_971 = arith.constant 0 : i32
    %dma_start3A_972 = tpu.memref_slice %arg4[%add3A_970, %dma_start3A_971] : memref<32768x1024xf32, #tpu.memory_space<hbm>> -> memref<16x1024xf32, #tpu.memory_space<hbm>>
    %dma_start3A_973 = arith.constant 0 : i32
    %dma_start3A_974 = tpu.memref_slice %arg4[%add3A_970, %dma_start3A_973] : memref<32768x1024xf32, #tpu.memory_space<hbm>> -> memref<16x1024xf32, #tpu.memory_space<hbm>>
    tpu.enqueue_dma source(%arg8 : memref<16x1024xf32, #tpu.memory_space<vmem>>) target(%dma_start3A_974 : memref<16x1024xf32, #tpu.memory_space<hbm>>) target_semaphore(%arg11 : memref<!tpu.dma_semaphore, #tpu.memory_space<semaphore_mem>>)
    %dma_wait3A_975 = arith.constant 0 : i32
    %dma_wait3A_976 = tpu.memref_slice %arg4[%add3A_950, %dma_wait3A_975] : memref<32768x1024xf32, #tpu.memory_space<hbm>> -> memref<16x1024xf32, #tpu.memory_space<hbm>>
    %dma_wait3A_977 = arith.constant 0 : i32
    %dma_wait3A_978 = tpu.memref_slice %arg4[%add3A_950, %dma_wait3A_977] : memref<32768x1024xf32, #tpu.memory_space<hbm>> -> memref<16x1024xf32, #tpu.memory_space<hbm>>
    tpu.wait_dma2 semaphore(%arg11 : memref<!tpu.dma_semaphore, #tpu.memory_space<semaphore_mem>>) src(%arg7 : memref<16x1024xf32, #tpu.memory_space<vmem>>) dst(%dma_wait3A_978 : memref<16x1024xf32, #tpu.memory_space<hbm>>)
    %dma_start3A_979 = arith.constant 784 : i32
    %dma_start3A_980 = tpu.memref_slice %arg5[%dma_start3A_979] : memref<1024xi32, #tpu.memory_space<vmem>> -> memref<16xi32, #tpu.memory_space<vmem>>
    %dma_start3A_981 = arith.constant 0 : i32
    %dma_start3A_982 = arith.constant 0 : i32
    %dma_start3A_983 = tpu.memref_slice %arg2[%dma_start3A_981, %dma_start3A_982] : memref<8192x1024xf32, #tpu.memory_space<hbm>> -> memref<8192x1024xf32, #tpu.memory_space<hbm>>
    tpu.enqueue_indirect_dma source(%dma_start3A_983 : memref<8192x1024xf32, #tpu.memory_space<hbm>>) target(%arg7 : memref<16x1024xf32, #tpu.memory_space<vmem>>) offsets(%dma_start3A_980 : memref<16xi32, #tpu.memory_space<vmem>>) semaphore(%arg10 : memref<!tpu.dma_semaphore, #tpu.memory_space<semaphore_mem>>)
    %dma_wait3A_984 = arith.constant 752 : i32
    %dma_wait3A_985 = tpu.memref_slice %arg5[%dma_wait3A_984] : memref<1024xi32, #tpu.memory_space<vmem>> -> memref<16xi32, #tpu.memory_space<vmem>>
    %dma_wait3A_986 = arith.constant 0 : i32
    %dma_wait3A_987 = arith.constant 0 : i32
    %dma_wait3A_988 = tpu.memref_slice %arg2[%dma_wait3A_986, %dma_wait3A_987] : memref<8192x1024xf32, #tpu.memory_space<hbm>> -> memref<8192x1024xf32, #tpu.memory_space<hbm>>
    tpu.wait_indirect_dma semaphore(%arg10 : memref<!tpu.dma_semaphore, #tpu.memory_space<semaphore_mem>>) src(%dma_wait3A_988 : memref<8192x1024xf32, #tpu.memory_space<hbm>>) dst(%arg9 : memref<16x1024xf32, #tpu.memory_space<vmem>>)
    %add3A_989 = arith.constant 752 : i32
    %add3A_990 = arith.addi %mul3A_2, %add3A_989 : i32
    %dma_start3A_991 = arith.constant 0 : i32
    %dma_start3A_992 = tpu.memref_slice %arg4[%add3A_990, %dma_start3A_991] : memref<32768x1024xf32, #tpu.memory_space<hbm>> -> memref<16x1024xf32, #tpu.memory_space<hbm>>
    %dma_start3A_993 = arith.constant 0 : i32
    %dma_start3A_994 = tpu.memref_slice %arg4[%add3A_990, %dma_start3A_993] : memref<32768x1024xf32, #tpu.memory_space<hbm>> -> memref<16x1024xf32, #tpu.memory_space<hbm>>
    tpu.enqueue_dma source(%arg9 : memref<16x1024xf32, #tpu.memory_space<vmem>>) target(%dma_start3A_994 : memref<16x1024xf32, #tpu.memory_space<hbm>>) target_semaphore(%arg11 : memref<!tpu.dma_semaphore, #tpu.memory_space<semaphore_mem>>)
    %dma_wait3A_995 = arith.constant 0 : i32
    %dma_wait3A_996 = tpu.memref_slice %arg4[%add3A_970, %dma_wait3A_995] : memref<32768x1024xf32, #tpu.memory_space<hbm>> -> memref<16x1024xf32, #tpu.memory_space<hbm>>
    %dma_wait3A_997 = arith.constant 0 : i32
    %dma_wait3A_998 = tpu.memref_slice %arg4[%add3A_970, %dma_wait3A_997] : memref<32768x1024xf32, #tpu.memory_space<hbm>> -> memref<16x1024xf32, #tpu.memory_space<hbm>>
    tpu.wait_dma2 semaphore(%arg11 : memref<!tpu.dma_semaphore, #tpu.memory_space<semaphore_mem>>) src(%arg8 : memref<16x1024xf32, #tpu.memory_space<vmem>>) dst(%dma_wait3A_998 : memref<16x1024xf32, #tpu.memory_space<hbm>>)
    %dma_start3A_999 = arith.constant 800 : i32
    %dma_start3A_1000 = tpu.memref_slice %arg5[%dma_start3A_999] : memref<1024xi32, #tpu.memory_space<vmem>> -> memref<16xi32, #tpu.memory_space<vmem>>
    %dma_start3A_1001 = arith.constant 0 : i32
    %dma_start3A_1002 = arith.constant 0 : i32
    %dma_start3A_1003 = tpu.memref_slice %arg2[%dma_start3A_1001, %dma_start3A_1002] : memref<8192x1024xf32, #tpu.memory_space<hbm>> -> memref<8192x1024xf32, #tpu.memory_space<hbm>>
    tpu.enqueue_indirect_dma source(%dma_start3A_1003 : memref<8192x1024xf32, #tpu.memory_space<hbm>>) target(%arg8 : memref<16x1024xf32, #tpu.memory_space<vmem>>) offsets(%dma_start3A_1000 : memref<16xi32, #tpu.memory_space<vmem>>) semaphore(%arg10 : memref<!tpu.dma_semaphore, #tpu.memory_space<semaphore_mem>>)
    %dma_wait3A_1004 = arith.constant 768 : i32
    %dma_wait3A_1005 = tpu.memref_slice %arg5[%dma_wait3A_1004] : memref<1024xi32, #tpu.memory_space<vmem>> -> memref<16xi32, #tpu.memory_space<vmem>>
    %dma_wait3A_1006 = arith.constant 0 : i32
    %dma_wait3A_1007 = arith.constant 0 : i32
    %dma_wait3A_1008 = tpu.memref_slice %arg2[%dma_wait3A_1006, %dma_wait3A_1007] : memref<8192x1024xf32, #tpu.memory_space<hbm>> -> memref<8192x1024xf32, #tpu.memory_space<hbm>>
    tpu.wait_indirect_dma semaphore(%arg10 : memref<!tpu.dma_semaphore, #tpu.memory_space<semaphore_mem>>) src(%dma_wait3A_1008 : memref<8192x1024xf32, #tpu.memory_space<hbm>>) dst(%arg6 : memref<16x1024xf32, #tpu.memory_space<vmem>>)
    %add3A_1009 = arith.constant 768 : i32
    %add3A_1010 = arith.addi %mul3A_2, %add3A_1009 : i32
    %dma_start3A_1011 = arith.constant 0 : i32
    %dma_start3A_1012 = tpu.memref_slice %arg4[%add3A_1010, %dma_start3A_1011] : memref<32768x1024xf32, #tpu.memory_space<hbm>> -> memref<16x1024xf32, #tpu.memory_space<hbm>>
    %dma_start3A_1013 = arith.constant 0 : i32
    %dma_start3A_1014 = tpu.memref_slice %arg4[%add3A_1010, %dma_start3A_1013] : memref<32768x1024xf32, #tpu.memory_space<hbm>> -> memref<16x1024xf32, #tpu.memory_space<hbm>>
    tpu.enqueue_dma source(%arg6 : memref<16x1024xf32, #tpu.memory_space<vmem>>) target(%dma_start3A_1014 : memref<16x1024xf32, #tpu.memory_space<hbm>>) target_semaphore(%arg11 : memref<!tpu.dma_semaphore, #tpu.memory_space<semaphore_mem>>)
    %dma_wait3A_1015 = arith.constant 0 : i32
    %dma_wait3A_1016 = tpu.memref_slice %arg4[%add3A_990, %dma_wait3A_1015] : memref<32768x1024xf32, #tpu.memory_space<hbm>> -> memref<16x1024xf32, #tpu.memory_space<hbm>>
    %dma_wait3A_1017 = arith.constant 0 : i32
    %dma_wait3A_1018 = tpu.memref_slice %arg4[%add3A_990, %dma_wait3A_1017] : memref<32768x1024xf32, #tpu.memory_space<hbm>> -> memref<16x1024xf32, #tpu.memory_space<hbm>>
    tpu.wait_dma2 semaphore(%arg11 : memref<!tpu.dma_semaphore, #tpu.memory_space<semaphore_mem>>) src(%arg9 : memref<16x1024xf32, #tpu.memory_space<vmem>>) dst(%dma_wait3A_1018 : memref<16x1024xf32, #tpu.memory_space<hbm>>)
    %dma_start3A_1019 = arith.constant 816 : i32
    %dma_start3A_1020 = tpu.memref_slice %arg5[%dma_start3A_1019] : memref<1024xi32, #tpu.memory_space<vmem>> -> memref<16xi32, #tpu.memory_space<vmem>>
    %dma_start3A_1021 = arith.constant 0 : i32
    %dma_start3A_1022 = arith.constant 0 : i32
    %dma_start3A_1023 = tpu.memref_slice %arg2[%dma_start3A_1021, %dma_start3A_1022] : memref<8192x1024xf32, #tpu.memory_space<hbm>> -> memref<8192x1024xf32, #tpu.memory_space<hbm>>
    tpu.enqueue_indirect_dma source(%dma_start3A_1023 : memref<8192x1024xf32, #tpu.memory_space<hbm>>) target(%arg9 : memref<16x1024xf32, #tpu.memory_space<vmem>>) offsets(%dma_start3A_1020 : memref<16xi32, #tpu.memory_space<vmem>>) semaphore(%arg10 : memref<!tpu.dma_semaphore, #tpu.memory_space<semaphore_mem>>)
    %dma_wait3A_1024 = arith.constant 784 : i32
    %dma_wait3A_1025 = tpu.memref_slice %arg5[%dma_wait3A_1024] : memref<1024xi32, #tpu.memory_space<vmem>> -> memref<16xi32, #tpu.memory_space<vmem>>
    %dma_wait3A_1026 = arith.constant 0 : i32
    %dma_wait3A_1027 = arith.constant 0 : i32
    %dma_wait3A_1028 = tpu.memref_slice %arg2[%dma_wait3A_1026, %dma_wait3A_1027] : memref<8192x1024xf32, #tpu.memory_space<hbm>> -> memref<8192x1024xf32, #tpu.memory_space<hbm>>
    tpu.wait_indirect_dma semaphore(%arg10 : memref<!tpu.dma_semaphore, #tpu.memory_space<semaphore_mem>>) src(%dma_wait3A_1028 : memref<8192x1024xf32, #tpu.memory_space<hbm>>) dst(%arg7 : memref<16x1024xf32, #tpu.memory_space<vmem>>)
    %add3A_1029 = arith.constant 784 : i32
    %add3A_1030 = arith.addi %mul3A_2, %add3A_1029 : i32
    %dma_start3A_1031 = arith.constant 0 : i32
    %dma_start3A_1032 = tpu.memref_slice %arg4[%add3A_1030, %dma_start3A_1031] : memref<32768x1024xf32, #tpu.memory_space<hbm>> -> memref<16x1024xf32, #tpu.memory_space<hbm>>
    %dma_start3A_1033 = arith.constant 0 : i32
    %dma_start3A_1034 = tpu.memref_slice %arg4[%add3A_1030, %dma_start3A_1033] : memref<32768x1024xf32, #tpu.memory_space<hbm>> -> memref<16x1024xf32, #tpu.memory_space<hbm>>
    tpu.enqueue_dma source(%arg7 : memref<16x1024xf32, #tpu.memory_space<vmem>>) target(%dma_start3A_1034 : memref<16x1024xf32, #tpu.memory_space<hbm>>) target_semaphore(%arg11 : memref<!tpu.dma_semaphore, #tpu.memory_space<semaphore_mem>>)
    %dma_wait3A_1035 = arith.constant 0 : i32
    %dma_wait3A_1036 = tpu.memref_slice %arg4[%add3A_1010, %dma_wait3A_1035] : memref<32768x1024xf32, #tpu.memory_space<hbm>> -> memref<16x1024xf32, #tpu.memory_space<hbm>>
    %dma_wait3A_1037 = arith.constant 0 : i32
    %dma_wait3A_1038 = tpu.memref_slice %arg4[%add3A_1010, %dma_wait3A_1037] : memref<32768x1024xf32, #tpu.memory_space<hbm>> -> memref<16x1024xf32, #tpu.memory_space<hbm>>
    tpu.wait_dma2 semaphore(%arg11 : memref<!tpu.dma_semaphore, #tpu.memory_space<semaphore_mem>>) src(%arg6 : memref<16x1024xf32, #tpu.memory_space<vmem>>) dst(%dma_wait3A_1038 : memref<16x1024xf32, #tpu.memory_space<hbm>>)
    %dma_start3A_1039 = arith.constant 832 : i32
    %dma_start3A_1040 = tpu.memref_slice %arg5[%dma_start3A_1039] : memref<1024xi32, #tpu.memory_space<vmem>> -> memref<16xi32, #tpu.memory_space<vmem>>
    %dma_start3A_1041 = arith.constant 0 : i32
    %dma_start3A_1042 = arith.constant 0 : i32
    %dma_start3A_1043 = tpu.memref_slice %arg2[%dma_start3A_1041, %dma_start3A_1042] : memref<8192x1024xf32, #tpu.memory_space<hbm>> -> memref<8192x1024xf32, #tpu.memory_space<hbm>>
    tpu.enqueue_indirect_dma source(%dma_start3A_1043 : memref<8192x1024xf32, #tpu.memory_space<hbm>>) target(%arg6 : memref<16x1024xf32, #tpu.memory_space<vmem>>) offsets(%dma_start3A_1040 : memref<16xi32, #tpu.memory_space<vmem>>) semaphore(%arg10 : memref<!tpu.dma_semaphore, #tpu.memory_space<semaphore_mem>>)
    %dma_wait3A_1044 = arith.constant 800 : i32
    %dma_wait3A_1045 = tpu.memref_slice %arg5[%dma_wait3A_1044] : memref<1024xi32, #tpu.memory_space<vmem>> -> memref<16xi32, #tpu.memory_space<vmem>>
    %dma_wait3A_1046 = arith.constant 0 : i32
    %dma_wait3A_1047 = arith.constant 0 : i32
    %dma_wait3A_1048 = tpu.memref_slice %arg2[%dma_wait3A_1046, %dma_wait3A_1047] : memref<8192x1024xf32, #tpu.memory_space<hbm>> -> memref<8192x1024xf32, #tpu.memory_space<hbm>>
    tpu.wait_indirect_dma semaphore(%arg10 : memref<!tpu.dma_semaphore, #tpu.memory_space<semaphore_mem>>) src(%dma_wait3A_1048 : memref<8192x1024xf32, #tpu.memory_space<hbm>>) dst(%arg8 : memref<16x1024xf32, #tpu.memory_space<vmem>>)
    %add3A_1049 = arith.constant 800 : i32
    %add3A_1050 = arith.addi %mul3A_2, %add3A_1049 : i32
    %dma_start3A_1051 = arith.constant 0 : i32
    %dma_start3A_1052 = tpu.memref_slice %arg4[%add3A_1050, %dma_start3A_1051] : memref<32768x1024xf32, #tpu.memory_space<hbm>> -> memref<16x1024xf32, #tpu.memory_space<hbm>>
    %dma_start3A_1053 = arith.constant 0 : i32
    %dma_start3A_1054 = tpu.memref_slice %arg4[%add3A_1050, %dma_start3A_1053] : memref<32768x1024xf32, #tpu.memory_space<hbm>> -> memref<16x1024xf32, #tpu.memory_space<hbm>>
    tpu.enqueue_dma source(%arg8 : memref<16x1024xf32, #tpu.memory_space<vmem>>) target(%dma_start3A_1054 : memref<16x1024xf32, #tpu.memory_space<hbm>>) target_semaphore(%arg11 : memref<!tpu.dma_semaphore, #tpu.memory_space<semaphore_mem>>)
    %dma_wait3A_1055 = arith.constant 0 : i32
    %dma_wait3A_1056 = tpu.memref_slice %arg4[%add3A_1030, %dma_wait3A_1055] : memref<32768x1024xf32, #tpu.memory_space<hbm>> -> memref<16x1024xf32, #tpu.memory_space<hbm>>
    %dma_wait3A_1057 = arith.constant 0 : i32
    %dma_wait3A_1058 = tpu.memref_slice %arg4[%add3A_1030, %dma_wait3A_1057] : memref<32768x1024xf32, #tpu.memory_space<hbm>> -> memref<16x1024xf32, #tpu.memory_space<hbm>>
    tpu.wait_dma2 semaphore(%arg11 : memref<!tpu.dma_semaphore, #tpu.memory_space<semaphore_mem>>) src(%arg7 : memref<16x1024xf32, #tpu.memory_space<vmem>>) dst(%dma_wait3A_1058 : memref<16x1024xf32, #tpu.memory_space<hbm>>)
    %dma_start3A_1059 = arith.constant 848 : i32
    %dma_start3A_1060 = tpu.memref_slice %arg5[%dma_start3A_1059] : memref<1024xi32, #tpu.memory_space<vmem>> -> memref<16xi32, #tpu.memory_space<vmem>>
    %dma_start3A_1061 = arith.constant 0 : i32
    %dma_start3A_1062 = arith.constant 0 : i32
    %dma_start3A_1063 = tpu.memref_slice %arg2[%dma_start3A_1061, %dma_start3A_1062] : memref<8192x1024xf32, #tpu.memory_space<hbm>> -> memref<8192x1024xf32, #tpu.memory_space<hbm>>
    tpu.enqueue_indirect_dma source(%dma_start3A_1063 : memref<8192x1024xf32, #tpu.memory_space<hbm>>) target(%arg7 : memref<16x1024xf32, #tpu.memory_space<vmem>>) offsets(%dma_start3A_1060 : memref<16xi32, #tpu.memory_space<vmem>>) semaphore(%arg10 : memref<!tpu.dma_semaphore, #tpu.memory_space<semaphore_mem>>)
    %dma_wait3A_1064 = arith.constant 816 : i32
    %dma_wait3A_1065 = tpu.memref_slice %arg5[%dma_wait3A_1064] : memref<1024xi32, #tpu.memory_space<vmem>> -> memref<16xi32, #tpu.memory_space<vmem>>
    %dma_wait3A_1066 = arith.constant 0 : i32
    %dma_wait3A_1067 = arith.constant 0 : i32
    %dma_wait3A_1068 = tpu.memref_slice %arg2[%dma_wait3A_1066, %dma_wait3A_1067] : memref<8192x1024xf32, #tpu.memory_space<hbm>> -> memref<8192x1024xf32, #tpu.memory_space<hbm>>
    tpu.wait_indirect_dma semaphore(%arg10 : memref<!tpu.dma_semaphore, #tpu.memory_space<semaphore_mem>>) src(%dma_wait3A_1068 : memref<8192x1024xf32, #tpu.memory_space<hbm>>) dst(%arg9 : memref<16x1024xf32, #tpu.memory_space<vmem>>)
    %add3A_1069 = arith.constant 816 : i32
    %add3A_1070 = arith.addi %mul3A_2, %add3A_1069 : i32
    %dma_start3A_1071 = arith.constant 0 : i32
    %dma_start3A_1072 = tpu.memref_slice %arg4[%add3A_1070, %dma_start3A_1071] : memref<32768x1024xf32, #tpu.memory_space<hbm>> -> memref<16x1024xf32, #tpu.memory_space<hbm>>
    %dma_start3A_1073 = arith.constant 0 : i32
    %dma_start3A_1074 = tpu.memref_slice %arg4[%add3A_1070, %dma_start3A_1073] : memref<32768x1024xf32, #tpu.memory_space<hbm>> -> memref<16x1024xf32, #tpu.memory_space<hbm>>
    tpu.enqueue_dma source(%arg9 : memref<16x1024xf32, #tpu.memory_space<vmem>>) target(%dma_start3A_1074 : memref<16x1024xf32, #tpu.memory_space<hbm>>) target_semaphore(%arg11 : memref<!tpu.dma_semaphore, #tpu.memory_space<semaphore_mem>>)
    %dma_wait3A_1075 = arith.constant 0 : i32
    %dma_wait3A_1076 = tpu.memref_slice %arg4[%add3A_1050, %dma_wait3A_1075] : memref<32768x1024xf32, #tpu.memory_space<hbm>> -> memref<16x1024xf32, #tpu.memory_space<hbm>>
    %dma_wait3A_1077 = arith.constant 0 : i32
    %dma_wait3A_1078 = tpu.memref_slice %arg4[%add3A_1050, %dma_wait3A_1077] : memref<32768x1024xf32, #tpu.memory_space<hbm>> -> memref<16x1024xf32, #tpu.memory_space<hbm>>
    tpu.wait_dma2 semaphore(%arg11 : memref<!tpu.dma_semaphore, #tpu.memory_space<semaphore_mem>>) src(%arg8 : memref<16x1024xf32, #tpu.memory_space<vmem>>) dst(%dma_wait3A_1078 : memref<16x1024xf32, #tpu.memory_space<hbm>>)
    %dma_start3A_1079 = arith.constant 864 : i32
    %dma_start3A_1080 = tpu.memref_slice %arg5[%dma_start3A_1079] : memref<1024xi32, #tpu.memory_space<vmem>> -> memref<16xi32, #tpu.memory_space<vmem>>
    %dma_start3A_1081 = arith.constant 0 : i32
    %dma_start3A_1082 = arith.constant 0 : i32
    %dma_start3A_1083 = tpu.memref_slice %arg2[%dma_start3A_1081, %dma_start3A_1082] : memref<8192x1024xf32, #tpu.memory_space<hbm>> -> memref<8192x1024xf32, #tpu.memory_space<hbm>>
    tpu.enqueue_indirect_dma source(%dma_start3A_1083 : memref<8192x1024xf32, #tpu.memory_space<hbm>>) target(%arg8 : memref<16x1024xf32, #tpu.memory_space<vmem>>) offsets(%dma_start3A_1080 : memref<16xi32, #tpu.memory_space<vmem>>) semaphore(%arg10 : memref<!tpu.dma_semaphore, #tpu.memory_space<semaphore_mem>>)
    %dma_wait3A_1084 = arith.constant 832 : i32
    %dma_wait3A_1085 = tpu.memref_slice %arg5[%dma_wait3A_1084] : memref<1024xi32, #tpu.memory_space<vmem>> -> memref<16xi32, #tpu.memory_space<vmem>>
    %dma_wait3A_1086 = arith.constant 0 : i32
    %dma_wait3A_1087 = arith.constant 0 : i32
    %dma_wait3A_1088 = tpu.memref_slice %arg2[%dma_wait3A_1086, %dma_wait3A_1087] : memref<8192x1024xf32, #tpu.memory_space<hbm>> -> memref<8192x1024xf32, #tpu.memory_space<hbm>>
    tpu.wait_indirect_dma semaphore(%arg10 : memref<!tpu.dma_semaphore, #tpu.memory_space<semaphore_mem>>) src(%dma_wait3A_1088 : memref<8192x1024xf32, #tpu.memory_space<hbm>>) dst(%arg6 : memref<16x1024xf32, #tpu.memory_space<vmem>>)
    %add3A_1089 = arith.constant 832 : i32
    %add3A_1090 = arith.addi %mul3A_2, %add3A_1089 : i32
    %dma_start3A_1091 = arith.constant 0 : i32
    %dma_start3A_1092 = tpu.memref_slice %arg4[%add3A_1090, %dma_start3A_1091] : memref<32768x1024xf32, #tpu.memory_space<hbm>> -> memref<16x1024xf32, #tpu.memory_space<hbm>>
    %dma_start3A_1093 = arith.constant 0 : i32
    %dma_start3A_1094 = tpu.memref_slice %arg4[%add3A_1090, %dma_start3A_1093] : memref<32768x1024xf32, #tpu.memory_space<hbm>> -> memref<16x1024xf32, #tpu.memory_space<hbm>>
    tpu.enqueue_dma source(%arg6 : memref<16x1024xf32, #tpu.memory_space<vmem>>) target(%dma_start3A_1094 : memref<16x1024xf32, #tpu.memory_space<hbm>>) target_semaphore(%arg11 : memref<!tpu.dma_semaphore, #tpu.memory_space<semaphore_mem>>)
    %dma_wait3A_1095 = arith.constant 0 : i32
    %dma_wait3A_1096 = tpu.memref_slice %arg4[%add3A_1070, %dma_wait3A_1095] : memref<32768x1024xf32, #tpu.memory_space<hbm>> -> memref<16x1024xf32, #tpu.memory_space<hbm>>
    %dma_wait3A_1097 = arith.constant 0 : i32
    %dma_wait3A_1098 = tpu.memref_slice %arg4[%add3A_1070, %dma_wait3A_1097] : memref<32768x1024xf32, #tpu.memory_space<hbm>> -> memref<16x1024xf32, #tpu.memory_space<hbm>>
    tpu.wait_dma2 semaphore(%arg11 : memref<!tpu.dma_semaphore, #tpu.memory_space<semaphore_mem>>) src(%arg9 : memref<16x1024xf32, #tpu.memory_space<vmem>>) dst(%dma_wait3A_1098 : memref<16x1024xf32, #tpu.memory_space<hbm>>)
    %dma_start3A_1099 = arith.constant 880 : i32
    %dma_start3A_1100 = tpu.memref_slice %arg5[%dma_start3A_1099] : memref<1024xi32, #tpu.memory_space<vmem>> -> memref<16xi32, #tpu.memory_space<vmem>>
    %dma_start3A_1101 = arith.constant 0 : i32
    %dma_start3A_1102 = arith.constant 0 : i32
    %dma_start3A_1103 = tpu.memref_slice %arg2[%dma_start3A_1101, %dma_start3A_1102] : memref<8192x1024xf32, #tpu.memory_space<hbm>> -> memref<8192x1024xf32, #tpu.memory_space<hbm>>
    tpu.enqueue_indirect_dma source(%dma_start3A_1103 : memref<8192x1024xf32, #tpu.memory_space<hbm>>) target(%arg9 : memref<16x1024xf32, #tpu.memory_space<vmem>>) offsets(%dma_start3A_1100 : memref<16xi32, #tpu.memory_space<vmem>>) semaphore(%arg10 : memref<!tpu.dma_semaphore, #tpu.memory_space<semaphore_mem>>)
    %dma_wait3A_1104 = arith.constant 848 : i32
    %dma_wait3A_1105 = tpu.memref_slice %arg5[%dma_wait3A_1104] : memref<1024xi32, #tpu.memory_space<vmem>> -> memref<16xi32, #tpu.memory_space<vmem>>
    %dma_wait3A_1106 = arith.constant 0 : i32
    %dma_wait3A_1107 = arith.constant 0 : i32
    %dma_wait3A_1108 = tpu.memref_slice %arg2[%dma_wait3A_1106, %dma_wait3A_1107] : memref<8192x1024xf32, #tpu.memory_space<hbm>> -> memref<8192x1024xf32, #tpu.memory_space<hbm>>
    tpu.wait_indirect_dma semaphore(%arg10 : memref<!tpu.dma_semaphore, #tpu.memory_space<semaphore_mem>>) src(%dma_wait3A_1108 : memref<8192x1024xf32, #tpu.memory_space<hbm>>) dst(%arg7 : memref<16x1024xf32, #tpu.memory_space<vmem>>)
    %add3A_1109 = arith.constant 848 : i32
    %add3A_1110 = arith.addi %mul3A_2, %add3A_1109 : i32
    %dma_start3A_1111 = arith.constant 0 : i32
    %dma_start3A_1112 = tpu.memref_slice %arg4[%add3A_1110, %dma_start3A_1111] : memref<32768x1024xf32, #tpu.memory_space<hbm>> -> memref<16x1024xf32, #tpu.memory_space<hbm>>
    %dma_start3A_1113 = arith.constant 0 : i32
    %dma_start3A_1114 = tpu.memref_slice %arg4[%add3A_1110, %dma_start3A_1113] : memref<32768x1024xf32, #tpu.memory_space<hbm>> -> memref<16x1024xf32, #tpu.memory_space<hbm>>
    tpu.enqueue_dma source(%arg7 : memref<16x1024xf32, #tpu.memory_space<vmem>>) target(%dma_start3A_1114 : memref<16x1024xf32, #tpu.memory_space<hbm>>) target_semaphore(%arg11 : memref<!tpu.dma_semaphore, #tpu.memory_space<semaphore_mem>>)
    %dma_wait3A_1115 = arith.constant 0 : i32
    %dma_wait3A_1116 = tpu.memref_slice %arg4[%add3A_1090, %dma_wait3A_1115] : memref<32768x1024xf32, #tpu.memory_space<hbm>> -> memref<16x1024xf32, #tpu.memory_space<hbm>>
    %dma_wait3A_1117 = arith.constant 0 : i32
    %dma_wait3A_1118 = tpu.memref_slice %arg4[%add3A_1090, %dma_wait3A_1117] : memref<32768x1024xf32, #tpu.memory_space<hbm>> -> memref<16x1024xf32, #tpu.memory_space<hbm>>
    tpu.wait_dma2 semaphore(%arg11 : memref<!tpu.dma_semaphore, #tpu.memory_space<semaphore_mem>>) src(%arg6 : memref<16x1024xf32, #tpu.memory_space<vmem>>) dst(%dma_wait3A_1118 : memref<16x1024xf32, #tpu.memory_space<hbm>>)
    %dma_start3A_1119 = arith.constant 896 : i32
    %dma_start3A_1120 = tpu.memref_slice %arg5[%dma_start3A_1119] : memref<1024xi32, #tpu.memory_space<vmem>> -> memref<16xi32, #tpu.memory_space<vmem>>
    %dma_start3A_1121 = arith.constant 0 : i32
    %dma_start3A_1122 = arith.constant 0 : i32
    %dma_start3A_1123 = tpu.memref_slice %arg2[%dma_start3A_1121, %dma_start3A_1122] : memref<8192x1024xf32, #tpu.memory_space<hbm>> -> memref<8192x1024xf32, #tpu.memory_space<hbm>>
    tpu.enqueue_indirect_dma source(%dma_start3A_1123 : memref<8192x1024xf32, #tpu.memory_space<hbm>>) target(%arg6 : memref<16x1024xf32, #tpu.memory_space<vmem>>) offsets(%dma_start3A_1120 : memref<16xi32, #tpu.memory_space<vmem>>) semaphore(%arg10 : memref<!tpu.dma_semaphore, #tpu.memory_space<semaphore_mem>>)
    %dma_wait3A_1124 = arith.constant 864 : i32
    %dma_wait3A_1125 = tpu.memref_slice %arg5[%dma_wait3A_1124] : memref<1024xi32, #tpu.memory_space<vmem>> -> memref<16xi32, #tpu.memory_space<vmem>>
    %dma_wait3A_1126 = arith.constant 0 : i32
    %dma_wait3A_1127 = arith.constant 0 : i32
    %dma_wait3A_1128 = tpu.memref_slice %arg2[%dma_wait3A_1126, %dma_wait3A_1127] : memref<8192x1024xf32, #tpu.memory_space<hbm>> -> memref<8192x1024xf32, #tpu.memory_space<hbm>>
    tpu.wait_indirect_dma semaphore(%arg10 : memref<!tpu.dma_semaphore, #tpu.memory_space<semaphore_mem>>) src(%dma_wait3A_1128 : memref<8192x1024xf32, #tpu.memory_space<hbm>>) dst(%arg8 : memref<16x1024xf32, #tpu.memory_space<vmem>>)
    %add3A_1129 = arith.constant 864 : i32
    %add3A_1130 = arith.addi %mul3A_2, %add3A_1129 : i32
    %dma_start3A_1131 = arith.constant 0 : i32
    %dma_start3A_1132 = tpu.memref_slice %arg4[%add3A_1130, %dma_start3A_1131] : memref<32768x1024xf32, #tpu.memory_space<hbm>> -> memref<16x1024xf32, #tpu.memory_space<hbm>>
    %dma_start3A_1133 = arith.constant 0 : i32
    %dma_start3A_1134 = tpu.memref_slice %arg4[%add3A_1130, %dma_start3A_1133] : memref<32768x1024xf32, #tpu.memory_space<hbm>> -> memref<16x1024xf32, #tpu.memory_space<hbm>>
    tpu.enqueue_dma source(%arg8 : memref<16x1024xf32, #tpu.memory_space<vmem>>) target(%dma_start3A_1134 : memref<16x1024xf32, #tpu.memory_space<hbm>>) target_semaphore(%arg11 : memref<!tpu.dma_semaphore, #tpu.memory_space<semaphore_mem>>)
    %dma_wait3A_1135 = arith.constant 0 : i32
    %dma_wait3A_1136 = tpu.memref_slice %arg4[%add3A_1110, %dma_wait3A_1135] : memref<32768x1024xf32, #tpu.memory_space<hbm>> -> memref<16x1024xf32, #tpu.memory_space<hbm>>
    %dma_wait3A_1137 = arith.constant 0 : i32
    %dma_wait3A_1138 = tpu.memref_slice %arg4[%add3A_1110, %dma_wait3A_1137] : memref<32768x1024xf32, #tpu.memory_space<hbm>> -> memref<16x1024xf32, #tpu.memory_space<hbm>>
    tpu.wait_dma2 semaphore(%arg11 : memref<!tpu.dma_semaphore, #tpu.memory_space<semaphore_mem>>) src(%arg7 : memref<16x1024xf32, #tpu.memory_space<vmem>>) dst(%dma_wait3A_1138 : memref<16x1024xf32, #tpu.memory_space<hbm>>)
    %dma_start3A_1139 = arith.constant 912 : i32
    %dma_start3A_1140 = tpu.memref_slice %arg5[%dma_start3A_1139] : memref<1024xi32, #tpu.memory_space<vmem>> -> memref<16xi32, #tpu.memory_space<vmem>>
    %dma_start3A_1141 = arith.constant 0 : i32
    %dma_start3A_1142 = arith.constant 0 : i32
    %dma_start3A_1143 = tpu.memref_slice %arg2[%dma_start3A_1141, %dma_start3A_1142] : memref<8192x1024xf32, #tpu.memory_space<hbm>> -> memref<8192x1024xf32, #tpu.memory_space<hbm>>
    tpu.enqueue_indirect_dma source(%dma_start3A_1143 : memref<8192x1024xf32, #tpu.memory_space<hbm>>) target(%arg7 : memref<16x1024xf32, #tpu.memory_space<vmem>>) offsets(%dma_start3A_1140 : memref<16xi32, #tpu.memory_space<vmem>>) semaphore(%arg10 : memref<!tpu.dma_semaphore, #tpu.memory_space<semaphore_mem>>)
    %dma_wait3A_1144 = arith.constant 880 : i32
    %dma_wait3A_1145 = tpu.memref_slice %arg5[%dma_wait3A_1144] : memref<1024xi32, #tpu.memory_space<vmem>> -> memref<16xi32, #tpu.memory_space<vmem>>
    %dma_wait3A_1146 = arith.constant 0 : i32
    %dma_wait3A_1147 = arith.constant 0 : i32
    %dma_wait3A_1148 = tpu.memref_slice %arg2[%dma_wait3A_1146, %dma_wait3A_1147] : memref<8192x1024xf32, #tpu.memory_space<hbm>> -> memref<8192x1024xf32, #tpu.memory_space<hbm>>
    tpu.wait_indirect_dma semaphore(%arg10 : memref<!tpu.dma_semaphore, #tpu.memory_space<semaphore_mem>>) src(%dma_wait3A_1148 : memref<8192x1024xf32, #tpu.memory_space<hbm>>) dst(%arg9 : memref<16x1024xf32, #tpu.memory_space<vmem>>)
    %add3A_1149 = arith.constant 880 : i32
    %add3A_1150 = arith.addi %mul3A_2, %add3A_1149 : i32
    %dma_start3A_1151 = arith.constant 0 : i32
    %dma_start3A_1152 = tpu.memref_slice %arg4[%add3A_1150, %dma_start3A_1151] : memref<32768x1024xf32, #tpu.memory_space<hbm>> -> memref<16x1024xf32, #tpu.memory_space<hbm>>
    %dma_start3A_1153 = arith.constant 0 : i32
    %dma_start3A_1154 = tpu.memref_slice %arg4[%add3A_1150, %dma_start3A_1153] : memref<32768x1024xf32, #tpu.memory_space<hbm>> -> memref<16x1024xf32, #tpu.memory_space<hbm>>
    tpu.enqueue_dma source(%arg9 : memref<16x1024xf32, #tpu.memory_space<vmem>>) target(%dma_start3A_1154 : memref<16x1024xf32, #tpu.memory_space<hbm>>) target_semaphore(%arg11 : memref<!tpu.dma_semaphore, #tpu.memory_space<semaphore_mem>>)
    %dma_wait3A_1155 = arith.constant 0 : i32
    %dma_wait3A_1156 = tpu.memref_slice %arg4[%add3A_1130, %dma_wait3A_1155] : memref<32768x1024xf32, #tpu.memory_space<hbm>> -> memref<16x1024xf32, #tpu.memory_space<hbm>>
    %dma_wait3A_1157 = arith.constant 0 : i32
    %dma_wait3A_1158 = tpu.memref_slice %arg4[%add3A_1130, %dma_wait3A_1157] : memref<32768x1024xf32, #tpu.memory_space<hbm>> -> memref<16x1024xf32, #tpu.memory_space<hbm>>
    tpu.wait_dma2 semaphore(%arg11 : memref<!tpu.dma_semaphore, #tpu.memory_space<semaphore_mem>>) src(%arg8 : memref<16x1024xf32, #tpu.memory_space<vmem>>) dst(%dma_wait3A_1158 : memref<16x1024xf32, #tpu.memory_space<hbm>>)
    %dma_start3A_1159 = arith.constant 928 : i32
    %dma_start3A_1160 = tpu.memref_slice %arg5[%dma_start3A_1159] : memref<1024xi32, #tpu.memory_space<vmem>> -> memref<16xi32, #tpu.memory_space<vmem>>
    %dma_start3A_1161 = arith.constant 0 : i32
    %dma_start3A_1162 = arith.constant 0 : i32
    %dma_start3A_1163 = tpu.memref_slice %arg2[%dma_start3A_1161, %dma_start3A_1162] : memref<8192x1024xf32, #tpu.memory_space<hbm>> -> memref<8192x1024xf32, #tpu.memory_space<hbm>>
    tpu.enqueue_indirect_dma source(%dma_start3A_1163 : memref<8192x1024xf32, #tpu.memory_space<hbm>>) target(%arg8 : memref<16x1024xf32, #tpu.memory_space<vmem>>) offsets(%dma_start3A_1160 : memref<16xi32, #tpu.memory_space<vmem>>) semaphore(%arg10 : memref<!tpu.dma_semaphore, #tpu.memory_space<semaphore_mem>>)
    %dma_wait3A_1164 = arith.constant 896 : i32
    %dma_wait3A_1165 = tpu.memref_slice %arg5[%dma_wait3A_1164] : memref<1024xi32, #tpu.memory_space<vmem>> -> memref<16xi32, #tpu.memory_space<vmem>>
    %dma_wait3A_1166 = arith.constant 0 : i32
    %dma_wait3A_1167 = arith.constant 0 : i32
    %dma_wait3A_1168 = tpu.memref_slice %arg2[%dma_wait3A_1166, %dma_wait3A_1167] : memref<8192x1024xf32, #tpu.memory_space<hbm>> -> memref<8192x1024xf32, #tpu.memory_space<hbm>>
    tpu.wait_indirect_dma semaphore(%arg10 : memref<!tpu.dma_semaphore, #tpu.memory_space<semaphore_mem>>) src(%dma_wait3A_1168 : memref<8192x1024xf32, #tpu.memory_space<hbm>>) dst(%arg6 : memref<16x1024xf32, #tpu.memory_space<vmem>>)
    %add3A_1169 = arith.constant 896 : i32
    %add3A_1170 = arith.addi %mul3A_2, %add3A_1169 : i32
    %dma_start3A_1171 = arith.constant 0 : i32
    %dma_start3A_1172 = tpu.memref_slice %arg4[%add3A_1170, %dma_start3A_1171] : memref<32768x1024xf32, #tpu.memory_space<hbm>> -> memref<16x1024xf32, #tpu.memory_space<hbm>>
    %dma_start3A_1173 = arith.constant 0 : i32
    %dma_start3A_1174 = tpu.memref_slice %arg4[%add3A_1170, %dma_start3A_1173] : memref<32768x1024xf32, #tpu.memory_space<hbm>> -> memref<16x1024xf32, #tpu.memory_space<hbm>>
    tpu.enqueue_dma source(%arg6 : memref<16x1024xf32, #tpu.memory_space<vmem>>) target(%dma_start3A_1174 : memref<16x1024xf32, #tpu.memory_space<hbm>>) target_semaphore(%arg11 : memref<!tpu.dma_semaphore, #tpu.memory_space<semaphore_mem>>)
    %dma_wait3A_1175 = arith.constant 0 : i32
    %dma_wait3A_1176 = tpu.memref_slice %arg4[%add3A_1150, %dma_wait3A_1175] : memref<32768x1024xf32, #tpu.memory_space<hbm>> -> memref<16x1024xf32, #tpu.memory_space<hbm>>
    %dma_wait3A_1177 = arith.constant 0 : i32
    %dma_wait3A_1178 = tpu.memref_slice %arg4[%add3A_1150, %dma_wait3A_1177] : memref<32768x1024xf32, #tpu.memory_space<hbm>> -> memref<16x1024xf32, #tpu.memory_space<hbm>>
    tpu.wait_dma2 semaphore(%arg11 : memref<!tpu.dma_semaphore, #tpu.memory_space<semaphore_mem>>) src(%arg9 : memref<16x1024xf32, #tpu.memory_space<vmem>>) dst(%dma_wait3A_1178 : memref<16x1024xf32, #tpu.memory_space<hbm>>)
    %dma_start3A_1179 = arith.constant 944 : i32
    %dma_start3A_1180 = tpu.memref_slice %arg5[%dma_start3A_1179] : memref<1024xi32, #tpu.memory_space<vmem>> -> memref<16xi32, #tpu.memory_space<vmem>>
    %dma_start3A_1181 = arith.constant 0 : i32
    %dma_start3A_1182 = arith.constant 0 : i32
    %dma_start3A_1183 = tpu.memref_slice %arg2[%dma_start3A_1181, %dma_start3A_1182] : memref<8192x1024xf32, #tpu.memory_space<hbm>> -> memref<8192x1024xf32, #tpu.memory_space<hbm>>
    tpu.enqueue_indirect_dma source(%dma_start3A_1183 : memref<8192x1024xf32, #tpu.memory_space<hbm>>) target(%arg9 : memref<16x1024xf32, #tpu.memory_space<vmem>>) offsets(%dma_start3A_1180 : memref<16xi32, #tpu.memory_space<vmem>>) semaphore(%arg10 : memref<!tpu.dma_semaphore, #tpu.memory_space<semaphore_mem>>)
    %dma_wait3A_1184 = arith.constant 912 : i32
    %dma_wait3A_1185 = tpu.memref_slice %arg5[%dma_wait3A_1184] : memref<1024xi32, #tpu.memory_space<vmem>> -> memref<16xi32, #tpu.memory_space<vmem>>
    %dma_wait3A_1186 = arith.constant 0 : i32
    %dma_wait3A_1187 = arith.constant 0 : i32
    %dma_wait3A_1188 = tpu.memref_slice %arg2[%dma_wait3A_1186, %dma_wait3A_1187] : memref<8192x1024xf32, #tpu.memory_space<hbm>> -> memref<8192x1024xf32, #tpu.memory_space<hbm>>
    tpu.wait_indirect_dma semaphore(%arg10 : memref<!tpu.dma_semaphore, #tpu.memory_space<semaphore_mem>>) src(%dma_wait3A_1188 : memref<8192x1024xf32, #tpu.memory_space<hbm>>) dst(%arg7 : memref<16x1024xf32, #tpu.memory_space<vmem>>)
    %add3A_1189 = arith.constant 912 : i32
    %add3A_1190 = arith.addi %mul3A_2, %add3A_1189 : i32
    %dma_start3A_1191 = arith.constant 0 : i32
    %dma_start3A_1192 = tpu.memref_slice %arg4[%add3A_1190, %dma_start3A_1191] : memref<32768x1024xf32, #tpu.memory_space<hbm>> -> memref<16x1024xf32, #tpu.memory_space<hbm>>
    %dma_start3A_1193 = arith.constant 0 : i32
    %dma_start3A_1194 = tpu.memref_slice %arg4[%add3A_1190, %dma_start3A_1193] : memref<32768x1024xf32, #tpu.memory_space<hbm>> -> memref<16x1024xf32, #tpu.memory_space<hbm>>
    tpu.enqueue_dma source(%arg7 : memref<16x1024xf32, #tpu.memory_space<vmem>>) target(%dma_start3A_1194 : memref<16x1024xf32, #tpu.memory_space<hbm>>) target_semaphore(%arg11 : memref<!tpu.dma_semaphore, #tpu.memory_space<semaphore_mem>>)
    %dma_wait3A_1195 = arith.constant 0 : i32
    %dma_wait3A_1196 = tpu.memref_slice %arg4[%add3A_1170, %dma_wait3A_1195] : memref<32768x1024xf32, #tpu.memory_space<hbm>> -> memref<16x1024xf32, #tpu.memory_space<hbm>>
    %dma_wait3A_1197 = arith.constant 0 : i32
    %dma_wait3A_1198 = tpu.memref_slice %arg4[%add3A_1170, %dma_wait3A_1197] : memref<32768x1024xf32, #tpu.memory_space<hbm>> -> memref<16x1024xf32, #tpu.memory_space<hbm>>
    tpu.wait_dma2 semaphore(%arg11 : memref<!tpu.dma_semaphore, #tpu.memory_space<semaphore_mem>>) src(%arg6 : memref<16x1024xf32, #tpu.memory_space<vmem>>) dst(%dma_wait3A_1198 : memref<16x1024xf32, #tpu.memory_space<hbm>>)
    %dma_start3A_1199 = arith.constant 960 : i32
    %dma_start3A_1200 = tpu.memref_slice %arg5[%dma_start3A_1199] : memref<1024xi32, #tpu.memory_space<vmem>> -> memref<16xi32, #tpu.memory_space<vmem>>
    %dma_start3A_1201 = arith.constant 0 : i32
    %dma_start3A_1202 = arith.constant 0 : i32
    %dma_start3A_1203 = tpu.memref_slice %arg2[%dma_start3A_1201, %dma_start3A_1202] : memref<8192x1024xf32, #tpu.memory_space<hbm>> -> memref<8192x1024xf32, #tpu.memory_space<hbm>>
    tpu.enqueue_indirect_dma source(%dma_start3A_1203 : memref<8192x1024xf32, #tpu.memory_space<hbm>>) target(%arg6 : memref<16x1024xf32, #tpu.memory_space<vmem>>) offsets(%dma_start3A_1200 : memref<16xi32, #tpu.memory_space<vmem>>) semaphore(%arg10 : memref<!tpu.dma_semaphore, #tpu.memory_space<semaphore_mem>>)
    %dma_wait3A_1204 = arith.constant 928 : i32
    %dma_wait3A_1205 = tpu.memref_slice %arg5[%dma_wait3A_1204] : memref<1024xi32, #tpu.memory_space<vmem>> -> memref<16xi32, #tpu.memory_space<vmem>>
    %dma_wait3A_1206 = arith.constant 0 : i32
    %dma_wait3A_1207 = arith.constant 0 : i32
    %dma_wait3A_1208 = tpu.memref_slice %arg2[%dma_wait3A_1206, %dma_wait3A_1207] : memref<8192x1024xf32, #tpu.memory_space<hbm>> -> memref<8192x1024xf32, #tpu.memory_space<hbm>>
    tpu.wait_indirect_dma semaphore(%arg10 : memref<!tpu.dma_semaphore, #tpu.memory_space<semaphore_mem>>) src(%dma_wait3A_1208 : memref<8192x1024xf32, #tpu.memory_space<hbm>>) dst(%arg8 : memref<16x1024xf32, #tpu.memory_space<vmem>>)
    %add3A_1209 = arith.constant 928 : i32
    %add3A_1210 = arith.addi %mul3A_2, %add3A_1209 : i32
    %dma_start3A_1211 = arith.constant 0 : i32
    %dma_start3A_1212 = tpu.memref_slice %arg4[%add3A_1210, %dma_start3A_1211] : memref<32768x1024xf32, #tpu.memory_space<hbm>> -> memref<16x1024xf32, #tpu.memory_space<hbm>>
    %dma_start3A_1213 = arith.constant 0 : i32
    %dma_start3A_1214 = tpu.memref_slice %arg4[%add3A_1210, %dma_start3A_1213] : memref<32768x1024xf32, #tpu.memory_space<hbm>> -> memref<16x1024xf32, #tpu.memory_space<hbm>>
    tpu.enqueue_dma source(%arg8 : memref<16x1024xf32, #tpu.memory_space<vmem>>) target(%dma_start3A_1214 : memref<16x1024xf32, #tpu.memory_space<hbm>>) target_semaphore(%arg11 : memref<!tpu.dma_semaphore, #tpu.memory_space<semaphore_mem>>)
    %dma_wait3A_1215 = arith.constant 0 : i32
    %dma_wait3A_1216 = tpu.memref_slice %arg4[%add3A_1190, %dma_wait3A_1215] : memref<32768x1024xf32, #tpu.memory_space<hbm>> -> memref<16x1024xf32, #tpu.memory_space<hbm>>
    %dma_wait3A_1217 = arith.constant 0 : i32
    %dma_wait3A_1218 = tpu.memref_slice %arg4[%add3A_1190, %dma_wait3A_1217] : memref<32768x1024xf32, #tpu.memory_space<hbm>> -> memref<16x1024xf32, #tpu.memory_space<hbm>>
    tpu.wait_dma2 semaphore(%arg11 : memref<!tpu.dma_semaphore, #tpu.memory_space<semaphore_mem>>) src(%arg7 : memref<16x1024xf32, #tpu.memory_space<vmem>>) dst(%dma_wait3A_1218 : memref<16x1024xf32, #tpu.memory_space<hbm>>)
    %dma_start3A_1219 = arith.constant 976 : i32
    %dma_start3A_1220 = tpu.memref_slice %arg5[%dma_start3A_1219] : memref<1024xi32, #tpu.memory_space<vmem>> -> memref<16xi32, #tpu.memory_space<vmem>>
    %dma_start3A_1221 = arith.constant 0 : i32
    %dma_start3A_1222 = arith.constant 0 : i32
    %dma_start3A_1223 = tpu.memref_slice %arg2[%dma_start3A_1221, %dma_start3A_1222] : memref<8192x1024xf32, #tpu.memory_space<hbm>> -> memref<8192x1024xf32, #tpu.memory_space<hbm>>
    tpu.enqueue_indirect_dma source(%dma_start3A_1223 : memref<8192x1024xf32, #tpu.memory_space<hbm>>) target(%arg7 : memref<16x1024xf32, #tpu.memory_space<vmem>>) offsets(%dma_start3A_1220 : memref<16xi32, #tpu.memory_space<vmem>>) semaphore(%arg10 : memref<!tpu.dma_semaphore, #tpu.memory_space<semaphore_mem>>)
    %dma_wait3A_1224 = arith.constant 944 : i32
    %dma_wait3A_1225 = tpu.memref_slice %arg5[%dma_wait3A_1224] : memref<1024xi32, #tpu.memory_space<vmem>> -> memref<16xi32, #tpu.memory_space<vmem>>
    %dma_wait3A_1226 = arith.constant 0 : i32
    %dma_wait3A_1227 = arith.constant 0 : i32
    %dma_wait3A_1228 = tpu.memref_slice %arg2[%dma_wait3A_1226, %dma_wait3A_1227] : memref<8192x1024xf32, #tpu.memory_space<hbm>> -> memref<8192x1024xf32, #tpu.memory_space<hbm>>
    tpu.wait_indirect_dma semaphore(%arg10 : memref<!tpu.dma_semaphore, #tpu.memory_space<semaphore_mem>>) src(%dma_wait3A_1228 : memref<8192x1024xf32, #tpu.memory_space<hbm>>) dst(%arg9 : memref<16x1024xf32, #tpu.memory_space<vmem>>)
    %add3A_1229 = arith.constant 944 : i32
    %add3A_1230 = arith.addi %mul3A_2, %add3A_1229 : i32
    %dma_start3A_1231 = arith.constant 0 : i32
    %dma_start3A_1232 = tpu.memref_slice %arg4[%add3A_1230, %dma_start3A_1231] : memref<32768x1024xf32, #tpu.memory_space<hbm>> -> memref<16x1024xf32, #tpu.memory_space<hbm>>
    %dma_start3A_1233 = arith.constant 0 : i32
    %dma_start3A_1234 = tpu.memref_slice %arg4[%add3A_1230, %dma_start3A_1233] : memref<32768x1024xf32, #tpu.memory_space<hbm>> -> memref<16x1024xf32, #tpu.memory_space<hbm>>
    tpu.enqueue_dma source(%arg9 : memref<16x1024xf32, #tpu.memory_space<vmem>>) target(%dma_start3A_1234 : memref<16x1024xf32, #tpu.memory_space<hbm>>) target_semaphore(%arg11 : memref<!tpu.dma_semaphore, #tpu.memory_space<semaphore_mem>>)
    %dma_wait3A_1235 = arith.constant 0 : i32
    %dma_wait3A_1236 = tpu.memref_slice %arg4[%add3A_1210, %dma_wait3A_1235] : memref<32768x1024xf32, #tpu.memory_space<hbm>> -> memref<16x1024xf32, #tpu.memory_space<hbm>>
    %dma_wait3A_1237 = arith.constant 0 : i32
    %dma_wait3A_1238 = tpu.memref_slice %arg4[%add3A_1210, %dma_wait3A_1237] : memref<32768x1024xf32, #tpu.memory_space<hbm>> -> memref<16x1024xf32, #tpu.memory_space<hbm>>
    tpu.wait_dma2 semaphore(%arg11 : memref<!tpu.dma_semaphore, #tpu.memory_space<semaphore_mem>>) src(%arg8 : memref<16x1024xf32, #tpu.memory_space<vmem>>) dst(%dma_wait3A_1238 : memref<16x1024xf32, #tpu.memory_space<hbm>>)
    %dma_start3A_1239 = arith.constant 992 : i32
    %dma_start3A_1240 = tpu.memref_slice %arg5[%dma_start3A_1239] : memref<1024xi32, #tpu.memory_space<vmem>> -> memref<16xi32, #tpu.memory_space<vmem>>
    %dma_start3A_1241 = arith.constant 0 : i32
    %dma_start3A_1242 = arith.constant 0 : i32
    %dma_start3A_1243 = tpu.memref_slice %arg2[%dma_start3A_1241, %dma_start3A_1242] : memref<8192x1024xf32, #tpu.memory_space<hbm>> -> memref<8192x1024xf32, #tpu.memory_space<hbm>>
    tpu.enqueue_indirect_dma source(%dma_start3A_1243 : memref<8192x1024xf32, #tpu.memory_space<hbm>>) target(%arg8 : memref<16x1024xf32, #tpu.memory_space<vmem>>) offsets(%dma_start3A_1240 : memref<16xi32, #tpu.memory_space<vmem>>) semaphore(%arg10 : memref<!tpu.dma_semaphore, #tpu.memory_space<semaphore_mem>>)
    %dma_wait3A_1244 = arith.constant 960 : i32
    %dma_wait3A_1245 = tpu.memref_slice %arg5[%dma_wait3A_1244] : memref<1024xi32, #tpu.memory_space<vmem>> -> memref<16xi32, #tpu.memory_space<vmem>>
    %dma_wait3A_1246 = arith.constant 0 : i32
    %dma_wait3A_1247 = arith.constant 0 : i32
    %dma_wait3A_1248 = tpu.memref_slice %arg2[%dma_wait3A_1246, %dma_wait3A_1247] : memref<8192x1024xf32, #tpu.memory_space<hbm>> -> memref<8192x1024xf32, #tpu.memory_space<hbm>>
    tpu.wait_indirect_dma semaphore(%arg10 : memref<!tpu.dma_semaphore, #tpu.memory_space<semaphore_mem>>) src(%dma_wait3A_1248 : memref<8192x1024xf32, #tpu.memory_space<hbm>>) dst(%arg6 : memref<16x1024xf32, #tpu.memory_space<vmem>>)
    %add3A_1249 = arith.constant 960 : i32
    %add3A_1250 = arith.addi %mul3A_2, %add3A_1249 : i32
    %dma_start3A_1251 = arith.constant 0 : i32
    %dma_start3A_1252 = tpu.memref_slice %arg4[%add3A_1250, %dma_start3A_1251] : memref<32768x1024xf32, #tpu.memory_space<hbm>> -> memref<16x1024xf32, #tpu.memory_space<hbm>>
    %dma_start3A_1253 = arith.constant 0 : i32
    %dma_start3A_1254 = tpu.memref_slice %arg4[%add3A_1250, %dma_start3A_1253] : memref<32768x1024xf32, #tpu.memory_space<hbm>> -> memref<16x1024xf32, #tpu.memory_space<hbm>>
    tpu.enqueue_dma source(%arg6 : memref<16x1024xf32, #tpu.memory_space<vmem>>) target(%dma_start3A_1254 : memref<16x1024xf32, #tpu.memory_space<hbm>>) target_semaphore(%arg11 : memref<!tpu.dma_semaphore, #tpu.memory_space<semaphore_mem>>)
    %dma_wait3A_1255 = arith.constant 0 : i32
    %dma_wait3A_1256 = tpu.memref_slice %arg4[%add3A_1230, %dma_wait3A_1255] : memref<32768x1024xf32, #tpu.memory_space<hbm>> -> memref<16x1024xf32, #tpu.memory_space<hbm>>
    %dma_wait3A_1257 = arith.constant 0 : i32
    %dma_wait3A_1258 = tpu.memref_slice %arg4[%add3A_1230, %dma_wait3A_1257] : memref<32768x1024xf32, #tpu.memory_space<hbm>> -> memref<16x1024xf32, #tpu.memory_space<hbm>>
    tpu.wait_dma2 semaphore(%arg11 : memref<!tpu.dma_semaphore, #tpu.memory_space<semaphore_mem>>) src(%arg9 : memref<16x1024xf32, #tpu.memory_space<vmem>>) dst(%dma_wait3A_1258 : memref<16x1024xf32, #tpu.memory_space<hbm>>)
    %dma_start3A_1259 = arith.constant 1008 : i32
    %dma_start3A_1260 = tpu.memref_slice %arg5[%dma_start3A_1259] : memref<1024xi32, #tpu.memory_space<vmem>> -> memref<16xi32, #tpu.memory_space<vmem>>
    %dma_start3A_1261 = arith.constant 0 : i32
    %dma_start3A_1262 = arith.constant 0 : i32
    %dma_start3A_1263 = tpu.memref_slice %arg2[%dma_start3A_1261, %dma_start3A_1262] : memref<8192x1024xf32, #tpu.memory_space<hbm>> -> memref<8192x1024xf32, #tpu.memory_space<hbm>>
    tpu.enqueue_indirect_dma source(%dma_start3A_1263 : memref<8192x1024xf32, #tpu.memory_space<hbm>>) target(%arg9 : memref<16x1024xf32, #tpu.memory_space<vmem>>) offsets(%dma_start3A_1260 : memref<16xi32, #tpu.memory_space<vmem>>) semaphore(%arg10 : memref<!tpu.dma_semaphore, #tpu.memory_space<semaphore_mem>>)
    %dma_wait3A_1264 = arith.constant 976 : i32
    %dma_wait3A_1265 = tpu.memref_slice %arg5[%dma_wait3A_1264] : memref<1024xi32, #tpu.memory_space<vmem>> -> memref<16xi32, #tpu.memory_space<vmem>>
    %dma_wait3A_1266 = arith.constant 0 : i32
    %dma_wait3A_1267 = arith.constant 0 : i32
    %dma_wait3A_1268 = tpu.memref_slice %arg2[%dma_wait3A_1266, %dma_wait3A_1267] : memref<8192x1024xf32, #tpu.memory_space<hbm>> -> memref<8192x1024xf32, #tpu.memory_space<hbm>>
    tpu.wait_indirect_dma semaphore(%arg10 : memref<!tpu.dma_semaphore, #tpu.memory_space<semaphore_mem>>) src(%dma_wait3A_1268 : memref<8192x1024xf32, #tpu.memory_space<hbm>>) dst(%arg7 : memref<16x1024xf32, #tpu.memory_space<vmem>>)
    %add3A_1269 = arith.constant 976 : i32
    %add3A_1270 = arith.addi %mul3A_2, %add3A_1269 : i32
    %dma_start3A_1271 = arith.constant 0 : i32
    %dma_start3A_1272 = tpu.memref_slice %arg4[%add3A_1270, %dma_start3A_1271] : memref<32768x1024xf32, #tpu.memory_space<hbm>> -> memref<16x1024xf32, #tpu.memory_space<hbm>>
    %dma_start3A_1273 = arith.constant 0 : i32
    %dma_start3A_1274 = tpu.memref_slice %arg4[%add3A_1270, %dma_start3A_1273] : memref<32768x1024xf32, #tpu.memory_space<hbm>> -> memref<16x1024xf32, #tpu.memory_space<hbm>>
    tpu.enqueue_dma source(%arg7 : memref<16x1024xf32, #tpu.memory_space<vmem>>) target(%dma_start3A_1274 : memref<16x1024xf32, #tpu.memory_space<hbm>>) target_semaphore(%arg11 : memref<!tpu.dma_semaphore, #tpu.memory_space<semaphore_mem>>)
    %dma_wait3A_1275 = arith.constant 0 : i32
    %dma_wait3A_1276 = tpu.memref_slice %arg4[%add3A_1250, %dma_wait3A_1275] : memref<32768x1024xf32, #tpu.memory_space<hbm>> -> memref<16x1024xf32, #tpu.memory_space<hbm>>
    %dma_wait3A_1277 = arith.constant 0 : i32
    %dma_wait3A_1278 = tpu.memref_slice %arg4[%add3A_1250, %dma_wait3A_1277] : memref<32768x1024xf32, #tpu.memory_space<hbm>> -> memref<16x1024xf32, #tpu.memory_space<hbm>>
    tpu.wait_dma2 semaphore(%arg11 : memref<!tpu.dma_semaphore, #tpu.memory_space<semaphore_mem>>) src(%arg6 : memref<16x1024xf32, #tpu.memory_space<vmem>>) dst(%dma_wait3A_1278 : memref<16x1024xf32, #tpu.memory_space<hbm>>)
    %dma_wait3A_1279 = arith.constant 992 : i32
    %dma_wait3A_1280 = tpu.memref_slice %arg5[%dma_wait3A_1279] : memref<1024xi32, #tpu.memory_space<vmem>> -> memref<16xi32, #tpu.memory_space<vmem>>
    %dma_wait3A_1281 = arith.constant 0 : i32
    %dma_wait3A_1282 = arith.constant 0 : i32
    %dma_wait3A_1283 = tpu.memref_slice %arg2[%dma_wait3A_1281, %dma_wait3A_1282] : memref<8192x1024xf32, #tpu.memory_space<hbm>> -> memref<8192x1024xf32, #tpu.memory_space<hbm>>
    tpu.wait_indirect_dma semaphore(%arg10 : memref<!tpu.dma_semaphore, #tpu.memory_space<semaphore_mem>>) src(%dma_wait3A_1283 : memref<8192x1024xf32, #tpu.memory_space<hbm>>) dst(%arg8 : memref<16x1024xf32, #tpu.memory_space<vmem>>)
    %add3A_1284 = arith.constant 992 : i32
    %add3A_1285 = arith.addi %mul3A_2, %add3A_1284 : i32
    %dma_start3A_1286 = arith.constant 0 : i32
    %dma_start3A_1287 = tpu.memref_slice %arg4[%add3A_1285, %dma_start3A_1286] : memref<32768x1024xf32, #tpu.memory_space<hbm>> -> memref<16x1024xf32, #tpu.memory_space<hbm>>
    %dma_start3A_1288 = arith.constant 0 : i32
    %dma_start3A_1289 = tpu.memref_slice %arg4[%add3A_1285, %dma_start3A_1288] : memref<32768x1024xf32, #tpu.memory_space<hbm>> -> memref<16x1024xf32, #tpu.memory_space<hbm>>
    tpu.enqueue_dma source(%arg8 : memref<16x1024xf32, #tpu.memory_space<vmem>>) target(%dma_start3A_1289 : memref<16x1024xf32, #tpu.memory_space<hbm>>) target_semaphore(%arg11 : memref<!tpu.dma_semaphore, #tpu.memory_space<semaphore_mem>>)
    %dma_wait3A_1290 = arith.constant 0 : i32
    %dma_wait3A_1291 = tpu.memref_slice %arg4[%add3A_1270, %dma_wait3A_1290] : memref<32768x1024xf32, #tpu.memory_space<hbm>> -> memref<16x1024xf32, #tpu.memory_space<hbm>>
    %dma_wait3A_1292 = arith.constant 0 : i32
    %dma_wait3A_1293 = tpu.memref_slice %arg4[%add3A_1270, %dma_wait3A_1292] : memref<32768x1024xf32, #tpu.memory_space<hbm>> -> memref<16x1024xf32, #tpu.memory_space<hbm>>
    tpu.wait_dma2 semaphore(%arg11 : memref<!tpu.dma_semaphore, #tpu.memory_space<semaphore_mem>>) src(%arg7 : memref<16x1024xf32, #tpu.memory_space<vmem>>) dst(%dma_wait3A_1293 : memref<16x1024xf32, #tpu.memory_space<hbm>>)
    %dma_wait3A_1294 = arith.constant 1008 : i32
    %dma_wait3A_1295 = tpu.memref_slice %arg5[%dma_wait3A_1294] : memref<1024xi32, #tpu.memory_space<vmem>> -> memref<16xi32, #tpu.memory_space<vmem>>
    %dma_wait3A_1296 = arith.constant 0 : i32
    %dma_wait3A_1297 = arith.constant 0 : i32
    %dma_wait3A_1298 = tpu.memref_slice %arg2[%dma_wait3A_1296, %dma_wait3A_1297] : memref<8192x1024xf32, #tpu.memory_space<hbm>> -> memref<8192x1024xf32, #tpu.memory_space<hbm>>
    tpu.wait_indirect_dma semaphore(%arg10 : memref<!tpu.dma_semaphore, #tpu.memory_space<semaphore_mem>>) src(%dma_wait3A_1298 : memref<8192x1024xf32, #tpu.memory_space<hbm>>) dst(%arg9 : memref<16x1024xf32, #tpu.memory_space<vmem>>)
    %add3A_1299 = arith.constant 1008 : i32
    %add3A_1300 = arith.addi %mul3A_2, %add3A_1299 : i32
    %dma_start3A_1301 = arith.constant 0 : i32
    %dma_start3A_1302 = tpu.memref_slice %arg4[%add3A_1300, %dma_start3A_1301] : memref<32768x1024xf32, #tpu.memory_space<hbm>> -> memref<16x1024xf32, #tpu.memory_space<hbm>>
    %dma_start3A_1303 = arith.constant 0 : i32
    %dma_start3A_1304 = tpu.memref_slice %arg4[%add3A_1300, %dma_start3A_1303] : memref<32768x1024xf32, #tpu.memory_space<hbm>> -> memref<16x1024xf32, #tpu.memory_space<hbm>>
    tpu.enqueue_dma source(%arg9 : memref<16x1024xf32, #tpu.memory_space<vmem>>) target(%dma_start3A_1304 : memref<16x1024xf32, #tpu.memory_space<hbm>>) target_semaphore(%arg11 : memref<!tpu.dma_semaphore, #tpu.memory_space<semaphore_mem>>)
    %dma_wait3A_1305 = arith.constant 0 : i32
    %dma_wait3A_1306 = tpu.memref_slice %arg4[%add3A_1285, %dma_wait3A_1305] : memref<32768x1024xf32, #tpu.memory_space<hbm>> -> memref<16x1024xf32, #tpu.memory_space<hbm>>
    %dma_wait3A_1307 = arith.constant 0 : i32
    %dma_wait3A_1308 = tpu.memref_slice %arg4[%add3A_1285, %dma_wait3A_1307] : memref<32768x1024xf32, #tpu.memory_space<hbm>> -> memref<16x1024xf32, #tpu.memory_space<hbm>>
    tpu.wait_dma2 semaphore(%arg11 : memref<!tpu.dma_semaphore, #tpu.memory_space<semaphore_mem>>) src(%arg8 : memref<16x1024xf32, #tpu.memory_space<vmem>>) dst(%dma_wait3A_1308 : memref<16x1024xf32, #tpu.memory_space<hbm>>)
    %dma_wait3A_1309 = arith.constant 0 : i32
    %dma_wait3A_1310 = tpu.memref_slice %arg4[%add3A_1300, %dma_wait3A_1309] : memref<32768x1024xf32, #tpu.memory_space<hbm>> -> memref<16x1024xf32, #tpu.memory_space<hbm>>
    %dma_wait3A_1311 = arith.constant 0 : i32
    %dma_wait3A_1312 = tpu.memref_slice %arg4[%add3A_1300, %dma_wait3A_1311] : memref<32768x1024xf32, #tpu.memory_space<hbm>> -> memref<16x1024xf32, #tpu.memory_space<hbm>>
    tpu.wait_dma2 semaphore(%arg11 : memref<!tpu.dma_semaphore, #tpu.memory_space<semaphore_mem>>) src(%arg9 : memref<16x1024xf32, #tpu.memory_space<vmem>>) dst(%dma_wait3A_1312 : memref<16x1024xf32, #tpu.memory_space<hbm>>)
    return
  }
}

</mosaic_0001>

<sc_bundles>
// kernel: kernel.3.cloned.1.call-start
scs
__scs_entry_jumppad:
0x0: {  	(pc) =	sbr.rel $0x88, $3  }
0x1: {  	(tag) =	ssettag $0x0;
	lr =	simm.s32 $0x1  }
0x2: {  	[smem:$0x3F9F] =	sst lr;
	_ =	strace $0xD0000000  }
0x3: {  	_ = 	snop  }
0x4: {  	_ = 	snop  }
0x5: {  	_ = 	snop  }
0x6: {  	_ = 	snop  }
0x7: {  	_ = 	snop  }
__scs_overlays_trampoline_lowered:
0x8: {  	[smem:$0x3FAE] =	sst s0  }
0x9: {  	[smem:$0x3FAF] =	sst s1  }
0xa: {  	[smem:$0x3FB0] =	sst s2  }
0xb: {  	[smem:$0x3FB1] =	sst s3  }
0xc: {  	[smem:$0x3FB2] =	sst s4  }
0xd: {  	[smem:$0x3FB3] =	sst s5  }
0xe: {  	[smem:$0x3FB4] =	sst s6  }
0xf: {  	[smem:$0x3FB5] =	sst s7  }
0x10: {  	[smem:$0x3FB6] =	sst s8  }
0x11: {  	[smem:$0x3FB7] =	sst s9;
	s0 =	simm.s32 @!p0 $0x0  }
0x12: {  	s1 =	sld [smem:$0x3F9D];
	s0 =	simm.s32 @p0 $0x1  }
0x13: {  	[smem:$0x3FB8] =	sst s0;
	s0 =	simm.s32 @!p1 $0x0  }
0x14: {  	s2 =	sld [smem:$0x3F9C];
	s0 =	simm.s32 @p1 $0x1  }
0x15: {  	[smem:$0x3FB9] =	sst s0;
	s0 =	simm.s32 @!p2 $0x0  }
0x16: {  	s3 =	sld [smem:$0x3FDB];
	s0 =	simm.s32 @p2 $0x1  }
0x17: {  	s4 =	simm.s32 $0x1BF5;
	[smem:$0x3FBB] =	sst s0  }
0x18: {  	s0 =	sld [smem:$0x3F9E];
	_ =	swait.ge [sflag:s4], $0x0  }
0x19: {  	s7 =	sld [smem:$0x3F9F]  }
0x1a: {  	s8 =	sadd.s32 $0xFFFFE003, lr  }
0x1b: {  	s9 =	sadd.s32 $0xFFFFFEF7, lr;
	s5 =	simm.s32 $0xFFFFFFFF;
	p2 =	slt.u32 s8, $0xFFFFF086  }
0x1c: {  	p1 =	slt.u32 s9, $0xF7A;
	s5 =	simm.s32 @!p2 $0x0  }
0x1d: {  	s5 =	simm.s32 @p1 $0x1;
	p0 =	seq.s32 s7, s2  }
0x1e: {  	s7 =	smul.u32 @!p0 $0xF7A, s2;
	p2 =	seq.s32 @!p0 s5, $0x0  }
0x1f: {  	s9 =	smul.u32 $0xF7A, s1;
	s8 =	simm.s32 @!p0 $0x1BF5;
	p2 =	por !p2, p0  }
0x20: {  	[sflag:s8] =	ssyncset.s32 @!p0 $0xFFFFF086;
	s6 =	sadd.s32 @!p0 s3, s7;
	s7 =	simm.s32 @!p0 $0x108  }
0x21: {  	s3 =	sadd.s32 s3, s9;
	s6 =	sadd.s32 @!p0 $0x88, s6;
	s7 =	simm.s32 @p2 $0x1082  }
0x22: {  	[simem:s7], [sflag:s8] =	dma.local @!p0 [hbm:s6], $0xF7A  }
0x23: {  	s9 =	sor.u32 $0xD0000000, s2;
	s6 =	simm.s32 $0x108;
	_ =	swait.ge @!p0 [sflag:s8], $0x0  }
0x24: {  	s3 =	sadd.s32 $0x88, s3;
	s6 =	simm.s32 @!p1 $0x1082;
	[sflag:s4] =	ssyncset.s32 $0xFFFFF086  }
0x25: {  	[simem:s6], [sflag:s4] =	dma.local [hbm:s3], $0xF7A  }
0x26: {  	[smem:$0x3F9F] =	sst s1;
	(tag) =	ssettag s2;
	_ =	strace s9  }
0x27: {  	s1 =	sld [smem:$0x3FAF]  }
0x28: {  	s2 =	sld [smem:$0x3FB0]  }
0x29: {  	s4 =	sld [smem:$0x3FB2]  }
0x2a: {  	p0 =	seq.s32 s5, $0x0;
	s5 =	sld [smem:$0x3FB3]  }
0x2b: {  	s6 =	sld [smem:$0x3FB4]  }
0x2c: {  	s7 =	sld [smem:$0x3FB5]  }
0x2d: {  	s3 =	simm.s32 $0x108;
	s8 =	sld [smem:$0x3FB6]  }
0x2e: {  	s3 =	simm.s32 @!p0 $0x1082;
	s9 =	sld [smem:$0x3FB7]  }
0x2f: {  	lr =	sadd.s32 s0, s3;
	s0 =	sld [smem:$0x3FAE]  }
0x30: {  	s3 =	sld [smem:$0x3FB1]  }
0x31: {  	[smem:$0x3FBA] =	sst s10  }
0x32: {  	s10 =	sld [smem:$0x3FB8];
	_ =	sdelay $0x3  }
0x33: {  	p0 =	seq.s32 s10, $0x1;
	s10 =	sld [smem:$0x3FBA];
	_ =	sdelay $0x3  }
0x34: {  	[smem:$0x3FBA] =	sst s10  }
0x35: {  	s10 =	sld [smem:$0x3FB9];
	_ =	sdelay $0x3  }
0x36: {  	p1 =	seq.s32 s10, $0x1;
	s10 =	sld [smem:$0x3FBA];
	_ =	sdelay $0x3  }
0x37: {  	[smem:$0x3FBA] =	sst s10  }
0x38: {  	s10 =	sld [smem:$0x3FBB]  }
0x39: {  	_ = 	snop;
	(pc) =	sbr.ind lr, $3  }
0x3a: {  	_ = 	snop  }
0x3b: {  	_ = 	snop  }
0x3c: {  	p2 =	seq.s32 s10, $0x1;
	s10 =	sld [smem:$0x3FBA]  }
0x3d: {  	_ =	shalt  }
0x3e: {  	_ =	shalt  }
0x3f: {  	_ =	shalt  }
0x40: {  	_ =	shalt  }
0x41: {  	_ =	shalt  }
0x42: {  	_ =	shalt  }
0x43: {  	_ =	shalt  }
0x44: {  	_ =	shalt  }
0x45: {  	_ =	shalt  }
0x46: {  	_ =	shalt  }
0x47: {  	_ =	shalt  }
0x48: {  	_ =	shalt  }
0x49: {  	_ =	shalt  }
0x4a: {  	_ =	shalt  }
0x4b: {  	_ =	shalt  }
0x4c: {  	_ =	shalt  }
0x4d: {  	_ =	shalt  }
0x4e: {  	_ =	shalt  }
0x4f: {  	_ =	shalt  }
0x50: {  	_ =	shalt  }
0x51: {  	_ =	shalt  }
0x52: {  	_ =	shalt  }
0x53: {  	_ =	shalt  }
0x54: {  	_ =	shalt  }
0x55: {  	_ =	shalt  }
0x56: {  	_ =	shalt  }
0x57: {  	_ =	shalt  }
0x58: {  	_ =	shalt  }
0x59: {  	_ =	shalt  }
0x5a: {  	_ =	shalt  }
0x5b: {  	_ =	shalt  }
0x5c: {  	_ =	shalt  }
0x5d: {  	_ =	shalt  }
0x5e: {  	_ =	shalt  }
0x5f: {  	_ =	shalt  }
0x60: {  	_ =	shalt  }
0x61: {  	_ =	shalt  }
0x62: {  	_ =	shalt  }
0x63: {  	_ =	shalt  }
0x64: {  	_ =	shalt  }
0x65: {  	_ =	shalt  }
0x66: {  	_ =	shalt  }
0x67: {  	_ =	shalt  }
0x68: {  	_ =	shalt  }
0x69: {  	_ =	shalt  }
0x6a: {  	_ =	shalt  }
0x6b: {  	_ =	shalt  }
0x6c: {  	_ =	shalt  }
0x6d: {  	_ =	shalt  }
0x6e: {  	_ =	shalt  }
0x6f: {  	_ =	shalt  }
0x70: {  	_ =	shalt  }
0x71: {  	_ =	shalt  }
0x72: {  	_ =	shalt  }
0x73: {  	_ =	shalt  }
0x74: {  	_ =	shalt  }
0x75: {  	_ =	shalt  }
0x76: {  	_ =	shalt  }
0x77: {  	_ =	shalt  }
0x78: {  	_ =	shalt  }
0x79: {  	_ =	shalt  }
0x7a: {  	_ =	shalt  }
0x7b: {  	_ =	shalt  }
0x7c: {  	_ =	shalt  }
0x7d: {  	_ =	shalt  }
0x7e: {  	_ =	shalt  }
0x7f: {  	_ =	shalt  }
0x80: {  	_ =	shalt  }
0x81: {  	_ =	shalt  }
0x82: {  	_ =	shalt  }
0x83: {  	_ =	shalt  }
0x84: {  	_ =	shalt  }
0x85: {  	_ =	shalt  }
0x86: {  	_ =	shalt  }
0x87: {  	_ =	shalt  }
.Lfunc_end0:
.L_simem_size_0:
called_computation_lowered:
.L_overlay_start_0:
0x88: {  	s2 =	sld [smem:$0x3FD9]  }
0x89: {  	s3 =	sld [smem:$0x3FFE];
	_ =	sdelay $0x1  }
0x8a: {  	s1 =	srdreg.scid  }
0x8b: {  	s0 =	sand.u32 $0x1, s1  }
0x8c: {  	s18 =	sshll.u32 s0, $0xA;
	s2 =	sadd.s32 s3, s2  }
0x8d: {  	s2 =	sadd.s32 s2, s18  }
0x8e: {  	[smem:$0x3FC6] =	sst s2  }
0x8f: {  	_ = 	snop  }
0x90: {  	s2 =	sld [smem:$0x3FC9]  }
0x91: {  	s19 =	sld [smem:$0x3FC8]  }
0x92: {  	s4 =	sld [smem:$0x3FD0];
	(tm) =	ssettm $0x1  }
0x93: {  	s5 =	sld [smem:$0x3FFB];
	_ =	sdelay $0x3  }
0x94: {  	_ =	strace s5  }
0x95: {  	s5 =	sld [smem:$0x3FFC];
	_ =	sdelay $0x3  }
0x96: {  	_ =	strace s5  }
0x97: {  	s5 =	sld [smem:$0x3FFD];
	_ =	sdelay $0x3  }
0x98: {  	_ =	strace s5  }
0x99: {  	_ =	strace $0x8FFFFFFF  }
0x9a: {  	s20 =	sld [smem:$0x3FDB];
	_ =	sdelay $0x1  }
0x9b: {  	s6 =	simm.s32 $_scs_section_size  }
0x9c: {  	s7 =	simm.s32 $_size__tile_overlayer_lowered;
	s8 =	simm.s32 $_tile_overlayer_lowered  }
0x9d: {  	s23 =	simm.s32 $0x1BFF;
	s22 =	sshll.u32 s8, $0x1;
	s5 =	sadd.s32 s6, s20  }
0x9e: {  	s9 =	simm.s32 $0x0;
	s21 =	sshll.u32 s7, $0x1;
	s7 =	sadd.s32 s22, s5  }
0x9f: {  	[timem:s9], [sflag:s23] =	dma.local [hbm:s7], s21  }
0xa0: {  	_ =	swait.ge [sflag:s23], s21  }
0xa1: {  	s6 =	ssub.s32 $0x0, s21;
	[sflag:s23] =	ssyncset.done $0x0  }
0xa2: {  	[sflag:s23] =	ssyncadd.s32 s6;
	_ =	sdelay $0x1  }
0xa3: {  	s24 =	simm.s32 $0x1B8B  }
0xa4: {  	_ =	swait.ge [sflag:s24], $0x1  }
0xa5: {  	[sflag:s24] =	ssyncset.done $0x0  }
0xa6: {  	s25 =	simm.s32 $0x1B8E;
	[sflag:s24] =	ssyncadd.s32 $0xFFFFFFFF  }
0xa7: {  	s26 =	simm.s32 $execute0_lowered;
	[smem:$0x3FD2] =	sst s25  }
0xa8: {  	s6 =	sshll.u32 s26, $0x1;
	_ =	strace $0x80000046;
	[dreg:$0x1] =	wrdreg $0xFFFFFFFF  }
0xa9: {  	s28 =	simm.s32 $_size_execute0_lowered;
	s5 =	sadd.s32 s5, s6;
	[dreg:$0x0] =	wrdreg $0x0  }
0xaa: {  	s6 =	sshll.u32 s28, $0x1;
	[dreg:$0x2] =	wrdreg s5  }
0xab: {  	[dreg:$0x3] =	wrdreg s6  }
0xac: {  	[dreg:$0x4] =	wrdreg $0xC0  }
0xad: {  	_ =	task [dreg:s9], $0x5FFFF  }
0xae: {  	[dreg:$0x1] =	wrdreg $0xFFFFFFFF  }
0xaf: {  	[dreg:$0x0] =	wrdreg $0x60  }
0xb0: {  	[dreg:$0x2] =	wrdreg s19  }
0xb1: {  	[dreg:$0x3] =	wrdreg s2  }
0xb2: {  	[dreg:$0x4] =	wrdreg s4  }
0xb3: {  	[dreg:$0x5] =	wrdreg $0x9  }
0xb4: {  	_ =	task.clear_ibuf [dreg:s9], $0x6FFFF;
	_ =	strace $0x90000046  }
0xb5: {  	s29 =	simm.s32 $0x9;
	_ =	strace $0x80000048  }
0xb6: {  	_ =	swait.ge [sflag:s29], $0x1  }
0xb7: {  	[sflag:s29] =	ssyncadd.s32 $0xFFFFFFFF  }
0xb8: {  	_ =	strace $0x90000048  }
0xb9: {  	_ =	sfence  }
0xba: {  	s30 =	sld [smem:$0x0];
	_ =	sdelay $0x2  }
0xbb: {  	s31 =	sshll.u32 s1, $0xD;
	s1 =	sshrl.u32 s1, $0x2  }
0xbc: {  	s3 =	sand.u32 $0x4000, s31;
	s1 =	sadd.s32 s1, s30  }
0xbd: {  	s0 =	sor.u32 s3, s0;
	s1 =	sshll.u32 s1, $0x11  }
0xbe: {  	s0 =	sor.u32 s1, s0  }
0xbf: {  	s0 =	sadd.s32 $0x8F2B, s0  }
0xc0: {  	[sflag:s0] =	ssyncadd.remote.s32 $0x1  }
0xc1: {  	_ =	sfence.sel $0xFFFF  }
0xc2: {  	[dreg:$0x0] =	wrdreg $0xFFFFFFFF;
	(pc) =	sbr.abs _section_cstart, $3  }
0xc3: {  	[dreg:$0x1] =	wrdreg $0xFFFFFFFF  }
0xc4: {  	_ =	task.clear_ibuf [dreg:s9], $0x2FFFF;
	_ =	strace $0x9FFFFFFF  }
0xc5: {  	(tm) =	ssettm $0x7FFFFFFF  }
tec
execute0_lowered:
.L_overlay_start_1:
0x0: {  	(tag) =	ssettag $0x1  }
0x1: {  	s0 =	srdreg.scid;
	s6 =	stileid.u32  }
0x2: {  	s2 =	rddreg [dreg:$0x0];
	s0 =	sand.u32 $0x1, s0;
	s5 =	sshll.u32 s6, $0x1  }
0x3: {  	s1 =	rddreg [dreg:$0x1];
	s6 =	sshll.u32 s6, $0x2;
	s5 =	sor.u32 s0, s5  }
0x4: {  	s4 =	rddreg [dreg:$0x2];
	s6 =	sand.u32 $0x30, s6;
	s7 =	sshll.u32 s5, $0x9  }
0x5: {  	s3 =	simm.s32 $0x0;
	s1 =	sadd.s32 s1, s6;
	s7 =	sand.u32 $0xE00, s7  }
0x6: {  	[smem:$0x7FF] =	sst s3;
	s5 =	sshll.u32 s5, $0x11;
	s1 =	sadd.s32 s7, s1  }
0x7: {  	_ =	strace $0x80000047;
	s7 =	sadd.s32 s4, s5;
	[dreg:$0x4] =	wrdreg s1  }
0x8: {  	s14 =	sadd.s32 $0x800, s7;
	[smem:$0x7FA] =	sst s7  }
0x9: {  	s15 =	sadd.s32 $0x1000, s7;
	[dreg:$0x5] =	wrdreg s14  }
0xa: {  	s16 =	sadd.s32 $0x1800, s7;
	[dreg:$0x6] =	wrdreg s15  }
0xb: {  	s17 =	sadd.s32 $0x2000, s7;
	[dreg:$0x7] =	wrdreg s16  }
0xc: {  	s18 =	sadd.s32 $0x2800, s7;
	[dreg:$0x8] =	wrdreg s17  }
0xd: {  	s19 =	sadd.s32 $0x3000, s7;
	[dreg:$0x9] =	wrdreg s18  }
0xe: {  	s20 =	sadd.s32 $0x3800, s7;
	[dreg:$0xa] =	wrdreg s19  }
0xf: {  	s21 =	sadd.s32 $0x4000, s7;
	[dreg:$0xb] =	wrdreg s20  }
0x10: {  	s22 =	sadd.s32 $0x4800, s7;
	[dreg:$0xc] =	wrdreg s21  }
0x11: {  	s23 =	sadd.s32 $0x5000, s7;
	[dreg:$0xd] =	wrdreg s22  }
0x12: {  	s24 =	sadd.s32 $0x5800, s7;
	[dreg:$0xe] =	wrdreg s23  }
0x13: {  	s25 =	sadd.s32 $0x6000, s7;
	[dreg:$0xf] =	wrdreg s24  }
0x14: {  	s26 =	sadd.s32 $0x6800, s7;
	[dreg:$0x10] =	wrdreg s25  }
0x15: {  	s28 =	sadd.s32 $0x7000, s7;
	[dreg:$0x11] =	wrdreg s26  }
0x16: {  	s29 =	sadd.s32 $0x7800, s7;
	[dreg:$0x12] =	wrdreg s28  }
0x17: {  	s30 =	sadd.s32 $0x8000, s7;
	[dreg:$0x13] =	wrdreg s29  }
0x18: {  	s4 =	sadd.s32 $0x8800, s7;
	[dreg:$0x14] =	wrdreg s30  }
0x19: {  	s5 =	sadd.s32 $0x9000, s7;
	[dreg:$0x15] =	wrdreg s4  }
0x1a: {  	s6 =	sadd.s32 $0x9800, s7;
	[dreg:$0x16] =	wrdreg s5  }
0x1b: {  	s8 =	sadd.s32 $0xA000, s7;
	[dreg:$0x17] =	wrdreg s6  }
0x1c: {  	s9 =	sadd.s32 $0xA800, s7;
	[dreg:$0x18] =	wrdreg s8  }
0x1d: {  	s10 =	sadd.s32 $0xB000, s7;
	[dreg:$0x19] =	wrdreg s9  }
0x1e: {  	s11 =	sadd.s32 $0xB800, s7;
	[dreg:$0x1a] =	wrdreg s10  }
0x1f: {  	s12 =	sadd.s32 $0xC000, s7;
	[dreg:$0x1b] =	wrdreg s11  }
0x20: {  	s13 =	sadd.s32 $0xC800, s7;
	[dreg:$0x1c] =	wrdreg s12  }
0x21: {  	[dreg:$0x1d] =	wrdreg s13;
	s14 =	sadd.s32 $0xD000, s7  }
0x22: {  	s15 =	sadd.s32 $0xD800, s7;
	[dreg:$0x1e] =	wrdreg s14  }
0x23: {  	s16 =	sadd.s32 $0xE000, s7;
	[dreg:$0x1f] =	wrdreg s15  }
0x24: {  	s17 =	sadd.s32 $0xE800, s7;
	[smem:$0x7D7] =	sst s16  }
0x25: {  	s18 =	sadd.s32 $0xF000, s7;
	[smem:$0x7D8] =	sst s17  }
0x26: {  	s19 =	sadd.s32 $0xF800, s7;
	[smem:$0x7D9] =	sst s18  }
0x27: {  	s20 =	sadd.s32 $0x10000, s7;
	[smem:$0x7DA] =	sst s19  }
0x28: {  	s21 =	sadd.s32 $0x10800, s7;
	[smem:$0x7DB] =	sst s20  }
0x29: {  	s22 =	sadd.s32 $0x11000, s7;
	[smem:$0x7DC] =	sst s21  }
0x2a: {  	s23 =	sadd.s32 $0x11800, s7;
	[smem:$0x7DD] =	sst s22  }
0x2b: {  	s24 =	sadd.s32 $0x12000, s7;
	[smem:$0x7DE] =	sst s23  }
0x2c: {  	s25 =	sadd.s32 $0x12800, s7;
	[smem:$0x7DF] =	sst s24  }
0x2d: {  	s26 =	sadd.s32 $0x13000, s7;
	[smem:$0x7E0] =	sst s25  }
0x2e: {  	s28 =	sadd.s32 $0x13800, s7;
	[smem:$0x7E1] =	sst s26  }
0x2f: {  	s29 =	sadd.s32 $0x14000, s7;
	[smem:$0x7E2] =	sst s28  }
0x30: {  	s30 =	sadd.s32 $0x14800, s7;
	[smem:$0x7E3] =	sst s29  }
0x31: {  	s4 =	sadd.s32 $0x15000, s7;
	[smem:$0x7E4] =	sst s30  }
0x32: {  	s5 =	sadd.s32 $0x15800, s7;
	[smem:$0x7E5] =	sst s4  }
0x33: {  	s6 =	sadd.s32 $0x16000, s7;
	[smem:$0x7E6] =	sst s5  }
0x34: {  	s8 =	sadd.s32 $0x16800, s7;
	[smem:$0x7E7] =	sst s6  }
0x35: {  	s9 =	sadd.s32 $0x17000, s7;
	[smem:$0x7E8] =	sst s8  }
0x36: {  	s10 =	sadd.s32 $0x17800, s7;
	[smem:$0x7E9] =	sst s9  }
0x37: {  	s11 =	sadd.s32 $0x18000, s7;
	[smem:$0x7EA] =	sst s10  }
0x38: {  	s12 =	sadd.s32 $0x18800, s7;
	[smem:$0x7EB] =	sst s11  }
0x39: {  	s13 =	sadd.s32 $0x19000, s7;
	[smem:$0x7EC] =	sst s12  }
0x3a: {  	[smem:$0x7ED] =	sst s13;
	s14 =	sadd.s32 $0x19800, s7  }
0x3b: {  	s15 =	sadd.s32 $0x1A000, s7;
	[smem:$0x7EE] =	sst s14  }
0x3c: {  	s16 =	sadd.s32 $0x1A800, s7;
	[smem:$0x7EF] =	sst s15  }
0x3d: {  	s17 =	sadd.s32 $0x1B000, s7;
	[smem:$0x7F0] =	sst s16  }
0x3e: {  	s18 =	sadd.s32 $0x1B800, s7;
	[smem:$0x7F1] =	sst s17  }
0x3f: {  	s19 =	sadd.s32 $0x1C000, s7;
	[smem:$0x7F2] =	sst s18  }
0x40: {  	s20 =	sadd.s32 $0x1C800, s7;
	[smem:$0x7F3] =	sst s19  }
0x41: {  	s31 =	simm.s32 $0x400;
	s21 =	sadd.s32 $0x1D000, s7;
	[smem:$0x7F4] =	sst s20  }
0x42: {  	s0 =	ssub.s32 $0x2, s0;
	s22 =	sadd.s32 $0x1D800, s7;
	[smem:$0x7F5] =	sst s21  }
0x43: {  	s23 =	sshrl.u32 s0, $0x1;
	s24 =	sadd.s32 $0x1E000, s7;
	[smem:$0x7F6] =	sst s22  }
0x44: {  	s25 =	sadd.s32 $0x1E800, s7;
	s5 =	sadd.s32 $0x100, s2;
	[smem:$0x7F7] =	sst s24  }
0x45: {  	s26 =	sadd.s32 $0x1F000, s7;
	s6 =	sadd.s32 $0x200, s2;
	[smem:$0x7F8] =	sst s25  }
0x46: {  	s28 =	sadd.s32 $0x1F800, s7;
	s7 =	sadd.s32 $0x300, s2;
	[smem:$0x7F9] =	sst s26  }
0x47: {  	s29 =	simm.s32 $0x80;
	s30 =	simm.s32 $0x200;
	[smem:$0x7FB] =	sst s28  }
0x48: {  	v2 =	vlaneseq.u32;
	s4 =	simm.s32 $0x1;
	s8 =	simm.s32 $0xC400;
	[smem:$0x7FC] =	sst s29  }
0x49: {  	vm0 =	vmmov $0xffff;
	v1 =	vshrl.u32 v2, $0x3;
	s0 =	ssub.s32 s0, s23;
	[smem:$0x7FD] =	sst s30;
	s18 =	simm.s32 $0x4400  }
0x4a: {  	v0 =	vand.u32 $0x7, v2;
	v2 =	vor.u32 $0x8, v2;
	v1 =	vmul.u32 $0x8, v1;
	s26 =	simm.s32 $0x8400;
	s19 =	simm.s32 $0x2;
	s20 =	smax.u32 s0, $0x1  }
.LBB2_1:
0x4b: {  	s21 =	sld [smem:$0x7FC]  }
0x4c: {  	s22 =	sld [smem:$0x7FD]  }
0x4d: {  	[smem:$0x7D6] =	sst s20  }
0x4e: {  	s0 =	rddreg [dreg:$0x4];
	s1 =	simm.s32 $0x3  }
0x4f: {  	[tilespmem:s3], [sflag:$0x3] =	stream.strided.gather [hbm4b:s0+s21], $0x400, s22, s21, $0x38;
	[tilespmem:$0x10400] =	vst v63  }
0x50: {  	_ =	swait.ge [sflag:s1], $0x400  }
0x51: {  	[sflag:s1] =	ssyncset.done $0x0  }
0x52: {  	[sflag:s1] =	ssyncadd.s32 $0xFFFFFC00  }
0x53: {  	v3 =	vld [tilespmem:$0x0];
	_ =	sdelay $0x4  }
0x54: {  	v4 =	vshll.u32 v3, $0x3  }
0x55: {  	v3 =	vand.u32 $0x7, v3;
	v4 =	vand.u32 $0xFFFFFFC0, v4  }
0x56: {  	v3 =	vor.u32 v3, v4  }
0x57: {  	v4 =	vperm.xlane v3, v0;
	_ =	sdelay $0x1  }
0x58: {  	v4 =	vadd.s32 v1, v4;
	_ =	sdelay $0x4  }
0x59: {  	[tilespmem:s31], [sflag:$0x1] =	stream.indirect_vreg.gather [hbm4b:s2+s3], $0x80, v4, vm0, $0xb8;
	[tilespmem:$0x10400] =	vst v63  }
0x5a: {  	s0 =	simm.s32 $0xC00;
	v3 =	vperm.xlane v3, v2  }
0x5b: {  	[tilespmem:s0], [sflag:$0x1] =	stream.indirect_vreg.gather [hbm4b:s5+s3], $0x80, v4, vm0, $0xb8;
	[tilespmem:$0x10400] =	vst v63  }
0x5c: {  	s9 =	simm.s32 $0x1400;
	v3 =	vadd.s32 v1, v3  }
0x5d: {  	[tilespmem:s9], [sflag:$0x1] =	stream.indirect_vreg.gather [hbm4b:s6+s3], $0x80, v4, vm0, $0xb8;
	[tilespmem:$0x10400] =	vst v63  }
0x5e: {  	s10 =	simm.s32 $0x1C00  }
0x5f: {  	[tilespmem:s10], [sflag:$0x1] =	stream.indirect_vreg.gather [hbm4b:s7+s3], $0x80, v4, vm0, $0xb8;
	[tilespmem:$0x10400] =	vst v63  }
0x60: {  	s11 =	simm.s32 $0x2400  }
0x61: {  	[tilespmem:s11], [sflag:$0x1] =	stream.indirect_vreg.gather [hbm4b:s2+s3], $0x80, v3, vm0, $0xb8;
	[tilespmem:$0x10400] =	vst v63  }
0x62: {  	s12 =	simm.s32 $0x2C00  }
0x63: {  	[tilespmem:s12], [sflag:$0x1] =	stream.indirect_vreg.gather [hbm4b:s5+s3], $0x80, v3, vm0, $0xb8;
	[tilespmem:$0x10400] =	vst v63  }
0x64: {  	s15 =	simm.s32 $0x3400  }
0x65: {  	[tilespmem:s15], [sflag:$0x1] =	stream.indirect_vreg.gather [hbm4b:s6+s3], $0x80, v3, vm0, $0xb8;
	[tilespmem:$0x10400] =	vst v63  }
0x66: {  	s16 =	simm.s32 $0x3C00  }
0x67: {  	[tilespmem:s16], [sflag:$0x1] =	stream.indirect_vreg.gather [hbm4b:s7+s3], $0x80, v3, vm0, $0xb8;
	[tilespmem:$0x10400] =	vst v63  }
0x68: {  	v3 =	vld [tilespmem:$0x10];
	_ =	sdelay $0x4  }
0x69: {  	v57 =	vshll.u32 v3, $0x3  }
0x6a: {  	v3 =	vand.u32 $0x7, v3;
	v4 =	vand.u32 $0xFFFFFFC0, v57  }
0x6b: {  	v3 =	vor.u32 v3, v4  }
0x6c: {  	v4 =	vperm.xlane v3, v0;
	_ =	sdelay $0x1  }
0x6d: {  	v4 =	vadd.s32 v1, v4;
	_ =	sdelay $0x4  }
0x6e: {  	[tilespmem:s18], [sflag:$0x1] =	stream.indirect_vreg.gather [hbm4b:s2+s3], $0x80, v4, vm0, $0xb8;
	[tilespmem:$0x10400] =	vst v63  }
0x6f: {  	s17 =	simm.s32 $0x4C00;
	v3 =	vperm.xlane v3, v2  }
0x70: {  	[tilespmem:s17], [sflag:$0x1] =	stream.indirect_vreg.gather [hbm4b:s5+s3], $0x80, v4, vm0, $0xb8;
	[tilespmem:$0x10400] =	vst v63  }
0x71: {  	s20 =	simm.s32 $0x5400;
	v3 =	vadd.s32 v1, v3  }
0x72: {  	[tilespmem:s20], [sflag:$0x1] =	stream.indirect_vreg.gather [hbm4b:s6+s3], $0x80, v4, vm0, $0xb8;
	[tilespmem:$0x10400] =	vst v63  }
0x73: {  	s21 =	simm.s32 $0x5C00  }
0x74: {  	[tilespmem:s21], [sflag:$0x1] =	stream.indirect_vreg.gather [hbm4b:s7+s3], $0x80, v4, vm0, $0xb8;
	[tilespmem:$0x10400] =	vst v63  }
0x75: {  	s22 =	simm.s32 $0x6400  }
0x76: {  	[tilespmem:s22], [sflag:$0x1] =	stream.indirect_vreg.gather [hbm4b:s2+s3], $0x80, v3, vm0, $0xb8;
	[tilespmem:$0x10400] =	vst v63  }
0x77: {  	s24 =	simm.s32 $0x6C00  }
0x78: {  	[tilespmem:s24], [sflag:$0x1] =	stream.indirect_vreg.gather [hbm4b:s5+s3], $0x80, v3, vm0, $0xb8;
	[tilespmem:$0x10400] =	vst v63  }
0x79: {  	s25 =	simm.s32 $0x7400  }
0x7a: {  	[tilespmem:s25], [sflag:$0x1] =	stream.indirect_vreg.gather [hbm4b:s6+s3], $0x80, v3, vm0, $0xb8;
	[tilespmem:$0x10400] =	vst v63  }
0x7b: {  	s28 =	simm.s32 $0x7C00  }
0x7c: {  	[tilespmem:s28], [sflag:$0x1] =	stream.indirect_vreg.gather [hbm4b:s7+s3], $0x80, v3, vm0, $0xb8;
	[tilespmem:$0x10400] =	vst v63  }
0x7d: {  	v3 =	vld [tilespmem:$0x20];
	_ =	sdelay $0x4  }
0x7e: {  	v58 =	vshll.u32 v3, $0x3  }
0x7f: {  	v3 =	vand.u32 $0x7, v3;
	v4 =	vand.u32 $0xFFFFFFC0, v58  }
0x80: {  	v3 =	vor.u32 v3, v4  }
0x81: {  	v4 =	vperm.xlane v3, v0;
	_ =	sdelay $0x1  }
0x82: {  	v4 =	vadd.s32 v1, v4;
	_ =	sdelay $0x4  }
0x83: {  	[tilespmem:s26], [sflag:$0x1] =	stream.indirect_vreg.gather [hbm4b:s2+s3], $0x80, v4, vm0, $0xb8;
	[tilespmem:$0x10400] =	vst v63  }
0x84: {  	s29 =	simm.s32 $0x8C00;
	v3 =	vperm.xlane v3, v2  }
0x85: {  	[tilespmem:s29], [sflag:$0x1] =	stream.indirect_vreg.gather [hbm4b:s5+s3], $0x80, v4, vm0, $0xb8;
	[tilespmem:$0x10400] =	vst v63  }
0x86: {  	s20 =	simm.s32 $0x9400;
	v3 =	vadd.s32 v1, v3  }
0x87: {  	[tilespmem:s20], [sflag:$0x1] =	stream.indirect_vreg.gather [hbm4b:s6+s3], $0x80, v4, vm0, $0xb8;
	[tilespmem:$0x10400] =	vst v63  }
0x88: {  	s24 =	simm.s32 $0x9C00  }
0x89: {  	[tilespmem:s24], [sflag:$0x1] =	stream.indirect_vreg.gather [hbm4b:s7+s3], $0x80, v4, vm0, $0xb8;
	[tilespmem:$0x10400] =	vst v63  }
0x8a: {  	s28 =	simm.s32 $0xA400  }
0x8b: {  	[tilespmem:s28], [sflag:$0x1] =	stream.indirect_vreg.gather [hbm4b:s2+s3], $0x80, v3, vm0, $0xb8;
	[tilespmem:$0x10400] =	vst v63  }
0x8c: {  	s29 =	simm.s32 $0xAC00  }
0x8d: {  	[tilespmem:s29], [sflag:$0x1] =	stream.indirect_vreg.gather [hbm4b:s5+s3], $0x80, v3, vm0, $0xb8;
	[tilespmem:$0x10400] =	vst v63  }
0x8e: {  	s20 =	simm.s32 $0xB400  }
0x8f: {  	[tilespmem:s20], [sflag:$0x1] =	stream.indirect_vreg.gather [hbm4b:s6+s3], $0x80, v3, vm0, $0xb8;
	[tilespmem:$0x10400] =	vst v63  }
0x90: {  	s24 =	simm.s32 $0xBC00  }
0x91: {  	[tilespmem:s24], [sflag:$0x1] =	stream.indirect_vreg.gather [hbm4b:s7+s3], $0x80, v3, vm0, $0xb8;
	[tilespmem:$0x10400] =	vst v63  }
0x92: {  	_ =	swait.ge [sflag:s4], $0x4000  }
0x93: {  	s28 =	sld [smem:$0x7FA]  }
0x94: {  	[sflag:s4] =	ssyncset.done $0x0  }
0x95: {  	[sflag:s4] =	ssyncadd.s32 $0xFFFFC000  }
0x96: {  	[hbm4b:s28+s3] =	stream.linear.scatter [tilespmem:s31], [sflag:$0x2], $0x4000, $0x38;
	[tilespmem:$0x10400] =	vst v63  }
0x97: {  	v3 =	vld [tilespmem:$0x30];
	_ =	sdelay $0x4  }
0x98: {  	v59 =	vshll.u32 v3, $0x3  }
0x99: {  	v3 =	vand.u32 $0x7, v3;
	v4 =	vand.u32 $0xFFFFFFC0, v59  }
0x9a: {  	v3 =	vor.u32 v3, v4  }
0x9b: {  	v4 =	vperm.xlane v3, v0;
	_ =	sdelay $0x1  }
0x9c: {  	v4 =	vadd.s32 v1, v4;
	_ =	sdelay $0x4  }
0x9d: {  	[tilespmem:s8], [sflag:$0x1] =	stream.indirect_vreg.gather [hbm4b:s2+s3], $0x80, v4, vm0, $0xb8;
	[tilespmem:$0x10400] =	vst v63  }
0x9e: {  	s29 =	simm.s32 $0xCC00;
	v3 =	vperm.xlane v3, v2  }
0x9f: {  	[tilespmem:s29], [sflag:$0x1] =	stream.indirect_vreg.gather [hbm4b:s5+s3], $0x80, v4, vm0, $0xb8;
	[tilespmem:$0x10400] =	vst v63  }
0xa0: {  	s0 =	simm.s32 $0xD400;
	v3 =	vadd.s32 v1, v3  }
0xa1: {  	[tilespmem:s0], [sflag:$0x1] =	stream.indirect_vreg.gather [hbm4b:s6+s3], $0x80, v4, vm0, $0xb8;
	[tilespmem:$0x10400] =	vst v63  }
0xa2: {  	s29 =	simm.s32 $0xDC00  }
0xa3: {  	[tilespmem:s29], [sflag:$0x1] =	stream.indirect_vreg.gather [hbm4b:s7+s3], $0x80, v4, vm0, $0xb8;
	[tilespmem:$0x10400] =	vst v63  }
0xa4: {  	s0 =	simm.s32 $0xE400  }
0xa5: {  	[tilespmem:s0], [sflag:$0x1] =	stream.indirect_vreg.gather [hbm4b:s2+s3], $0x80, v3, vm0, $0xb8;
	[tilespmem:$0x10400] =	vst v63  }
0xa6: {  	s29 =	simm.s32 $0xEC00  }
0xa7: {  	[tilespmem:s29], [sflag:$0x1] =	stream.indirect_vreg.gather [hbm4b:s5+s3], $0x80, v3, vm0, $0xb8;
	[tilespmem:$0x10400] =	vst v63  }
0xa8: {  	s0 =	simm.s32 $0xF400  }
0xa9: {  	[tilespmem:s0], [sflag:$0x1] =	stream.indirect_vreg.gather [hbm4b:s6+s3], $0x80, v3, vm0, $0xb8;
	[tilespmem:$0x10400] =	vst v63  }
0xaa: {  	s29 =	simm.s32 $0xFC00  }
0xab: {  	[tilespmem:s29], [sflag:$0x1] =	stream.indirect_vreg.gather [hbm4b:s7+s3], $0x80, v3, vm0, $0xb8;
	[tilespmem:$0x10400] =	vst v63  }
0xac: {  	_ =	swait.ge [sflag:s4], $0x4000  }
0xad: {  	[sflag:s4] =	ssyncset.done $0x0  }
0xae: {  	s0 =	rddreg [dreg:$0x5];
	[sflag:s4] =	ssyncadd.s32 $0xFFFFC000  }
0xaf: {  	[hbm4b:s0+s3] =	stream.linear.scatter [tilespmem:s18], [sflag:$0x2], $0x4000, $0x38;
	[tilespmem:$0x10400] =	vst v63  }
0xb0: {  	_ =	swait.ge [sflag:s19], $0x4000  }
0xb1: {  	[sflag:s19] =	ssyncset.done $0x0  }
0xb2: {  	[sflag:s19] =	ssyncadd.s32 $0xFFFFC000  }
0xb3: {  	v3 =	vld [tilespmem:$0x40];
	_ =	sdelay $0x4  }
0xb4: {  	v60 =	vshll.u32 v3, $0x3  }
0xb5: {  	v3 =	vand.u32 $0x7, v3;
	v4 =	vand.u32 $0xFFFFFFC0, v60  }
0xb6: {  	v3 =	vor.u32 v3, v4  }
0xb7: {  	v4 =	vperm.xlane v3, v0;
	_ =	sdelay $0x1  }
0xb8: {  	v4 =	vadd.s32 v1, v4;
	_ =	sdelay $0x4  }
0xb9: {  	[tilespmem:s31], [sflag:$0x1] =	stream.indirect_vreg.gather [hbm4b:s2+s3], $0x80, v4, vm0, $0xb8;
	[tilespmem:$0x10400] =	vst v63  }
0xba: {  	s1 =	simm.s32 $0xC00;
	v3 =	vperm.xlane v3, v2  }
0xbb: {  	[tilespmem:s1], [sflag:$0x1] =	stream.indirect_vreg.gather [hbm4b:s5+s3], $0x80, v4, vm0, $0xb8;
	[tilespmem:$0x10400] =	vst v63  }
0xbc: {  	s13 =	simm.s32 $0x1400;
	v3 =	vadd.s32 v1, v3  }
0xbd: {  	[tilespmem:s13], [sflag:$0x1] =	stream.indirect_vreg.gather [hbm4b:s6+s3], $0x80, v4, vm0, $0xb8;
	[tilespmem:$0x10400] =	vst v63  }
0xbe: {  	s14 =	simm.s32 $0x1C00  }
0xbf: {  	[tilespmem:s14], [sflag:$0x1] =	stream.indirect_vreg.gather [hbm4b:s7+s3], $0x80, v4, vm0, $0xb8;
	[tilespmem:$0x10400] =	vst v63  }
0xc0: {  	s10 =	simm.s32 $0x2400  }
0xc1: {  	[tilespmem:s10], [sflag:$0x1] =	stream.indirect_vreg.gather [hbm4b:s2+s3], $0x80, v3, vm0, $0xb8;
	[tilespmem:$0x10400] =	vst v63  }
0xc2: {  	s11 =	simm.s32 $0x2C00  }
0xc3: {  	[tilespmem:s11], [sflag:$0x1] =	stream.indirect_vreg.gather [hbm4b:s5+s3], $0x80, v3, vm0, $0xb8;
	[tilespmem:$0x10400] =	vst v63  }
0xc4: {  	s12 =	simm.s32 $0x3400  }
0xc5: {  	[tilespmem:s12], [sflag:$0x1] =	stream.indirect_vreg.gather [hbm4b:s6+s3], $0x80, v3, vm0, $0xb8;
	[tilespmem:$0x10400] =	vst v63  }
0xc6: {  	s9 =	simm.s32 $0x3C00  }
0xc7: {  	[tilespmem:s9], [sflag:$0x1] =	stream.indirect_vreg.gather [hbm4b:s7+s3], $0x80, v3, vm0, $0xb8;
	[tilespmem:$0x10400] =	vst v63  }
0xc8: {  	_ =	swait.ge [sflag:s4], $0x4000  }
0xc9: {  	[sflag:s4] =	ssyncset.done $0x0  }
0xca: {  	s14 =	rddreg [dreg:$0x6];
	[sflag:s4] =	ssyncadd.s32 $0xFFFFC000  }
0xcb: {  	[hbm4b:s14+s3] =	stream.linear.scatter [tilespmem:s26], [sflag:$0x2], $0x4000, $0x38;
	[tilespmem:$0x10400] =	vst v63  }
0xcc: {  	_ =	swait.ge [sflag:s19], $0x4000  }
0xcd: {  	[sflag:s19] =	ssyncset.done $0x0  }
0xce: {  	[sflag:s19] =	ssyncadd.s32 $0xFFFFC000  }
0xcf: {  	v3 =	vld [tilespmem:$0x50];
	_ =	sdelay $0x4  }
0xd0: {  	v61 =	vshll.u32 v3, $0x3  }
0xd1: {  	v3 =	vand.u32 $0x7, v3;
	v4 =	vand.u32 $0xFFFFFFC0, v61  }
0xd2: {  	v3 =	vor.u32 v3, v4  }
0xd3: {  	v4 =	vperm.xlane v3, v0;
	_ =	sdelay $0x1  }
0xd4: {  	v4 =	vadd.s32 v1, v4;
	_ =	sdelay $0x4  }
0xd5: {  	[tilespmem:s18], [sflag:$0x1] =	stream.indirect_vreg.gather [hbm4b:s2+s3], $0x80, v4, vm0, $0xb8;
	[tilespmem:$0x10400] =	vst v63  }
0xd6: {  	s16 =	simm.s32 $0x4C00;
	v3 =	vperm.xlane v3, v2  }
0xd7: {  	[tilespmem:s16], [sflag:$0x1] =	stream.indirect_vreg.gather [hbm4b:s5+s3], $0x80, v4, vm0, $0xb8;
	[tilespmem:$0x10400] =	vst v63  }
0xd8: {  	s23 =	simm.s32 $0x5400;
	v3 =	vadd.s32 v1, v3  }
0xd9: {  	[tilespmem:s23], [sflag:$0x1] =	stream.indirect_vreg.gather [hbm4b:s6+s3], $0x80, v4, vm0, $0xb8;
	[tilespmem:$0x10400] =	vst v63  }
0xda: {  	s17 =	simm.s32 $0x5C00  }
0xdb: {  	[tilespmem:s17], [sflag:$0x1] =	stream.indirect_vreg.gather [hbm4b:s7+s3], $0x80, v4, vm0, $0xb8;
	[tilespmem:$0x10400] =	vst v63  }
0xdc: {  	s30 =	simm.s32 $0x6400  }
0xdd: {  	[tilespmem:s30], [sflag:$0x1] =	stream.indirect_vreg.gather [hbm4b:s2+s3], $0x80, v3, vm0, $0xb8;
	[tilespmem:$0x10400] =	vst v63  }
0xde: {  	s21 =	simm.s32 $0x6C00  }
0xdf: {  	[tilespmem:s21], [sflag:$0x1] =	stream.indirect_vreg.gather [hbm4b:s5+s3], $0x80, v3, vm0, $0xb8;
	[tilespmem:$0x10400] =	vst v63  }
0xe0: {  	s22 =	simm.s32 $0x7400  }
0xe1: {  	[tilespmem:s22], [sflag:$0x1] =	stream.indirect_vreg.gather [hbm4b:s6+s3], $0x80, v3, vm0, $0xb8;
	[tilespmem:$0x10400] =	vst v63  }
0xe2: {  	s15 =	simm.s32 $0x7C00  }
0xe3: {  	[tilespmem:s15], [sflag:$0x1] =	stream.indirect_vreg.gather [hbm4b:s7+s3], $0x80, v3, vm0, $0xb8;
	[tilespmem:$0x10400] =	vst v63  }
0xe4: {  	_ =	swait.ge [sflag:s4], $0x4000  }
0xe5: {  	[sflag:s4] =	ssyncset.done $0x0  }
0xe6: {  	s17 =	rddreg [dreg:$0x7];
	[sflag:s4] =	ssyncadd.s32 $0xFFFFC000  }
0xe7: {  	[hbm4b:s17+s3] =	stream.linear.scatter [tilespmem:s8], [sflag:$0x2], $0x4000, $0x38;
	[tilespmem:$0x10400] =	vst v63  }
0xe8: {  	_ =	swait.ge [sflag:s19], $0x4000  }
0xe9: {  	[sflag:s19] =	ssyncset.done $0x0  }
0xea: {  	[sflag:s19] =	ssyncadd.s32 $0xFFFFC000  }
0xeb: {  	v3 =	vld [tilespmem:$0x60];
	_ =	sdelay $0x4  }
0xec: {  	v62 =	vshll.u32 v3, $0x3  }
0xed: {  	v3 =	vand.u32 $0x7, v3;
	v4 =	vand.u32 $0xFFFFFFC0, v62  }
0xee: {  	v3 =	vor.u32 v3, v4  }
0xef: {  	v4 =	vperm.xlane v3, v0;
	_ =	sdelay $0x1  }
0xf0: {  	v4 =	vadd.s32 v1, v4;
	_ =	sdelay $0x4  }
0xf1: {  	[tilespmem:s26], [sflag:$0x1] =	stream.indirect_vreg.gather [hbm4b:s2+s3], $0x80, v4, vm0, $0xb8;
	[tilespmem:$0x10400] =	vst v63  }
0xf2: {  	s25 =	simm.s32 $0x8C00;
	v3 =	vperm.xlane v3, v2  }
0xf3: {  	[tilespmem:s25], [sflag:$0x1] =	stream.indirect_vreg.gather [hbm4b:s5+s3], $0x80, v4, vm0, $0xb8;
	[tilespmem:$0x10400] =	vst v63  }
0xf4: {  	s0 =	simm.s32 $0x9400;
	v3 =	vadd.s32 v1, v3  }
0xf5: {  	[tilespmem:s0], [sflag:$0x1] =	stream.indirect_vreg.gather [hbm4b:s6+s3], $0x80, v4, vm0, $0xb8;
	[tilespmem:$0x10400] =	vst v63  }
0xf6: {  	s1 =	simm.s32 $0x9C00  }
0xf7: {  	[tilespmem:s1], [sflag:$0x1] =	stream.indirect_vreg.gather [hbm4b:s7+s3], $0x80, v4, vm0, $0xb8;
	[tilespmem:$0x10400] =	vst v63  }
0xf8: {  	s10 =	simm.s32 $0xA400  }
0xf9: {  	[tilespmem:s10], [sflag:$0x1] =	stream.indirect_vreg.gather [hbm4b:s2+s3], $0x80, v3, vm0, $0xb8;
	[tilespmem:$0x10400] =	vst v63  }
0xfa: {  	s17 =	simm.s32 $0xAC00  }
0xfb: {  	[tilespmem:s17], [sflag:$0x1] =	stream.indirect_vreg.gather [hbm4b:s5+s3], $0x80, v3, vm0, $0xb8;
	[tilespmem:$0x10400] =	vst v63  }
0xfc: {  	s30 =	simm.s32 $0xB400  }
0xfd: {  	[tilespmem:s30], [sflag:$0x1] =	stream.indirect_vreg.gather [hbm4b:s6+s3], $0x80, v3, vm0, $0xb8;
	[tilespmem:$0x10400] =	vst v63  }
0xfe: {  	s24 =	simm.s32 $0xBC00  }
0xff: {  	[tilespmem:s24], [sflag:$0x1] =	stream.indirect_vreg.gather [hbm4b:s7+s3], $0x80, v3, vm0, $0xb8;
	[tilespmem:$0x10400] =	vst v63  }
0x100: {  	_ =	swait.ge [sflag:s4], $0x4000  }
0x101: {  	[sflag:s4] =	ssyncset.done $0x0  }
0x102: {  	s21 =	rddreg [dreg:$0x8];
	[sflag:s4] =	ssyncadd.s32 $0xFFFFC000  }
0x103: {  	[hbm4b:s21+s3] =	stream.linear.scatter [tilespmem:s31], [sflag:$0x2], $0x4000, $0x38;
	[tilespmem:$0x10400] =	vst v63  }
0x104: {  	_ =	swait.ge [sflag:s19], $0x4000  }
0x105: {  	[sflag:s19] =	ssyncset.done $0x0  }
0x106: {  	[sflag:s19] =	ssyncadd.s32 $0xFFFFC000  }
0x107: {  	v3 =	vld [tilespmem:$0x70];
	_ =	sdelay $0x4  }
0x108: {  	v63 =	vshll.u32 v3, $0x3  }
0x109: {  	v3 =	vand.u32 $0x7, v3;
	v4 =	vand.u32 $0xFFFFFFC0, v63  }
0x10a: {  	v3 =	vor.u32 v3, v4  }
0x10b: {  	v4 =	vperm.xlane v3, v0;
	_ =	sdelay $0x1  }
0x10c: {  	v4 =	vadd.s32 v1, v4;
	_ =	sdelay $0x4  }
0x10d: {  	[tilespmem:s8], [sflag:$0x1] =	stream.indirect_vreg.gather [hbm4b:s2+s3], $0x80, v4, vm0, $0xb8;
	[tilespmem:$0x10400] =	vst v63  }
0x10e: {  	s28 =	simm.s32 $0xCC00;
	v3 =	vperm.xlane v3, v2  }
0x10f: {  	[tilespmem:s28], [sflag:$0x1] =	stream.indirect_vreg.gather [hbm4b:s5+s3], $0x80, v4, vm0, $0xb8;
	[tilespmem:$0x10400] =	vst v63  }
0x110: {  	s22 =	simm.s32 $0xD400;
	v3 =	vadd.s32 v1, v3  }
0x111: {  	[tilespmem:s22], [sflag:$0x1] =	stream.indirect_vreg.gather [hbm4b:s6+s3], $0x80, v4, vm0, $0xb8;
	[tilespmem:$0x10400] =	vst v63  }
0x112: {  	s28 =	simm.s32 $0xDC00  }
0x113: {  	[tilespmem:s28], [sflag:$0x1] =	stream.indirect_vreg.gather [hbm4b:s7+s3], $0x80, v4, vm0, $0xb8;
	[tilespmem:$0x10400] =	vst v63  }
0x114: {  	s13 =	simm.s32 $0xE400  }
0x115: {  	[tilespmem:s13], [sflag:$0x1] =	stream.indirect_vreg.gather [hbm4b:s2+s3], $0x80, v3, vm0, $0xb8;
	[tilespmem:$0x10400] =	vst v63  }
0x116: {  	s20 =	simm.s32 $0xEC00  }
0x117: {  	[tilespmem:s20], [sflag:$0x1] =	stream.indirect_vreg.gather [hbm4b:s5+s3], $0x80, v3, vm0, $0xb8;
	[tilespmem:$0x10400] =	vst v63  }
0x118: {  	s22 =	simm.s32 $0xF400  }
0x119: {  	[tilespmem:s22], [sflag:$0x1] =	stream.indirect_vreg.gather [hbm4b:s6+s3], $0x80, v3, vm0, $0xb8;
	[tilespmem:$0x10400] =	vst v63  }
0x11a: {  	s29 =	simm.s32 $0xFC00  }
0x11b: {  	[tilespmem:s29], [sflag:$0x1] =	stream.indirect_vreg.gather [hbm4b:s7+s3], $0x80, v3, vm0, $0xb8;
	[tilespmem:$0x10400] =	vst v63  }
0x11c: {  	_ =	swait.ge [sflag:s4], $0x4000  }
0x11d: {  	[sflag:s4] =	ssyncset.done $0x0  }
0x11e: {  	s28 =	rddreg [dreg:$0x9];
	[sflag:s4] =	ssyncadd.s32 $0xFFFFC000  }
0x11f: {  	[hbm4b:s28+s3] =	stream.linear.scatter [tilespmem:s18], [sflag:$0x2], $0x4000, $0x38;
	[tilespmem:$0x10400] =	vst v63  }
0x120: {  	_ =	swait.ge [sflag:s19], $0x4000  }
0x121: {  	[sflag:s19] =	ssyncset.done $0x0  }
0x122: {  	[sflag:s19] =	ssyncadd.s32 $0xFFFFC000  }
0x123: {  	v3 =	vld [tilespmem:$0x80];
	_ =	sdelay $0x4  }
0x124: {  	v8 =	vshll.u32 v3, $0x3  }
0x125: {  	v3 =	vand.u32 $0x7, v3;
	v4 =	vand.u32 $0xFFFFFFC0, v8  }
0x126: {  	v3 =	vor.u32 v3, v4  }
0x127: {  	v4 =	vperm.xlane v3, v0;
	_ =	sdelay $0x1  }
0x128: {  	v4 =	vadd.s32 v1, v4;
	_ =	sdelay $0x4  }
0x129: {  	[tilespmem:s31], [sflag:$0x1] =	stream.indirect_vreg.gather [hbm4b:s2+s3], $0x80, v4, vm0, $0xb8;
	[tilespmem:$0x10400] =	vst v63  }
0x12a: {  	s29 =	simm.s32 $0xC00;
	v3 =	vperm.xlane v3, v2  }
0x12b: {  	[tilespmem:s29], [sflag:$0x1] =	stream.indirect_vreg.gather [hbm4b:s5+s3], $0x80, v4, vm0, $0xb8;
	[tilespmem:$0x10400] =	vst v63  }
0x12c: {  	s28 =	simm.s32 $0x1400;
	v3 =	vadd.s32 v1, v3  }
0x12d: {  	[tilespmem:s28], [sflag:$0x1] =	stream.indirect_vreg.gather [hbm4b:s6+s3], $0x80, v4, vm0, $0xb8;
	[tilespmem:$0x10400] =	vst v63  }
0x12e: {  	s29 =	simm.s32 $0x1C00  }
0x12f: {  	[tilespmem:s29], [sflag:$0x1] =	stream.indirect_vreg.gather [hbm4b:s7+s3], $0x80, v4, vm0, $0xb8;
	[tilespmem:$0x10400] =	vst v63  }
0x130: {  	s28 =	simm.s32 $0x2400  }
0x131: {  	[tilespmem:s28], [sflag:$0x1] =	stream.indirect_vreg.gather [hbm4b:s2+s3], $0x80, v3, vm0, $0xb8;
	[tilespmem:$0x10400] =	vst v63  }
0x132: {  	s29 =	simm.s32 $0x2C00  }
0x133: {  	[tilespmem:s29], [sflag:$0x1] =	stream.indirect_vreg.gather [hbm4b:s5+s3], $0x80, v3, vm0, $0xb8;
	[tilespmem:$0x10400] =	vst v63  }
0x134: {  	s28 =	simm.s32 $0x3400  }
0x135: {  	[tilespmem:s28], [sflag:$0x1] =	stream.indirect_vreg.gather [hbm4b:s6+s3], $0x80, v3, vm0, $0xb8;
	[tilespmem:$0x10400] =	vst v63  }
0x136: {  	s29 =	simm.s32 $0x3C00  }
0x137: {  	[tilespmem:s29], [sflag:$0x1] =	stream.indirect_vreg.gather [hbm4b:s7+s3], $0x80, v3, vm0, $0xb8;
	[tilespmem:$0x10400] =	vst v63  }
0x138: {  	_ =	swait.ge [sflag:s4], $0x4000  }
0x139: {  	[sflag:s4] =	ssyncset.done $0x0  }
0x13a: {  	s28 =	rddreg [dreg:$0xa];
	[sflag:s4] =	ssyncadd.s32 $0xFFFFC000  }
0x13b: {  	[hbm4b:s28+s3] =	stream.linear.scatter [tilespmem:s26], [sflag:$0x2], $0x4000, $0x38;
	[tilespmem:$0x10400] =	vst v63  }
0x13c: {  	_ =	swait.ge [sflag:s19], $0x4000  }
0x13d: {  	[sflag:s19] =	ssyncset.done $0x0  }
0x13e: {  	[sflag:s19] =	ssyncadd.s32 $0xFFFFC000  }
0x13f: {  	v3 =	vld [tilespmem:$0x90];
	_ =	sdelay $0x4  }
0x140: {  	v9 =	vshll.u32 v3, $0x3  }
0x141: {  	v3 =	vand.u32 $0x7, v3;
	v4 =	vand.u32 $0xFFFFFFC0, v9  }
0x142: {  	v3 =	vor.u32 v3, v4  }
0x143: {  	v4 =	vperm.xlane v3, v0;
	_ =	sdelay $0x1  }
0x144: {  	v4 =	vadd.s32 v1, v4;
	_ =	sdelay $0x4  }
0x145: {  	[tilespmem:s18], [sflag:$0x1] =	stream.indirect_vreg.gather [hbm4b:s2+s3], $0x80, v4, vm0, $0xb8;
	[tilespmem:$0x10400] =	vst v63  }
0x146: {  	s29 =	simm.s32 $0x4C00;
	v3 =	vperm.xlane v3, v2  }
0x147: {  	[tilespmem:s29], [sflag:$0x1] =	stream.indirect_vreg.gather [hbm4b:s5+s3], $0x80, v4, vm0, $0xb8;
	[tilespmem:$0x10400] =	vst v63  }
0x148: {  	s11 =	simm.s32 $0x5400;
	v3 =	vadd.s32 v1, v3  }
0x149: {  	[tilespmem:s11], [sflag:$0x1] =	stream.indirect_vreg.gather [hbm4b:s6+s3], $0x80, v4, vm0, $0xb8;
	[tilespmem:$0x10400] =	vst v63  }
0x14a: {  	s9 =	simm.s32 $0x5C00  }
0x14b: {  	[tilespmem:s9], [sflag:$0x1] =	stream.indirect_vreg.gather [hbm4b:s7+s3], $0x80, v4, vm0, $0xb8;
	[tilespmem:$0x10400] =	vst v63  }
0x14c: {  	s14 =	simm.s32 $0x6400  }
0x14d: {  	[tilespmem:s14], [sflag:$0x1] =	stream.indirect_vreg.gather [hbm4b:s2+s3], $0x80, v3, vm0, $0xb8;
	[tilespmem:$0x10400] =	vst v63  }
0x14e: {  	s11 =	simm.s32 $0x6C00  }
0x14f: {  	[tilespmem:s11], [sflag:$0x1] =	stream.indirect_vreg.gather [hbm4b:s5+s3], $0x80, v3, vm0, $0xb8;
	[tilespmem:$0x10400] =	vst v63  }
0x150: {  	s14 =	simm.s32 $0x7400  }
0x151: {  	[tilespmem:s14], [sflag:$0x1] =	stream.indirect_vreg.gather [hbm4b:s6+s3], $0x80, v3, vm0, $0xb8;
	[tilespmem:$0x10400] =	vst v63  }
0x152: {  	s20 =	simm.s32 $0x7C00  }
0x153: {  	[tilespmem:s20], [sflag:$0x1] =	stream.indirect_vreg.gather [hbm4b:s7+s3], $0x80, v3, vm0, $0xb8;
	[tilespmem:$0x10400] =	vst v63  }
0x154: {  	_ =	swait.ge [sflag:s4], $0x4000  }
0x155: {  	[sflag:s4] =	ssyncset.done $0x0  }
0x156: {  	s14 =	rddreg [dreg:$0xb];
	[sflag:s4] =	ssyncadd.s32 $0xFFFFC000  }
0x157: {  	[hbm4b:s14+s3] =	stream.linear.scatter [tilespmem:s8], [sflag:$0x2], $0x4000, $0x38;
	[tilespmem:$0x10400] =	vst v63  }
0x158: {  	_ =	swait.ge [sflag:s19], $0x4000  }
0x159: {  	[sflag:s19] =	ssyncset.done $0x0  }
0x15a: {  	[sflag:s19] =	ssyncadd.s32 $0xFFFFC000  }
0x15b: {  	v3 =	vld [tilespmem:$0xA0];
	_ =	sdelay $0x4  }
0x15c: {  	v10 =	vshll.u32 v3, $0x3  }
0x15d: {  	v3 =	vand.u32 $0x7, v3;
	v4 =	vand.u32 $0xFFFFFFC0, v10  }
0x15e: {  	v3 =	vor.u32 v3, v4  }
0x15f: {  	v4 =	vperm.xlane v3, v0;
	_ =	sdelay $0x1  }
0x160: {  	v4 =	vadd.s32 v1, v4;
	_ =	sdelay $0x4  }
0x161: {  	[tilespmem:s26], [sflag:$0x1] =	stream.indirect_vreg.gather [hbm4b:s2+s3], $0x80, v4, vm0, $0xb8;
	[tilespmem:$0x10400] =	vst v63  }
0x162: {  	s23 =	simm.s32 $0x8C00;
	v3 =	vperm.xlane v3, v2  }
0x163: {  	[tilespmem:s23], [sflag:$0x1] =	stream.indirect_vreg.gather [hbm4b:s5+s3], $0x80, v4, vm0, $0xb8;
	[tilespmem:$0x10400] =	vst v63  }
0x164: {  	v3 =	vadd.s32 v1, v3  }
0x165: {  	[tilespmem:s0], [sflag:$0x1] =	stream.indirect_vreg.gather [hbm4b:s6+s3], $0x80, v4, vm0, $0xb8;
	[tilespmem:$0x10400] =	vst v63  }
0x166: {  	_ = 	snop  }
0x167: {  	[tilespmem:s1], [sflag:$0x1] =	stream.indirect_vreg.gather [hbm4b:s7+s3], $0x80, v4, vm0, $0xb8;
	[tilespmem:$0x10400] =	vst v63  }
0x168: {  	_ = 	snop  }
0x169: {  	[tilespmem:s10], [sflag:$0x1] =	stream.indirect_vreg.gather [hbm4b:s2+s3], $0x80, v3, vm0, $0xb8;
	[tilespmem:$0x10400] =	vst v63  }
0x16a: {  	_ = 	snop  }
0x16b: {  	[tilespmem:s17], [sflag:$0x1] =	stream.indirect_vreg.gather [hbm4b:s5+s3], $0x80, v3, vm0, $0xb8;
	[tilespmem:$0x10400] =	vst v63  }
0x16c: {  	_ = 	snop  }
0x16d: {  	[tilespmem:s30], [sflag:$0x1] =	stream.indirect_vreg.gather [hbm4b:s6+s3], $0x80, v3, vm0, $0xb8;
	[tilespmem:$0x10400] =	vst v63  }
0x16e: {  	s25 =	simm.s32 $0xBC00  }
0x16f: {  	[tilespmem:s25], [sflag:$0x1] =	stream.indirect_vreg.gather [hbm4b:s7+s3], $0x80, v3, vm0, $0xb8;
	[tilespmem:$0x10400] =	vst v63  }
0x170: {  	_ =	swait.ge [sflag:s4], $0x4000  }
0x171: {  	[sflag:s4] =	ssyncset.done $0x0  }
0x172: {  	s30 =	rddreg [dreg:$0xc];
	[sflag:s4] =	ssyncadd.s32 $0xFFFFC000  }
0x173: {  	[hbm4b:s30+s3] =	stream.linear.scatter [tilespmem:s31], [sflag:$0x2], $0x4000, $0x38;
	[tilespmem:$0x10400] =	vst v63  }
0x174: {  	_ =	swait.ge [sflag:s19], $0x4000  }
0x175: {  	[sflag:s19] =	ssyncset.done $0x0  }
0x176: {  	[sflag:s19] =	ssyncadd.s32 $0xFFFFC000  }
0x177: {  	v3 =	vld [tilespmem:$0xB0];
	_ =	sdelay $0x4  }
0x178: {  	v11 =	vshll.u32 v3, $0x3  }
0x179: {  	v3 =	vand.u32 $0x7, v3;
	v4 =	vand.u32 $0xFFFFFFC0, v11  }
0x17a: {  	v3 =	vor.u32 v3, v4  }
0x17b: {  	v4 =	vperm.xlane v3, v0;
	_ =	sdelay $0x1  }
0x17c: {  	v4 =	vadd.s32 v1, v4;
	_ =	sdelay $0x4  }
0x17d: {  	[tilespmem:s8], [sflag:$0x1] =	stream.indirect_vreg.gather [hbm4b:s2+s3], $0x80, v4, vm0, $0xb8;
	[tilespmem:$0x10400] =	vst v63  }
0x17e: {  	s24 =	simm.s32 $0xCC00;
	v3 =	vperm.xlane v3, v2  }
0x17f: {  	[tilespmem:s24], [sflag:$0x1] =	stream.indirect_vreg.gather [hbm4b:s5+s3], $0x80, v4, vm0, $0xb8;
	[tilespmem:$0x10400] =	vst v63  }
0x180: {  	s16 =	simm.s32 $0xD400;
	v3 =	vadd.s32 v1, v3  }
0x181: {  	[tilespmem:s16], [sflag:$0x1] =	stream.indirect_vreg.gather [hbm4b:s6+s3], $0x80, v4, vm0, $0xb8;
	[tilespmem:$0x10400] =	vst v63  }
0x182: {  	s15 =	simm.s32 $0xDC00  }
0x183: {  	[tilespmem:s15], [sflag:$0x1] =	stream.indirect_vreg.gather [hbm4b:s7+s3], $0x80, v4, vm0, $0xb8;
	[tilespmem:$0x10400] =	vst v63  }
0x184: {  	s21 =	simm.s32 $0xE400  }
0x185: {  	[tilespmem:s21], [sflag:$0x1] =	stream.indirect_vreg.gather [hbm4b:s2+s3], $0x80, v3, vm0, $0xb8;
	[tilespmem:$0x10400] =	vst v63  }
0x186: {  	s12 =	simm.s32 $0xEC00  }
0x187: {  	[tilespmem:s12], [sflag:$0x1] =	stream.indirect_vreg.gather [hbm4b:s5+s3], $0x80, v3, vm0, $0xb8;
	[tilespmem:$0x10400] =	vst v63  }
0x188: {  	s22 =	simm.s32 $0xF400  }
0x189: {  	[tilespmem:s22], [sflag:$0x1] =	stream.indirect_vreg.gather [hbm4b:s6+s3], $0x80, v3, vm0, $0xb8;
	[tilespmem:$0x10400] =	vst v63  }
0x18a: {  	s13 =	simm.s32 $0xFC00  }
0x18b: {  	[tilespmem:s13], [sflag:$0x1] =	stream.indirect_vreg.gather [hbm4b:s7+s3], $0x80, v3, vm0, $0xb8;
	[tilespmem:$0x10400] =	vst v63  }
0x18c: {  	_ =	swait.ge [sflag:s4], $0x4000  }
0x18d: {  	[sflag:s4] =	ssyncset.done $0x0  }
0x18e: {  	s13 =	rddreg [dreg:$0xd];
	[sflag:s4] =	ssyncadd.s32 $0xFFFFC000  }
0x18f: {  	[hbm4b:s13+s3] =	stream.linear.scatter [tilespmem:s18], [sflag:$0x2], $0x4000, $0x38;
	[tilespmem:$0x10400] =	vst v63  }
0x190: {  	_ =	swait.ge [sflag:s19], $0x4000  }
0x191: {  	[sflag:s19] =	ssyncset.done $0x0  }
0x192: {  	[sflag:s19] =	ssyncadd.s32 $0xFFFFC000  }
0x193: {  	v3 =	vld [tilespmem:$0xC0];
	_ =	sdelay $0x4  }
0x194: {  	v12 =	vshll.u32 v3, $0x3  }
0x195: {  	v3 =	vand.u32 $0x7, v3;
	v4 =	vand.u32 $0xFFFFFFC0, v12  }
0x196: {  	v3 =	vor.u32 v3, v4  }
0x197: {  	v4 =	vperm.xlane v3, v0;
	_ =	sdelay $0x1  }
0x198: {  	v4 =	vadd.s32 v1, v4;
	_ =	sdelay $0x4  }
0x199: {  	[tilespmem:s31], [sflag:$0x1] =	stream.indirect_vreg.gather [hbm4b:s2+s3], $0x80, v4, vm0, $0xb8;
	[tilespmem:$0x10400] =	vst v63  }
0x19a: {  	s22 =	simm.s32 $0xC00;
	v3 =	vperm.xlane v3, v2  }
0x19b: {  	[tilespmem:s22], [sflag:$0x1] =	stream.indirect_vreg.gather [hbm4b:s5+s3], $0x80, v4, vm0, $0xb8;
	[tilespmem:$0x10400] =	vst v63  }
0x19c: {  	s20 =	simm.s32 $0x1400;
	v3 =	vadd.s32 v1, v3  }
0x19d: {  	[tilespmem:s20], [sflag:$0x1] =	stream.indirect_vreg.gather [hbm4b:s6+s3], $0x80, v4, vm0, $0xb8;
	[tilespmem:$0x10400] =	vst v63  }
0x19e: {  	s22 =	simm.s32 $0x1C00  }
0x19f: {  	[tilespmem:s22], [sflag:$0x1] =	stream.indirect_vreg.gather [hbm4b:s7+s3], $0x80, v4, vm0, $0xb8;
	[tilespmem:$0x10400] =	vst v63  }
0x1a0: {  	s20 =	simm.s32 $0x2400  }
0x1a1: {  	[tilespmem:s20], [sflag:$0x1] =	stream.indirect_vreg.gather [hbm4b:s2+s3], $0x80, v3, vm0, $0xb8;
	[tilespmem:$0x10400] =	vst v63  }
0x1a2: {  	s22 =	simm.s32 $0x2C00  }
0x1a3: {  	[tilespmem:s22], [sflag:$0x1] =	stream.indirect_vreg.gather [hbm4b:s5+s3], $0x80, v3, vm0, $0xb8;
	[tilespmem:$0x10400] =	vst v63  }
0x1a4: {  	s20 =	simm.s32 $0x3400  }
0x1a5: {  	[tilespmem:s20], [sflag:$0x1] =	stream.indirect_vreg.gather [hbm4b:s6+s3], $0x80, v3, vm0, $0xb8;
	[tilespmem:$0x10400] =	vst v63  }
0x1a6: {  	s22 =	simm.s32 $0x3C00  }
0x1a7: {  	[tilespmem:s22], [sflag:$0x1] =	stream.indirect_vreg.gather [hbm4b:s7+s3], $0x80, v3, vm0, $0xb8;
	[tilespmem:$0x10400] =	vst v63  }
0x1a8: {  	_ =	swait.ge [sflag:s4], $0x4000  }
0x1a9: {  	[sflag:s4] =	ssyncset.done $0x0  }
0x1aa: {  	s13 =	rddreg [dreg:$0xe];
	[sflag:s4] =	ssyncadd.s32 $0xFFFFC000  }
0x1ab: {  	[hbm4b:s13+s3] =	stream.linear.scatter [tilespmem:s26], [sflag:$0x2], $0x4000, $0x38;
	[tilespmem:$0x10400] =	vst v63  }
0x1ac: {  	_ =	swait.ge [sflag:s19], $0x4000  }
0x1ad: {  	[sflag:s19] =	ssyncset.done $0x0  }
0x1ae: {  	[sflag:s19] =	ssyncadd.s32 $0xFFFFC000  }
0x1af: {  	v3 =	vld [tilespmem:$0xD0];
	_ =	sdelay $0x4  }
0x1b0: {  	v13 =	vshll.u32 v3, $0x3  }
0x1b1: {  	v3 =	vand.u32 $0x7, v3;
	v4 =	vand.u32 $0xFFFFFFC0, v13  }
0x1b2: {  	v3 =	vor.u32 v3, v4  }
0x1b3: {  	v4 =	vperm.xlane v3, v0;
	_ =	sdelay $0x1  }
0x1b4: {  	v4 =	vadd.s32 v1, v4;
	_ =	sdelay $0x4  }
0x1b5: {  	[tilespmem:s18], [sflag:$0x1] =	stream.indirect_vreg.gather [hbm4b:s2+s3], $0x80, v4, vm0, $0xb8;
	[tilespmem:$0x10400] =	vst v63  }
0x1b6: {  	s22 =	simm.s32 $0x4C00;
	v3 =	vperm.xlane v3, v2  }
0x1b7: {  	[tilespmem:s22], [sflag:$0x1] =	stream.indirect_vreg.gather [hbm4b:s5+s3], $0x80, v4, vm0, $0xb8;
	[tilespmem:$0x10400] =	vst v63  }
0x1b8: {  	s29 =	simm.s32 $0x5400;
	v3 =	vadd.s32 v1, v3  }
0x1b9: {  	[tilespmem:s29], [sflag:$0x1] =	stream.indirect_vreg.gather [hbm4b:s6+s3], $0x80, v4, vm0, $0xb8;
	[tilespmem:$0x10400] =	vst v63  }
0x1ba: {  	s29 =	simm.s32 $0x5C00  }
0x1bb: {  	[tilespmem:s29], [sflag:$0x1] =	stream.indirect_vreg.gather [hbm4b:s7+s3], $0x80, v4, vm0, $0xb8;
	[tilespmem:$0x10400] =	vst v63  }
0x1bc: {  	s28 =	simm.s32 $0x6400  }
0x1bd: {  	[tilespmem:s28], [sflag:$0x1] =	stream.indirect_vreg.gather [hbm4b:s2+s3], $0x80, v3, vm0, $0xb8;
	[tilespmem:$0x10400] =	vst v63  }
0x1be: {  	s11 =	simm.s32 $0x6C00  }
0x1bf: {  	[tilespmem:s11], [sflag:$0x1] =	stream.indirect_vreg.gather [hbm4b:s5+s3], $0x80, v3, vm0, $0xb8;
	[tilespmem:$0x10400] =	vst v63  }
0x1c0: {  	s22 =	simm.s32 $0x7400  }
0x1c1: {  	[tilespmem:s22], [sflag:$0x1] =	stream.indirect_vreg.gather [hbm4b:s6+s3], $0x80, v3, vm0, $0xb8;
	[tilespmem:$0x10400] =	vst v63  }
0x1c2: {  	s20 =	simm.s32 $0x7C00  }
0x1c3: {  	[tilespmem:s20], [sflag:$0x1] =	stream.indirect_vreg.gather [hbm4b:s7+s3], $0x80, v3, vm0, $0xb8;
	[tilespmem:$0x10400] =	vst v63  }
0x1c4: {  	_ =	swait.ge [sflag:s4], $0x4000  }
0x1c5: {  	[sflag:s4] =	ssyncset.done $0x0  }
0x1c6: {  	s22 =	rddreg [dreg:$0xf];
	[sflag:s4] =	ssyncadd.s32 $0xFFFFC000  }
0x1c7: {  	[hbm4b:s22+s3] =	stream.linear.scatter [tilespmem:s8], [sflag:$0x2], $0x4000, $0x38;
	[tilespmem:$0x10400] =	vst v63  }
0x1c8: {  	_ =	swait.ge [sflag:s19], $0x4000  }
0x1c9: {  	[sflag:s19] =	ssyncset.done $0x0  }
0x1ca: {  	[sflag:s19] =	ssyncadd.s32 $0xFFFFC000  }
0x1cb: {  	v3 =	vld [tilespmem:$0xE0];
	_ =	sdelay $0x4  }
0x1cc: {  	v14 =	vshll.u32 v3, $0x3  }
0x1cd: {  	v3 =	vand.u32 $0x7, v3;
	v4 =	vand.u32 $0xFFFFFFC0, v14  }
0x1ce: {  	v3 =	vor.u32 v3, v4  }
0x1cf: {  	v4 =	vperm.xlane v3, v0;
	_ =	sdelay $0x1  }
0x1d0: {  	v4 =	vadd.s32 v1, v4;
	_ =	sdelay $0x4  }
0x1d1: {  	[tilespmem:s26], [sflag:$0x1] =	stream.indirect_vreg.gather [hbm4b:s2+s3], $0x80, v4, vm0, $0xb8;
	[tilespmem:$0x10400] =	vst v63  }
0x1d2: {  	s9 =	simm.s32 $0x8C00;
	v3 =	vperm.xlane v3, v2  }
0x1d3: {  	[tilespmem:s9], [sflag:$0x1] =	stream.indirect_vreg.gather [hbm4b:s5+s3], $0x80, v4, vm0, $0xb8;
	[tilespmem:$0x10400] =	vst v63  }
0x1d4: {  	s23 =	simm.s32 $0x9400;
	v3 =	vadd.s32 v1, v3  }
0x1d5: {  	[tilespmem:s23], [sflag:$0x1] =	stream.indirect_vreg.gather [hbm4b:s6+s3], $0x80, v4, vm0, $0xb8;
	[tilespmem:$0x10400] =	vst v63  }
0x1d6: {  	s1 =	simm.s32 $0x9C00  }
0x1d7: {  	[tilespmem:s1], [sflag:$0x1] =	stream.indirect_vreg.gather [hbm4b:s7+s3], $0x80, v4, vm0, $0xb8;
	[tilespmem:$0x10400] =	vst v63  }
0x1d8: {  	s10 =	simm.s32 $0xA400  }
0x1d9: {  	[tilespmem:s10], [sflag:$0x1] =	stream.indirect_vreg.gather [hbm4b:s2+s3], $0x80, v3, vm0, $0xb8;
	[tilespmem:$0x10400] =	vst v63  }
0x1da: {  	s14 =	simm.s32 $0xAC00  }
0x1db: {  	[tilespmem:s14], [sflag:$0x1] =	stream.indirect_vreg.gather [hbm4b:s5+s3], $0x80, v3, vm0, $0xb8;
	[tilespmem:$0x10400] =	vst v63  }
0x1dc: {  	s0 =	simm.s32 $0xB400  }
0x1dd: {  	[tilespmem:s0], [sflag:$0x1] =	stream.indirect_vreg.gather [hbm4b:s6+s3], $0x80, v3, vm0, $0xb8;
	[tilespmem:$0x10400] =	vst v63  }
0x1de: {  	s25 =	simm.s32 $0xBC00  }
0x1df: {  	[tilespmem:s25], [sflag:$0x1] =	stream.indirect_vreg.gather [hbm4b:s7+s3], $0x80, v3, vm0, $0xb8;
	[tilespmem:$0x10400] =	vst v63  }
0x1e0: {  	_ =	swait.ge [sflag:s4], $0x4000  }
0x1e1: {  	[sflag:s4] =	ssyncset.done $0x0  }
0x1e2: {  	s25 =	rddreg [dreg:$0x10];
	[sflag:s4] =	ssyncadd.s32 $0xFFFFC000  }
0x1e3: {  	[hbm4b:s25+s3] =	stream.linear.scatter [tilespmem:s31], [sflag:$0x2], $0x4000, $0x38;
	[tilespmem:$0x10400] =	vst v63  }
0x1e4: {  	_ =	swait.ge [sflag:s19], $0x4000  }
0x1e5: {  	[sflag:s19] =	ssyncset.done $0x0  }
0x1e6: {  	[sflag:s19] =	ssyncadd.s32 $0xFFFFC000  }
0x1e7: {  	v3 =	vld [tilespmem:$0xF0];
	_ =	sdelay $0x4  }
0x1e8: {  	v15 =	vshll.u32 v3, $0x3  }
0x1e9: {  	v3 =	vand.u32 $0x7, v3;
	v4 =	vand.u32 $0xFFFFFFC0, v15  }
0x1ea: {  	v3 =	vor.u32 v3, v4  }
0x1eb: {  	v4 =	vperm.xlane v3, v0;
	_ =	sdelay $0x1  }
0x1ec: {  	v4 =	vadd.s32 v1, v4;
	_ =	sdelay $0x4  }
0x1ed: {  	[tilespmem:s8], [sflag:$0x1] =	stream.indirect_vreg.gather [hbm4b:s2+s3], $0x80, v4, vm0, $0xb8;
	[tilespmem:$0x10400] =	vst v63  }
0x1ee: {  	s30 =	simm.s32 $0xCC00;
	v3 =	vperm.xlane v3, v2  }
0x1ef: {  	[tilespmem:s30], [sflag:$0x1] =	stream.indirect_vreg.gather [hbm4b:s5+s3], $0x80, v4, vm0, $0xb8;
	[tilespmem:$0x10400] =	vst v63  }
0x1f0: {  	s24 =	simm.s32 $0xD400;
	v3 =	vadd.s32 v1, v3  }
0x1f1: {  	[tilespmem:s24], [sflag:$0x1] =	stream.indirect_vreg.gather [hbm4b:s6+s3], $0x80, v4, vm0, $0xb8;
	[tilespmem:$0x10400] =	vst v63  }
0x1f2: {  	s17 =	simm.s32 $0xDC00  }
0x1f3: {  	[tilespmem:s17], [sflag:$0x1] =	stream.indirect_vreg.gather [hbm4b:s7+s3], $0x80, v4, vm0, $0xb8;
	[tilespmem:$0x10400] =	vst v63  }
0x1f4: {  	s15 =	simm.s32 $0xE400  }
0x1f5: {  	[tilespmem:s15], [sflag:$0x1] =	stream.indirect_vreg.gather [hbm4b:s2+s3], $0x80, v3, vm0, $0xb8;
	[tilespmem:$0x10400] =	vst v63  }
0x1f6: {  	s21 =	simm.s32 $0xEC00  }
0x1f7: {  	[tilespmem:s21], [sflag:$0x1] =	stream.indirect_vreg.gather [hbm4b:s5+s3], $0x80, v3, vm0, $0xb8;
	[tilespmem:$0x10400] =	vst v63  }
0x1f8: {  	s16 =	simm.s32 $0xF400  }
0x1f9: {  	[tilespmem:s16], [sflag:$0x1] =	stream.indirect_vreg.gather [hbm4b:s6+s3], $0x80, v3, vm0, $0xb8;
	[tilespmem:$0x10400] =	vst v63  }
0x1fa: {  	s12 =	simm.s32 $0xFC00  }
0x1fb: {  	[tilespmem:s12], [sflag:$0x1] =	stream.indirect_vreg.gather [hbm4b:s7+s3], $0x80, v3, vm0, $0xb8;
	[tilespmem:$0x10400] =	vst v63  }
0x1fc: {  	_ =	swait.ge [sflag:s4], $0x4000  }
0x1fd: {  	[sflag:s4] =	ssyncset.done $0x0  }
0x1fe: {  	s16 =	rddreg [dreg:$0x11];
	[sflag:s4] =	ssyncadd.s32 $0xFFFFC000  }
0x1ff: {  	[hbm4b:s16+s3] =	stream.linear.scatter [tilespmem:s18], [sflag:$0x2], $0x4000, $0x38;
	[tilespmem:$0x10400] =	vst v63  }
0x200: {  	_ =	swait.ge [sflag:s19], $0x4000  }
0x201: {  	[sflag:s19] =	ssyncset.done $0x0  }
0x202: {  	[sflag:s19] =	ssyncadd.s32 $0xFFFFC000  }
0x203: {  	v3 =	vld [tilespmem:$0x100];
	_ =	sdelay $0x4  }
0x204: {  	v16 =	vshll.u32 v3, $0x3  }
0x205: {  	v3 =	vand.u32 $0x7, v3;
	v4 =	vand.u32 $0xFFFFFFC0, v16  }
0x206: {  	v3 =	vor.u32 v3, v4  }
0x207: {  	v4 =	vperm.xlane v3, v0;
	_ =	sdelay $0x1  }
0x208: {  	v4 =	vadd.s32 v1, v4;
	_ =	sdelay $0x4  }
0x209: {  	[tilespmem:s31], [sflag:$0x1] =	stream.indirect_vreg.gather [hbm4b:s2+s3], $0x80, v4, vm0, $0xb8;
	[tilespmem:$0x10400] =	vst v63  }
0x20a: {  	s30 =	simm.s32 $0xC00;
	v3 =	vperm.xlane v3, v2  }
0x20b: {  	[tilespmem:s30], [sflag:$0x1] =	stream.indirect_vreg.gather [hbm4b:s5+s3], $0x80, v4, vm0, $0xb8;
	[tilespmem:$0x10400] =	vst v63  }
0x20c: {  	s20 =	simm.s32 $0x1400;
	v3 =	vadd.s32 v1, v3  }
0x20d: {  	[tilespmem:s20], [sflag:$0x1] =	stream.indirect_vreg.gather [hbm4b:s6+s3], $0x80, v4, vm0, $0xb8;
	[tilespmem:$0x10400] =	vst v63  }
0x20e: {  	s30 =	simm.s32 $0x1C00  }
0x20f: {  	[tilespmem:s30], [sflag:$0x1] =	stream.indirect_vreg.gather [hbm4b:s7+s3], $0x80, v4, vm0, $0xb8;
	[tilespmem:$0x10400] =	vst v63  }
0x210: {  	s20 =	simm.s32 $0x2400  }
0x211: {  	[tilespmem:s20], [sflag:$0x1] =	stream.indirect_vreg.gather [hbm4b:s2+s3], $0x80, v3, vm0, $0xb8;
	[tilespmem:$0x10400] =	vst v63  }
0x212: {  	s30 =	simm.s32 $0x2C00  }
0x213: {  	[tilespmem:s30], [sflag:$0x1] =	stream.indirect_vreg.gather [hbm4b:s5+s3], $0x80, v3, vm0, $0xb8;
	[tilespmem:$0x10400] =	vst v63  }
0x214: {  	s20 =	simm.s32 $0x3400  }
0x215: {  	[tilespmem:s20], [sflag:$0x1] =	stream.indirect_vreg.gather [hbm4b:s6+s3], $0x80, v3, vm0, $0xb8;
	[tilespmem:$0x10400] =	vst v63  }
0x216: {  	s30 =	simm.s32 $0x3C00  }
0x217: {  	[tilespmem:s30], [sflag:$0x1] =	stream.indirect_vreg.gather [hbm4b:s7+s3], $0x80, v3, vm0, $0xb8;
	[tilespmem:$0x10400] =	vst v63  }
0x218: {  	_ =	swait.ge [sflag:s4], $0x4000  }
0x219: {  	[sflag:s4] =	ssyncset.done $0x0  }
0x21a: {  	s16 =	rddreg [dreg:$0x12];
	[sflag:s4] =	ssyncadd.s32 $0xFFFFC000  }
0x21b: {  	[hbm4b:s16+s3] =	stream.linear.scatter [tilespmem:s26], [sflag:$0x2], $0x4000, $0x38;
	[tilespmem:$0x10400] =	vst v63  }
0x21c: {  	_ =	swait.ge [sflag:s19], $0x4000  }
0x21d: {  	[sflag:s19] =	ssyncset.done $0x0  }
0x21e: {  	[sflag:s19] =	ssyncadd.s32 $0xFFFFC000  }
0x21f: {  	v3 =	vld [tilespmem:$0x110];
	_ =	sdelay $0x4  }
0x220: {  	v17 =	vshll.u32 v3, $0x3  }
0x221: {  	v3 =	vand.u32 $0x7, v3;
	v4 =	vand.u32 $0xFFFFFFC0, v17  }
0x222: {  	v3 =	vor.u32 v3, v4  }
0x223: {  	v4 =	vperm.xlane v3, v0;
	_ =	sdelay $0x1  }
0x224: {  	v4 =	vadd.s32 v1, v4;
	_ =	sdelay $0x4  }
0x225: {  	[tilespmem:s18], [sflag:$0x1] =	stream.indirect_vreg.gather [hbm4b:s2+s3], $0x80, v4, vm0, $0xb8;
	[tilespmem:$0x10400] =	vst v63  }
0x226: {  	s20 =	simm.s32 $0x4C00;
	v3 =	vperm.xlane v3, v2  }
0x227: {  	[tilespmem:s20], [sflag:$0x1] =	stream.indirect_vreg.gather [hbm4b:s5+s3], $0x80, v4, vm0, $0xb8;
	[tilespmem:$0x10400] =	vst v63  }
0x228: {  	s13 =	simm.s32 $0x5400;
	v3 =	vadd.s32 v1, v3  }
0x229: {  	[tilespmem:s13], [sflag:$0x1] =	stream.indirect_vreg.gather [hbm4b:s6+s3], $0x80, v4, vm0, $0xb8;
	[tilespmem:$0x10400] =	vst v63  }
0x22a: {  	s30 =	simm.s32 $0x5C00  }
0x22b: {  	[tilespmem:s30], [sflag:$0x1] =	stream.indirect_vreg.gather [hbm4b:s7+s3], $0x80, v4, vm0, $0xb8;
	[tilespmem:$0x10400] =	vst v63  }
0x22c: {  	s29 =	simm.s32 $0x6400  }
0x22d: {  	[tilespmem:s29], [sflag:$0x1] =	stream.indirect_vreg.gather [hbm4b:s2+s3], $0x80, v3, vm0, $0xb8;
	[tilespmem:$0x10400] =	vst v63  }
0x22e: {  	s28 =	simm.s32 $0x6C00  }
0x22f: {  	[tilespmem:s28], [sflag:$0x1] =	stream.indirect_vreg.gather [hbm4b:s5+s3], $0x80, v3, vm0, $0xb8;
	[tilespmem:$0x10400] =	vst v63  }
0x230: {  	s20 =	simm.s32 $0x7400  }
0x231: {  	[tilespmem:s20], [sflag:$0x1] =	stream.indirect_vreg.gather [hbm4b:s6+s3], $0x80, v3, vm0, $0xb8;
	[tilespmem:$0x10400] =	vst v63  }
0x232: {  	s28 =	simm.s32 $0x7C00  }
0x233: {  	[tilespmem:s28], [sflag:$0x1] =	stream.indirect_vreg.gather [hbm4b:s7+s3], $0x80, v3, vm0, $0xb8;
	[tilespmem:$0x10400] =	vst v63  }
0x234: {  	_ =	swait.ge [sflag:s4], $0x4000  }
0x235: {  	[sflag:s4] =	ssyncset.done $0x0  }
0x236: {  	s16 =	rddreg [dreg:$0x13];
	[sflag:s4] =	ssyncadd.s32 $0xFFFFC000  }
0x237: {  	[hbm4b:s16+s3] =	stream.linear.scatter [tilespmem:s8], [sflag:$0x2], $0x4000, $0x38;
	[tilespmem:$0x10400] =	vst v63  }
0x238: {  	_ =	swait.ge [sflag:s19], $0x4000  }
0x239: {  	[sflag:s19] =	ssyncset.done $0x0  }
0x23a: {  	[sflag:s19] =	ssyncadd.s32 $0xFFFFC000  }
0x23b: {  	v3 =	vld [tilespmem:$0x120];
	_ =	sdelay $0x4  }
0x23c: {  	v18 =	vshll.u32 v3, $0x3  }
0x23d: {  	v3 =	vand.u32 $0x7, v3;
	v4 =	vand.u32 $0xFFFFFFC0, v18  }
0x23e: {  	v3 =	vor.u32 v3, v4  }
0x23f: {  	v4 =	vperm.xlane v3, v0;
	_ =	sdelay $0x1  }
0x240: {  	v4 =	vadd.s32 v1, v4;
	_ =	sdelay $0x4  }
0x241: {  	[tilespmem:s26], [sflag:$0x1] =	stream.indirect_vreg.gather [hbm4b:s2+s3], $0x80, v4, vm0, $0xb8;
	[tilespmem:$0x10400] =	vst v63  }
0x242: {  	s9 =	simm.s32 $0x8C00;
	v3 =	vperm.xlane v3, v2  }
0x243: {  	[tilespmem:s9], [sflag:$0x1] =	stream.indirect_vreg.gather [hbm4b:s5+s3], $0x80, v4, vm0, $0xb8;
	[tilespmem:$0x10400] =	vst v63  }
0x244: {  	s11 =	simm.s32 $0x9400;
	v3 =	vadd.s32 v1, v3  }
0x245: {  	[tilespmem:s11], [sflag:$0x1] =	stream.indirect_vreg.gather [hbm4b:s6+s3], $0x80, v4, vm0, $0xb8;
	[tilespmem:$0x10400] =	vst v63  }
0x246: {  	s1 =	simm.s32 $0x9C00  }
0x247: {  	[tilespmem:s1], [sflag:$0x1] =	stream.indirect_vreg.gather [hbm4b:s7+s3], $0x80, v4, vm0, $0xb8;
	[tilespmem:$0x10400] =	vst v63  }
0x248: {  	s10 =	simm.s32 $0xA400  }
0x249: {  	[tilespmem:s10], [sflag:$0x1] =	stream.indirect_vreg.gather [hbm4b:s2+s3], $0x80, v3, vm0, $0xb8;
	[tilespmem:$0x10400] =	vst v63  }
0x24a: {  	s14 =	simm.s32 $0xAC00  }
0x24b: {  	[tilespmem:s14], [sflag:$0x1] =	stream.indirect_vreg.gather [hbm4b:s5+s3], $0x80, v3, vm0, $0xb8;
	[tilespmem:$0x10400] =	vst v63  }
0x24c: {  	s0 =	simm.s32 $0xB400  }
0x24d: {  	[tilespmem:s0], [sflag:$0x1] =	stream.indirect_vreg.gather [hbm4b:s6+s3], $0x80, v3, vm0, $0xb8;
	[tilespmem:$0x10400] =	vst v63  }
0x24e: {  	s22 =	simm.s32 $0xBC00  }
0x24f: {  	[tilespmem:s22], [sflag:$0x1] =	stream.indirect_vreg.gather [hbm4b:s7+s3], $0x80, v3, vm0, $0xb8;
	[tilespmem:$0x10400] =	vst v63  }
0x250: {  	_ =	swait.ge [sflag:s4], $0x4000  }
0x251: {  	[sflag:s4] =	ssyncset.done $0x0  }
0x252: {  	s22 =	rddreg [dreg:$0x14];
	[sflag:s4] =	ssyncadd.s32 $0xFFFFC000  }
0x253: {  	[hbm4b:s22+s3] =	stream.linear.scatter [tilespmem:s31], [sflag:$0x2], $0x4000, $0x38;
	[tilespmem:$0x10400] =	vst v63  }
0x254: {  	_ =	swait.ge [sflag:s19], $0x4000  }
0x255: {  	[sflag:s19] =	ssyncset.done $0x0  }
0x256: {  	[sflag:s19] =	ssyncadd.s32 $0xFFFFC000  }
0x257: {  	v3 =	vld [tilespmem:$0x130];
	_ =	sdelay $0x4  }
0x258: {  	v19 =	vshll.u32 v3, $0x3  }
0x259: {  	v3 =	vand.u32 $0x7, v3;
	v4 =	vand.u32 $0xFFFFFFC0, v19  }
0x25a: {  	v3 =	vor.u32 v3, v4  }
0x25b: {  	v4 =	vperm.xlane v3, v0;
	_ =	sdelay $0x1  }
0x25c: {  	v4 =	vadd.s32 v1, v4;
	_ =	sdelay $0x4  }
0x25d: {  	[tilespmem:s8], [sflag:$0x1] =	stream.indirect_vreg.gather [hbm4b:s2+s3], $0x80, v4, vm0, $0xb8;
	[tilespmem:$0x10400] =	vst v63  }
0x25e: {  	s25 =	simm.s32 $0xCC00;
	v3 =	vperm.xlane v3, v2  }
0x25f: {  	[tilespmem:s25], [sflag:$0x1] =	stream.indirect_vreg.gather [hbm4b:s5+s3], $0x80, v4, vm0, $0xb8;
	[tilespmem:$0x10400] =	vst v63  }
0x260: {  	s24 =	simm.s32 $0xD400;
	v3 =	vadd.s32 v1, v3  }
0x261: {  	[tilespmem:s24], [sflag:$0x1] =	stream.indirect_vreg.gather [hbm4b:s6+s3], $0x80, v4, vm0, $0xb8;
	[tilespmem:$0x10400] =	vst v63  }
0x262: {  	s17 =	simm.s32 $0xDC00  }
0x263: {  	[tilespmem:s17], [sflag:$0x1] =	stream.indirect_vreg.gather [hbm4b:s7+s3], $0x80, v4, vm0, $0xb8;
	[tilespmem:$0x10400] =	vst v63  }
0x264: {  	s23 =	simm.s32 $0xE400  }
0x265: {  	[tilespmem:s23], [sflag:$0x1] =	stream.indirect_vreg.gather [hbm4b:s2+s3], $0x80, v3, vm0, $0xb8;
	[tilespmem:$0x10400] =	vst v63  }
0x266: {  	s21 =	simm.s32 $0xEC00  }
0x267: {  	[tilespmem:s21], [sflag:$0x1] =	stream.indirect_vreg.gather [hbm4b:s5+s3], $0x80, v3, vm0, $0xb8;
	[tilespmem:$0x10400] =	vst v63  }
0x268: {  	s15 =	simm.s32 $0xF400  }
0x269: {  	[tilespmem:s15], [sflag:$0x1] =	stream.indirect_vreg.gather [hbm4b:s6+s3], $0x80, v3, vm0, $0xb8;
	[tilespmem:$0x10400] =	vst v63  }
0x26a: {  	s12 =	simm.s32 $0xFC00  }
0x26b: {  	[tilespmem:s12], [sflag:$0x1] =	stream.indirect_vreg.gather [hbm4b:s7+s3], $0x80, v3, vm0, $0xb8;
	[tilespmem:$0x10400] =	vst v63  }
0x26c: {  	_ =	swait.ge [sflag:s4], $0x4000  }
0x26d: {  	[sflag:s4] =	ssyncset.done $0x0  }
0x26e: {  	s23 =	rddreg [dreg:$0x15];
	[sflag:s4] =	ssyncadd.s32 $0xFFFFC000  }
0x26f: {  	[hbm4b:s23+s3] =	stream.linear.scatter [tilespmem:s18], [sflag:$0x2], $0x4000, $0x38;
	[tilespmem:$0x10400] =	vst v63  }
0x270: {  	_ =	swait.ge [sflag:s19], $0x4000  }
0x271: {  	[sflag:s19] =	ssyncset.done $0x0  }
0x272: {  	[sflag:s19] =	ssyncadd.s32 $0xFFFFC000  }
0x273: {  	v3 =	vld [tilespmem:$0x140];
	_ =	sdelay $0x4  }
0x274: {  	v20 =	vshll.u32 v3, $0x3  }
0x275: {  	v3 =	vand.u32 $0x7, v3;
	v4 =	vand.u32 $0xFFFFFFC0, v20  }
0x276: {  	v3 =	vor.u32 v3, v4  }
0x277: {  	v4 =	vperm.xlane v3, v0;
	_ =	sdelay $0x1  }
0x278: {  	v4 =	vadd.s32 v1, v4;
	_ =	sdelay $0x4  }
0x279: {  	[tilespmem:s31], [sflag:$0x1] =	stream.indirect_vreg.gather [hbm4b:s2+s3], $0x80, v4, vm0, $0xb8;
	[tilespmem:$0x10400] =	vst v63  }
0x27a: {  	s25 =	simm.s32 $0xC00;
	v3 =	vperm.xlane v3, v2  }
0x27b: {  	[tilespmem:s25], [sflag:$0x1] =	stream.indirect_vreg.gather [hbm4b:s5+s3], $0x80, v4, vm0, $0xb8;
	[tilespmem:$0x10400] =	vst v63  }
0x27c: {  	s23 =	simm.s32 $0x1400;
	v3 =	vadd.s32 v1, v3  }
0x27d: {  	[tilespmem:s23], [sflag:$0x1] =	stream.indirect_vreg.gather [hbm4b:s6+s3], $0x80, v4, vm0, $0xb8;
	[tilespmem:$0x10400] =	vst v63  }
0x27e: {  	s25 =	simm.s32 $0x1C00  }
0x27f: {  	[tilespmem:s25], [sflag:$0x1] =	stream.indirect_vreg.gather [hbm4b:s7+s3], $0x80, v4, vm0, $0xb8;
	[tilespmem:$0x10400] =	vst v63  }
0x280: {  	s23 =	simm.s32 $0x2400  }
0x281: {  	[tilespmem:s23], [sflag:$0x1] =	stream.indirect_vreg.gather [hbm4b:s2+s3], $0x80, v3, vm0, $0xb8;
	[tilespmem:$0x10400] =	vst v63  }
0x282: {  	s25 =	simm.s32 $0x2C00  }
0x283: {  	[tilespmem:s25], [sflag:$0x1] =	stream.indirect_vreg.gather [hbm4b:s5+s3], $0x80, v3, vm0, $0xb8;
	[tilespmem:$0x10400] =	vst v63  }
0x284: {  	s23 =	simm.s32 $0x3400  }
0x285: {  	[tilespmem:s23], [sflag:$0x1] =	stream.indirect_vreg.gather [hbm4b:s6+s3], $0x80, v3, vm0, $0xb8;
	[tilespmem:$0x10400] =	vst v63  }
0x286: {  	s25 =	simm.s32 $0x3C00  }
0x287: {  	[tilespmem:s25], [sflag:$0x1] =	stream.indirect_vreg.gather [hbm4b:s7+s3], $0x80, v3, vm0, $0xb8;
	[tilespmem:$0x10400] =	vst v63  }
0x288: {  	_ =	swait.ge [sflag:s4], $0x4000  }
0x289: {  	[sflag:s4] =	ssyncset.done $0x0  }
0x28a: {  	s23 =	rddreg [dreg:$0x16];
	[sflag:s4] =	ssyncadd.s32 $0xFFFFC000  }
0x28b: {  	[hbm4b:s23+s3] =	stream.linear.scatter [tilespmem:s26], [sflag:$0x2], $0x4000, $0x38;
	[tilespmem:$0x10400] =	vst v63  }
0x28c: {  	_ =	swait.ge [sflag:s19], $0x4000  }
0x28d: {  	[sflag:s19] =	ssyncset.done $0x0  }
0x28e: {  	[sflag:s19] =	ssyncadd.s32 $0xFFFFC000  }
0x28f: {  	v3 =	vld [tilespmem:$0x150];
	_ =	sdelay $0x4  }
0x290: {  	v21 =	vshll.u32 v3, $0x3  }
0x291: {  	v3 =	vand.u32 $0x7, v3;
	v4 =	vand.u32 $0xFFFFFFC0, v21  }
0x292: {  	v3 =	vor.u32 v3, v4  }
0x293: {  	v4 =	vperm.xlane v3, v0;
	_ =	sdelay $0x1  }
0x294: {  	v4 =	vadd.s32 v1, v4;
	_ =	sdelay $0x4  }
0x295: {  	[tilespmem:s18], [sflag:$0x1] =	stream.indirect_vreg.gather [hbm4b:s2+s3], $0x80, v4, vm0, $0xb8;
	[tilespmem:$0x10400] =	vst v63  }
0x296: {  	s25 =	simm.s32 $0x4C00;
	v3 =	vperm.xlane v3, v2  }
0x297: {  	[tilespmem:s25], [sflag:$0x1] =	stream.indirect_vreg.gather [hbm4b:s5+s3], $0x80, v4, vm0, $0xb8;
	[tilespmem:$0x10400] =	vst v63  }
0x298: {  	s13 =	simm.s32 $0x5400;
	v3 =	vadd.s32 v1, v3  }
0x299: {  	[tilespmem:s13], [sflag:$0x1] =	stream.indirect_vreg.gather [hbm4b:s6+s3], $0x80, v4, vm0, $0xb8;
	[tilespmem:$0x10400] =	vst v63  }
0x29a: {  	s30 =	simm.s32 $0x5C00  }
0x29b: {  	[tilespmem:s30], [sflag:$0x1] =	stream.indirect_vreg.gather [hbm4b:s7+s3], $0x80, v4, vm0, $0xb8;
	[tilespmem:$0x10400] =	vst v63  }
0x29c: {  	s29 =	simm.s32 $0x6400  }
0x29d: {  	[tilespmem:s29], [sflag:$0x1] =	stream.indirect_vreg.gather [hbm4b:s2+s3], $0x80, v3, vm0, $0xb8;
	[tilespmem:$0x10400] =	vst v63  }
0x29e: {  	s30 =	simm.s32 $0x6C00  }
0x29f: {  	[tilespmem:s30], [sflag:$0x1] =	stream.indirect_vreg.gather [hbm4b:s5+s3], $0x80, v3, vm0, $0xb8;
	[tilespmem:$0x10400] =	vst v63  }
0x2a0: {  	s29 =	simm.s32 $0x7400  }
0x2a1: {  	[tilespmem:s29], [sflag:$0x1] =	stream.indirect_vreg.gather [hbm4b:s6+s3], $0x80, v3, vm0, $0xb8;
	[tilespmem:$0x10400] =	vst v63  }
0x2a2: {  	s29 =	simm.s32 $0x7C00  }
0x2a3: {  	[tilespmem:s29], [sflag:$0x1] =	stream.indirect_vreg.gather [hbm4b:s7+s3], $0x80, v3, vm0, $0xb8;
	[tilespmem:$0x10400] =	vst v63  }
0x2a4: {  	_ =	swait.ge [sflag:s4], $0x4000  }
0x2a5: {  	[sflag:s4] =	ssyncset.done $0x0  }
0x2a6: {  	s29 =	rddreg [dreg:$0x17];
	[sflag:s4] =	ssyncadd.s32 $0xFFFFC000  }
0x2a7: {  	[hbm4b:s29+s3] =	stream.linear.scatter [tilespmem:s8], [sflag:$0x2], $0x4000, $0x38;
	[tilespmem:$0x10400] =	vst v63  }
0x2a8: {  	_ =	swait.ge [sflag:s19], $0x4000  }
0x2a9: {  	[sflag:s19] =	ssyncset.done $0x0  }
0x2aa: {  	[sflag:s19] =	ssyncadd.s32 $0xFFFFC000  }
0x2ab: {  	v3 =	vld [tilespmem:$0x160];
	_ =	sdelay $0x4  }
0x2ac: {  	v22 =	vshll.u32 v3, $0x3  }
0x2ad: {  	v3 =	vand.u32 $0x7, v3;
	v4 =	vand.u32 $0xFFFFFFC0, v22  }
0x2ae: {  	v3 =	vor.u32 v3, v4  }
0x2af: {  	v4 =	vperm.xlane v3, v0;
	_ =	sdelay $0x1  }
0x2b0: {  	v4 =	vadd.s32 v1, v4;
	_ =	sdelay $0x4  }
0x2b1: {  	[tilespmem:s26], [sflag:$0x1] =	stream.indirect_vreg.gather [hbm4b:s2+s3], $0x80, v4, vm0, $0xb8;
	[tilespmem:$0x10400] =	vst v63  }
0x2b2: {  	s9 =	simm.s32 $0x8C00;
	v3 =	vperm.xlane v3, v2  }
0x2b3: {  	[tilespmem:s9], [sflag:$0x1] =	stream.indirect_vreg.gather [hbm4b:s5+s3], $0x80, v4, vm0, $0xb8;
	[tilespmem:$0x10400] =	vst v63  }
0x2b4: {  	s28 =	simm.s32 $0x9400;
	v3 =	vadd.s32 v1, v3  }
0x2b5: {  	[tilespmem:s28], [sflag:$0x1] =	stream.indirect_vreg.gather [hbm4b:s6+s3], $0x80, v4, vm0, $0xb8;
	[tilespmem:$0x10400] =	vst v63  }
0x2b6: {  	s16 =	simm.s32 $0x9C00  }
0x2b7: {  	[tilespmem:s16], [sflag:$0x1] =	stream.indirect_vreg.gather [hbm4b:s7+s3], $0x80, v4, vm0, $0xb8;
	[tilespmem:$0x10400] =	vst v63  }
0x2b8: {  	s10 =	simm.s32 $0xA400  }
0x2b9: {  	[tilespmem:s10], [sflag:$0x1] =	stream.indirect_vreg.gather [hbm4b:s2+s3], $0x80, v3, vm0, $0xb8;
	[tilespmem:$0x10400] =	vst v63  }
0x2ba: {  	s11 =	simm.s32 $0xAC00  }
0x2bb: {  	[tilespmem:s11], [sflag:$0x1] =	stream.indirect_vreg.gather [hbm4b:s5+s3], $0x80, v3, vm0, $0xb8;
	[tilespmem:$0x10400] =	vst v63  }
0x2bc: {  	s0 =	simm.s32 $0xB400  }
0x2bd: {  	[tilespmem:s0], [sflag:$0x1] =	stream.indirect_vreg.gather [hbm4b:s6+s3], $0x80, v3, vm0, $0xb8;
	[tilespmem:$0x10400] =	vst v63  }
0x2be: {  	s1 =	simm.s32 $0xBC00  }
0x2bf: {  	[tilespmem:s1], [sflag:$0x1] =	stream.indirect_vreg.gather [hbm4b:s7+s3], $0x80, v3, vm0, $0xb8;
	[tilespmem:$0x10400] =	vst v63  }
0x2c0: {  	_ =	swait.ge [sflag:s4], $0x4000  }
0x2c1: {  	[sflag:s4] =	ssyncset.done $0x0  }
0x2c2: {  	s29 =	rddreg [dreg:$0x18];
	[sflag:s4] =	ssyncadd.s32 $0xFFFFC000  }
0x2c3: {  	[hbm4b:s29+s3] =	stream.linear.scatter [tilespmem:s31], [sflag:$0x2], $0x4000, $0x38;
	[tilespmem:$0x10400] =	vst v63  }
0x2c4: {  	_ =	swait.ge [sflag:s19], $0x4000  }
0x2c5: {  	[sflag:s19] =	ssyncset.done $0x0  }
0x2c6: {  	[sflag:s19] =	ssyncadd.s32 $0xFFFFC000  }
0x2c7: {  	v3 =	vld [tilespmem:$0x170];
	_ =	sdelay $0x4  }
0x2c8: {  	v23 =	vshll.u32 v3, $0x3  }
0x2c9: {  	v3 =	vand.u32 $0x7, v3;
	v4 =	vand.u32 $0xFFFFFFC0, v23  }
0x2ca: {  	v3 =	vor.u32 v3, v4  }
0x2cb: {  	v4 =	vperm.xlane v3, v0;
	_ =	sdelay $0x1  }
0x2cc: {  	v4 =	vadd.s32 v1, v4;
	_ =	sdelay $0x4  }
0x2cd: {  	[tilespmem:s8], [sflag:$0x1] =	stream.indirect_vreg.gather [hbm4b:s2+s3], $0x80, v4, vm0, $0xb8;
	[tilespmem:$0x10400] =	vst v63  }
0x2ce: {  	s22 =	simm.s32 $0xCC00;
	v3 =	vperm.xlane v3, v2  }
0x2cf: {  	[tilespmem:s22], [sflag:$0x1] =	stream.indirect_vreg.gather [hbm4b:s5+s3], $0x80, v4, vm0, $0xb8;
	[tilespmem:$0x10400] =	vst v63  }
0x2d0: {  	s24 =	simm.s32 $0xD400;
	v3 =	vadd.s32 v1, v3  }
0x2d1: {  	[tilespmem:s24], [sflag:$0x1] =	stream.indirect_vreg.gather [hbm4b:s6+s3], $0x80, v4, vm0, $0xb8;
	[tilespmem:$0x10400] =	vst v63  }
0x2d2: {  	s14 =	simm.s32 $0xDC00  }
0x2d3: {  	[tilespmem:s14], [sflag:$0x1] =	stream.indirect_vreg.gather [hbm4b:s7+s3], $0x80, v4, vm0, $0xb8;
	[tilespmem:$0x10400] =	vst v63  }
0x2d4: {  	s17 =	simm.s32 $0xE400  }
0x2d5: {  	[tilespmem:s17], [sflag:$0x1] =	stream.indirect_vreg.gather [hbm4b:s2+s3], $0x80, v3, vm0, $0xb8;
	[tilespmem:$0x10400] =	vst v63  }
0x2d6: {  	s21 =	simm.s32 $0xEC00  }
0x2d7: {  	[tilespmem:s21], [sflag:$0x1] =	stream.indirect_vreg.gather [hbm4b:s5+s3], $0x80, v3, vm0, $0xb8;
	[tilespmem:$0x10400] =	vst v63  }
0x2d8: {  	s15 =	simm.s32 $0xF400  }
0x2d9: {  	[tilespmem:s15], [sflag:$0x1] =	stream.indirect_vreg.gather [hbm4b:s6+s3], $0x80, v3, vm0, $0xb8;
	[tilespmem:$0x10400] =	vst v63  }
0x2da: {  	s12 =	simm.s32 $0xFC00  }
0x2db: {  	[tilespmem:s12], [sflag:$0x1] =	stream.indirect_vreg.gather [hbm4b:s7+s3], $0x80, v3, vm0, $0xb8;
	[tilespmem:$0x10400] =	vst v63  }
0x2dc: {  	_ =	swait.ge [sflag:s4], $0x4000  }
0x2dd: {  	[sflag:s4] =	ssyncset.done $0x0  }
0x2de: {  	s21 =	rddreg [dreg:$0x19];
	[sflag:s4] =	ssyncadd.s32 $0xFFFFC000  }
0x2df: {  	[hbm4b:s21+s3] =	stream.linear.scatter [tilespmem:s18], [sflag:$0x2], $0x4000, $0x38;
	[tilespmem:$0x10400] =	vst v63  }
0x2e0: {  	_ =	swait.ge [sflag:s19], $0x4000  }
0x2e1: {  	[sflag:s19] =	ssyncset.done $0x0  }
0x2e2: {  	[sflag:s19] =	ssyncadd.s32 $0xFFFFC000  }
0x2e3: {  	v3 =	vld [tilespmem:$0x180];
	_ =	sdelay $0x4  }
0x2e4: {  	v24 =	vshll.u32 v3, $0x3  }
0x2e5: {  	v3 =	vand.u32 $0x7, v3;
	v4 =	vand.u32 $0xFFFFFFC0, v24  }
0x2e6: {  	v3 =	vor.u32 v3, v4  }
0x2e7: {  	v4 =	vperm.xlane v3, v0;
	_ =	sdelay $0x1  }
0x2e8: {  	v4 =	vadd.s32 v1, v4;
	_ =	sdelay $0x4  }
0x2e9: {  	[tilespmem:s31], [sflag:$0x1] =	stream.indirect_vreg.gather [hbm4b:s2+s3], $0x80, v4, vm0, $0xb8;
	[tilespmem:$0x10400] =	vst v63  }
0x2ea: {  	s21 =	simm.s32 $0xC00;
	v3 =	vperm.xlane v3, v2  }
0x2eb: {  	[tilespmem:s21], [sflag:$0x1] =	stream.indirect_vreg.gather [hbm4b:s5+s3], $0x80, v4, vm0, $0xb8;
	[tilespmem:$0x10400] =	vst v63  }
0x2ec: {  	v3 =	vadd.s32 v1, v3;
	s21 =	simm.s32 $0x1400  }
0x2ed: {  	[tilespmem:s21], [sflag:$0x1] =	stream.indirect_vreg.gather [hbm4b:s6+s3], $0x80, v4, vm0, $0xb8;
	[tilespmem:$0x10400] =	vst v63  }
0x2ee: {  	s21 =	simm.s32 $0x1C00  }
0x2ef: {  	[tilespmem:s21], [sflag:$0x1] =	stream.indirect_vreg.gather [hbm4b:s7+s3], $0x80, v4, vm0, $0xb8;
	[tilespmem:$0x10400] =	vst v63  }
0x2f0: {  	s21 =	simm.s32 $0x2400  }
0x2f1: {  	[tilespmem:s21], [sflag:$0x1] =	stream.indirect_vreg.gather [hbm4b:s2+s3], $0x80, v3, vm0, $0xb8;
	[tilespmem:$0x10400] =	vst v63  }
0x2f2: {  	s21 =	simm.s32 $0x2C00  }
0x2f3: {  	[tilespmem:s21], [sflag:$0x1] =	stream.indirect_vreg.gather [hbm4b:s5+s3], $0x80, v3, vm0, $0xb8;
	[tilespmem:$0x10400] =	vst v63  }
0x2f4: {  	s21 =	simm.s32 $0x3400  }
0x2f5: {  	[tilespmem:s21], [sflag:$0x1] =	stream.indirect_vreg.gather [hbm4b:s6+s3], $0x80, v3, vm0, $0xb8;
	[tilespmem:$0x10400] =	vst v63  }
0x2f6: {  	s21 =	simm.s32 $0x3C00  }
0x2f7: {  	[tilespmem:s21], [sflag:$0x1] =	stream.indirect_vreg.gather [hbm4b:s7+s3], $0x80, v3, vm0, $0xb8;
	[tilespmem:$0x10400] =	vst v63  }
0x2f8: {  	_ =	swait.ge [sflag:s4], $0x4000  }
0x2f9: {  	[sflag:s4] =	ssyncset.done $0x0  }
0x2fa: {  	s21 =	rddreg [dreg:$0x1a];
	[sflag:s4] =	ssyncadd.s32 $0xFFFFC000  }
0x2fb: {  	[hbm4b:s21+s3] =	stream.linear.scatter [tilespmem:s26], [sflag:$0x2], $0x4000, $0x38;
	[tilespmem:$0x10400] =	vst v63  }
0x2fc: {  	_ =	swait.ge [sflag:s19], $0x4000  }
0x2fd: {  	[sflag:s19] =	ssyncset.done $0x0  }
0x2fe: {  	[sflag:s19] =	ssyncadd.s32 $0xFFFFC000  }
0x2ff: {  	v3 =	vld [tilespmem:$0x190];
	_ =	sdelay $0x4  }
0x300: {  	v25 =	vshll.u32 v3, $0x3  }
0x301: {  	v3 =	vand.u32 $0x7, v3;
	v4 =	vand.u32 $0xFFFFFFC0, v25  }
0x302: {  	v3 =	vor.u32 v3, v4  }
0x303: {  	v4 =	vperm.xlane v3, v0;
	_ =	sdelay $0x1  }
0x304: {  	v4 =	vadd.s32 v1, v4;
	_ =	sdelay $0x4  }
0x305: {  	[tilespmem:s18], [sflag:$0x1] =	stream.indirect_vreg.gather [hbm4b:s2+s3], $0x80, v4, vm0, $0xb8;
	[tilespmem:$0x10400] =	vst v63  }
0x306: {  	s21 =	simm.s32 $0x4C00;
	v3 =	vperm.xlane v3, v2  }
0x307: {  	[tilespmem:s21], [sflag:$0x1] =	stream.indirect_vreg.gather [hbm4b:s5+s3], $0x80, v4, vm0, $0xb8;
	[tilespmem:$0x10400] =	vst v63  }
0x308: {  	s25 =	simm.s32 $0x5400;
	v3 =	vadd.s32 v1, v3  }
0x309: {  	[tilespmem:s25], [sflag:$0x1] =	stream.indirect_vreg.gather [hbm4b:s6+s3], $0x80, v4, vm0, $0xb8;
	[tilespmem:$0x10400] =	vst v63  }
0x30a: {  	s23 =	simm.s32 $0x5C00  }
0x30b: {  	[tilespmem:s23], [sflag:$0x1] =	stream.indirect_vreg.gather [hbm4b:s7+s3], $0x80, v4, vm0, $0xb8;
	[tilespmem:$0x10400] =	vst v63  }
0x30c: {  	s13 =	simm.s32 $0x6400  }
0x30d: {  	[tilespmem:s13], [sflag:$0x1] =	stream.indirect_vreg.gather [hbm4b:s2+s3], $0x80, v3, vm0, $0xb8;
	[tilespmem:$0x10400] =	vst v63  }
0x30e: {  	s30 =	simm.s32 $0x6C00  }
0x30f: {  	[tilespmem:s30], [sflag:$0x1] =	stream.indirect_vreg.gather [hbm4b:s5+s3], $0x80, v3, vm0, $0xb8;
	[tilespmem:$0x10400] =	vst v63  }
0x310: {  	s30 =	simm.s32 $0x7400  }
0x311: {  	[tilespmem:s30], [sflag:$0x1] =	stream.indirect_vreg.gather [hbm4b:s6+s3], $0x80, v3, vm0, $0xb8;
	[tilespmem:$0x10400] =	vst v63  }
0x312: {  	s25 =	simm.s32 $0x7C00  }
0x313: {  	[tilespmem:s25], [sflag:$0x1] =	stream.indirect_vreg.gather [hbm4b:s7+s3], $0x80, v3, vm0, $0xb8;
	[tilespmem:$0x10400] =	vst v63  }
0x314: {  	_ =	swait.ge [sflag:s4], $0x4000  }
0x315: {  	[sflag:s4] =	ssyncset.done $0x0  }
0x316: {  	s30 =	rddreg [dreg:$0x1b];
	[sflag:s4] =	ssyncadd.s32 $0xFFFFC000  }
0x317: {  	[hbm4b:s30+s3] =	stream.linear.scatter [tilespmem:s8], [sflag:$0x2], $0x4000, $0x38;
	[tilespmem:$0x10400] =	vst v63  }
0x318: {  	_ =	swait.ge [sflag:s19], $0x4000  }
0x319: {  	[sflag:s19] =	ssyncset.done $0x0  }
0x31a: {  	[sflag:s19] =	ssyncadd.s32 $0xFFFFC000  }
0x31b: {  	v3 =	vld [tilespmem:$0x1A0];
	_ =	sdelay $0x4  }
0x31c: {  	v26 =	vshll.u32 v3, $0x3  }
0x31d: {  	v3 =	vand.u32 $0x7, v3;
	v4 =	vand.u32 $0xFFFFFFC0, v26  }
0x31e: {  	v3 =	vor.u32 v3, v4  }
0x31f: {  	v4 =	vperm.xlane v3, v0;
	_ =	sdelay $0x1  }
0x320: {  	v4 =	vadd.s32 v1, v4;
	_ =	sdelay $0x4  }
0x321: {  	[tilespmem:s26], [sflag:$0x1] =	stream.indirect_vreg.gather [hbm4b:s2+s3], $0x80, v4, vm0, $0xb8;
	[tilespmem:$0x10400] =	vst v63  }
0x322: {  	s9 =	simm.s32 $0x8C00;
	v3 =	vperm.xlane v3, v2  }
0x323: {  	[tilespmem:s9], [sflag:$0x1] =	stream.indirect_vreg.gather [hbm4b:s5+s3], $0x80, v4, vm0, $0xb8;
	[tilespmem:$0x10400] =	vst v63  }
0x324: {  	s28 =	simm.s32 $0x9400;
	v3 =	vadd.s32 v1, v3  }
0x325: {  	[tilespmem:s28], [sflag:$0x1] =	stream.indirect_vreg.gather [hbm4b:s6+s3], $0x80, v4, vm0, $0xb8;
	[tilespmem:$0x10400] =	vst v63  }
0x326: {  	s16 =	simm.s32 $0x9C00  }
0x327: {  	[tilespmem:s16], [sflag:$0x1] =	stream.indirect_vreg.gather [hbm4b:s7+s3], $0x80, v4, vm0, $0xb8;
	[tilespmem:$0x10400] =	vst v63  }
0x328: {  	s10 =	simm.s32 $0xA400  }
0x329: {  	[tilespmem:s10], [sflag:$0x1] =	stream.indirect_vreg.gather [hbm4b:s2+s3], $0x80, v3, vm0, $0xb8;
	[tilespmem:$0x10400] =	vst v63  }
0x32a: {  	s11 =	simm.s32 $0xAC00  }
0x32b: {  	[tilespmem:s11], [sflag:$0x1] =	stream.indirect_vreg.gather [hbm4b:s5+s3], $0x80, v3, vm0, $0xb8;
	[tilespmem:$0x10400] =	vst v63  }
0x32c: {  	s0 =	simm.s32 $0xB400  }
0x32d: {  	[tilespmem:s0], [sflag:$0x1] =	stream.indirect_vreg.gather [hbm4b:s6+s3], $0x80, v3, vm0, $0xb8;
	[tilespmem:$0x10400] =	vst v63  }
0x32e: {  	s1 =	simm.s32 $0xBC00  }
0x32f: {  	[tilespmem:s1], [sflag:$0x1] =	stream.indirect_vreg.gather [hbm4b:s7+s3], $0x80, v3, vm0, $0xb8;
	[tilespmem:$0x10400] =	vst v63  }
0x330: {  	_ =	swait.ge [sflag:s4], $0x4000  }
0x331: {  	[sflag:s4] =	ssyncset.done $0x0  }
0x332: {  	s10 =	rddreg [dreg:$0x1c];
	[sflag:s4] =	ssyncadd.s32 $0xFFFFC000  }
0x333: {  	[hbm4b:s10+s3] =	stream.linear.scatter [tilespmem:s31], [sflag:$0x2], $0x4000, $0x38;
	[tilespmem:$0x10400] =	vst v63  }
0x334: {  	_ =	swait.ge [sflag:s19], $0x4000  }
0x335: {  	[sflag:s19] =	ssyncset.done $0x0  }
0x336: {  	[sflag:s19] =	ssyncadd.s32 $0xFFFFC000  }
0x337: {  	v3 =	vld [tilespmem:$0x1B0];
	_ =	sdelay $0x4  }
0x338: {  	v27 =	vshll.u32 v3, $0x3  }
0x339: {  	v3 =	vand.u32 $0x7, v3;
	v4 =	vand.u32 $0xFFFFFFC0, v27  }
0x33a: {  	v3 =	vor.u32 v3, v4  }
0x33b: {  	v4 =	vperm.xlane v3, v0;
	_ =	sdelay $0x1  }
0x33c: {  	v4 =	vadd.s32 v1, v4;
	_ =	sdelay $0x4  }
0x33d: {  	[tilespmem:s8], [sflag:$0x1] =	stream.indirect_vreg.gather [hbm4b:s2+s3], $0x80, v4, vm0, $0xb8;
	[tilespmem:$0x10400] =	vst v63  }
0x33e: {  	s22 =	simm.s32 $0xCC00;
	v3 =	vperm.xlane v3, v2  }
0x33f: {  	[tilespmem:s22], [sflag:$0x1] =	stream.indirect_vreg.gather [hbm4b:s5+s3], $0x80, v4, vm0, $0xb8;
	[tilespmem:$0x10400] =	vst v63  }
0x340: {  	s24 =	simm.s32 $0xD400;
	v3 =	vadd.s32 v1, v3  }
0x341: {  	[tilespmem:s24], [sflag:$0x1] =	stream.indirect_vreg.gather [hbm4b:s6+s3], $0x80, v4, vm0, $0xb8;
	[tilespmem:$0x10400] =	vst v63  }
0x342: {  	s14 =	simm.s32 $0xDC00  }
0x343: {  	[tilespmem:s14], [sflag:$0x1] =	stream.indirect_vreg.gather [hbm4b:s7+s3], $0x80, v4, vm0, $0xb8;
	[tilespmem:$0x10400] =	vst v63  }
0x344: {  	s29 =	simm.s32 $0xE400  }
0x345: {  	[tilespmem:s29], [sflag:$0x1] =	stream.indirect_vreg.gather [hbm4b:s2+s3], $0x80, v3, vm0, $0xb8;
	[tilespmem:$0x10400] =	vst v63  }
0x346: {  	s17 =	simm.s32 $0xEC00  }
0x347: {  	[tilespmem:s17], [sflag:$0x1] =	stream.indirect_vreg.gather [hbm4b:s5+s3], $0x80, v3, vm0, $0xb8;
	[tilespmem:$0x10400] =	vst v63  }
0x348: {  	s15 =	simm.s32 $0xF400  }
0x349: {  	[tilespmem:s15], [sflag:$0x1] =	stream.indirect_vreg.gather [hbm4b:s6+s3], $0x80, v3, vm0, $0xb8;
	[tilespmem:$0x10400] =	vst v63  }
0x34a: {  	s12 =	simm.s32 $0xFC00  }
0x34b: {  	[tilespmem:s12], [sflag:$0x1] =	stream.indirect_vreg.gather [hbm4b:s7+s3], $0x80, v3, vm0, $0xb8;
	[tilespmem:$0x10400] =	vst v63  }
0x34c: {  	_ =	swait.ge [sflag:s4], $0x4000  }
0x34d: {  	[sflag:s4] =	ssyncset.done $0x0  }
0x34e: {  	s15 =	rddreg [dreg:$0x1d];
	[sflag:s4] =	ssyncadd.s32 $0xFFFFC000  }
0x34f: {  	[hbm4b:s15+s3] =	stream.linear.scatter [tilespmem:s18], [sflag:$0x2], $0x4000, $0x38;
	[tilespmem:$0x10400] =	vst v63  }
0x350: {  	_ =	swait.ge [sflag:s19], $0x4000  }
0x351: {  	[sflag:s19] =	ssyncset.done $0x0  }
0x352: {  	[sflag:s19] =	ssyncadd.s32 $0xFFFFC000  }
0x353: {  	v3 =	vld [tilespmem:$0x1C0];
	_ =	sdelay $0x4  }
0x354: {  	v28 =	vshll.u32 v3, $0x3  }
0x355: {  	v3 =	vand.u32 $0x7, v3;
	v4 =	vand.u32 $0xFFFFFFC0, v28  }
0x356: {  	v3 =	vor.u32 v3, v4  }
0x357: {  	v4 =	vperm.xlane v3, v0;
	_ =	sdelay $0x1  }
0x358: {  	v4 =	vadd.s32 v1, v4;
	_ =	sdelay $0x4  }
0x359: {  	[tilespmem:s31], [sflag:$0x1] =	stream.indirect_vreg.gather [hbm4b:s2+s3], $0x80, v4, vm0, $0xb8;
	[tilespmem:$0x10400] =	vst v63  }
0x35a: {  	s29 =	simm.s32 $0xC00;
	v3 =	vperm.xlane v3, v2  }
0x35b: {  	[tilespmem:s29], [sflag:$0x1] =	stream.indirect_vreg.gather [hbm4b:s5+s3], $0x80, v4, vm0, $0xb8;
	[tilespmem:$0x10400] =	vst v63  }
0x35c: {  	s20 =	simm.s32 $0x1400;
	v3 =	vadd.s32 v1, v3  }
0x35d: {  	[tilespmem:s20], [sflag:$0x1] =	stream.indirect_vreg.gather [hbm4b:s6+s3], $0x80, v4, vm0, $0xb8;
	[tilespmem:$0x10400] =	vst v63  }
0x35e: {  	s29 =	simm.s32 $0x1C00  }
0x35f: {  	[tilespmem:s29], [sflag:$0x1] =	stream.indirect_vreg.gather [hbm4b:s7+s3], $0x80, v4, vm0, $0xb8;
	[tilespmem:$0x10400] =	vst v63  }
0x360: {  	s20 =	simm.s32 $0x2400  }
0x361: {  	[tilespmem:s20], [sflag:$0x1] =	stream.indirect_vreg.gather [hbm4b:s2+s3], $0x80, v3, vm0, $0xb8;
	[tilespmem:$0x10400] =	vst v63  }
0x362: {  	s29 =	simm.s32 $0x2C00  }
0x363: {  	[tilespmem:s29], [sflag:$0x1] =	stream.indirect_vreg.gather [hbm4b:s5+s3], $0x80, v3, vm0, $0xb8;
	[tilespmem:$0x10400] =	vst v63  }
0x364: {  	s20 =	simm.s32 $0x3400  }
0x365: {  	[tilespmem:s20], [sflag:$0x1] =	stream.indirect_vreg.gather [hbm4b:s6+s3], $0x80, v3, vm0, $0xb8;
	[tilespmem:$0x10400] =	vst v63  }
0x366: {  	s29 =	simm.s32 $0x3C00  }
0x367: {  	[tilespmem:s29], [sflag:$0x1] =	stream.indirect_vreg.gather [hbm4b:s7+s3], $0x80, v3, vm0, $0xb8;
	[tilespmem:$0x10400] =	vst v63  }
0x368: {  	_ =	swait.ge [sflag:s4], $0x4000  }
0x369: {  	[sflag:s4] =	ssyncset.done $0x0  }
0x36a: {  	s15 =	rddreg [dreg:$0x1e];
	[sflag:s4] =	ssyncadd.s32 $0xFFFFC000  }
0x36b: {  	[hbm4b:s15+s3] =	stream.linear.scatter [tilespmem:s26], [sflag:$0x2], $0x4000, $0x38;
	[tilespmem:$0x10400] =	vst v63  }
0x36c: {  	_ =	swait.ge [sflag:s19], $0x4000  }
0x36d: {  	[sflag:s19] =	ssyncset.done $0x0  }
0x36e: {  	[sflag:s19] =	ssyncadd.s32 $0xFFFFC000  }
0x36f: {  	v3 =	vld [tilespmem:$0x1D0];
	_ =	sdelay $0x4  }
0x370: {  	v29 =	vshll.u32 v3, $0x3  }
0x371: {  	v3 =	vand.u32 $0x7, v3;
	v4 =	vand.u32 $0xFFFFFFC0, v29  }
0x372: {  	v3 =	vor.u32 v3, v4  }
0x373: {  	v4 =	vperm.xlane v3, v0;
	_ =	sdelay $0x1  }
0x374: {  	v4 =	vadd.s32 v1, v4;
	_ =	sdelay $0x4  }
0x375: {  	[tilespmem:s18], [sflag:$0x1] =	stream.indirect_vreg.gather [hbm4b:s2+s3], $0x80, v4, vm0, $0xb8;
	[tilespmem:$0x10400] =	vst v63  }
0x376: {  	s20 =	simm.s32 $0x4C00;
	v3 =	vperm.xlane v3, v2  }
0x377: {  	[tilespmem:s20], [sflag:$0x1] =	stream.indirect_vreg.gather [hbm4b:s5+s3], $0x80, v4, vm0, $0xb8;
	[tilespmem:$0x10400] =	vst v63  }
0x378: {  	s21 =	simm.s32 $0x5400;
	v3 =	vadd.s32 v1, v3  }
0x379: {  	[tilespmem:s21], [sflag:$0x1] =	stream.indirect_vreg.gather [hbm4b:s6+s3], $0x80, v4, vm0, $0xb8;
	[tilespmem:$0x10400] =	vst v63  }
0x37a: {  	s23 =	simm.s32 $0x5C00  }
0x37b: {  	[tilespmem:s23], [sflag:$0x1] =	stream.indirect_vreg.gather [hbm4b:s7+s3], $0x80, v4, vm0, $0xb8;
	[tilespmem:$0x10400] =	vst v63  }
0x37c: {  	s29 =	simm.s32 $0x6400  }
0x37d: {  	[tilespmem:s29], [sflag:$0x1] =	stream.indirect_vreg.gather [hbm4b:s2+s3], $0x80, v3, vm0, $0xb8;
	[tilespmem:$0x10400] =	vst v63  }
0x37e: {  	s13 =	simm.s32 $0x6C00  }
0x37f: {  	[tilespmem:s13], [sflag:$0x1] =	stream.indirect_vreg.gather [hbm4b:s5+s3], $0x80, v3, vm0, $0xb8;
	[tilespmem:$0x10400] =	vst v63  }
0x380: {  	s23 =	simm.s32 $0x7400  }
0x381: {  	[tilespmem:s23], [sflag:$0x1] =	stream.indirect_vreg.gather [hbm4b:s6+s3], $0x80, v3, vm0, $0xb8;
	[tilespmem:$0x10400] =	vst v63  }
0x382: {  	s23 =	simm.s32 $0x7C00  }
0x383: {  	[tilespmem:s23], [sflag:$0x1] =	stream.indirect_vreg.gather [hbm4b:s7+s3], $0x80, v3, vm0, $0xb8;
	[tilespmem:$0x10400] =	vst v63  }
0x384: {  	_ =	swait.ge [sflag:s4], $0x4000  }
0x385: {  	[sflag:s4] =	ssyncset.done $0x0  }
0x386: {  	s23 =	rddreg [dreg:$0x1f];
	[sflag:s4] =	ssyncadd.s32 $0xFFFFC000  }
0x387: {  	[hbm4b:s23+s3] =	stream.linear.scatter [tilespmem:s8], [sflag:$0x2], $0x4000, $0x38;
	[tilespmem:$0x10400] =	vst v63  }
0x388: {  	_ =	swait.ge [sflag:s19], $0x4000  }
0x389: {  	[sflag:s19] =	ssyncset.done $0x0  }
0x38a: {  	[sflag:s19] =	ssyncadd.s32 $0xFFFFC000  }
0x38b: {  	v3 =	vld [tilespmem:$0x1E0];
	_ =	sdelay $0x4  }
0x38c: {  	v30 =	vshll.u32 v3, $0x3  }
0x38d: {  	v3 =	vand.u32 $0x7, v3;
	v4 =	vand.u32 $0xFFFFFFC0, v30  }
0x38e: {  	v3 =	vor.u32 v3, v4  }
0x38f: {  	v4 =	vperm.xlane v3, v0;
	_ =	sdelay $0x1  }
0x390: {  	v4 =	vadd.s32 v1, v4;
	_ =	sdelay $0x4  }
0x391: {  	[tilespmem:s26], [sflag:$0x1] =	stream.indirect_vreg.gather [hbm4b:s2+s3], $0x80, v4, vm0, $0xb8;
	[tilespmem:$0x10400] =	vst v63  }
0x392: {  	s25 =	simm.s32 $0x8C00;
	v3 =	vperm.xlane v3, v2  }
0x393: {  	[tilespmem:s25], [sflag:$0x1] =	stream.indirect_vreg.gather [hbm4b:s5+s3], $0x80, v4, vm0, $0xb8;
	[tilespmem:$0x10400] =	vst v63  }
0x394: {  	s30 =	simm.s32 $0x9400;
	v3 =	vadd.s32 v1, v3  }
0x395: {  	[tilespmem:s30], [sflag:$0x1] =	stream.indirect_vreg.gather [hbm4b:s6+s3], $0x80, v4, vm0, $0xb8;
	[tilespmem:$0x10400] =	vst v63  }
0x396: {  	s9 =	simm.s32 $0x9C00  }
0x397: {  	[tilespmem:s9], [sflag:$0x1] =	stream.indirect_vreg.gather [hbm4b:s7+s3], $0x80, v4, vm0, $0xb8;
	[tilespmem:$0x10400] =	vst v63  }
0x398: {  	s16 =	simm.s32 $0xA400  }
0x399: {  	[tilespmem:s16], [sflag:$0x1] =	stream.indirect_vreg.gather [hbm4b:s2+s3], $0x80, v3, vm0, $0xb8;
	[tilespmem:$0x10400] =	vst v63  }
0x39a: {  	s11 =	simm.s32 $0xAC00  }
0x39b: {  	[tilespmem:s11], [sflag:$0x1] =	stream.indirect_vreg.gather [hbm4b:s5+s3], $0x80, v3, vm0, $0xb8;
	[tilespmem:$0x10400] =	vst v63  }
0x39c: {  	s0 =	simm.s32 $0xB400  }
0x39d: {  	[tilespmem:s0], [sflag:$0x1] =	stream.indirect_vreg.gather [hbm4b:s6+s3], $0x80, v3, vm0, $0xb8;
	[tilespmem:$0x10400] =	vst v63  }
0x39e: {  	s1 =	simm.s32 $0xBC00  }
0x39f: {  	[tilespmem:s1], [sflag:$0x1] =	stream.indirect_vreg.gather [hbm4b:s7+s3], $0x80, v3, vm0, $0xb8;
	[tilespmem:$0x10400] =	vst v63  }
0x3a0: {  	_ =	swait.ge [sflag:s4], $0x4000  }
0x3a1: {  	s16 =	sld [smem:$0x7D7]  }
0x3a2: {  	[sflag:s4] =	ssyncset.done $0x0  }
0x3a3: {  	[sflag:s4] =	ssyncadd.s32 $0xFFFFC000  }
0x3a4: {  	[hbm4b:s16+s3] =	stream.linear.scatter [tilespmem:s31], [sflag:$0x2], $0x4000, $0x38;
	[tilespmem:$0x10400] =	vst v63  }
0x3a5: {  	_ =	swait.ge [sflag:s19], $0x4000  }
0x3a6: {  	[sflag:s19] =	ssyncset.done $0x0  }
0x3a7: {  	[sflag:s19] =	ssyncadd.s32 $0xFFFFC000  }
0x3a8: {  	v3 =	vld [tilespmem:$0x1F0];
	_ =	sdelay $0x4  }
0x3a9: {  	v31 =	vshll.u32 v3, $0x3  }
0x3aa: {  	v3 =	vand.u32 $0x7, v3;
	v4 =	vand.u32 $0xFFFFFFC0, v31  }
0x3ab: {  	v3 =	vor.u32 v3, v4  }
0x3ac: {  	v4 =	vperm.xlane v3, v0;
	_ =	sdelay $0x1  }
0x3ad: {  	v4 =	vadd.s32 v1, v4;
	_ =	sdelay $0x4  }
0x3ae: {  	[tilespmem:s8], [sflag:$0x1] =	stream.indirect_vreg.gather [hbm4b:s2+s3], $0x80, v4, vm0, $0xb8;
	[tilespmem:$0x10400] =	vst v63  }
0x3af: {  	s28 =	simm.s32 $0xCC00;
	v3 =	vperm.xlane v3, v2  }
0x3b0: {  	[tilespmem:s28], [sflag:$0x1] =	stream.indirect_vreg.gather [hbm4b:s5+s3], $0x80, v4, vm0, $0xb8;
	[tilespmem:$0x10400] =	vst v63  }
0x3b1: {  	s10 =	simm.s32 $0xD400;
	v3 =	vadd.s32 v1, v3  }
0x3b2: {  	[tilespmem:s10], [sflag:$0x1] =	stream.indirect_vreg.gather [hbm4b:s6+s3], $0x80, v4, vm0, $0xb8;
	[tilespmem:$0x10400] =	vst v63  }
0x3b3: {  	s22 =	simm.s32 $0xDC00  }
0x3b4: {  	[tilespmem:s22], [sflag:$0x1] =	stream.indirect_vreg.gather [hbm4b:s7+s3], $0x80, v4, vm0, $0xb8;
	[tilespmem:$0x10400] =	vst v63  }
0x3b5: {  	s24 =	simm.s32 $0xE400  }
0x3b6: {  	[tilespmem:s24], [sflag:$0x1] =	stream.indirect_vreg.gather [hbm4b:s2+s3], $0x80, v3, vm0, $0xb8;
	[tilespmem:$0x10400] =	vst v63  }
0x3b7: {  	s17 =	simm.s32 $0xEC00  }
0x3b8: {  	[tilespmem:s17], [sflag:$0x1] =	stream.indirect_vreg.gather [hbm4b:s5+s3], $0x80, v3, vm0, $0xb8;
	[tilespmem:$0x10400] =	vst v63  }
0x3b9: {  	s14 =	simm.s32 $0xF400  }
0x3ba: {  	[tilespmem:s14], [sflag:$0x1] =	stream.indirect_vreg.gather [hbm4b:s6+s3], $0x80, v3, vm0, $0xb8;
	[tilespmem:$0x10400] =	vst v63  }
0x3bb: {  	s12 =	simm.s32 $0xFC00  }
0x3bc: {  	[tilespmem:s12], [sflag:$0x1] =	stream.indirect_vreg.gather [hbm4b:s7+s3], $0x80, v3, vm0, $0xb8;
	[tilespmem:$0x10400] =	vst v63  }
0x3bd: {  	_ =	swait.ge [sflag:s4], $0x4000  }
0x3be: {  	[sflag:s4] =	ssyncset.done $0x0  }
0x3bf: {  	s28 =	sld [smem:$0x7D8];
	_ =	sdelay $0x1  }
0x3c0: {  	[sflag:s4] =	ssyncadd.s32 $0xFFFFC000  }
0x3c1: {  	[hbm4b:s28+s3] =	stream.linear.scatter [tilespmem:s18], [sflag:$0x2], $0x4000, $0x38;
	[tilespmem:$0x10400] =	vst v63  }
0x3c2: {  	_ =	swait.ge [sflag:s19], $0x4000  }
0x3c3: {  	[sflag:s19] =	ssyncset.done $0x0  }
0x3c4: {  	[sflag:s19] =	ssyncadd.s32 $0xFFFFC000  }
0x3c5: {  	v3 =	vld [tilespmem:$0x200];
	_ =	sdelay $0x4  }
0x3c6: {  	v32 =	vshll.u32 v3, $0x3  }
0x3c7: {  	v3 =	vand.u32 $0x7, v3;
	v4 =	vand.u32 $0xFFFFFFC0, v32  }
0x3c8: {  	v3 =	vor.u32 v3, v4  }
0x3c9: {  	v4 =	vperm.xlane v3, v0;
	_ =	sdelay $0x1  }
0x3ca: {  	v4 =	vadd.s32 v1, v4;
	_ =	sdelay $0x4  }
0x3cb: {  	[tilespmem:s31], [sflag:$0x1] =	stream.indirect_vreg.gather [hbm4b:s2+s3], $0x80, v4, vm0, $0xb8;
	[tilespmem:$0x10400] =	vst v63  }
0x3cc: {  	s24 =	simm.s32 $0xC00;
	v3 =	vperm.xlane v3, v2  }
0x3cd: {  	[tilespmem:s24], [sflag:$0x1] =	stream.indirect_vreg.gather [hbm4b:s5+s3], $0x80, v4, vm0, $0xb8;
	[tilespmem:$0x10400] =	vst v63  }
0x3ce: {  	s28 =	simm.s32 $0x1400;
	v3 =	vadd.s32 v1, v3  }
0x3cf: {  	[tilespmem:s28], [sflag:$0x1] =	stream.indirect_vreg.gather [hbm4b:s6+s3], $0x80, v4, vm0, $0xb8;
	[tilespmem:$0x10400] =	vst v63  }
0x3d0: {  	s24 =	simm.s32 $0x1C00  }
0x3d1: {  	[tilespmem:s24], [sflag:$0x1] =	stream.indirect_vreg.gather [hbm4b:s7+s3], $0x80, v4, vm0, $0xb8;
	[tilespmem:$0x10400] =	vst v63  }
0x3d2: {  	s28 =	simm.s32 $0x2400  }
0x3d3: {  	[tilespmem:s28], [sflag:$0x1] =	stream.indirect_vreg.gather [hbm4b:s2+s3], $0x80, v3, vm0, $0xb8;
	[tilespmem:$0x10400] =	vst v63  }
0x3d4: {  	s24 =	simm.s32 $0x2C00  }
0x3d5: {  	[tilespmem:s24], [sflag:$0x1] =	stream.indirect_vreg.gather [hbm4b:s5+s3], $0x80, v3, vm0, $0xb8;
	[tilespmem:$0x10400] =	vst v63  }
0x3d6: {  	s28 =	simm.s32 $0x3400  }
0x3d7: {  	[tilespmem:s28], [sflag:$0x1] =	stream.indirect_vreg.gather [hbm4b:s6+s3], $0x80, v3, vm0, $0xb8;
	[tilespmem:$0x10400] =	vst v63  }
0x3d8: {  	s24 =	simm.s32 $0x3C00  }
0x3d9: {  	[tilespmem:s24], [sflag:$0x1] =	stream.indirect_vreg.gather [hbm4b:s7+s3], $0x80, v3, vm0, $0xb8;
	[tilespmem:$0x10400] =	vst v63  }
0x3da: {  	_ =	swait.ge [sflag:s4], $0x4000  }
0x3db: {  	s28 =	sld [smem:$0x7D9]  }
0x3dc: {  	[sflag:s4] =	ssyncset.done $0x0  }
0x3dd: {  	[sflag:s4] =	ssyncadd.s32 $0xFFFFC000  }
0x3de: {  	[hbm4b:s28+s3] =	stream.linear.scatter [tilespmem:s26], [sflag:$0x2], $0x4000, $0x38;
	[tilespmem:$0x10400] =	vst v63  }
0x3df: {  	_ =	swait.ge [sflag:s19], $0x4000  }
0x3e0: {  	[sflag:s19] =	ssyncset.done $0x0  }
0x3e1: {  	[sflag:s19] =	ssyncadd.s32 $0xFFFFC000  }
0x3e2: {  	v3 =	vld [tilespmem:$0x210];
	_ =	sdelay $0x4  }
0x3e3: {  	v33 =	vshll.u32 v3, $0x3  }
0x3e4: {  	v3 =	vand.u32 $0x7, v3;
	v4 =	vand.u32 $0xFFFFFFC0, v33  }
0x3e5: {  	v3 =	vor.u32 v3, v4  }
0x3e6: {  	v4 =	vperm.xlane v3, v0;
	_ =	sdelay $0x1  }
0x3e7: {  	v4 =	vadd.s32 v1, v4;
	_ =	sdelay $0x4  }
0x3e8: {  	[tilespmem:s18], [sflag:$0x1] =	stream.indirect_vreg.gather [hbm4b:s2+s3], $0x80, v4, vm0, $0xb8;
	[tilespmem:$0x10400] =	vst v63  }
0x3e9: {  	s24 =	simm.s32 $0x4C00;
	v3 =	vperm.xlane v3, v2  }
0x3ea: {  	[tilespmem:s24], [sflag:$0x1] =	stream.indirect_vreg.gather [hbm4b:s5+s3], $0x80, v4, vm0, $0xb8;
	[tilespmem:$0x10400] =	vst v63  }
0x3eb: {  	s15 =	simm.s32 $0x5400;
	v3 =	vadd.s32 v1, v3  }
0x3ec: {  	[tilespmem:s15], [sflag:$0x1] =	stream.indirect_vreg.gather [hbm4b:s6+s3], $0x80, v4, vm0, $0xb8;
	[tilespmem:$0x10400] =	vst v63  }
0x3ed: {  	s21 =	simm.s32 $0x5C00  }
0x3ee: {  	[tilespmem:s21], [sflag:$0x1] =	stream.indirect_vreg.gather [hbm4b:s7+s3], $0x80, v4, vm0, $0xb8;
	[tilespmem:$0x10400] =	vst v63  }
0x3ef: {  	s29 =	simm.s32 $0x6400  }
0x3f0: {  	[tilespmem:s29], [sflag:$0x1] =	stream.indirect_vreg.gather [hbm4b:s2+s3], $0x80, v3, vm0, $0xb8;
	[tilespmem:$0x10400] =	vst v63  }
0x3f1: {  	s13 =	simm.s32 $0x6C00  }
0x3f2: {  	[tilespmem:s13], [sflag:$0x1] =	stream.indirect_vreg.gather [hbm4b:s5+s3], $0x80, v3, vm0, $0xb8;
	[tilespmem:$0x10400] =	vst v63  }
0x3f3: {  	s28 =	simm.s32 $0x7400  }
0x3f4: {  	[tilespmem:s28], [sflag:$0x1] =	stream.indirect_vreg.gather [hbm4b:s6+s3], $0x80, v3, vm0, $0xb8;
	[tilespmem:$0x10400] =	vst v63  }
0x3f5: {  	s20 =	simm.s32 $0x7C00  }
0x3f6: {  	[tilespmem:s20], [sflag:$0x1] =	stream.indirect_vreg.gather [hbm4b:s7+s3], $0x80, v3, vm0, $0xb8;
	[tilespmem:$0x10400] =	vst v63  }
0x3f7: {  	_ =	swait.ge [sflag:s4], $0x4000  }
0x3f8: {  	s21 =	sld [smem:$0x7DA]  }
0x3f9: {  	[sflag:s4] =	ssyncset.done $0x0  }
0x3fa: {  	[sflag:s4] =	ssyncadd.s32 $0xFFFFC000  }
0x3fb: {  	[hbm4b:s21+s3] =	stream.linear.scatter [tilespmem:s8], [sflag:$0x2], $0x4000, $0x38;
	[tilespmem:$0x10400] =	vst v63  }
0x3fc: {  	_ =	swait.ge [sflag:s19], $0x4000  }
0x3fd: {  	[sflag:s19] =	ssyncset.done $0x0  }
0x3fe: {  	[sflag:s19] =	ssyncadd.s32 $0xFFFFC000  }
0x3ff: {  	v3 =	vld [tilespmem:$0x220];
	_ =	sdelay $0x4  }
0x400: {  	v34 =	vshll.u32 v3, $0x3  }
0x401: {  	v3 =	vand.u32 $0x7, v3;
	v4 =	vand.u32 $0xFFFFFFC0, v34  }
0x402: {  	v3 =	vor.u32 v3, v4  }
0x403: {  	v4 =	vperm.xlane v3, v0;
	_ =	sdelay $0x1  }
0x404: {  	v4 =	vadd.s32 v1, v4;
	_ =	sdelay $0x4  }
0x405: {  	[tilespmem:s26], [sflag:$0x1] =	stream.indirect_vreg.gather [hbm4b:s2+s3], $0x80, v4, vm0, $0xb8;
	[tilespmem:$0x10400] =	vst v63  }
0x406: {  	s23 =	simm.s32 $0x8C00;
	v3 =	vperm.xlane v3, v2  }
0x407: {  	[tilespmem:s23], [sflag:$0x1] =	stream.indirect_vreg.gather [hbm4b:s5+s3], $0x80, v4, vm0, $0xb8;
	[tilespmem:$0x10400] =	vst v63  }
0x408: {  	s25 =	simm.s32 $0x9400;
	v3 =	vadd.s32 v1, v3  }
0x409: {  	[tilespmem:s25], [sflag:$0x1] =	stream.indirect_vreg.gather [hbm4b:s6+s3], $0x80, v4, vm0, $0xb8;
	[tilespmem:$0x10400] =	vst v63  }
0x40a: {  	s9 =	simm.s32 $0x9C00  }
0x40b: {  	[tilespmem:s9], [sflag:$0x1] =	stream.indirect_vreg.gather [hbm4b:s7+s3], $0x80, v4, vm0, $0xb8;
	[tilespmem:$0x10400] =	vst v63  }
0x40c: {  	s28 =	simm.s32 $0xA400  }
0x40d: {  	[tilespmem:s28], [sflag:$0x1] =	stream.indirect_vreg.gather [hbm4b:s2+s3], $0x80, v3, vm0, $0xb8;
	[tilespmem:$0x10400] =	vst v63  }
0x40e: {  	s30 =	simm.s32 $0xAC00  }
0x40f: {  	[tilespmem:s30], [sflag:$0x1] =	stream.indirect_vreg.gather [hbm4b:s5+s3], $0x80, v3, vm0, $0xb8;
	[tilespmem:$0x10400] =	vst v63  }
0x410: {  	s0 =	simm.s32 $0xB400  }
0x411: {  	[tilespmem:s0], [sflag:$0x1] =	stream.indirect_vreg.gather [hbm4b:s6+s3], $0x80, v3, vm0, $0xb8;
	[tilespmem:$0x10400] =	vst v63  }
0x412: {  	s1 =	simm.s32 $0xBC00  }
0x413: {  	[tilespmem:s1], [sflag:$0x1] =	stream.indirect_vreg.gather [hbm4b:s7+s3], $0x80, v3, vm0, $0xb8;
	[tilespmem:$0x10400] =	vst v63  }
0x414: {  	_ =	swait.ge [sflag:s4], $0x4000  }
0x415: {  	s30 =	sld [smem:$0x7DB]  }
0x416: {  	[sflag:s4] =	ssyncset.done $0x0  }
0x417: {  	[sflag:s4] =	ssyncadd.s32 $0xFFFFC000  }
0x418: {  	[hbm4b:s30+s3] =	stream.linear.scatter [tilespmem:s31], [sflag:$0x2], $0x4000, $0x38;
	[tilespmem:$0x10400] =	vst v63  }
0x419: {  	_ =	swait.ge [sflag:s19], $0x4000  }
0x41a: {  	[sflag:s19] =	ssyncset.done $0x0  }
0x41b: {  	[sflag:s19] =	ssyncadd.s32 $0xFFFFC000  }
0x41c: {  	v3 =	vld [tilespmem:$0x230];
	_ =	sdelay $0x4  }
0x41d: {  	v35 =	vshll.u32 v3, $0x3  }
0x41e: {  	v3 =	vand.u32 $0x7, v3;
	v4 =	vand.u32 $0xFFFFFFC0, v35  }
0x41f: {  	v3 =	vor.u32 v3, v4  }
0x420: {  	v4 =	vperm.xlane v3, v0;
	_ =	sdelay $0x1  }
0x421: {  	v4 =	vadd.s32 v1, v4;
	_ =	sdelay $0x4  }
0x422: {  	[tilespmem:s8], [sflag:$0x1] =	stream.indirect_vreg.gather [hbm4b:s2+s3], $0x80, v4, vm0, $0xb8;
	[tilespmem:$0x10400] =	vst v63  }
0x423: {  	s11 =	simm.s32 $0xCC00;
	v3 =	vperm.xlane v3, v2  }
0x424: {  	[tilespmem:s11], [sflag:$0x1] =	stream.indirect_vreg.gather [hbm4b:s5+s3], $0x80, v4, vm0, $0xb8;
	[tilespmem:$0x10400] =	vst v63  }
0x425: {  	s10 =	simm.s32 $0xD400;
	v3 =	vadd.s32 v1, v3  }
0x426: {  	[tilespmem:s10], [sflag:$0x1] =	stream.indirect_vreg.gather [hbm4b:s6+s3], $0x80, v4, vm0, $0xb8;
	[tilespmem:$0x10400] =	vst v63  }
0x427: {  	s16 =	simm.s32 $0xDC00  }
0x428: {  	[tilespmem:s16], [sflag:$0x1] =	stream.indirect_vreg.gather [hbm4b:s7+s3], $0x80, v4, vm0, $0xb8;
	[tilespmem:$0x10400] =	vst v63  }
0x429: {  	s22 =	simm.s32 $0xE400  }
0x42a: {  	[tilespmem:s22], [sflag:$0x1] =	stream.indirect_vreg.gather [hbm4b:s2+s3], $0x80, v3, vm0, $0xb8;
	[tilespmem:$0x10400] =	vst v63  }
0x42b: {  	s17 =	simm.s32 $0xEC00  }
0x42c: {  	[tilespmem:s17], [sflag:$0x1] =	stream.indirect_vreg.gather [hbm4b:s5+s3], $0x80, v3, vm0, $0xb8;
	[tilespmem:$0x10400] =	vst v63  }
0x42d: {  	s14 =	simm.s32 $0xF400  }
0x42e: {  	[tilespmem:s14], [sflag:$0x1] =	stream.indirect_vreg.gather [hbm4b:s6+s3], $0x80, v3, vm0, $0xb8;
	[tilespmem:$0x10400] =	vst v63  }
0x42f: {  	s12 =	simm.s32 $0xFC00  }
0x430: {  	[tilespmem:s12], [sflag:$0x1] =	stream.indirect_vreg.gather [hbm4b:s7+s3], $0x80, v3, vm0, $0xb8;
	[tilespmem:$0x10400] =	vst v63  }
0x431: {  	_ =	swait.ge [sflag:s4], $0x4000  }
0x432: {  	s17 =	sld [smem:$0x7DC]  }
0x433: {  	[sflag:s4] =	ssyncset.done $0x0  }
0x434: {  	[sflag:s4] =	ssyncadd.s32 $0xFFFFC000  }
0x435: {  	[hbm4b:s17+s3] =	stream.linear.scatter [tilespmem:s18], [sflag:$0x2], $0x4000, $0x38;
	[tilespmem:$0x10400] =	vst v63  }
0x436: {  	_ =	swait.ge [sflag:s19], $0x4000  }
0x437: {  	[sflag:s19] =	ssyncset.done $0x0  }
0x438: {  	[sflag:s19] =	ssyncadd.s32 $0xFFFFC000  }
0x439: {  	v3 =	vld [tilespmem:$0x240];
	_ =	sdelay $0x4  }
0x43a: {  	v36 =	vshll.u32 v3, $0x3  }
0x43b: {  	v3 =	vand.u32 $0x7, v3;
	v4 =	vand.u32 $0xFFFFFFC0, v36  }
0x43c: {  	v3 =	vor.u32 v3, v4  }
0x43d: {  	v4 =	vperm.xlane v3, v0;
	_ =	sdelay $0x1  }
0x43e: {  	v4 =	vadd.s32 v1, v4;
	_ =	sdelay $0x4  }
0x43f: {  	[tilespmem:s31], [sflag:$0x1] =	stream.indirect_vreg.gather [hbm4b:s2+s3], $0x80, v4, vm0, $0xb8;
	[tilespmem:$0x10400] =	vst v63  }
0x440: {  	s30 =	simm.s32 $0xC00;
	v3 =	vperm.xlane v3, v2  }
0x441: {  	[tilespmem:s30], [sflag:$0x1] =	stream.indirect_vreg.gather [hbm4b:s5+s3], $0x80, v4, vm0, $0xb8;
	[tilespmem:$0x10400] =	vst v63  }
0x442: {  	s20 =	simm.s32 $0x1400;
	v3 =	vadd.s32 v1, v3  }
0x443: {  	[tilespmem:s20], [sflag:$0x1] =	stream.indirect_vreg.gather [hbm4b:s6+s3], $0x80, v4, vm0, $0xb8;
	[tilespmem:$0x10400] =	vst v63  }
0x444: {  	s30 =	simm.s32 $0x1C00  }
0x445: {  	[tilespmem:s30], [sflag:$0x1] =	stream.indirect_vreg.gather [hbm4b:s7+s3], $0x80, v4, vm0, $0xb8;
	[tilespmem:$0x10400] =	vst v63  }
0x446: {  	s20 =	simm.s32 $0x2400  }
0x447: {  	[tilespmem:s20], [sflag:$0x1] =	stream.indirect_vreg.gather [hbm4b:s2+s3], $0x80, v3, vm0, $0xb8;
	[tilespmem:$0x10400] =	vst v63  }
0x448: {  	s30 =	simm.s32 $0x2C00  }
0x449: {  	[tilespmem:s30], [sflag:$0x1] =	stream.indirect_vreg.gather [hbm4b:s5+s3], $0x80, v3, vm0, $0xb8;
	[tilespmem:$0x10400] =	vst v63  }
0x44a: {  	s20 =	simm.s32 $0x3400  }
0x44b: {  	[tilespmem:s20], [sflag:$0x1] =	stream.indirect_vreg.gather [hbm4b:s6+s3], $0x80, v3, vm0, $0xb8;
	[tilespmem:$0x10400] =	vst v63  }
0x44c: {  	s30 =	simm.s32 $0x3C00  }
0x44d: {  	[tilespmem:s30], [sflag:$0x1] =	stream.indirect_vreg.gather [hbm4b:s7+s3], $0x80, v3, vm0, $0xb8;
	[tilespmem:$0x10400] =	vst v63  }
0x44e: {  	_ =	swait.ge [sflag:s4], $0x4000  }
0x44f: {  	s17 =	sld [smem:$0x7DD]  }
0x450: {  	[sflag:s4] =	ssyncset.done $0x0  }
0x451: {  	[sflag:s4] =	ssyncadd.s32 $0xFFFFC000  }
0x452: {  	[hbm4b:s17+s3] =	stream.linear.scatter [tilespmem:s26], [sflag:$0x2], $0x4000, $0x38;
	[tilespmem:$0x10400] =	vst v63  }
0x453: {  	_ =	swait.ge [sflag:s19], $0x4000  }
0x454: {  	[sflag:s19] =	ssyncset.done $0x0  }
0x455: {  	[sflag:s19] =	ssyncadd.s32 $0xFFFFC000  }
0x456: {  	v3 =	vld [tilespmem:$0x250];
	_ =	sdelay $0x4  }
0x457: {  	v37 =	vshll.u32 v3, $0x3  }
0x458: {  	v3 =	vand.u32 $0x7, v3;
	v4 =	vand.u32 $0xFFFFFFC0, v37  }
0x459: {  	v3 =	vor.u32 v3, v4  }
0x45a: {  	v4 =	vperm.xlane v3, v0;
	_ =	sdelay $0x1  }
0x45b: {  	v4 =	vadd.s32 v1, v4;
	_ =	sdelay $0x4  }
0x45c: {  	[tilespmem:s18], [sflag:$0x1] =	stream.indirect_vreg.gather [hbm4b:s2+s3], $0x80, v4, vm0, $0xb8;
	[tilespmem:$0x10400] =	vst v63  }
0x45d: {  	s30 =	simm.s32 $0x4C00;
	v3 =	vperm.xlane v3, v2  }
0x45e: {  	[tilespmem:s30], [sflag:$0x1] =	stream.indirect_vreg.gather [hbm4b:s5+s3], $0x80, v4, vm0, $0xb8;
	[tilespmem:$0x10400] =	vst v63  }
0x45f: {  	s15 =	simm.s32 $0x5400;
	v3 =	vadd.s32 v1, v3  }
0x460: {  	[tilespmem:s15], [sflag:$0x1] =	stream.indirect_vreg.gather [hbm4b:s6+s3], $0x80, v4, vm0, $0xb8;
	[tilespmem:$0x10400] =	vst v63  }
0x461: {  	s20 =	simm.s32 $0x5C00  }
0x462: {  	[tilespmem:s20], [sflag:$0x1] =	stream.indirect_vreg.gather [hbm4b:s7+s3], $0x80, v4, vm0, $0xb8;
	[tilespmem:$0x10400] =	vst v63  }
0x463: {  	s24 =	simm.s32 $0x6400  }
0x464: {  	[tilespmem:s24], [sflag:$0x1] =	stream.indirect_vreg.gather [hbm4b:s2+s3], $0x80, v3, vm0, $0xb8;
	[tilespmem:$0x10400] =	vst v63  }
0x465: {  	s29 =	simm.s32 $0x6C00  }
0x466: {  	[tilespmem:s29], [sflag:$0x1] =	stream.indirect_vreg.gather [hbm4b:s5+s3], $0x80, v3, vm0, $0xb8;
	[tilespmem:$0x10400] =	vst v63  }
0x467: {  	s24 =	simm.s32 $0x7400  }
0x468: {  	[tilespmem:s24], [sflag:$0x1] =	stream.indirect_vreg.gather [hbm4b:s6+s3], $0x80, v3, vm0, $0xb8;
	[tilespmem:$0x10400] =	vst v63  }
0x469: {  	s24 =	simm.s32 $0x7C00  }
0x46a: {  	[tilespmem:s24], [sflag:$0x1] =	stream.indirect_vreg.gather [hbm4b:s7+s3], $0x80, v3, vm0, $0xb8;
	[tilespmem:$0x10400] =	vst v63  }
0x46b: {  	_ =	swait.ge [sflag:s4], $0x4000  }
0x46c: {  	s24 =	sld [smem:$0x7DE]  }
0x46d: {  	[sflag:s4] =	ssyncset.done $0x0  }
0x46e: {  	[sflag:s4] =	ssyncadd.s32 $0xFFFFC000  }
0x46f: {  	[hbm4b:s24+s3] =	stream.linear.scatter [tilespmem:s8], [sflag:$0x2], $0x4000, $0x38;
	[tilespmem:$0x10400] =	vst v63  }
0x470: {  	_ =	swait.ge [sflag:s19], $0x4000  }
0x471: {  	[sflag:s19] =	ssyncset.done $0x0  }
0x472: {  	[sflag:s19] =	ssyncadd.s32 $0xFFFFC000  }
0x473: {  	v3 =	vld [tilespmem:$0x260];
	_ =	sdelay $0x4  }
0x474: {  	v38 =	vshll.u32 v3, $0x3  }
0x475: {  	v3 =	vand.u32 $0x7, v3;
	v4 =	vand.u32 $0xFFFFFFC0, v38  }
0x476: {  	v3 =	vor.u32 v3, v4  }
0x477: {  	v4 =	vperm.xlane v3, v0;
	_ =	sdelay $0x1  }
0x478: {  	v4 =	vadd.s32 v1, v4;
	_ =	sdelay $0x4  }
0x479: {  	[tilespmem:s26], [sflag:$0x1] =	stream.indirect_vreg.gather [hbm4b:s2+s3], $0x80, v4, vm0, $0xb8;
	[tilespmem:$0x10400] =	vst v63  }
0x47a: {  	s21 =	simm.s32 $0x8C00;
	v3 =	vperm.xlane v3, v2  }
0x47b: {  	[tilespmem:s21], [sflag:$0x1] =	stream.indirect_vreg.gather [hbm4b:s5+s3], $0x80, v4, vm0, $0xb8;
	[tilespmem:$0x10400] =	vst v63  }
0x47c: {  	s23 =	simm.s32 $0x9400;
	v3 =	vadd.s32 v1, v3  }
0x47d: {  	[tilespmem:s23], [sflag:$0x1] =	stream.indirect_vreg.gather [hbm4b:s6+s3], $0x80, v4, vm0, $0xb8;
	[tilespmem:$0x10400] =	vst v63  }
0x47e: {  	s9 =	simm.s32 $0x9C00  }
0x47f: {  	[tilespmem:s9], [sflag:$0x1] =	stream.indirect_vreg.gather [hbm4b:s7+s3], $0x80, v4, vm0, $0xb8;
	[tilespmem:$0x10400] =	vst v63  }
0x480: {  	s13 =	simm.s32 $0xA400  }
0x481: {  	[tilespmem:s13], [sflag:$0x1] =	stream.indirect_vreg.gather [hbm4b:s2+s3], $0x80, v3, vm0, $0xb8;
	[tilespmem:$0x10400] =	vst v63  }
0x482: {  	s28 =	simm.s32 $0xAC00  }
0x483: {  	[tilespmem:s28], [sflag:$0x1] =	stream.indirect_vreg.gather [hbm4b:s5+s3], $0x80, v3, vm0, $0xb8;
	[tilespmem:$0x10400] =	vst v63  }
0x484: {  	s0 =	simm.s32 $0xB400  }
0x485: {  	[tilespmem:s0], [sflag:$0x1] =	stream.indirect_vreg.gather [hbm4b:s6+s3], $0x80, v3, vm0, $0xb8;
	[tilespmem:$0x10400] =	vst v63  }
0x486: {  	s1 =	simm.s32 $0xBC00  }
0x487: {  	[tilespmem:s1], [sflag:$0x1] =	stream.indirect_vreg.gather [hbm4b:s7+s3], $0x80, v3, vm0, $0xb8;
	[tilespmem:$0x10400] =	vst v63  }
0x488: {  	_ =	swait.ge [sflag:s4], $0x4000  }
0x489: {  	s13 =	sld [smem:$0x7DF]  }
0x48a: {  	[sflag:s4] =	ssyncset.done $0x0  }
0x48b: {  	[sflag:s4] =	ssyncadd.s32 $0xFFFFC000  }
0x48c: {  	[hbm4b:s13+s3] =	stream.linear.scatter [tilespmem:s31], [sflag:$0x2], $0x4000, $0x38;
	[tilespmem:$0x10400] =	vst v63  }
0x48d: {  	_ =	swait.ge [sflag:s19], $0x4000  }
0x48e: {  	[sflag:s19] =	ssyncset.done $0x0  }
0x48f: {  	[sflag:s19] =	ssyncadd.s32 $0xFFFFC000  }
0x490: {  	v3 =	vld [tilespmem:$0x270];
	_ =	sdelay $0x4  }
0x491: {  	v39 =	vshll.u32 v3, $0x3  }
0x492: {  	v3 =	vand.u32 $0x7, v3;
	v4 =	vand.u32 $0xFFFFFFC0, v39  }
0x493: {  	v3 =	vor.u32 v3, v4  }
0x494: {  	v4 =	vperm.xlane v3, v0;
	_ =	sdelay $0x1  }
0x495: {  	v4 =	vadd.s32 v1, v4;
	_ =	sdelay $0x4  }
0x496: {  	[tilespmem:s8], [sflag:$0x1] =	stream.indirect_vreg.gather [hbm4b:s2+s3], $0x80, v4, vm0, $0xb8;
	[tilespmem:$0x10400] =	vst v63  }
0x497: {  	s25 =	simm.s32 $0xCC00;
	v3 =	vperm.xlane v3, v2  }
0x498: {  	[tilespmem:s25], [sflag:$0x1] =	stream.indirect_vreg.gather [hbm4b:s5+s3], $0x80, v4, vm0, $0xb8;
	[tilespmem:$0x10400] =	vst v63  }
0x499: {  	s10 =	simm.s32 $0xD400;
	v3 =	vadd.s32 v1, v3  }
0x49a: {  	[tilespmem:s10], [sflag:$0x1] =	stream.indirect_vreg.gather [hbm4b:s6+s3], $0x80, v4, vm0, $0xb8;
	[tilespmem:$0x10400] =	vst v63  }
0x49b: {  	s11 =	simm.s32 $0xDC00  }
0x49c: {  	[tilespmem:s11], [sflag:$0x1] =	stream.indirect_vreg.gather [hbm4b:s7+s3], $0x80, v4, vm0, $0xb8;
	[tilespmem:$0x10400] =	vst v63  }
0x49d: {  	s22 =	simm.s32 $0xE400  }
0x49e: {  	[tilespmem:s22], [sflag:$0x1] =	stream.indirect_vreg.gather [hbm4b:s2+s3], $0x80, v3, vm0, $0xb8;
	[tilespmem:$0x10400] =	vst v63  }
0x49f: {  	s16 =	simm.s32 $0xEC00  }
0x4a0: {  	[tilespmem:s16], [sflag:$0x1] =	stream.indirect_vreg.gather [hbm4b:s5+s3], $0x80, v3, vm0, $0xb8;
	[tilespmem:$0x10400] =	vst v63  }
0x4a1: {  	s14 =	simm.s32 $0xF400  }
0x4a2: {  	[tilespmem:s14], [sflag:$0x1] =	stream.indirect_vreg.gather [hbm4b:s6+s3], $0x80, v3, vm0, $0xb8;
	[tilespmem:$0x10400] =	vst v63  }
0x4a3: {  	s12 =	simm.s32 $0xFC00  }
0x4a4: {  	[tilespmem:s12], [sflag:$0x1] =	stream.indirect_vreg.gather [hbm4b:s7+s3], $0x80, v3, vm0, $0xb8;
	[tilespmem:$0x10400] =	vst v63  }
0x4a5: {  	_ =	swait.ge [sflag:s4], $0x4000  }
0x4a6: {  	s25 =	sld [smem:$0x7E0]  }
0x4a7: {  	[sflag:s4] =	ssyncset.done $0x0  }
0x4a8: {  	[sflag:s4] =	ssyncadd.s32 $0xFFFFC000  }
0x4a9: {  	[hbm4b:s25+s3] =	stream.linear.scatter [tilespmem:s18], [sflag:$0x2], $0x4000, $0x38;
	[tilespmem:$0x10400] =	vst v63  }
0x4aa: {  	_ =	swait.ge [sflag:s19], $0x4000  }
0x4ab: {  	[sflag:s19] =	ssyncset.done $0x0  }
0x4ac: {  	[sflag:s19] =	ssyncadd.s32 $0xFFFFC000  }
0x4ad: {  	v3 =	vld [tilespmem:$0x280];
	_ =	sdelay $0x4  }
0x4ae: {  	v40 =	vshll.u32 v3, $0x3  }
0x4af: {  	v3 =	vand.u32 $0x7, v3;
	v4 =	vand.u32 $0xFFFFFFC0, v40  }
0x4b0: {  	v3 =	vor.u32 v3, v4  }
0x4b1: {  	v4 =	vperm.xlane v3, v0;
	_ =	sdelay $0x1  }
0x4b2: {  	v4 =	vadd.s32 v1, v4;
	_ =	sdelay $0x4  }
0x4b3: {  	[tilespmem:s31], [sflag:$0x1] =	stream.indirect_vreg.gather [hbm4b:s2+s3], $0x80, v4, vm0, $0xb8;
	[tilespmem:$0x10400] =	vst v63  }
0x4b4: {  	s25 =	simm.s32 $0xC00;
	v3 =	vperm.xlane v3, v2  }
0x4b5: {  	[tilespmem:s25], [sflag:$0x1] =	stream.indirect_vreg.gather [hbm4b:s5+s3], $0x80, v4, vm0, $0xb8;
	[tilespmem:$0x10400] =	vst v63  }
0x4b6: {  	v3 =	vadd.s32 v1, v3;
	s25 =	simm.s32 $0x1400  }
0x4b7: {  	[tilespmem:s25], [sflag:$0x1] =	stream.indirect_vreg.gather [hbm4b:s6+s3], $0x80, v4, vm0, $0xb8;
	[tilespmem:$0x10400] =	vst v63  }
0x4b8: {  	s25 =	simm.s32 $0x1C00  }
0x4b9: {  	[tilespmem:s25], [sflag:$0x1] =	stream.indirect_vreg.gather [hbm4b:s7+s3], $0x80, v4, vm0, $0xb8;
	[tilespmem:$0x10400] =	vst v63  }
0x4ba: {  	s25 =	simm.s32 $0x2400  }
0x4bb: {  	[tilespmem:s25], [sflag:$0x1] =	stream.indirect_vreg.gather [hbm4b:s2+s3], $0x80, v3, vm0, $0xb8;
	[tilespmem:$0x10400] =	vst v63  }
0x4bc: {  	s25 =	simm.s32 $0x2C00  }
0x4bd: {  	[tilespmem:s25], [sflag:$0x1] =	stream.indirect_vreg.gather [hbm4b:s5+s3], $0x80, v3, vm0, $0xb8;
	[tilespmem:$0x10400] =	vst v63  }
0x4be: {  	s25 =	simm.s32 $0x3400  }
0x4bf: {  	[tilespmem:s25], [sflag:$0x1] =	stream.indirect_vreg.gather [hbm4b:s6+s3], $0x80, v3, vm0, $0xb8;
	[tilespmem:$0x10400] =	vst v63  }
0x4c0: {  	s25 =	simm.s32 $0x3C00  }
0x4c1: {  	[tilespmem:s25], [sflag:$0x1] =	stream.indirect_vreg.gather [hbm4b:s7+s3], $0x80, v3, vm0, $0xb8;
	[tilespmem:$0x10400] =	vst v63  }
0x4c2: {  	_ =	swait.ge [sflag:s4], $0x4000  }
0x4c3: {  	s25 =	sld [smem:$0x7E1]  }
0x4c4: {  	[sflag:s4] =	ssyncset.done $0x0  }
0x4c5: {  	[sflag:s4] =	ssyncadd.s32 $0xFFFFC000  }
0x4c6: {  	[hbm4b:s25+s3] =	stream.linear.scatter [tilespmem:s26], [sflag:$0x2], $0x4000, $0x38;
	[tilespmem:$0x10400] =	vst v63  }
0x4c7: {  	_ =	swait.ge [sflag:s19], $0x4000  }
0x4c8: {  	[sflag:s19] =	ssyncset.done $0x0  }
0x4c9: {  	[sflag:s19] =	ssyncadd.s32 $0xFFFFC000  }
0x4ca: {  	v3 =	vld [tilespmem:$0x290];
	_ =	sdelay $0x4  }
0x4cb: {  	v41 =	vshll.u32 v3, $0x3  }
0x4cc: {  	v3 =	vand.u32 $0x7, v3;
	v4 =	vand.u32 $0xFFFFFFC0, v41  }
0x4cd: {  	v3 =	vor.u32 v3, v4  }
0x4ce: {  	v4 =	vperm.xlane v3, v0;
	_ =	sdelay $0x1  }
0x4cf: {  	v4 =	vadd.s32 v1, v4;
	_ =	sdelay $0x4  }
0x4d0: {  	[tilespmem:s18], [sflag:$0x1] =	stream.indirect_vreg.gather [hbm4b:s2+s3], $0x80, v4, vm0, $0xb8;
	[tilespmem:$0x10400] =	vst v63  }
0x4d1: {  	s25 =	simm.s32 $0x4C00;
	v3 =	vperm.xlane v3, v2  }
0x4d2: {  	[tilespmem:s25], [sflag:$0x1] =	stream.indirect_vreg.gather [hbm4b:s5+s3], $0x80, v4, vm0, $0xb8;
	[tilespmem:$0x10400] =	vst v63  }
0x4d3: {  	s15 =	simm.s32 $0x5400;
	v3 =	vadd.s32 v1, v3  }
0x4d4: {  	[tilespmem:s15], [sflag:$0x1] =	stream.indirect_vreg.gather [hbm4b:s6+s3], $0x80, v4, vm0, $0xb8;
	[tilespmem:$0x10400] =	vst v63  }
0x4d5: {  	s17 =	simm.s32 $0x5C00  }
0x4d6: {  	[tilespmem:s17], [sflag:$0x1] =	stream.indirect_vreg.gather [hbm4b:s7+s3], $0x80, v4, vm0, $0xb8;
	[tilespmem:$0x10400] =	vst v63  }
0x4d7: {  	s30 =	simm.s32 $0x6400  }
0x4d8: {  	[tilespmem:s30], [sflag:$0x1] =	stream.indirect_vreg.gather [hbm4b:s2+s3], $0x80, v3, vm0, $0xb8;
	[tilespmem:$0x10400] =	vst v63  }
0x4d9: {  	s29 =	simm.s32 $0x6C00  }
0x4da: {  	[tilespmem:s29], [sflag:$0x1] =	stream.indirect_vreg.gather [hbm4b:s5+s3], $0x80, v3, vm0, $0xb8;
	[tilespmem:$0x10400] =	vst v63  }
0x4db: {  	s25 =	simm.s32 $0x7400  }
0x4dc: {  	[tilespmem:s25], [sflag:$0x1] =	stream.indirect_vreg.gather [hbm4b:s6+s3], $0x80, v3, vm0, $0xb8;
	[tilespmem:$0x10400] =	vst v63  }
0x4dd: {  	s25 =	simm.s32 $0x7C00  }
0x4de: {  	[tilespmem:s25], [sflag:$0x1] =	stream.indirect_vreg.gather [hbm4b:s7+s3], $0x80, v3, vm0, $0xb8;
	[tilespmem:$0x10400] =	vst v63  }
0x4df: {  	_ =	swait.ge [sflag:s4], $0x4000  }
0x4e0: {  	s25 =	sld [smem:$0x7E2]  }
0x4e1: {  	[sflag:s4] =	ssyncset.done $0x0  }
0x4e2: {  	[sflag:s4] =	ssyncadd.s32 $0xFFFFC000  }
0x4e3: {  	[hbm4b:s25+s3] =	stream.linear.scatter [tilespmem:s8], [sflag:$0x2], $0x4000, $0x38;
	[tilespmem:$0x10400] =	vst v63  }
0x4e4: {  	_ =	swait.ge [sflag:s19], $0x4000  }
0x4e5: {  	[sflag:s19] =	ssyncset.done $0x0  }
0x4e6: {  	[sflag:s19] =	ssyncadd.s32 $0xFFFFC000  }
0x4e7: {  	v3 =	vld [tilespmem:$0x2A0];
	_ =	sdelay $0x4  }
0x4e8: {  	v42 =	vshll.u32 v3, $0x3  }
0x4e9: {  	v3 =	vand.u32 $0x7, v3;
	v4 =	vand.u32 $0xFFFFFFC0, v42  }
0x4ea: {  	v3 =	vor.u32 v3, v4  }
0x4eb: {  	v4 =	vperm.xlane v3, v0;
	_ =	sdelay $0x1  }
0x4ec: {  	v4 =	vadd.s32 v1, v4;
	_ =	sdelay $0x4  }
0x4ed: {  	[tilespmem:s26], [sflag:$0x1] =	stream.indirect_vreg.gather [hbm4b:s2+s3], $0x80, v4, vm0, $0xb8;
	[tilespmem:$0x10400] =	vst v63  }
0x4ee: {  	s24 =	simm.s32 $0x8C00;
	v3 =	vperm.xlane v3, v2  }
0x4ef: {  	[tilespmem:s24], [sflag:$0x1] =	stream.indirect_vreg.gather [hbm4b:s5+s3], $0x80, v4, vm0, $0xb8;
	[tilespmem:$0x10400] =	vst v63  }
0x4f0: {  	s21 =	simm.s32 $0x9400;
	v3 =	vadd.s32 v1, v3  }
0x4f1: {  	[tilespmem:s21], [sflag:$0x1] =	stream.indirect_vreg.gather [hbm4b:s6+s3], $0x80, v4, vm0, $0xb8;
	[tilespmem:$0x10400] =	vst v63  }
0x4f2: {  	s23 =	simm.s32 $0x9C00  }
0x4f3: {  	[tilespmem:s23], [sflag:$0x1] =	stream.indirect_vreg.gather [hbm4b:s7+s3], $0x80, v4, vm0, $0xb8;
	[tilespmem:$0x10400] =	vst v63  }
0x4f4: {  	s9 =	simm.s32 $0xA400  }
0x4f5: {  	[tilespmem:s9], [sflag:$0x1] =	stream.indirect_vreg.gather [hbm4b:s2+s3], $0x80, v3, vm0, $0xb8;
	[tilespmem:$0x10400] =	vst v63  }
0x4f6: {  	s28 =	simm.s32 $0xAC00  }
0x4f7: {  	[tilespmem:s28], [sflag:$0x1] =	stream.indirect_vreg.gather [hbm4b:s5+s3], $0x80, v3, vm0, $0xb8;
	[tilespmem:$0x10400] =	vst v63  }
0x4f8: {  	s0 =	simm.s32 $0xB400  }
0x4f9: {  	[tilespmem:s0], [sflag:$0x1] =	stream.indirect_vreg.gather [hbm4b:s6+s3], $0x80, v3, vm0, $0xb8;
	[tilespmem:$0x10400] =	vst v63  }
0x4fa: {  	s1 =	simm.s32 $0xBC00  }
0x4fb: {  	[tilespmem:s1], [sflag:$0x1] =	stream.indirect_vreg.gather [hbm4b:s7+s3], $0x80, v3, vm0, $0xb8;
	[tilespmem:$0x10400] =	vst v63  }
0x4fc: {  	_ =	swait.ge [sflag:s4], $0x4000  }
0x4fd: {  	s28 =	sld [smem:$0x7E3]  }
0x4fe: {  	[sflag:s4] =	ssyncset.done $0x0  }
0x4ff: {  	[sflag:s4] =	ssyncadd.s32 $0xFFFFC000  }
0x500: {  	[hbm4b:s28+s3] =	stream.linear.scatter [tilespmem:s31], [sflag:$0x2], $0x4000, $0x38;
	[tilespmem:$0x10400] =	vst v63  }
0x501: {  	_ =	swait.ge [sflag:s19], $0x4000  }
0x502: {  	[sflag:s19] =	ssyncset.done $0x0  }
0x503: {  	[sflag:s19] =	ssyncadd.s32 $0xFFFFC000  }
0x504: {  	v3 =	vld [tilespmem:$0x2B0];
	_ =	sdelay $0x4  }
0x505: {  	v43 =	vshll.u32 v3, $0x3  }
0x506: {  	v3 =	vand.u32 $0x7, v3;
	v4 =	vand.u32 $0xFFFFFFC0, v43  }
0x507: {  	v3 =	vor.u32 v3, v4  }
0x508: {  	v4 =	vperm.xlane v3, v0;
	_ =	sdelay $0x1  }
0x509: {  	v4 =	vadd.s32 v1, v4;
	_ =	sdelay $0x4  }
0x50a: {  	[tilespmem:s8], [sflag:$0x1] =	stream.indirect_vreg.gather [hbm4b:s2+s3], $0x80, v4, vm0, $0xb8;
	[tilespmem:$0x10400] =	vst v63  }
0x50b: {  	s13 =	simm.s32 $0xCC00;
	v3 =	vperm.xlane v3, v2  }
0x50c: {  	[tilespmem:s13], [sflag:$0x1] =	stream.indirect_vreg.gather [hbm4b:s5+s3], $0x80, v4, vm0, $0xb8;
	[tilespmem:$0x10400] =	vst v63  }
0x50d: {  	s10 =	simm.s32 $0xD400;
	v3 =	vadd.s32 v1, v3  }
0x50e: {  	[tilespmem:s10], [sflag:$0x1] =	stream.indirect_vreg.gather [hbm4b:s6+s3], $0x80, v4, vm0, $0xb8;
	[tilespmem:$0x10400] =	vst v63  }
0x50f: {  	s11 =	simm.s32 $0xDC00  }
0x510: {  	[tilespmem:s11], [sflag:$0x1] =	stream.indirect_vreg.gather [hbm4b:s7+s3], $0x80, v4, vm0, $0xb8;
	[tilespmem:$0x10400] =	vst v63  }
0x511: {  	s22 =	simm.s32 $0xE400  }
0x512: {  	[tilespmem:s22], [sflag:$0x1] =	stream.indirect_vreg.gather [hbm4b:s2+s3], $0x80, v3, vm0, $0xb8;
	[tilespmem:$0x10400] =	vst v63  }
0x513: {  	s16 =	simm.s32 $0xEC00  }
0x514: {  	[tilespmem:s16], [sflag:$0x1] =	stream.indirect_vreg.gather [hbm4b:s5+s3], $0x80, v3, vm0, $0xb8;
	[tilespmem:$0x10400] =	vst v63  }
0x515: {  	s14 =	simm.s32 $0xF400  }
0x516: {  	[tilespmem:s14], [sflag:$0x1] =	stream.indirect_vreg.gather [hbm4b:s6+s3], $0x80, v3, vm0, $0xb8;
	[tilespmem:$0x10400] =	vst v63  }
0x517: {  	s12 =	simm.s32 $0xFC00  }
0x518: {  	[tilespmem:s12], [sflag:$0x1] =	stream.indirect_vreg.gather [hbm4b:s7+s3], $0x80, v3, vm0, $0xb8;
	[tilespmem:$0x10400] =	vst v63  }
0x519: {  	_ =	swait.ge [sflag:s4], $0x4000  }
0x51a: {  	s28 =	sld [smem:$0x7E4]  }
0x51b: {  	[sflag:s4] =	ssyncset.done $0x0  }
0x51c: {  	[sflag:s4] =	ssyncadd.s32 $0xFFFFC000  }
0x51d: {  	[hbm4b:s28+s3] =	stream.linear.scatter [tilespmem:s18], [sflag:$0x2], $0x4000, $0x38;
	[tilespmem:$0x10400] =	vst v63  }
0x51e: {  	_ =	swait.ge [sflag:s19], $0x4000  }
0x51f: {  	[sflag:s19] =	ssyncset.done $0x0  }
0x520: {  	[sflag:s19] =	ssyncadd.s32 $0xFFFFC000  }
0x521: {  	v3 =	vld [tilespmem:$0x2C0];
	_ =	sdelay $0x4  }
0x522: {  	v44 =	vshll.u32 v3, $0x3  }
0x523: {  	v3 =	vand.u32 $0x7, v3;
	v4 =	vand.u32 $0xFFFFFFC0, v44  }
0x524: {  	v3 =	vor.u32 v3, v4  }
0x525: {  	v4 =	vperm.xlane v3, v0;
	_ =	sdelay $0x1  }
0x526: {  	v4 =	vadd.s32 v1, v4;
	_ =	sdelay $0x4  }
0x527: {  	[tilespmem:s31], [sflag:$0x1] =	stream.indirect_vreg.gather [hbm4b:s2+s3], $0x80, v4, vm0, $0xb8;
	[tilespmem:$0x10400] =	vst v63  }
0x528: {  	s28 =	simm.s32 $0xC00;
	v3 =	vperm.xlane v3, v2  }
0x529: {  	[tilespmem:s28], [sflag:$0x1] =	stream.indirect_vreg.gather [hbm4b:s5+s3], $0x80, v4, vm0, $0xb8;
	[tilespmem:$0x10400] =	vst v63  }
0x52a: {  	v3 =	vadd.s32 v1, v3;
	s28 =	simm.s32 $0x1400  }
0x52b: {  	[tilespmem:s28], [sflag:$0x1] =	stream.indirect_vreg.gather [hbm4b:s6+s3], $0x80, v4, vm0, $0xb8;
	[tilespmem:$0x10400] =	vst v63  }
0x52c: {  	s28 =	simm.s32 $0x1C00  }
0x52d: {  	[tilespmem:s28], [sflag:$0x1] =	stream.indirect_vreg.gather [hbm4b:s7+s3], $0x80, v4, vm0, $0xb8;
	[tilespmem:$0x10400] =	vst v63  }
0x52e: {  	s28 =	simm.s32 $0x2400  }
0x52f: {  	[tilespmem:s28], [sflag:$0x1] =	stream.indirect_vreg.gather [hbm4b:s2+s3], $0x80, v3, vm0, $0xb8;
	[tilespmem:$0x10400] =	vst v63  }
0x530: {  	s28 =	simm.s32 $0x2C00  }
0x531: {  	[tilespmem:s28], [sflag:$0x1] =	stream.indirect_vreg.gather [hbm4b:s5+s3], $0x80, v3, vm0, $0xb8;
	[tilespmem:$0x10400] =	vst v63  }
0x532: {  	s28 =	simm.s32 $0x3400  }
0x533: {  	[tilespmem:s28], [sflag:$0x1] =	stream.indirect_vreg.gather [hbm4b:s6+s3], $0x80, v3, vm0, $0xb8;
	[tilespmem:$0x10400] =	vst v63  }
0x534: {  	s28 =	simm.s32 $0x3C00  }
0x535: {  	[tilespmem:s28], [sflag:$0x1] =	stream.indirect_vreg.gather [hbm4b:s7+s3], $0x80, v3, vm0, $0xb8;
	[tilespmem:$0x10400] =	vst v63  }
0x536: {  	_ =	swait.ge [sflag:s4], $0x4000  }
0x537: {  	s28 =	sld [smem:$0x7E5]  }
0x538: {  	[sflag:s4] =	ssyncset.done $0x0  }
0x539: {  	[sflag:s4] =	ssyncadd.s32 $0xFFFFC000  }
0x53a: {  	[hbm4b:s28+s3] =	stream.linear.scatter [tilespmem:s26], [sflag:$0x2], $0x4000, $0x38;
	[tilespmem:$0x10400] =	vst v63  }
0x53b: {  	_ =	swait.ge [sflag:s19], $0x4000  }
0x53c: {  	[sflag:s19] =	ssyncset.done $0x0  }
0x53d: {  	[sflag:s19] =	ssyncadd.s32 $0xFFFFC000  }
0x53e: {  	v3 =	vld [tilespmem:$0x2D0];
	_ =	sdelay $0x4  }
0x53f: {  	v45 =	vshll.u32 v3, $0x3  }
0x540: {  	v3 =	vand.u32 $0x7, v3;
	v4 =	vand.u32 $0xFFFFFFC0, v45  }
0x541: {  	v3 =	vor.u32 v3, v4  }
0x542: {  	v4 =	vperm.xlane v3, v0;
	_ =	sdelay $0x1  }
0x543: {  	v4 =	vadd.s32 v1, v4;
	_ =	sdelay $0x4  }
0x544: {  	[tilespmem:s18], [sflag:$0x1] =	stream.indirect_vreg.gather [hbm4b:s2+s3], $0x80, v4, vm0, $0xb8;
	[tilespmem:$0x10400] =	vst v63  }
0x545: {  	s28 =	simm.s32 $0x4C00;
	v3 =	vperm.xlane v3, v2  }
0x546: {  	[tilespmem:s28], [sflag:$0x1] =	stream.indirect_vreg.gather [hbm4b:s5+s3], $0x80, v4, vm0, $0xb8;
	[tilespmem:$0x10400] =	vst v63  }
0x547: {  	s15 =	simm.s32 $0x5400;
	v3 =	vadd.s32 v1, v3  }
0x548: {  	[tilespmem:s15], [sflag:$0x1] =	stream.indirect_vreg.gather [hbm4b:s6+s3], $0x80, v4, vm0, $0xb8;
	[tilespmem:$0x10400] =	vst v63  }
0x549: {  	s17 =	simm.s32 $0x5C00  }
0x54a: {  	[tilespmem:s17], [sflag:$0x1] =	stream.indirect_vreg.gather [hbm4b:s7+s3], $0x80, v4, vm0, $0xb8;
	[tilespmem:$0x10400] =	vst v63  }
0x54b: {  	s30 =	simm.s32 $0x6400  }
0x54c: {  	[tilespmem:s30], [sflag:$0x1] =	stream.indirect_vreg.gather [hbm4b:s2+s3], $0x80, v3, vm0, $0xb8;
	[tilespmem:$0x10400] =	vst v63  }
0x54d: {  	s29 =	simm.s32 $0x6C00  }
0x54e: {  	[tilespmem:s29], [sflag:$0x1] =	stream.indirect_vreg.gather [hbm4b:s5+s3], $0x80, v3, vm0, $0xb8;
	[tilespmem:$0x10400] =	vst v63  }
0x54f: {  	s30 =	simm.s32 $0x7400  }
0x550: {  	[tilespmem:s30], [sflag:$0x1] =	stream.indirect_vreg.gather [hbm4b:s6+s3], $0x80, v3, vm0, $0xb8;
	[tilespmem:$0x10400] =	vst v63  }
0x551: {  	s30 =	simm.s32 $0x7C00  }
0x552: {  	[tilespmem:s30], [sflag:$0x1] =	stream.indirect_vreg.gather [hbm4b:s7+s3], $0x80, v3, vm0, $0xb8;
	[tilespmem:$0x10400] =	vst v63  }
0x553: {  	_ =	swait.ge [sflag:s4], $0x4000  }
0x554: {  	s30 =	sld [smem:$0x7E6]  }
0x555: {  	[sflag:s4] =	ssyncset.done $0x0  }
0x556: {  	[sflag:s4] =	ssyncadd.s32 $0xFFFFC000  }
0x557: {  	[hbm4b:s30+s3] =	stream.linear.scatter [tilespmem:s8], [sflag:$0x2], $0x4000, $0x38;
	[tilespmem:$0x10400] =	vst v63  }
0x558: {  	_ =	swait.ge [sflag:s19], $0x4000  }
0x559: {  	[sflag:s19] =	ssyncset.done $0x0  }
0x55a: {  	[sflag:s19] =	ssyncadd.s32 $0xFFFFC000  }
0x55b: {  	v3 =	vld [tilespmem:$0x2E0];
	_ =	sdelay $0x4  }
0x55c: {  	v46 =	vshll.u32 v3, $0x3  }
0x55d: {  	v3 =	vand.u32 $0x7, v3;
	v4 =	vand.u32 $0xFFFFFFC0, v46  }
0x55e: {  	v3 =	vor.u32 v3, v4  }
0x55f: {  	v4 =	vperm.xlane v3, v0;
	_ =	sdelay $0x1  }
0x560: {  	v4 =	vadd.s32 v1, v4;
	_ =	sdelay $0x4  }
0x561: {  	[tilespmem:s26], [sflag:$0x1] =	stream.indirect_vreg.gather [hbm4b:s2+s3], $0x80, v4, vm0, $0xb8;
	[tilespmem:$0x10400] =	vst v63  }
0x562: {  	s25 =	simm.s32 $0x8C00;
	v3 =	vperm.xlane v3, v2  }
0x563: {  	[tilespmem:s25], [sflag:$0x1] =	stream.indirect_vreg.gather [hbm4b:s5+s3], $0x80, v4, vm0, $0xb8;
	[tilespmem:$0x10400] =	vst v63  }
0x564: {  	s21 =	simm.s32 $0x9400;
	v3 =	vadd.s32 v1, v3  }
0x565: {  	[tilespmem:s21], [sflag:$0x1] =	stream.indirect_vreg.gather [hbm4b:s6+s3], $0x80, v4, vm0, $0xb8;
	[tilespmem:$0x10400] =	vst v63  }
0x566: {  	s23 =	simm.s32 $0x9C00  }
0x567: {  	[tilespmem:s23], [sflag:$0x1] =	stream.indirect_vreg.gather [hbm4b:s7+s3], $0x80, v4, vm0, $0xb8;
	[tilespmem:$0x10400] =	vst v63  }
0x568: {  	s9 =	simm.s32 $0xA400  }
0x569: {  	[tilespmem:s9], [sflag:$0x1] =	stream.indirect_vreg.gather [hbm4b:s2+s3], $0x80, v3, vm0, $0xb8;
	[tilespmem:$0x10400] =	vst v63  }
0x56a: {  	s24 =	simm.s32 $0xAC00  }
0x56b: {  	[tilespmem:s24], [sflag:$0x1] =	stream.indirect_vreg.gather [hbm4b:s5+s3], $0x80, v3, vm0, $0xb8;
	[tilespmem:$0x10400] =	vst v63  }
0x56c: {  	s0 =	simm.s32 $0xB400  }
0x56d: {  	[tilespmem:s0], [sflag:$0x1] =	stream.indirect_vreg.gather [hbm4b:s6+s3], $0x80, v3, vm0, $0xb8;
	[tilespmem:$0x10400] =	vst v63  }
0x56e: {  	s1 =	simm.s32 $0xBC00  }
0x56f: {  	[tilespmem:s1], [sflag:$0x1] =	stream.indirect_vreg.gather [hbm4b:s7+s3], $0x80, v3, vm0, $0xb8;
	[tilespmem:$0x10400] =	vst v63  }
0x570: {  	_ =	swait.ge [sflag:s4], $0x4000  }
0x571: {  	s9 =	sld [smem:$0x7E7]  }
0x572: {  	[sflag:s4] =	ssyncset.done $0x0  }
0x573: {  	[sflag:s4] =	ssyncadd.s32 $0xFFFFC000  }
0x574: {  	[hbm4b:s9+s3] =	stream.linear.scatter [tilespmem:s31], [sflag:$0x2], $0x4000, $0x38;
	[tilespmem:$0x10400] =	vst v63  }
0x575: {  	_ =	swait.ge [sflag:s19], $0x4000  }
0x576: {  	[sflag:s19] =	ssyncset.done $0x0  }
0x577: {  	[sflag:s19] =	ssyncadd.s32 $0xFFFFC000  }
0x578: {  	v3 =	vld [tilespmem:$0x2F0];
	_ =	sdelay $0x4  }
0x579: {  	v47 =	vshll.u32 v3, $0x3  }
0x57a: {  	v3 =	vand.u32 $0x7, v3;
	v4 =	vand.u32 $0xFFFFFFC0, v47  }
0x57b: {  	v3 =	vor.u32 v3, v4  }
0x57c: {  	v4 =	vperm.xlane v3, v0;
	_ =	sdelay $0x1  }
0x57d: {  	v4 =	vadd.s32 v1, v4;
	_ =	sdelay $0x4  }
0x57e: {  	[tilespmem:s8], [sflag:$0x1] =	stream.indirect_vreg.gather [hbm4b:s2+s3], $0x80, v4, vm0, $0xb8;
	[tilespmem:$0x10400] =	vst v63  }
0x57f: {  	s13 =	simm.s32 $0xCC00;
	v3 =	vperm.xlane v3, v2  }
0x580: {  	[tilespmem:s13], [sflag:$0x1] =	stream.indirect_vreg.gather [hbm4b:s5+s3], $0x80, v4, vm0, $0xb8;
	[tilespmem:$0x10400] =	vst v63  }
0x581: {  	s10 =	simm.s32 $0xD400;
	v3 =	vadd.s32 v1, v3  }
0x582: {  	[tilespmem:s10], [sflag:$0x1] =	stream.indirect_vreg.gather [hbm4b:s6+s3], $0x80, v4, vm0, $0xb8;
	[tilespmem:$0x10400] =	vst v63  }
0x583: {  	s11 =	simm.s32 $0xDC00  }
0x584: {  	[tilespmem:s11], [sflag:$0x1] =	stream.indirect_vreg.gather [hbm4b:s7+s3], $0x80, v4, vm0, $0xb8;
	[tilespmem:$0x10400] =	vst v63  }
0x585: {  	s22 =	simm.s32 $0xE400  }
0x586: {  	[tilespmem:s22], [sflag:$0x1] =	stream.indirect_vreg.gather [hbm4b:s2+s3], $0x80, v3, vm0, $0xb8;
	[tilespmem:$0x10400] =	vst v63  }
0x587: {  	s16 =	simm.s32 $0xEC00  }
0x588: {  	[tilespmem:s16], [sflag:$0x1] =	stream.indirect_vreg.gather [hbm4b:s5+s3], $0x80, v3, vm0, $0xb8;
	[tilespmem:$0x10400] =	vst v63  }
0x589: {  	s14 =	simm.s32 $0xF400  }
0x58a: {  	[tilespmem:s14], [sflag:$0x1] =	stream.indirect_vreg.gather [hbm4b:s6+s3], $0x80, v3, vm0, $0xb8;
	[tilespmem:$0x10400] =	vst v63  }
0x58b: {  	s12 =	simm.s32 $0xFC00  }
0x58c: {  	[tilespmem:s12], [sflag:$0x1] =	stream.indirect_vreg.gather [hbm4b:s7+s3], $0x80, v3, vm0, $0xb8;
	[tilespmem:$0x10400] =	vst v63  }
0x58d: {  	_ =	swait.ge [sflag:s4], $0x4000  }
0x58e: {  	s16 =	sld [smem:$0x7E8]  }
0x58f: {  	[sflag:s4] =	ssyncset.done $0x0  }
0x590: {  	[sflag:s4] =	ssyncadd.s32 $0xFFFFC000  }
0x591: {  	[hbm4b:s16+s3] =	stream.linear.scatter [tilespmem:s18], [sflag:$0x2], $0x4000, $0x38;
	[tilespmem:$0x10400] =	vst v63  }
0x592: {  	_ =	swait.ge [sflag:s19], $0x4000  }
0x593: {  	[sflag:s19] =	ssyncset.done $0x0  }
0x594: {  	[sflag:s19] =	ssyncadd.s32 $0xFFFFC000  }
0x595: {  	v3 =	vld [tilespmem:$0x300];
	_ =	sdelay $0x4  }
0x596: {  	v48 =	vshll.u32 v3, $0x3  }
0x597: {  	v3 =	vand.u32 $0x7, v3;
	v4 =	vand.u32 $0xFFFFFFC0, v48  }
0x598: {  	v3 =	vor.u32 v3, v4  }
0x599: {  	v4 =	vperm.xlane v3, v0;
	_ =	sdelay $0x1  }
0x59a: {  	v4 =	vadd.s32 v1, v4;
	_ =	sdelay $0x4  }
0x59b: {  	[tilespmem:s31], [sflag:$0x1] =	stream.indirect_vreg.gather [hbm4b:s2+s3], $0x80, v4, vm0, $0xb8;
	[tilespmem:$0x10400] =	vst v63  }
0x59c: {  	s20 =	simm.s32 $0xC00;
	v3 =	vperm.xlane v3, v2  }
0x59d: {  	[tilespmem:s20], [sflag:$0x1] =	stream.indirect_vreg.gather [hbm4b:s5+s3], $0x80, v4, vm0, $0xb8;
	[tilespmem:$0x10400] =	vst v63  }
0x59e: {  	s16 =	simm.s32 $0x1400;
	v3 =	vadd.s32 v1, v3  }
0x59f: {  	[tilespmem:s16], [sflag:$0x1] =	stream.indirect_vreg.gather [hbm4b:s6+s3], $0x80, v4, vm0, $0xb8;
	[tilespmem:$0x10400] =	vst v63  }
0x5a0: {  	s20 =	simm.s32 $0x1C00  }
0x5a1: {  	[tilespmem:s20], [sflag:$0x1] =	stream.indirect_vreg.gather [hbm4b:s7+s3], $0x80, v4, vm0, $0xb8;
	[tilespmem:$0x10400] =	vst v63  }
0x5a2: {  	s16 =	simm.s32 $0x2400  }
0x5a3: {  	[tilespmem:s16], [sflag:$0x1] =	stream.indirect_vreg.gather [hbm4b:s2+s3], $0x80, v3, vm0, $0xb8;
	[tilespmem:$0x10400] =	vst v63  }
0x5a4: {  	s20 =	simm.s32 $0x2C00  }
0x5a5: {  	[tilespmem:s20], [sflag:$0x1] =	stream.indirect_vreg.gather [hbm4b:s5+s3], $0x80, v3, vm0, $0xb8;
	[tilespmem:$0x10400] =	vst v63  }
0x5a6: {  	s16 =	simm.s32 $0x3400  }
0x5a7: {  	[tilespmem:s16], [sflag:$0x1] =	stream.indirect_vreg.gather [hbm4b:s6+s3], $0x80, v3, vm0, $0xb8;
	[tilespmem:$0x10400] =	vst v63  }
0x5a8: {  	s20 =	simm.s32 $0x3C00  }
0x5a9: {  	[tilespmem:s20], [sflag:$0x1] =	stream.indirect_vreg.gather [hbm4b:s7+s3], $0x80, v3, vm0, $0xb8;
	[tilespmem:$0x10400] =	vst v63  }
0x5aa: {  	_ =	swait.ge [sflag:s4], $0x4000  }
0x5ab: {  	s14 =	sld [smem:$0x7E9]  }
0x5ac: {  	[sflag:s4] =	ssyncset.done $0x0  }
0x5ad: {  	[sflag:s4] =	ssyncadd.s32 $0xFFFFC000  }
0x5ae: {  	[hbm4b:s14+s3] =	stream.linear.scatter [tilespmem:s26], [sflag:$0x2], $0x4000, $0x38;
	[tilespmem:$0x10400] =	vst v63  }
0x5af: {  	_ =	swait.ge [sflag:s19], $0x4000  }
0x5b0: {  	[sflag:s19] =	ssyncset.done $0x0  }
0x5b1: {  	[sflag:s19] =	ssyncadd.s32 $0xFFFFC000  }
0x5b2: {  	v3 =	vld [tilespmem:$0x310];
	_ =	sdelay $0x4  }
0x5b3: {  	v49 =	vshll.u32 v3, $0x3  }
0x5b4: {  	v3 =	vand.u32 $0x7, v3;
	v4 =	vand.u32 $0xFFFFFFC0, v49  }
0x5b5: {  	v3 =	vor.u32 v3, v4  }
0x5b6: {  	v4 =	vperm.xlane v3, v0;
	_ =	sdelay $0x1  }
0x5b7: {  	v4 =	vadd.s32 v1, v4;
	_ =	sdelay $0x4  }
0x5b8: {  	[tilespmem:s18], [sflag:$0x1] =	stream.indirect_vreg.gather [hbm4b:s2+s3], $0x80, v4, vm0, $0xb8;
	[tilespmem:$0x10400] =	vst v63  }
0x5b9: {  	s16 =	simm.s32 $0x4C00;
	v3 =	vperm.xlane v3, v2  }
0x5ba: {  	[tilespmem:s16], [sflag:$0x1] =	stream.indirect_vreg.gather [hbm4b:s5+s3], $0x80, v4, vm0, $0xb8;
	[tilespmem:$0x10400] =	vst v63  }
0x5bb: {  	s15 =	simm.s32 $0x5400;
	v3 =	vadd.s32 v1, v3  }
0x5bc: {  	[tilespmem:s15], [sflag:$0x1] =	stream.indirect_vreg.gather [hbm4b:s6+s3], $0x80, v4, vm0, $0xb8;
	[tilespmem:$0x10400] =	vst v63  }
0x5bd: {  	s17 =	simm.s32 $0x5C00  }
0x5be: {  	[tilespmem:s17], [sflag:$0x1] =	stream.indirect_vreg.gather [hbm4b:s7+s3], $0x80, v4, vm0, $0xb8;
	[tilespmem:$0x10400] =	vst v63  }
0x5bf: {  	s28 =	simm.s32 $0x6400  }
0x5c0: {  	[tilespmem:s28], [sflag:$0x1] =	stream.indirect_vreg.gather [hbm4b:s2+s3], $0x80, v3, vm0, $0xb8;
	[tilespmem:$0x10400] =	vst v63  }
0x5c1: {  	s29 =	simm.s32 $0x6C00  }
0x5c2: {  	[tilespmem:s29], [sflag:$0x1] =	stream.indirect_vreg.gather [hbm4b:s5+s3], $0x80, v3, vm0, $0xb8;
	[tilespmem:$0x10400] =	vst v63  }
0x5c3: {  	s17 =	simm.s32 $0x7400  }
0x5c4: {  	[tilespmem:s17], [sflag:$0x1] =	stream.indirect_vreg.gather [hbm4b:s6+s3], $0x80, v3, vm0, $0xb8;
	[tilespmem:$0x10400] =	vst v63  }
0x5c5: {  	s20 =	simm.s32 $0x7C00  }
0x5c6: {  	[tilespmem:s20], [sflag:$0x1] =	stream.indirect_vreg.gather [hbm4b:s7+s3], $0x80, v3, vm0, $0xb8;
	[tilespmem:$0x10400] =	vst v63  }
0x5c7: {  	_ =	swait.ge [sflag:s4], $0x4000  }
0x5c8: {  	s28 =	sld [smem:$0x7EA]  }
0x5c9: {  	[sflag:s4] =	ssyncset.done $0x0  }
0x5ca: {  	[sflag:s4] =	ssyncadd.s32 $0xFFFFC000  }
0x5cb: {  	[hbm4b:s28+s3] =	stream.linear.scatter [tilespmem:s8], [sflag:$0x2], $0x4000, $0x38;
	[tilespmem:$0x10400] =	vst v63  }
0x5cc: {  	_ =	swait.ge [sflag:s19], $0x4000  }
0x5cd: {  	[sflag:s19] =	ssyncset.done $0x0  }
0x5ce: {  	[sflag:s19] =	ssyncadd.s32 $0xFFFFC000  }
0x5cf: {  	v3 =	vld [tilespmem:$0x320];
	_ =	sdelay $0x4  }
0x5d0: {  	v50 =	vshll.u32 v3, $0x3  }
0x5d1: {  	v3 =	vand.u32 $0x7, v3;
	v4 =	vand.u32 $0xFFFFFFC0, v50  }
0x5d2: {  	v3 =	vor.u32 v3, v4  }
0x5d3: {  	v4 =	vperm.xlane v3, v0;
	_ =	sdelay $0x1  }
0x5d4: {  	v4 =	vadd.s32 v1, v4;
	_ =	sdelay $0x4  }
0x5d5: {  	[tilespmem:s26], [sflag:$0x1] =	stream.indirect_vreg.gather [hbm4b:s2+s3], $0x80, v4, vm0, $0xb8;
	[tilespmem:$0x10400] =	vst v63  }
0x5d6: {  	s30 =	simm.s32 $0x8C00;
	v3 =	vperm.xlane v3, v2  }
0x5d7: {  	[tilespmem:s30], [sflag:$0x1] =	stream.indirect_vreg.gather [hbm4b:s5+s3], $0x80, v4, vm0, $0xb8;
	[tilespmem:$0x10400] =	vst v63  }
0x5d8: {  	s21 =	simm.s32 $0x9400;
	v3 =	vadd.s32 v1, v3  }
0x5d9: {  	[tilespmem:s21], [sflag:$0x1] =	stream.indirect_vreg.gather [hbm4b:s6+s3], $0x80, v4, vm0, $0xb8;
	[tilespmem:$0x10400] =	vst v63  }
0x5da: {  	s25 =	simm.s32 $0x9C00  }
0x5db: {  	[tilespmem:s25], [sflag:$0x1] =	stream.indirect_vreg.gather [hbm4b:s7+s3], $0x80, v4, vm0, $0xb8;
	[tilespmem:$0x10400] =	vst v63  }
0x5dc: {  	s30 =	simm.s32 $0xA400  }
0x5dd: {  	[tilespmem:s30], [sflag:$0x1] =	stream.indirect_vreg.gather [hbm4b:s2+s3], $0x80, v3, vm0, $0xb8;
	[tilespmem:$0x10400] =	vst v63  }
0x5de: {  	s24 =	simm.s32 $0xAC00  }
0x5df: {  	[tilespmem:s24], [sflag:$0x1] =	stream.indirect_vreg.gather [hbm4b:s5+s3], $0x80, v3, vm0, $0xb8;
	[tilespmem:$0x10400] =	vst v63  }
0x5e0: {  	s23 =	simm.s32 $0xB400  }
0x5e1: {  	[tilespmem:s23], [sflag:$0x1] =	stream.indirect_vreg.gather [hbm4b:s6+s3], $0x80, v3, vm0, $0xb8;
	[tilespmem:$0x10400] =	vst v63  }
0x5e2: {  	s1 =	simm.s32 $0xBC00  }
0x5e3: {  	[tilespmem:s1], [sflag:$0x1] =	stream.indirect_vreg.gather [hbm4b:s7+s3], $0x80, v3, vm0, $0xb8;
	[tilespmem:$0x10400] =	vst v63  }
0x5e4: {  	_ =	swait.ge [sflag:s4], $0x4000  }
0x5e5: {  	s1 =	sld [smem:$0x7EB]  }
0x5e6: {  	[sflag:s4] =	ssyncset.done $0x0  }
0x5e7: {  	[sflag:s4] =	ssyncadd.s32 $0xFFFFC000  }
0x5e8: {  	[hbm4b:s1+s3] =	stream.linear.scatter [tilespmem:s31], [sflag:$0x2], $0x4000, $0x38;
	[tilespmem:$0x10400] =	vst v63  }
0x5e9: {  	_ =	swait.ge [sflag:s19], $0x4000  }
0x5ea: {  	[sflag:s19] =	ssyncset.done $0x0  }
0x5eb: {  	[sflag:s19] =	ssyncadd.s32 $0xFFFFC000  }
0x5ec: {  	v3 =	vld [tilespmem:$0x330];
	_ =	sdelay $0x4  }
0x5ed: {  	v51 =	vshll.u32 v3, $0x3  }
0x5ee: {  	v3 =	vand.u32 $0x7, v3;
	v4 =	vand.u32 $0xFFFFFFC0, v51  }
0x5ef: {  	v3 =	vor.u32 v3, v4  }
0x5f0: {  	v4 =	vperm.xlane v3, v0;
	_ =	sdelay $0x1  }
0x5f1: {  	v4 =	vadd.s32 v1, v4;
	_ =	sdelay $0x4  }
0x5f2: {  	[tilespmem:s8], [sflag:$0x1] =	stream.indirect_vreg.gather [hbm4b:s2+s3], $0x80, v4, vm0, $0xb8;
	[tilespmem:$0x10400] =	vst v63  }
0x5f3: {  	s0 =	simm.s32 $0xCC00;
	v3 =	vperm.xlane v3, v2  }
0x5f4: {  	[tilespmem:s0], [sflag:$0x1] =	stream.indirect_vreg.gather [hbm4b:s5+s3], $0x80, v4, vm0, $0xb8;
	[tilespmem:$0x10400] =	vst v63  }
0x5f5: {  	s9 =	simm.s32 $0xD400;
	v3 =	vadd.s32 v1, v3  }
0x5f6: {  	[tilespmem:s9], [sflag:$0x1] =	stream.indirect_vreg.gather [hbm4b:s6+s3], $0x80, v4, vm0, $0xb8;
	[tilespmem:$0x10400] =	vst v63  }
0x5f7: {  	s10 =	simm.s32 $0xDC00  }
0x5f8: {  	[tilespmem:s10], [sflag:$0x1] =	stream.indirect_vreg.gather [hbm4b:s7+s3], $0x80, v4, vm0, $0xb8;
	[tilespmem:$0x10400] =	vst v63  }
0x5f9: {  	s22 =	simm.s32 $0xE400  }
0x5fa: {  	[tilespmem:s22], [sflag:$0x1] =	stream.indirect_vreg.gather [hbm4b:s2+s3], $0x80, v3, vm0, $0xb8;
	[tilespmem:$0x10400] =	vst v63  }
0x5fb: {  	s11 =	simm.s32 $0xEC00  }
0x5fc: {  	[tilespmem:s11], [sflag:$0x1] =	stream.indirect_vreg.gather [hbm4b:s5+s3], $0x80, v3, vm0, $0xb8;
	[tilespmem:$0x10400] =	vst v63  }
0x5fd: {  	s13 =	simm.s32 $0xF400  }
0x5fe: {  	[tilespmem:s13], [sflag:$0x1] =	stream.indirect_vreg.gather [hbm4b:s6+s3], $0x80, v3, vm0, $0xb8;
	[tilespmem:$0x10400] =	vst v63  }
0x5ff: {  	s12 =	simm.s32 $0xFC00  }
0x600: {  	[tilespmem:s12], [sflag:$0x1] =	stream.indirect_vreg.gather [hbm4b:s7+s3], $0x80, v3, vm0, $0xb8;
	[tilespmem:$0x10400] =	vst v63  }
0x601: {  	_ =	swait.ge [sflag:s4], $0x4000  }
0x602: {  	s13 =	sld [smem:$0x7EC]  }
0x603: {  	[sflag:s4] =	ssyncset.done $0x0  }
0x604: {  	[sflag:s4] =	ssyncadd.s32 $0xFFFFC000  }
0x605: {  	[hbm4b:s13+s3] =	stream.linear.scatter [tilespmem:s18], [sflag:$0x2], $0x4000, $0x38;
	[tilespmem:$0x10400] =	vst v63  }
0x606: {  	_ =	swait.ge [sflag:s19], $0x4000  }
0x607: {  	[sflag:s19] =	ssyncset.done $0x0  }
0x608: {  	[sflag:s19] =	ssyncadd.s32 $0xFFFFC000  }
0x609: {  	v3 =	vld [tilespmem:$0x340];
	_ =	sdelay $0x4  }
0x60a: {  	v52 =	vshll.u32 v3, $0x3  }
0x60b: {  	v3 =	vand.u32 $0x7, v3;
	v4 =	vand.u32 $0xFFFFFFC0, v52  }
0x60c: {  	v3 =	vor.u32 v3, v4  }
0x60d: {  	v4 =	vperm.xlane v3, v0;
	_ =	sdelay $0x1  }
0x60e: {  	v4 =	vadd.s32 v1, v4;
	_ =	sdelay $0x4  }
0x60f: {  	[tilespmem:s31], [sflag:$0x1] =	stream.indirect_vreg.gather [hbm4b:s2+s3], $0x80, v4, vm0, $0xb8;
	[tilespmem:$0x10400] =	vst v63  }
0x610: {  	s24 =	simm.s32 $0xC00;
	v3 =	vperm.xlane v3, v2  }
0x611: {  	[tilespmem:s24], [sflag:$0x1] =	stream.indirect_vreg.gather [hbm4b:s5+s3], $0x80, v4, vm0, $0xb8;
	[tilespmem:$0x10400] =	vst v63  }
0x612: {  	s20 =	simm.s32 $0x1400;
	v3 =	vadd.s32 v1, v3  }
0x613: {  	[tilespmem:s20], [sflag:$0x1] =	stream.indirect_vreg.gather [hbm4b:s6+s3], $0x80, v4, vm0, $0xb8;
	[tilespmem:$0x10400] =	vst v63  }
0x614: {  	s24 =	simm.s32 $0x1C00  }
0x615: {  	[tilespmem:s24], [sflag:$0x1] =	stream.indirect_vreg.gather [hbm4b:s7+s3], $0x80, v4, vm0, $0xb8;
	[tilespmem:$0x10400] =	vst v63  }
0x616: {  	s20 =	simm.s32 $0x2400  }
0x617: {  	[tilespmem:s20], [sflag:$0x1] =	stream.indirect_vreg.gather [hbm4b:s2+s3], $0x80, v3, vm0, $0xb8;
	[tilespmem:$0x10400] =	vst v63  }
0x618: {  	s24 =	simm.s32 $0x2C00  }
0x619: {  	[tilespmem:s24], [sflag:$0x1] =	stream.indirect_vreg.gather [hbm4b:s5+s3], $0x80, v3, vm0, $0xb8;
	[tilespmem:$0x10400] =	vst v63  }
0x61a: {  	s20 =	simm.s32 $0x3400  }
0x61b: {  	[tilespmem:s20], [sflag:$0x1] =	stream.indirect_vreg.gather [hbm4b:s6+s3], $0x80, v3, vm0, $0xb8;
	[tilespmem:$0x10400] =	vst v63  }
0x61c: {  	s24 =	simm.s32 $0x3C00  }
0x61d: {  	[tilespmem:s24], [sflag:$0x1] =	stream.indirect_vreg.gather [hbm4b:s7+s3], $0x80, v3, vm0, $0xb8;
	[tilespmem:$0x10400] =	vst v63  }
0x61e: {  	_ =	swait.ge [sflag:s4], $0x4000  }
0x61f: {  	s13 =	sld [smem:$0x7ED]  }
0x620: {  	[sflag:s4] =	ssyncset.done $0x0  }
0x621: {  	[sflag:s4] =	ssyncadd.s32 $0xFFFFC000  }
0x622: {  	[hbm4b:s13+s3] =	stream.linear.scatter [tilespmem:s26], [sflag:$0x2], $0x4000, $0x38;
	[tilespmem:$0x10400] =	vst v63  }
0x623: {  	_ =	swait.ge [sflag:s19], $0x4000  }
0x624: {  	[sflag:s19] =	ssyncset.done $0x0  }
0x625: {  	[sflag:s19] =	ssyncadd.s32 $0xFFFFC000  }
0x626: {  	v3 =	vld [tilespmem:$0x350];
	_ =	sdelay $0x4  }
0x627: {  	v53 =	vshll.u32 v3, $0x3  }
0x628: {  	v3 =	vand.u32 $0x7, v3;
	v4 =	vand.u32 $0xFFFFFFC0, v53  }
0x629: {  	v3 =	vor.u32 v3, v4  }
0x62a: {  	v4 =	vperm.xlane v3, v0;
	_ =	sdelay $0x1  }
0x62b: {  	v4 =	vadd.s32 v1, v4;
	_ =	sdelay $0x4  }
0x62c: {  	[tilespmem:s18], [sflag:$0x1] =	stream.indirect_vreg.gather [hbm4b:s2+s3], $0x80, v4, vm0, $0xb8;
	[tilespmem:$0x10400] =	vst v63  }
0x62d: {  	s24 =	simm.s32 $0x4C00;
	v3 =	vperm.xlane v3, v2  }
0x62e: {  	[tilespmem:s24], [sflag:$0x1] =	stream.indirect_vreg.gather [hbm4b:s5+s3], $0x80, v4, vm0, $0xb8;
	[tilespmem:$0x10400] =	vst v63  }
0x62f: {  	s14 =	simm.s32 $0x5400;
	v3 =	vadd.s32 v1, v3  }
0x630: {  	[tilespmem:s14], [sflag:$0x1] =	stream.indirect_vreg.gather [hbm4b:s6+s3], $0x80, v4, vm0, $0xb8;
	[tilespmem:$0x10400] =	vst v63  }
0x631: {  	s16 =	simm.s32 $0x5C00  }
0x632: {  	[tilespmem:s16], [sflag:$0x1] =	stream.indirect_vreg.gather [hbm4b:s7+s3], $0x80, v4, vm0, $0xb8;
	[tilespmem:$0x10400] =	vst v63  }
0x633: {  	s14 =	simm.s32 $0x6400  }
0x634: {  	[tilespmem:s14], [sflag:$0x1] =	stream.indirect_vreg.gather [hbm4b:s2+s3], $0x80, v3, vm0, $0xb8;
	[tilespmem:$0x10400] =	vst v63  }
0x635: {  	s29 =	simm.s32 $0x6C00  }
0x636: {  	[tilespmem:s29], [sflag:$0x1] =	stream.indirect_vreg.gather [hbm4b:s5+s3], $0x80, v3, vm0, $0xb8;
	[tilespmem:$0x10400] =	vst v63  }
0x637: {  	s20 =	simm.s32 $0x7400  }
0x638: {  	[tilespmem:s20], [sflag:$0x1] =	stream.indirect_vreg.gather [hbm4b:s6+s3], $0x80, v3, vm0, $0xb8;
	[tilespmem:$0x10400] =	vst v63  }
0x639: {  	s29 =	simm.s32 $0x7C00  }
0x63a: {  	[tilespmem:s29], [sflag:$0x1] =	stream.indirect_vreg.gather [hbm4b:s7+s3], $0x80, v3, vm0, $0xb8;
	[tilespmem:$0x10400] =	vst v63  }
0x63b: {  	_ =	swait.ge [sflag:s4], $0x4000  }
0x63c: {  	s14 =	sld [smem:$0x7EE]  }
0x63d: {  	[sflag:s4] =	ssyncset.done $0x0  }
0x63e: {  	[sflag:s4] =	ssyncadd.s32 $0xFFFFC000  }
0x63f: {  	[hbm4b:s14+s3] =	stream.linear.scatter [tilespmem:s8], [sflag:$0x2], $0x4000, $0x38;
	[tilespmem:$0x10400] =	vst v63  }
0x640: {  	_ =	swait.ge [sflag:s19], $0x4000  }
0x641: {  	[sflag:s19] =	ssyncset.done $0x0  }
0x642: {  	[sflag:s19] =	ssyncadd.s32 $0xFFFFC000  }
0x643: {  	v3 =	vld [tilespmem:$0x360];
	_ =	sdelay $0x4  }
0x644: {  	v54 =	vshll.u32 v3, $0x3  }
0x645: {  	v3 =	vand.u32 $0x7, v3;
	v4 =	vand.u32 $0xFFFFFFC0, v54  }
0x646: {  	v3 =	vor.u32 v3, v4  }
0x647: {  	v4 =	vperm.xlane v3, v0;
	_ =	sdelay $0x1  }
0x648: {  	v4 =	vadd.s32 v1, v4;
	_ =	sdelay $0x4  }
0x649: {  	[tilespmem:s26], [sflag:$0x1] =	stream.indirect_vreg.gather [hbm4b:s2+s3], $0x80, v4, vm0, $0xb8;
	[tilespmem:$0x10400] =	vst v63  }
0x64a: {  	s15 =	simm.s32 $0x8C00;
	v3 =	vperm.xlane v3, v2  }
0x64b: {  	[tilespmem:s15], [sflag:$0x1] =	stream.indirect_vreg.gather [hbm4b:s5+s3], $0x80, v4, vm0, $0xb8;
	[tilespmem:$0x10400] =	vst v63  }
0x64c: {  	s17 =	simm.s32 $0x9400;
	v3 =	vadd.s32 v1, v3  }
0x64d: {  	[tilespmem:s17], [sflag:$0x1] =	stream.indirect_vreg.gather [hbm4b:s6+s3], $0x80, v4, vm0, $0xb8;
	[tilespmem:$0x10400] =	vst v63  }
0x64e: {  	s28 =	simm.s32 $0x9C00  }
0x64f: {  	[tilespmem:s28], [sflag:$0x1] =	stream.indirect_vreg.gather [hbm4b:s7+s3], $0x80, v4, vm0, $0xb8;
	[tilespmem:$0x10400] =	vst v63  }
0x650: {  	s30 =	simm.s32 $0xA400  }
0x651: {  	[tilespmem:s30], [sflag:$0x1] =	stream.indirect_vreg.gather [hbm4b:s2+s3], $0x80, v3, vm0, $0xb8;
	[tilespmem:$0x10400] =	vst v63  }
0x652: {  	s21 =	simm.s32 $0xAC00  }
0x653: {  	[tilespmem:s21], [sflag:$0x1] =	stream.indirect_vreg.gather [hbm4b:s5+s3], $0x80, v3, vm0, $0xb8;
	[tilespmem:$0x10400] =	vst v63  }
0x654: {  	s25 =	simm.s32 $0xB400  }
0x655: {  	[tilespmem:s25], [sflag:$0x1] =	stream.indirect_vreg.gather [hbm4b:s6+s3], $0x80, v3, vm0, $0xb8;
	[tilespmem:$0x10400] =	vst v63  }
0x656: {  	s23 =	simm.s32 $0xBC00  }
0x657: {  	[tilespmem:s23], [sflag:$0x1] =	stream.indirect_vreg.gather [hbm4b:s7+s3], $0x80, v3, vm0, $0xb8;
	[tilespmem:$0x10400] =	vst v63  }
0x658: {  	_ =	swait.ge [sflag:s4], $0x4000  }
0x659: {  	s25 =	sld [smem:$0x7EF]  }
0x65a: {  	[sflag:s4] =	ssyncset.done $0x0  }
0x65b: {  	[sflag:s4] =	ssyncadd.s32 $0xFFFFC000  }
0x65c: {  	[hbm4b:s25+s3] =	stream.linear.scatter [tilespmem:s31], [sflag:$0x2], $0x4000, $0x38;
	[tilespmem:$0x10400] =	vst v63  }
0x65d: {  	_ =	swait.ge [sflag:s19], $0x4000  }
0x65e: {  	[sflag:s19] =	ssyncset.done $0x0  }
0x65f: {  	[sflag:s19] =	ssyncadd.s32 $0xFFFFC000  }
0x660: {  	v3 =	vld [tilespmem:$0x370];
	_ =	sdelay $0x4  }
0x661: {  	v55 =	vshll.u32 v3, $0x3  }
0x662: {  	v3 =	vand.u32 $0x7, v3;
	v4 =	vand.u32 $0xFFFFFFC0, v55  }
0x663: {  	v3 =	vor.u32 v3, v4  }
0x664: {  	v4 =	vperm.xlane v3, v0;
	_ =	sdelay $0x1  }
0x665: {  	v4 =	vadd.s32 v1, v4;
	_ =	sdelay $0x4  }
0x666: {  	[tilespmem:s8], [sflag:$0x1] =	stream.indirect_vreg.gather [hbm4b:s2+s3], $0x80, v4, vm0, $0xb8;
	[tilespmem:$0x10400] =	vst v63  }
0x667: {  	s0 =	simm.s32 $0xCC00;
	v3 =	vperm.xlane v3, v2  }
0x668: {  	[tilespmem:s0], [sflag:$0x1] =	stream.indirect_vreg.gather [hbm4b:s5+s3], $0x80, v4, vm0, $0xb8;
	[tilespmem:$0x10400] =	vst v63  }
0x669: {  	s1 =	simm.s32 $0xD400;
	v3 =	vadd.s32 v1, v3  }
0x66a: {  	[tilespmem:s1], [sflag:$0x1] =	stream.indirect_vreg.gather [hbm4b:s6+s3], $0x80, v4, vm0, $0xb8;
	[tilespmem:$0x10400] =	vst v63  }
0x66b: {  	s9 =	simm.s32 $0xDC00  }
0x66c: {  	[tilespmem:s9], [sflag:$0x1] =	stream.indirect_vreg.gather [hbm4b:s7+s3], $0x80, v4, vm0, $0xb8;
	[tilespmem:$0x10400] =	vst v63  }
0x66d: {  	s10 =	simm.s32 $0xE400  }
0x66e: {  	[tilespmem:s10], [sflag:$0x1] =	stream.indirect_vreg.gather [hbm4b:s2+s3], $0x80, v3, vm0, $0xb8;
	[tilespmem:$0x10400] =	vst v63  }
0x66f: {  	s22 =	simm.s32 $0xEC00  }
0x670: {  	[tilespmem:s22], [sflag:$0x1] =	stream.indirect_vreg.gather [hbm4b:s5+s3], $0x80, v3, vm0, $0xb8;
	[tilespmem:$0x10400] =	vst v63  }
0x671: {  	s11 =	simm.s32 $0xF400  }
0x672: {  	[tilespmem:s11], [sflag:$0x1] =	stream.indirect_vreg.gather [hbm4b:s6+s3], $0x80, v3, vm0, $0xb8;
	[tilespmem:$0x10400] =	vst v63  }
0x673: {  	s12 =	simm.s32 $0xFC00  }
0x674: {  	[tilespmem:s12], [sflag:$0x1] =	stream.indirect_vreg.gather [hbm4b:s7+s3], $0x80, v3, vm0, $0xb8;
	[tilespmem:$0x10400] =	vst v63  }
0x675: {  	_ =	swait.ge [sflag:s4], $0x4000  }
0x676: {  	s12 =	sld [smem:$0x7F0]  }
0x677: {  	[sflag:s4] =	ssyncset.done $0x0  }
0x678: {  	[sflag:s4] =	ssyncadd.s32 $0xFFFFC000  }
0x679: {  	[hbm4b:s12+s3] =	stream.linear.scatter [tilespmem:s18], [sflag:$0x2], $0x4000, $0x38;
	[tilespmem:$0x10400] =	vst v63  }
0x67a: {  	_ =	swait.ge [sflag:s19], $0x4000  }
0x67b: {  	[sflag:s19] =	ssyncset.done $0x0  }
0x67c: {  	[sflag:s19] =	ssyncadd.s32 $0xFFFFC000  }
0x67d: {  	v3 =	vld [tilespmem:$0x380];
	_ =	sdelay $0x4  }
0x67e: {  	v56 =	vshll.u32 v3, $0x3  }
0x67f: {  	v3 =	vand.u32 $0x7, v3;
	v4 =	vand.u32 $0xFFFFFFC0, v56  }
0x680: {  	v3 =	vor.u32 v3, v4  }
0x681: {  	v4 =	vperm.xlane v3, v0;
	_ =	sdelay $0x1  }
0x682: {  	v4 =	vadd.s32 v1, v4;
	_ =	sdelay $0x4  }
0x683: {  	[tilespmem:s31], [sflag:$0x1] =	stream.indirect_vreg.gather [hbm4b:s2+s3], $0x80, v4, vm0, $0xb8;
	[tilespmem:$0x10400] =	vst v63  }
0x684: {  	s22 =	simm.s32 $0xC00;
	v3 =	vperm.xlane v3, v2  }
0x685: {  	[tilespmem:s22], [sflag:$0x1] =	stream.indirect_vreg.gather [hbm4b:s5+s3], $0x80, v4, vm0, $0xb8;
	[tilespmem:$0x10400] =	vst v63  }
0x686: {  	s12 =	simm.s32 $0x1400;
	v3 =	vadd.s32 v1, v3  }
0x687: {  	[tilespmem:s12], [sflag:$0x1] =	stream.indirect_vreg.gather [hbm4b:s6+s3], $0x80, v4, vm0, $0xb8;
	[tilespmem:$0x10400] =	vst v63  }
0x688: {  	s20 =	simm.s32 $0x1C00  }
0x689: {  	[tilespmem:s20], [sflag:$0x1] =	stream.indirect_vreg.gather [hbm4b:s7+s3], $0x80, v4, vm0, $0xb8;
	[tilespmem:$0x10400] =	vst v63  }
0x68a: {  	s22 =	simm.s32 $0x2400  }
0x68b: {  	[tilespmem:s22], [sflag:$0x1] =	stream.indirect_vreg.gather [hbm4b:s2+s3], $0x80, v3, vm0, $0xb8;
	[tilespmem:$0x10400] =	vst v63  }
0x68c: {  	s12 =	simm.s32 $0x2C00  }
0x68d: {  	[tilespmem:s12], [sflag:$0x1] =	stream.indirect_vreg.gather [hbm4b:s5+s3], $0x80, v3, vm0, $0xb8;
	[tilespmem:$0x10400] =	vst v63  }
0x68e: {  	s20 =	simm.s32 $0x3400  }
0x68f: {  	[tilespmem:s20], [sflag:$0x1] =	stream.indirect_vreg.gather [hbm4b:s6+s3], $0x80, v3, vm0, $0xb8;
	[tilespmem:$0x10400] =	vst v63  }
0x690: {  	s22 =	simm.s32 $0x3C00  }
0x691: {  	[tilespmem:s22], [sflag:$0x1] =	stream.indirect_vreg.gather [hbm4b:s7+s3], $0x80, v3, vm0, $0xb8;
	[tilespmem:$0x10400] =	vst v63  }
0x692: {  	_ =	swait.ge [sflag:s4], $0x4000  }
0x693: {  	s12 =	sld [smem:$0x7F1]  }
0x694: {  	[sflag:s4] =	ssyncset.done $0x0  }
0x695: {  	[sflag:s4] =	ssyncadd.s32 $0xFFFFC000  }
0x696: {  	[hbm4b:s12+s3] =	stream.linear.scatter [tilespmem:s26], [sflag:$0x2], $0x4000, $0x38;
	[tilespmem:$0x10400] =	vst v63  }
0x697: {  	_ =	swait.ge [sflag:s19], $0x4000  }
0x698: {  	[sflag:s19] =	ssyncset.done $0x0  }
0x699: {  	[sflag:s19] =	ssyncadd.s32 $0xFFFFC000  }
0x69a: {  	v3 =	vld [tilespmem:$0x390];
	_ =	sdelay $0x4  }
0x69b: {  	v57 =	vshll.u32 v3, $0x3  }
0x69c: {  	v3 =	vand.u32 $0x7, v3;
	v4 =	vand.u32 $0xFFFFFFC0, v57  }
0x69d: {  	v3 =	vor.u32 v3, v4  }
0x69e: {  	v4 =	vperm.xlane v3, v0;
	_ =	sdelay $0x1  }
0x69f: {  	v4 =	vadd.s32 v1, v4;
	_ =	sdelay $0x4  }
0x6a0: {  	[tilespmem:s18], [sflag:$0x1] =	stream.indirect_vreg.gather [hbm4b:s2+s3], $0x80, v4, vm0, $0xb8;
	[tilespmem:$0x10400] =	vst v63  }
0x6a1: {  	s22 =	simm.s32 $0x4C00;
	v3 =	vperm.xlane v3, v2  }
0x6a2: {  	[tilespmem:s22], [sflag:$0x1] =	stream.indirect_vreg.gather [hbm4b:s5+s3], $0x80, v4, vm0, $0xb8;
	[tilespmem:$0x10400] =	vst v63  }
0x6a3: {  	s12 =	simm.s32 $0x5400;
	v3 =	vadd.s32 v1, v3  }
0x6a4: {  	[tilespmem:s12], [sflag:$0x1] =	stream.indirect_vreg.gather [hbm4b:s6+s3], $0x80, v4, vm0, $0xb8;
	[tilespmem:$0x10400] =	vst v63  }
0x6a5: {  	s16 =	simm.s32 $0x5C00  }
0x6a6: {  	[tilespmem:s16], [sflag:$0x1] =	stream.indirect_vreg.gather [hbm4b:s7+s3], $0x80, v4, vm0, $0xb8;
	[tilespmem:$0x10400] =	vst v63  }
0x6a7: {  	s13 =	simm.s32 $0x6400  }
0x6a8: {  	[tilespmem:s13], [sflag:$0x1] =	stream.indirect_vreg.gather [hbm4b:s2+s3], $0x80, v3, vm0, $0xb8;
	[tilespmem:$0x10400] =	vst v63  }
0x6a9: {  	s24 =	simm.s32 $0x6C00  }
0x6aa: {  	[tilespmem:s24], [sflag:$0x1] =	stream.indirect_vreg.gather [hbm4b:s5+s3], $0x80, v3, vm0, $0xb8;
	[tilespmem:$0x10400] =	vst v63  }
0x6ab: {  	s20 =	simm.s32 $0x7400  }
0x6ac: {  	[tilespmem:s20], [sflag:$0x1] =	stream.indirect_vreg.gather [hbm4b:s6+s3], $0x80, v3, vm0, $0xb8;
	[tilespmem:$0x10400] =	vst v63  }
0x6ad: {  	s24 =	simm.s32 $0x7C00  }
0x6ae: {  	[tilespmem:s24], [sflag:$0x1] =	stream.indirect_vreg.gather [hbm4b:s7+s3], $0x80, v3, vm0, $0xb8;
	[tilespmem:$0x10400] =	vst v63  }
0x6af: {  	_ =	swait.ge [sflag:s4], $0x4000  }
0x6b0: {  	s13 =	sld [smem:$0x7F2]  }
0x6b1: {  	[sflag:s4] =	ssyncset.done $0x0  }
0x6b2: {  	[sflag:s4] =	ssyncadd.s32 $0xFFFFC000  }
0x6b3: {  	[hbm4b:s13+s3] =	stream.linear.scatter [tilespmem:s8], [sflag:$0x2], $0x4000, $0x38;
	[tilespmem:$0x10400] =	vst v63  }
0x6b4: {  	_ =	swait.ge [sflag:s19], $0x4000  }
0x6b5: {  	[sflag:s19] =	ssyncset.done $0x0  }
0x6b6: {  	[sflag:s19] =	ssyncadd.s32 $0xFFFFC000  }
0x6b7: {  	v3 =	vld [tilespmem:$0x3A0];
	_ =	sdelay $0x4  }
0x6b8: {  	v58 =	vshll.u32 v3, $0x3  }
0x6b9: {  	v3 =	vand.u32 $0x7, v3;
	v4 =	vand.u32 $0xFFFFFFC0, v58  }
0x6ba: {  	v3 =	vor.u32 v3, v4  }
0x6bb: {  	v4 =	vperm.xlane v3, v0;
	_ =	sdelay $0x1  }
0x6bc: {  	v4 =	vadd.s32 v1, v4;
	_ =	sdelay $0x4  }
0x6bd: {  	[tilespmem:s26], [sflag:$0x1] =	stream.indirect_vreg.gather [hbm4b:s2+s3], $0x80, v4, vm0, $0xb8;
	[tilespmem:$0x10400] =	vst v63  }
0x6be: {  	s14 =	simm.s32 $0x8C00;
	v3 =	vperm.xlane v3, v2  }
0x6bf: {  	[tilespmem:s14], [sflag:$0x1] =	stream.indirect_vreg.gather [hbm4b:s5+s3], $0x80, v4, vm0, $0xb8;
	[tilespmem:$0x10400] =	vst v63  }
0x6c0: {  	s17 =	simm.s32 $0x9400;
	v3 =	vadd.s32 v1, v3  }
0x6c1: {  	[tilespmem:s17], [sflag:$0x1] =	stream.indirect_vreg.gather [hbm4b:s6+s3], $0x80, v4, vm0, $0xb8;
	[tilespmem:$0x10400] =	vst v63  }
0x6c2: {  	s29 =	simm.s32 $0x9C00  }
0x6c3: {  	[tilespmem:s29], [sflag:$0x1] =	stream.indirect_vreg.gather [hbm4b:s7+s3], $0x80, v4, vm0, $0xb8;
	[tilespmem:$0x10400] =	vst v63  }
0x6c4: {  	s30 =	simm.s32 $0xA400  }
0x6c5: {  	[tilespmem:s30], [sflag:$0x1] =	stream.indirect_vreg.gather [hbm4b:s2+s3], $0x80, v3, vm0, $0xb8;
	[tilespmem:$0x10400] =	vst v63  }
0x6c6: {  	s21 =	simm.s32 $0xAC00  }
0x6c7: {  	[tilespmem:s21], [sflag:$0x1] =	stream.indirect_vreg.gather [hbm4b:s5+s3], $0x80, v3, vm0, $0xb8;
	[tilespmem:$0x10400] =	vst v63  }
0x6c8: {  	s28 =	simm.s32 $0xB400  }
0x6c9: {  	[tilespmem:s28], [sflag:$0x1] =	stream.indirect_vreg.gather [hbm4b:s6+s3], $0x80, v3, vm0, $0xb8;
	[tilespmem:$0x10400] =	vst v63  }
0x6ca: {  	s23 =	simm.s32 $0xBC00  }
0x6cb: {  	[tilespmem:s23], [sflag:$0x1] =	stream.indirect_vreg.gather [hbm4b:s7+s3], $0x80, v3, vm0, $0xb8;
	[tilespmem:$0x10400] =	vst v63  }
0x6cc: {  	_ =	swait.ge [sflag:s4], $0x4000  }
0x6cd: {  	s14 =	sld [smem:$0x7F3]  }
0x6ce: {  	[sflag:s4] =	ssyncset.done $0x0  }
0x6cf: {  	[sflag:s4] =	ssyncadd.s32 $0xFFFFC000  }
0x6d0: {  	[hbm4b:s14+s3] =	stream.linear.scatter [tilespmem:s31], [sflag:$0x2], $0x4000, $0x38;
	[tilespmem:$0x10400] =	vst v63  }
0x6d1: {  	_ =	swait.ge [sflag:s19], $0x4000  }
0x6d2: {  	[sflag:s19] =	ssyncset.done $0x0  }
0x6d3: {  	[sflag:s19] =	ssyncadd.s32 $0xFFFFC000  }
0x6d4: {  	v3 =	vld [tilespmem:$0x3B0];
	_ =	sdelay $0x4  }
0x6d5: {  	v59 =	vshll.u32 v3, $0x3  }
0x6d6: {  	v3 =	vand.u32 $0x7, v3;
	v4 =	vand.u32 $0xFFFFFFC0, v59  }
0x6d7: {  	v3 =	vor.u32 v3, v4  }
0x6d8: {  	v4 =	vperm.xlane v3, v0;
	_ =	sdelay $0x1  }
0x6d9: {  	v4 =	vadd.s32 v1, v4;
	_ =	sdelay $0x4  }
0x6da: {  	[tilespmem:s8], [sflag:$0x1] =	stream.indirect_vreg.gather [hbm4b:s2+s3], $0x80, v4, vm0, $0xb8;
	[tilespmem:$0x10400] =	vst v63  }
0x6db: {  	s23 =	simm.s32 $0xCC00;
	v3 =	vperm.xlane v3, v2  }
0x6dc: {  	[tilespmem:s23], [sflag:$0x1] =	stream.indirect_vreg.gather [hbm4b:s5+s3], $0x80, v4, vm0, $0xb8;
	[tilespmem:$0x10400] =	vst v63  }
0x6dd: {  	s1 =	simm.s32 $0xD400;
	v3 =	vadd.s32 v1, v3  }
0x6de: {  	[tilespmem:s1], [sflag:$0x1] =	stream.indirect_vreg.gather [hbm4b:s6+s3], $0x80, v4, vm0, $0xb8;
	[tilespmem:$0x10400] =	vst v63  }
0x6df: {  	s9 =	simm.s32 $0xDC00  }
0x6e0: {  	[tilespmem:s9], [sflag:$0x1] =	stream.indirect_vreg.gather [hbm4b:s7+s3], $0x80, v4, vm0, $0xb8;
	[tilespmem:$0x10400] =	vst v63  }
0x6e1: {  	s10 =	simm.s32 $0xE400  }
0x6e2: {  	[tilespmem:s10], [sflag:$0x1] =	stream.indirect_vreg.gather [hbm4b:s2+s3], $0x80, v3, vm0, $0xb8;
	[tilespmem:$0x10400] =	vst v63  }
0x6e3: {  	s25 =	simm.s32 $0xEC00  }
0x6e4: {  	[tilespmem:s25], [sflag:$0x1] =	stream.indirect_vreg.gather [hbm4b:s5+s3], $0x80, v3, vm0, $0xb8;
	[tilespmem:$0x10400] =	vst v63  }
0x6e5: {  	s11 =	simm.s32 $0xF400  }
0x6e6: {  	[tilespmem:s11], [sflag:$0x1] =	stream.indirect_vreg.gather [hbm4b:s6+s3], $0x80, v3, vm0, $0xb8;
	[tilespmem:$0x10400] =	vst v63  }
0x6e7: {  	s15 =	simm.s32 $0xFC00  }
0x6e8: {  	[tilespmem:s15], [sflag:$0x1] =	stream.indirect_vreg.gather [hbm4b:s7+s3], $0x80, v3, vm0, $0xb8;
	[tilespmem:$0x10400] =	vst v63  }
0x6e9: {  	_ =	swait.ge [sflag:s4], $0x4000  }
0x6ea: {  	s15 =	sld [smem:$0x7F4]  }
0x6eb: {  	[sflag:s4] =	ssyncset.done $0x0  }
0x6ec: {  	[sflag:s4] =	ssyncadd.s32 $0xFFFFC000  }
0x6ed: {  	[hbm4b:s15+s3] =	stream.linear.scatter [tilespmem:s18], [sflag:$0x2], $0x4000, $0x38;
	[tilespmem:$0x10400] =	vst v63  }
0x6ee: {  	_ =	swait.ge [sflag:s19], $0x4000  }
0x6ef: {  	[sflag:s19] =	ssyncset.done $0x0  }
0x6f0: {  	[sflag:s19] =	ssyncadd.s32 $0xFFFFC000  }
0x6f1: {  	v3 =	vld [tilespmem:$0x3C0];
	_ =	sdelay $0x4  }
0x6f2: {  	v60 =	vshll.u32 v3, $0x3  }
0x6f3: {  	v3 =	vand.u32 $0x7, v3;
	v4 =	vand.u32 $0xFFFFFFC0, v60  }
0x6f4: {  	v3 =	vor.u32 v3, v4  }
0x6f5: {  	v4 =	vperm.xlane v3, v0;
	_ =	sdelay $0x1  }
0x6f6: {  	v4 =	vadd.s32 v1, v4;
	_ =	sdelay $0x4  }
0x6f7: {  	[tilespmem:s31], [sflag:$0x1] =	stream.indirect_vreg.gather [hbm4b:s2+s3], $0x80, v4, vm0, $0xb8;
	[tilespmem:$0x10400] =	vst v63  }
0x6f8: {  	s25 =	simm.s32 $0xC00;
	v3 =	vperm.xlane v3, v2  }
0x6f9: {  	[tilespmem:s25], [sflag:$0x1] =	stream.indirect_vreg.gather [hbm4b:s5+s3], $0x80, v4, vm0, $0xb8;
	[tilespmem:$0x10400] =	vst v63  }
0x6fa: {  	s20 =	simm.s32 $0x1400;
	v3 =	vadd.s32 v1, v3  }
0x6fb: {  	[tilespmem:s20], [sflag:$0x1] =	stream.indirect_vreg.gather [hbm4b:s6+s3], $0x80, v4, vm0, $0xb8;
	[tilespmem:$0x10400] =	vst v63  }
0x6fc: {  	s25 =	simm.s32 $0x1C00  }
0x6fd: {  	[tilespmem:s25], [sflag:$0x1] =	stream.indirect_vreg.gather [hbm4b:s7+s3], $0x80, v4, vm0, $0xb8;
	[tilespmem:$0x10400] =	vst v63  }
0x6fe: {  	s20 =	simm.s32 $0x2400  }
0x6ff: {  	[tilespmem:s20], [sflag:$0x1] =	stream.indirect_vreg.gather [hbm4b:s2+s3], $0x80, v3, vm0, $0xb8;
	[tilespmem:$0x10400] =	vst v63  }
0x700: {  	s25 =	simm.s32 $0x2C00  }
0x701: {  	[tilespmem:s25], [sflag:$0x1] =	stream.indirect_vreg.gather [hbm4b:s5+s3], $0x80, v3, vm0, $0xb8;
	[tilespmem:$0x10400] =	vst v63  }
0x702: {  	s20 =	simm.s32 $0x3400  }
0x703: {  	[tilespmem:s20], [sflag:$0x1] =	stream.indirect_vreg.gather [hbm4b:s6+s3], $0x80, v3, vm0, $0xb8;
	[tilespmem:$0x10400] =	vst v63  }
0x704: {  	s25 =	simm.s32 $0x3C00  }
0x705: {  	[tilespmem:s25], [sflag:$0x1] =	stream.indirect_vreg.gather [hbm4b:s7+s3], $0x80, v3, vm0, $0xb8;
	[tilespmem:$0x10400] =	vst v63  }
0x706: {  	_ =	swait.ge [sflag:s4], $0x4000  }
0x707: {  	s15 =	sld [smem:$0x7F5]  }
0x708: {  	[sflag:s4] =	ssyncset.done $0x0  }
0x709: {  	[sflag:s4] =	ssyncadd.s32 $0xFFFFC000  }
0x70a: {  	[hbm4b:s15+s3] =	stream.linear.scatter [tilespmem:s26], [sflag:$0x2], $0x4000, $0x38;
	[tilespmem:$0x10400] =	vst v63  }
0x70b: {  	_ =	swait.ge [sflag:s19], $0x4000  }
0x70c: {  	[sflag:s19] =	ssyncset.done $0x0  }
0x70d: {  	[sflag:s19] =	ssyncadd.s32 $0xFFFFC000  }
0x70e: {  	v3 =	vld [tilespmem:$0x3D0];
	_ =	sdelay $0x4  }
0x70f: {  	v61 =	vshll.u32 v3, $0x3  }
0x710: {  	v3 =	vand.u32 $0x7, v3;
	v4 =	vand.u32 $0xFFFFFFC0, v61  }
0x711: {  	v3 =	vor.u32 v3, v4  }
0x712: {  	v4 =	vperm.xlane v3, v0;
	_ =	sdelay $0x1  }
0x713: {  	v4 =	vadd.s32 v1, v4;
	_ =	sdelay $0x4  }
0x714: {  	[tilespmem:s18], [sflag:$0x1] =	stream.indirect_vreg.gather [hbm4b:s2+s3], $0x80, v4, vm0, $0xb8;
	[tilespmem:$0x10400] =	vst v63  }
0x715: {  	s25 =	simm.s32 $0x4C00;
	v3 =	vperm.xlane v3, v2  }
0x716: {  	[tilespmem:s25], [sflag:$0x1] =	stream.indirect_vreg.gather [hbm4b:s5+s3], $0x80, v4, vm0, $0xb8;
	[tilespmem:$0x10400] =	vst v63  }
0x717: {  	s0 =	simm.s32 $0x5400;
	v3 =	vadd.s32 v1, v3  }
0x718: {  	[tilespmem:s0], [sflag:$0x1] =	stream.indirect_vreg.gather [hbm4b:s6+s3], $0x80, v4, vm0, $0xb8;
	[tilespmem:$0x10400] =	vst v63  }
0x719: {  	s22 =	simm.s32 $0x5C00  }
0x71a: {  	[tilespmem:s22], [sflag:$0x1] =	stream.indirect_vreg.gather [hbm4b:s7+s3], $0x80, v4, vm0, $0xb8;
	[tilespmem:$0x10400] =	vst v63  }
0x71b: {  	s12 =	simm.s32 $0x6400  }
0x71c: {  	[tilespmem:s12], [sflag:$0x1] =	stream.indirect_vreg.gather [hbm4b:s2+s3], $0x80, v3, vm0, $0xb8;
	[tilespmem:$0x10400] =	vst v63  }
0x71d: {  	s16 =	simm.s32 $0x6C00  }
0x71e: {  	[tilespmem:s16], [sflag:$0x1] =	stream.indirect_vreg.gather [hbm4b:s5+s3], $0x80, v3, vm0, $0xb8;
	[tilespmem:$0x10400] =	vst v63  }
0x71f: {  	s12 =	simm.s32 $0x7400  }
0x720: {  	[tilespmem:s12], [sflag:$0x1] =	stream.indirect_vreg.gather [hbm4b:s6+s3], $0x80, v3, vm0, $0xb8;
	[tilespmem:$0x10400] =	vst v63  }
0x721: {  	s15 =	simm.s32 $0x7C00  }
0x722: {  	[tilespmem:s15], [sflag:$0x1] =	stream.indirect_vreg.gather [hbm4b:s7+s3], $0x80, v3, vm0, $0xb8;
	[tilespmem:$0x10400] =	vst v63  }
0x723: {  	_ =	swait.ge [sflag:s4], $0x4000  }
0x724: {  	s16 =	sld [smem:$0x7F6]  }
0x725: {  	[sflag:s4] =	ssyncset.done $0x0  }
0x726: {  	[sflag:s4] =	ssyncadd.s32 $0xFFFFC000  }
0x727: {  	[hbm4b:s16+s3] =	stream.linear.scatter [tilespmem:s8], [sflag:$0x2], $0x4000, $0x38;
	[tilespmem:$0x10400] =	vst v63  }
0x728: {  	_ =	swait.ge [sflag:s19], $0x4000  }
0x729: {  	[sflag:s19] =	ssyncset.done $0x0  }
0x72a: {  	[sflag:s19] =	ssyncadd.s32 $0xFFFFC000  }
0x72b: {  	v3 =	vld [tilespmem:$0x3E0];
	_ =	sdelay $0x4  }
0x72c: {  	v62 =	vshll.u32 v3, $0x3  }
0x72d: {  	v3 =	vand.u32 $0x7, v3;
	v4 =	vand.u32 $0xFFFFFFC0, v62  }
0x72e: {  	v3 =	vor.u32 v3, v4  }
0x72f: {  	v4 =	vperm.xlane v3, v0;
	_ =	sdelay $0x1  }
0x730: {  	v4 =	vadd.s32 v1, v4;
	_ =	sdelay $0x4  }
0x731: {  	[tilespmem:s26], [sflag:$0x1] =	stream.indirect_vreg.gather [hbm4b:s2+s3], $0x80, v4, vm0, $0xb8;
	[tilespmem:$0x10400] =	vst v63  }
0x732: {  	s13 =	simm.s32 $0x8C00;
	v3 =	vperm.xlane v3, v2  }
0x733: {  	[tilespmem:s13], [sflag:$0x1] =	stream.indirect_vreg.gather [hbm4b:s5+s3], $0x80, v4, vm0, $0xb8;
	[tilespmem:$0x10400] =	vst v63  }
0x734: {  	s24 =	simm.s32 $0x9400;
	v3 =	vadd.s32 v1, v3  }
0x735: {  	[tilespmem:s24], [sflag:$0x1] =	stream.indirect_vreg.gather [hbm4b:s6+s3], $0x80, v4, vm0, $0xb8;
	[tilespmem:$0x10400] =	vst v63  }
0x736: {  	s29 =	simm.s32 $0x9C00  }
0x737: {  	[tilespmem:s29], [sflag:$0x1] =	stream.indirect_vreg.gather [hbm4b:s7+s3], $0x80, v4, vm0, $0xb8;
	[tilespmem:$0x10400] =	vst v63  }
0x738: {  	s30 =	simm.s32 $0xA400  }
0x739: {  	[tilespmem:s30], [sflag:$0x1] =	stream.indirect_vreg.gather [hbm4b:s2+s3], $0x80, v3, vm0, $0xb8;
	[tilespmem:$0x10400] =	vst v63  }
0x73a: {  	s17 =	simm.s32 $0xAC00  }
0x73b: {  	[tilespmem:s17], [sflag:$0x1] =	stream.indirect_vreg.gather [hbm4b:s5+s3], $0x80, v3, vm0, $0xb8;
	[tilespmem:$0x10400] =	vst v63  }
0x73c: {  	s28 =	simm.s32 $0xB400  }
0x73d: {  	[tilespmem:s28], [sflag:$0x1] =	stream.indirect_vreg.gather [hbm4b:s6+s3], $0x80, v3, vm0, $0xb8;
	[tilespmem:$0x10400] =	vst v63  }
0x73e: {  	s21 =	simm.s32 $0xBC00  }
0x73f: {  	[tilespmem:s21], [sflag:$0x1] =	stream.indirect_vreg.gather [hbm4b:s7+s3], $0x80, v3, vm0, $0xb8;
	[tilespmem:$0x10400] =	vst v63  }
0x740: {  	_ =	swait.ge [sflag:s4], $0x4000  }
0x741: {  	s22 =	sld [smem:$0x7F7]  }
0x742: {  	[sflag:s4] =	ssyncset.done $0x0  }
0x743: {  	[sflag:s4] =	ssyncadd.s32 $0xFFFFC000  }
0x744: {  	[hbm4b:s22+s3] =	stream.linear.scatter [tilespmem:s31], [sflag:$0x2], $0x4000, $0x38;
	[tilespmem:$0x10400] =	vst v63  }
0x745: {  	_ =	swait.ge [sflag:s19], $0x4000  }
0x746: {  	[sflag:s19] =	ssyncset.done $0x0  }
0x747: {  	[sflag:s19] =	ssyncadd.s32 $0xFFFFC000  }
0x748: {  	v3 =	vld [tilespmem:$0x3F0];
	_ =	sdelay $0x4  }
0x749: {  	v63 =	vshll.u32 v3, $0x3  }
0x74a: {  	v3 =	vand.u32 $0x7, v3;
	v4 =	vand.u32 $0xFFFFFFC0, v63  }
0x74b: {  	v3 =	vor.u32 v3, v4  }
0x74c: {  	v4 =	vperm.xlane v3, v0;
	_ =	sdelay $0x1  }
0x74d: {  	v4 =	vadd.s32 v1, v4;
	_ =	sdelay $0x4  }
0x74e: {  	[tilespmem:s8], [sflag:$0x1] =	stream.indirect_vreg.gather [hbm4b:s2+s3], $0x80, v4, vm0, $0xb8;
	[tilespmem:$0x10400] =	vst v63  }
0x74f: {  	s24 =	simm.s32 $0xCC00;
	v3 =	vperm.xlane v3, v2  }
0x750: {  	[tilespmem:s24], [sflag:$0x1] =	stream.indirect_vreg.gather [hbm4b:s5+s3], $0x80, v4, vm0, $0xb8;
	[tilespmem:$0x10400] =	vst v63  }
0x751: {  	s14 =	simm.s32 $0xD400;
	v3 =	vadd.s32 v1, v3  }
0x752: {  	[tilespmem:s14], [sflag:$0x1] =	stream.indirect_vreg.gather [hbm4b:s6+s3], $0x80, v4, vm0, $0xb8;
	[tilespmem:$0x10400] =	vst v63  }
0x753: {  	s1 =	simm.s32 $0xDC00  }
0x754: {  	[tilespmem:s1], [sflag:$0x1] =	stream.indirect_vreg.gather [hbm4b:s7+s3], $0x80, v4, vm0, $0xb8;
	[tilespmem:$0x10400] =	vst v63  }
0x755: {  	s9 =	simm.s32 $0xE400  }
0x756: {  	[tilespmem:s9], [sflag:$0x1] =	stream.indirect_vreg.gather [hbm4b:s2+s3], $0x80, v3, vm0, $0xb8;
	[tilespmem:$0x10400] =	vst v63  }
0x757: {  	s23 =	simm.s32 $0xEC00  }
0x758: {  	[tilespmem:s23], [sflag:$0x1] =	stream.indirect_vreg.gather [hbm4b:s5+s3], $0x80, v3, vm0, $0xb8;
	[tilespmem:$0x10400] =	vst v63  }
0x759: {  	s10 =	simm.s32 $0xF400  }
0x75a: {  	[tilespmem:s10], [sflag:$0x1] =	stream.indirect_vreg.gather [hbm4b:s6+s3], $0x80, v3, vm0, $0xb8;
	[tilespmem:$0x10400] =	vst v63  }
0x75b: {  	s11 =	simm.s32 $0xFC00  }
0x75c: {  	[tilespmem:s11], [sflag:$0x1] =	stream.indirect_vreg.gather [hbm4b:s7+s3], $0x80, v3, vm0, $0xb8;
	[tilespmem:$0x10400] =	vst v63  }
0x75d: {  	_ =	swait.ge [sflag:s4], $0x4000  }
0x75e: {  	s25 =	sld [smem:$0x7F8]  }
0x75f: {  	[sflag:s4] =	ssyncset.done $0x0  }
0x760: {  	[sflag:s4] =	ssyncadd.s32 $0xFFFFC000  }
0x761: {  	[hbm4b:s25+s3] =	stream.linear.scatter [tilespmem:s18], [sflag:$0x2], $0x4000, $0x38;
	[tilespmem:$0x10400] =	vst v63  }
0x762: {  	_ =	swait.ge [sflag:s19], $0x4000  }
0x763: {  	[sflag:s19] =	ssyncset.done $0x0  }
0x764: {  	[sflag:s19] =	ssyncadd.s32 $0xFFFFC000  }
0x765: {  	_ =	swait.ge [sflag:s4], $0x4000  }
0x766: {  	s28 =	sld [smem:$0x7F9]  }
0x767: {  	[sflag:s4] =	ssyncset.done $0x0  }
0x768: {  	[sflag:s4] =	ssyncadd.s32 $0xFFFFC000  }
0x769: {  	[hbm4b:s28+s3] =	stream.linear.scatter [tilespmem:s26], [sflag:$0x2], $0x4000, $0x38;
	[tilespmem:$0x10400] =	vst v63  }
0x76a: {  	_ =	swait.ge [sflag:s19], $0x4000  }
0x76b: {  	[sflag:s19] =	ssyncset.done $0x0  }
0x76c: {  	[sflag:s19] =	ssyncadd.s32 $0xFFFFC000  }
0x76d: {  	_ =	swait.ge [sflag:s4], $0x4000  }
0x76e: {  	s29 =	sld [smem:$0x7FB]  }
0x76f: {  	[sflag:s4] =	ssyncset.done $0x0;
	s30 =	sld [smem:$0x7D6]  }
0x770: {  	[sflag:s4] =	ssyncadd.s32 $0xFFFFC000  }
0x771: {  	[hbm4b:s29+s3] =	stream.linear.scatter [tilespmem:s8], [sflag:$0x2], $0x4000, $0x38;
	[tilespmem:$0x10400] =	vst v63  }
0x772: {  	p0 =	sne.s32 s30, $0x1;
	_ =	swait.ge [sflag:s19], $0x4000  }
.Ltmp0:
0x773: {  	[sflag:s19] =	ssyncset.done $0x0;
	(pc) =	sbr.rel @p0 .LBB2_1-.Ltmp0, $4  }
0x774: {  	[sflag:s19] =	ssyncadd.s32 $0xFFFFC000  }
0x775: {  	_ =	swait.ge [sflag:s19], $0x4000  }
0x776: {  	[sflag:s19] =	ssyncset.done $0x0  }
0x777: {  	s20 =	sadd.s32 $0xFFFFFFFF, s30;
	[sflag:s19] =	ssyncadd.s32 $0xFFFFC000  }
0x778: {  	_ =	sfence.sel $0x180000  }
0x779: {  	[bflag:$0x0] =	sbarrier.arrive $0xFFFF  }
0x77a: {  	_ =	strace $0x90000047  }
0x77b: {  	s0 =	stileid.u32;
	[bflag:$0x2] =	sbarrier.arrive $0xFFFF  }
0x77c: {  	p0 =	sne.s32 s0, $0x0;
	s0 =	rddreg [dreg:$0x3]  }
0x77d: {  	s0 =	sadd.s32 @!p0 $0x100000, s0  }
0x77e: {  	[sflag:s0] =	ssyncadd.tile.s32 @!p0 $0x1;
	_ =	shalt  }
.Lfunc_end2:
_tile_overlayer_lowered:
.L_overlay_start_2:
0x77f: {  	(tag) =	ssettag $0x2  }
0x780: {  	s0 =	rddreg [dreg:$0x0];
	s2 =	stileid.u32  }
0x781: {  	s1 =	rddreg [dreg:$0x1];
	p0 =	sne.s32 s2, $0x0  }
0x782: {  	s3 =	rddreg [dreg:$0x2];
	[bflag:$0x3] =	sbarrier.arrive $0xFFFF;
	s2 =	simm.s32 @!p0 $0x1C03  }
0x783: {  	[timem:s3], [sflag:s2] =	dma.local @!p0 [hbm:s0], s1  }
0x784: {  	s0 =	simm.s32 @!p0 $0x3  }
0x785: {  	_ =	swait.ge @!p0 [sflag:s0], s1  }
0x786: {  	s1 =	ssub.s32 @!p0 $0x0, s1;
	[sflag:s0] =	ssyncset.done @!p0 $0x0  }
0x787: {  	[sflag:s0] =	ssyncadd.s32 @!p0 s1  }
0x788: {  	[bflag:$0x3] =	sbarrier.arrive $0xFFFF  }
0x789: {  	_ =	shalt  }

</sc_bundles>
